<compile_context>
chip_gen: v7x
topology: tpu7x:2x2x1
jax: 0.10.2.dev20260603
libtpu: 0.0.44.dev20260713+nightly
codegen_flags: <defaults>
</compile_context>

<pallas_src>
import functools

import jax
import jax.numpy as jnp
from jax import lax
from jax.experimental import pallas as pl
from jax.experimental.pallas import tpu as pltpu
from jax.experimental.pallas import tpu_sc as plsc

N_NODES = 98304
B = 16
NUM_NODE = 6144
E = 1572864
ETOT = E + N_NODES
COORD = 3
NODE_DIM = 48
EDGE_DIM = 16
GLOB_DIM = 32
EPS = 1e-5

EPB = E // B
CNT_E = EPB + NUM_NODE

NC, NS = 2, 16
NW = NC * NS
HALF_MAIN = EPB // 2
HALF_SELF = NUM_NODE // 2
CHUNK = 1024
KSUB = CHUNK // 128
MAIN_CHUNKS = HALF_MAIN // CHUNK
SELF_CHUNKS = HALF_SELF // CHUNK
NODES_PW = N_NODES // NW
EMB_CHUNKS = NODES_PW // CHUNK

MROWS = ETOT * EDGE_DIM // 128
EA_LANES = 8 * GLOB_DIM


@functools.cache
def _mesh():
    return plsc.VectorSubcoreMesh(
        core_axis_name="c", subcore_axis_name="s", num_cores=NC, num_subcores=NS)


@functools.cache
def _build_emb_kernel():
  @functools.partial(
      pl.kernel,
      out_type=jax.ShapeDtypeStruct((N_NODES, NODE_DIM), jnp.float32),
      mesh=_mesh(),
      compiler_params=pltpu.CompilerParams(use_tc_tiling_on_sc=False),
      scratch_types=[
          pltpu.VMEM((KSUB, 128), jnp.int32),
          pltpu.VMEM((CHUNK, NODE_DIM), jnp.float32),
          pltpu.VMEM((CHUNK, NODE_DIM), jnp.float32),
          pltpu.SemaphoreType.DMA,
          pltpu.SemaphoreType.DMA,
      ],
  )
  def _emb_kernel(cid_hbm, tbl_hbm, eout_hbm, idc, ebuf0, ebuf1, gsem, wsem):
    w = lax.axis_index("s") * NC + lax.axis_index("c")
    base128 = w * (NODES_PW // 128)
    bufs = (ebuf0, ebuf1)

    def gather_chunk(cidx, buf):
        b128 = base128 + cidx * KSUB
        pltpu.sync_copy(cid_hbm.at[pl.ds(b128, KSUB)], idc)
        return [pltpu.async_copy(tbl_hbm.at[idc.at[j]],
                                 buf.at[pl.ds(j * 128, 128)], gsem)
                for j in range(KSUB)]

    cps = gather_chunk(0, bufs[0])
    for cidx in range(EMB_CHUNKS):
        for cp in cps:
            cp.wait()
        if cidx + 1 < EMB_CHUNKS:
            nxt = gather_chunk(cidx + 1, bufs[(cidx + 1) % 2])
        else:
            nxt = []
        b128 = base128 + cidx * KSUB
        pltpu.async_copy(bufs[cidx % 2],
                         eout_hbm.at[pl.ds(b128 * 128, CHUNK)], wsem).wait()
        cps = nxt

  return _emb_kernel


def _node_body(x_ref, emb_ref, W1_ref, b1_ref, W2_ref, b2_ref,
               Wd_ref, bd_ref, wnc_ref, bnc_ref, wne_ref, bne_ref,
               We_ref, be_ref, h_ref, he_ref):
    dot = functools.partial(jnp.dot, preferred_element_type=jnp.float32)
    xb = x_ref[...]
    n1 = float(NUM_NODE * COORD)
    mean1 = jnp.sum(xb) / n1
    xc = xb - mean1
    var1 = jnp.sum(xc * xc) / n1
    hb = xc * lax.rsqrt(var1 + EPS) * wnc_ref[...] + bnc_ref[...]
    h1 = jnp.maximum(dot(hb, W1_ref[...]) + b1_ref[...], 0.0)
    h2 = jnp.maximum(dot(h1, W2_ref[...]) + b2_ref[...], 0.0)
    h3 = jnp.maximum(dot(h2, Wd_ref[...]) + bd_ref[...], 0.0)
    t = h3 + emb_ref[...]
    n2 = float(NUM_NODE * NODE_DIM)
    mean2 = jnp.sum(t) / n2
    tc2 = t - mean2
    var2 = jnp.sum(tc2 * tc2) / n2
    hn = tc2 * lax.rsqrt(var2 + EPS) * wne_ref[...] + bne_ref[...]
    h_ref[...] = hn.T
    he_ref[...] = jnp.maximum(dot(hn, We_ref[...]) + be_ref[...], 0.0)


def _node_stage(x, emb, W1, b1, W2, b2, Wd, bd, w_nc, b_nc,
                w_ne, b_ne, We, be):
    def full(a):
        return pl.BlockSpec(a.shape, lambda b_: tuple(0 for _ in a.shape))

    grid_specs = [
        pl.BlockSpec((NUM_NODE, COORD), lambda b_: (b_, 0)),
        pl.BlockSpec((NUM_NODE, NODE_DIM), lambda b_: (b_, 0)),
    ] + [full(a) for a in (W1, b1, W2, b2, Wd, bd, w_nc, b_nc, w_ne, b_ne, We, be)]
    return pl.pallas_call(
        _node_body,
        grid=(B,),
        in_specs=grid_specs,
        out_specs=[
            pl.BlockSpec((NODE_DIM, NUM_NODE), lambda b_: (0, b_)),
            pl.BlockSpec((NUM_NODE, EDGE_DIM), lambda b_: (b_, 0)),
        ],
        out_shape=[
            jax.ShapeDtypeStruct((NODE_DIM, N_NODES), jnp.float32),
            jax.ShapeDtypeStruct((N_NODES, EDGE_DIM), jnp.float32),
        ],
    )(x, emb, W1, b1, W2, b2, Wd, bd, w_nc, b_nc, w_ne, b_ne, We, be)


@functools.cache
def _build_edge_kernel():
  @functools.partial(
      pl.kernel,
      out_type=(jax.ShapeDtypeStruct((MROWS, 128), jnp.float32),
                jax.ShapeDtypeStruct((2 * NW, EDGE_DIM), jnp.float32)),
      mesh=_mesh(),
      compiler_params=pltpu.CompilerParams(use_tc_tiling_on_sc=False),
      scratch_types=[
          pltpu.VMEM((KSUB, 128), jnp.int32),
          pltpu.VMEM((KSUB, 128), jnp.int32),
          pltpu.VMEM((KSUB, 128), jnp.int32),
          pltpu.VMEM((KSUB, 128), jnp.int32),
          pltpu.VMEM((CHUNK, EDGE_DIM), jnp.float32),
          pltpu.VMEM((CHUNK, EDGE_DIM), jnp.float32),
          pltpu.VMEM((CHUNK, EDGE_DIM), jnp.float32),
          pltpu.VMEM((CHUNK, EDGE_DIM), jnp.float32),
          pltpu.VMEM((CHUNK // 8, 128), jnp.float32),
          pltpu.VMEM((CHUNK // 8, 128), jnp.float32),
          pltpu.VMEM((2, EDGE_DIM), jnp.float32),
          pltpu.SemaphoreType.DMA,
          pltpu.SemaphoreType.DMA,
      ],
  )
  def _edge_kernel(row_hbm, col_hbm, he_hbm, m_hbm, stats_hbm,
                   idxr0, idxc0, idxr1, idxc1, rbuf0, cbuf0, rbuf1, cbuf1,
                   wbuf0, wbuf1, sbuf, gsem, wsem):
    w = lax.axis_index("s") * NC + lax.axis_index("c")
    g = w // 2
    hf = w % 2
    main128 = g * (EPB // 128) + hf * (HALF_MAIN // 128)
    self128 = (E // 128) + g * (NUM_NODE // 128) + hf * (HALF_SELF // 128)
    TOTAL = MAIN_CHUNKS + SELF_CHUNKS

    def base_of(k):
        return jnp.where(k < MAIN_CHUNKS, main128 + k * KSUB,
                         self128 + (k - MAIN_CHUNKS) * KSUB)

    bufs = ((idxr0, idxc0, rbuf0, cbuf0, wbuf0),
            (idxr1, idxc1, rbuf1, cbuf1, wbuf1))

    def issue(k, p):
        idxr, idxc, rbuf, cbuf, _ = bufs[p]
        b128 = base_of(k)
        pltpu.sync_copy(row_hbm.at[pl.ds(b128, KSUB)], idxr)
        pltpu.sync_copy(col_hbm.at[pl.ds(b128, KSUB)], idxc)
        for j in range(KSUB):
            pltpu.async_copy(he_hbm.at[idxr.at[j]],
                             rbuf.at[pl.ds(j * 128, 128)], gsem)
            pltpu.async_copy(he_hbm.at[idxc.at[j]],
                             cbuf.at[pl.ds(j * 128, 128)], gsem)

    def drain(p):
        idxr, idxc, rbuf, cbuf, _ = bufs[p]
        for j in range(KSUB):
            pltpu.make_async_copy(he_hbm.at[idxr.at[j]],
                                  rbuf.at[pl.ds(j * 128, 128)], gsem).wait()
            pltpu.make_async_copy(he_hbm.at[idxc.at[j]],
                                  cbuf.at[pl.ds(j * 128, 128)], gsem).wait()

    def compute(k, p, acc):
        _, _, rbuf, cbuf, wbuf = bufs[p]

        def body8(kk, c2):
            s0, q0, s1, q1 = c2
            e0 = kk * 8
            for u in range(8):
                m = (rbuf[e0 + u] + cbuf[e0 + u]) * 0.5
                wbuf[kk, pl.ds(u * 16, 16)] = m
                if u % 2 == 0:
                    s0 = s0 + m
                    q0 = q0 + m * m
                else:
                    s1 = s1 + m
                    q1 = q1 + m * m
            return (s0, q0, s1, q1)

        acc = lax.fori_loop(0, CHUNK // 8, body8, acc)
        pltpu.async_copy(
            wbuf, m_hbm.at[pl.ds(base_of(k) * 16, CHUNK // 8)], wsem).wait()
        return acc

    zero = jnp.zeros((16,), jnp.float32)
    issue(0, 0)

    def pair_body(gi, acc):
        drain(0)
        issue(2 * gi + 1, 1)
        acc = compute(2 * gi, 0, acc)
        drain(1)
        issue(2 * gi + 2, 0)
        acc = compute(2 * gi + 1, 1, acc)
        return acc

    acc = lax.fori_loop(0, (TOTAL - 1) // 2, pair_body,
                        (zero, zero, zero, zero))
    drain(0)
    acc = compute(TOTAL - 1, 0, acc)
    sbuf[0] = acc[0] + acc[2]
    sbuf[1] = acc[1] + acc[3]
    pltpu.sync_copy(sbuf.at[0], stats_hbm.at[w])
    pltpu.sync_copy(sbuf.at[1], stats_hbm.at[NW + w])

  return _edge_kernel


def _final_body(m_ref, stats_ref, Wg128_ref, bg256_ref, wen128_ref, ben128_ref,
                wgn_ref, bgn_ref, ea_ref, u_ref):
    b = pl.program_id(0)
    c = pl.program_id(1)
    stats = stats_ref[...]
    rid = lax.broadcasted_iota(jnp.int32, (2 * NW, EDGE_DIM), 0)
    sel_s = (rid // 2 == b) & (rid < NW)
    sel_q = (rid >= NW) & ((rid - NW) // 2 == b)
    S = jnp.sum(jnp.where(sel_s, stats, 0.0))
    Q = jnp.sum(jnp.where(sel_q, stats, 0.0))
    nrm = float(CNT_E * EDGE_DIM)
    mean = S / nrm
    var = Q / nrm - mean * mean
    inv = lax.rsqrt(var + EPS)
    ea = (m_ref[...] - mean) * inv * wen128_ref[...] + ben128_ref[...]
    ea_ref[...] = ea
    g = jnp.maximum(
        jnp.dot(ea, Wg128_ref[...], preferred_element_type=jnp.float32)
        + bg256_ref[...], 0.0)
    psum = jnp.sum(g, axis=0, keepdims=True)[None]

    @pl.when(c == 0)
    def _():
        u_ref[...] = psum

    @pl.when(c != 0)
    def _():
        u_ref[...] = u_ref[...] + psum

    @pl.when(c == B)
    def _():
        acc = u_ref[...] / float(CNT_E)
        tot = acc[:, :, 0:GLOB_DIM]
        for k in range(1, 8):
            tot = tot + acc[:, :, k * GLOB_DIM:(k + 1) * GLOB_DIM]
        mu = jnp.sum(tot) / float(GLOB_DIM)
        d = tot - mu
        varu = jnp.sum(d * d) / float(GLOB_DIM)
        fin = (d * lax.rsqrt(varu + EPS) * wgn_ref[...][None]
               + bgn_ref[...][None])
        u_ref[...] = jnp.concatenate(
            [fin, jnp.zeros((1, 1, EA_LANES - GLOB_DIM), jnp.float32)], axis=-1)


def _final_stage(m, stats, Wg128, bg256, wen128, ben128, w_gn, b_gn):
    def full(a):
        return pl.BlockSpec(a.shape, lambda b_, c_: tuple(0 for _ in a.shape))

    def edge_map(b_, c_):
        return (jnp.where(c_ < B, b_ * B + c_, B * B + b_), 0)

    rows_per_block = NUM_NODE * EDGE_DIM // 128
    return pl.pallas_call(
        _final_body,
        grid=(B, B + 1),
        in_specs=[pl.BlockSpec((rows_per_block, 128), edge_map),
                  full(stats), full(Wg128), full(bg256), full(wen128),
                  full(ben128), full(w_gn), full(b_gn)],
        out_specs=[
            pl.BlockSpec((rows_per_block, 128), edge_map),
            pl.BlockSpec((1, 1, EA_LANES), lambda b_, c_: (b_, 0, 0)),
        ],
        out_shape=[
            jax.ShapeDtypeStruct((MROWS, 128), jnp.float32),
            jax.ShapeDtypeStruct((B, 1, EA_LANES), jnp.float32),
        ],
    )(m, stats, Wg128, bg256, wen128, ben128, w_gn, b_gn)


def kernel(x, atom_ids, aa_ids, edge_index, W1, b1, W2, b2, Wd, bd,
           atom_emb, aa_emb, w_nc, b_nc, w_ne, b_ne, We, be, w_en, b_en,
           Wg, bg, w_gn, b_gn):
    loops = jnp.arange(N_NODES, dtype=edge_index.dtype)
    row = jnp.concatenate([edge_index[0], loops])
    col = jnp.concatenate([edge_index[1], loops])
    ei = jnp.stack([row, col])
    row128 = row.astype(jnp.int32).reshape(ETOT // 128, 128)
    col128 = col.astype(jnp.int32).reshape(ETOT // 128, 128)
    cid128 = (atom_ids.astype(jnp.int32) * 32
              + aa_ids.astype(jnp.int32)).reshape(N_NODES // 128, 128)
    comb_tbl = (atom_emb.astype(jnp.float32)[:, None, :]
                + aa_emb.astype(jnp.float32)[None, :, :]).reshape(-1, NODE_DIM)

    r2 = lambda a: a.reshape(1, -1).astype(jnp.float32)
    emb = _build_emb_kernel()(cid128, comb_tbl)
    ht, he = _node_stage(x, emb, W1, r2(b1), W2, r2(b2), Wd, r2(bd),
                         r2(w_nc), r2(b_nc), r2(w_ne), r2(b_ne), We, r2(be))
    h = ht.T
    m, stats = _build_edge_kernel()(row128, col128, he)
    Wg128 = jnp.kron(jnp.eye(8, dtype=jnp.float32), Wg.astype(jnp.float32))
    ea_d, u3 = _final_stage(m, stats, Wg128, r2(jnp.tile(bg, 8)),
                            r2(jnp.tile(w_en, 8)), r2(jnp.tile(b_en, 8)),
                            r2(w_gn), r2(b_gn))
    edge_attr = (ea_d.reshape(MROWS, 8, EDGE_DIM)
                 .transpose(2, 0, 1).reshape(EDGE_DIM, ETOT).T)
    return (h, edge_attr, u3[:, 0, :GLOB_DIM], ei)

# --- scband reference (transcript-rebuilt; emitter-appended) ---
"""Pipeline reference for scband-inputs-init-53730040873191 (READ-ONLY COPY).

The authoritative reference and input builder live on the scoring server;
editing this copy changes nothing except your own understanding.
"""

import jax, jax.numpy as jnp
import numpy as np

N_NODES = 98304
B = 16
NUM_NODE = 6144
E = 1572864
COORD = 3
NODE_DIM = 48
EDGE_DIM = 16
GLOB_DIM = 32
NUM_ATOM = 64
NUM_AA = 32


def setup_inputs(seed: int = 0) -> dict:
    key = jax.random.key(seed)
    ks = jax.random.split(key, 16)
    s = 0.02
    inp = {}
    inp['x'] = jax.random.normal(ks[0], (N_NODES, COORD), dtype=jnp.float32)
    inp['atom_ids'] = jax.random.randint(ks[1], (B, NUM_NODE), 0, NUM_ATOM)
    inp['aa_ids'] = jax.random.randint(ks[2], (B, NUM_NODE), 0, NUM_AA)
    inp['edge_index'] = jax.random.randint(ks[3], (2, E), 0, N_NODES)
    # NodeInit params: pre_projection has int(log2(48/3)/2)=2 layers: 3->12, 12->48; dense 48->48
    inp['W1'] = jax.random.normal(ks[4], (COORD, 12)) * s
    inp['b1'] = jnp.zeros((12,))
    inp['W2'] = jax.random.normal(ks[5], (12, NODE_DIM)) * s
    inp['b2'] = jnp.zeros((NODE_DIM,))
    inp['Wd'] = jax.random.normal(ks[6], (NODE_DIM, NODE_DIM)) * s
    inp['bd'] = jnp.zeros((NODE_DIM,))
    inp['atom_emb'] = jax.random.normal(ks[7], (NUM_ATOM, NODE_DIM)) * s
    inp['aa_emb'] = jax.random.normal(ks[8], (NUM_AA, NODE_DIM)) * s
    inp['w_nc'] = jnp.ones((COORD,))
    inp['b_nc'] = jnp.zeros((COORD,))
    inp['w_ne'] = jnp.ones((NODE_DIM,))
    inp['b_ne'] = jnp.zeros((NODE_DIM,))
    # EdgeInit params
    inp['We'] = jax.random.normal(ks[9], (NODE_DIM, EDGE_DIM)) * s
    inp['be'] = jnp.zeros((EDGE_DIM,))
    inp['w_en'] = jnp.ones((EDGE_DIM,))
    inp['b_en'] = jnp.zeros((EDGE_DIM,))
    # GlobalInit params
    inp['Wg'] = jax.random.normal(ks[10], (EDGE_DIM, GLOB_DIM)) * s
    inp['bg'] = jnp.zeros((GLOB_DIM,))
    inp['w_gn'] = jnp.ones((GLOB_DIM,))
    inp['b_gn'] = jnp.zeros((GLOB_DIM,))
    return inp


def _ln_graph(x, batch, num_graphs, weight, bias, eps=1e-5):
    # torch_geometric LayerNorm, mode='graph': normalize per-graph over nodes and channels
    C = x.shape[-1]
    cnt = jax.ops.segment_sum(jnp.ones((x.shape[0],), x.dtype), batch, num_segments=num_graphs)
    norm = jnp.maximum(cnt, 1.0) * C
    mean = jax.ops.segment_sum(jnp.sum(x, axis=-1), batch, num_segments=num_graphs) / norm
    xc = x - mean[batch][:, None]
    var = jax.ops.segment_sum(jnp.sum(xc * xc, axis=-1), batch, num_segments=num_graphs) / norm
    out = xc / jnp.sqrt(var + eps)[batch][:, None]
    return out * weight + bias


def reference(x, atom_ids, aa_ids, edge_index, W1, b1, W2, b2, Wd, bd, atom_emb, aa_emb, w_nc, b_nc, w_ne, b_ne, We, be, w_en, b_en, Wg, bg, w_gn, b_gn):
    n = x.shape[0]
    loops = jnp.arange(n, dtype=edge_index.dtype)
    ei = jnp.concatenate([edge_index, jnp.stack([loops, loops])], axis=1)  # add_self_loops
    node_batch = jnp.repeat(jnp.arange(B), NUM_NODE)
    edge_batch = jnp.concatenate([jnp.repeat(jnp.arange(B), E // B), node_batch])
    # ---- NodeInit ----
    h = _ln_graph(x, node_batch, B, w_nc, b_nc)
    h = jax.nn.relu(h @ W1 + b1)
    h = jax.nn.relu(h @ W2 + b2)
    h = jax.nn.relu(h @ Wd + bd)
    emb = atom_emb[atom_ids].reshape(-1, NODE_DIM) + aa_emb[aa_ids].reshape(-1, NODE_DIM)
    h = _ln_graph(h + emb, node_batch, B, w_ne, b_ne)
    # dropout: identity (eval mode)
    # ---- EdgeInit ----
    he = jax.nn.relu(h @ We + be)
    row, col = ei[0], ei[1]
    src = jnp.take(he, row, axis=0)
    dest = jnp.take(he, col, axis=0)
    edge_attr = _ln_graph((src + dest) / 2.0, edge_batch, B, w_en, b_en)
    # ---- GlobalInit ----
    g = jax.nn.relu(edge_attr @ Wg + bg)
    cnt = jax.ops.segment_sum(jnp.ones((g.shape[0],), g.dtype), edge_batch, num_segments=B)
    u = jax.ops.segment_sum(g, edge_batch, num_segments=B) / jnp.maximum(cnt, 1.0)[:, None]
    u = _ln_graph(u, jnp.arange(B), B, w_gn, b_gn)
    return (h, edge_attr, u, ei)

if __name__ == "__main__":
    import jax
    _d = setup_inputs()
    print(jax.jit(kernel)(*tuple(_d.values())))

</pallas_src>

<mosaic_0001>
#map = affine_map<(d0, d1) -> (0, 0)>
module attributes {stable_mosaic.version = 14 : i64} {
  func.func @_emb_kernel(%arg0: i32, %arg1: i32, %arg2: memref<768x128xi32, #tpu.memory_space<hbm>>, %arg3: memref<2048x48xf32, #tpu.memory_space<hbm>>, %arg4: memref<98304x48xf32, #tpu.memory_space<hbm>>, %arg5: memref<8x128xi32, #tpu.memory_space<vmem>>, %arg6: memref<1024x48xf32, #tpu.memory_space<vmem>>, %arg7: memref<1024x48xf32, #tpu.memory_space<vmem>>, %arg8: memref<!tpu.dma_semaphore, #tpu.memory_space<semaphore_mem>>, %arg9: memref<!tpu.dma_semaphore, #tpu.memory_space<semaphore_mem>>) attributes {dimension_semantics = [#tpu.dimension_semantics<core_parallel>, #tpu.dimension_semantics<subcore_parallel>], iteration_bounds = array<i64: 2, 16>, scalar_prefetch = 0 : i64, scratch_operands = 5 : i64, tpu.core_type = #tpu.core_type<sc_vector_subcore>, window_params = [{transform_indices = #map}, {transform_indices = #map}, {transform_indices = #map}]} {
    %mul3A = arith.constant 2 : i32
    %mul3A_0 = arith.muli %arg1, %mul3A : i32
    %add3A = arith.addi %mul3A_0, %arg0 : i32
    %mul3A_1 = arith.constant 24 : i32
    %mul3A_2 = arith.muli %add3A, %mul3A_1 : i32
    %add3A_3 = arith.constant 0 : i32
    %add3A_4 = arith.addi %mul3A_2, %add3A_3 : i32
    "tpu.region"() ({
      %run_scoped3A = tpu.sem_alloc : memref<!tpu.dma_semaphore, #tpu.memory_space<semaphore_mem>>
      %dma_start3A_523 = arith.constant 0 : i32
      %dma_start3A_524 = tpu.memref_slice %arg2[%add3A_4, %dma_start3A_523] : memref<768x128xi32, #tpu.memory_space<hbm>> -> memref<8x128xi32, #tpu.memory_space<hbm>>
      %dma_start3A_525 = arith.constant 0 : i32
      %dma_start3A_526 = tpu.memref_slice %arg2[%add3A_4, %dma_start3A_525] : memref<768x128xi32, #tpu.memory_space<hbm>> -> memref<8x128xi32, #tpu.memory_space<hbm>>
      tpu.enqueue_dma source(%dma_start3A_526 : memref<8x128xi32, #tpu.memory_space<hbm>>) target(%arg5 : memref<8x128xi32, #tpu.memory_space<vmem>>) target_semaphore(%run_scoped3A : memref<!tpu.dma_semaphore, #tpu.memory_space<semaphore_mem>>)
      %dma_wait3A_527 = arith.constant 0 : i32
      %dma_wait3A_528 = tpu.memref_slice %arg2[%add3A_4, %dma_wait3A_527] : memref<768x128xi32, #tpu.memory_space<hbm>> -> memref<8x128xi32, #tpu.memory_space<hbm>>
      %dma_wait3A_529 = arith.constant 0 : i32
      %dma_wait3A_530 = tpu.memref_slice %arg2[%add3A_4, %dma_wait3A_529] : memref<768x128xi32, #tpu.memory_space<hbm>> -> memref<8x128xi32, #tpu.memory_space<hbm>>
      tpu.wait_dma2 semaphore(%run_scoped3A : memref<!tpu.dma_semaphore, #tpu.memory_space<semaphore_mem>>) src(%dma_wait3A_530 : memref<8x128xi32, #tpu.memory_space<hbm>>) dst(%arg5 : memref<8x128xi32, #tpu.memory_space<vmem>>)
      tpu.yield
    }) : () -> ()
    %dma_start3A = arith.constant 0 : i32
    %dma_start3A_5 = arith.constant 0 : i32
    %dma_start3A_6 = arith.constant 0 : i32
    %dma_start3A_7 = tpu.memref_slice %arg6[%dma_start3A_5, %dma_start3A_6] : memref<1024x48xf32, #tpu.memory_space<vmem>> -> memref<128x48xf32, #tpu.memory_space<vmem>>
    %dma_start3A_8 = arith.constant 0 : i32
    %dma_start3A_9 = tpu.memref_slice %arg5[%dma_start3A, %dma_start3A_8] : memref<8x128xi32, #tpu.memory_space<vmem>> -> memref<1x128xi32, #tpu.memory_space<vmem>>
    %dma_start3A_10 = tpu.memref_squeeze %dma_start3A_9 : memref<1x128xi32, #tpu.memory_space<vmem>> -> memref<128xi32, #tpu.memory_space<vmem>>
    %dma_start3A_11 = arith.constant 0 : i32
    %dma_start3A_12 = arith.constant 0 : i32
    %dma_start3A_13 = tpu.memref_slice %arg3[%dma_start3A_11, %dma_start3A_12] : memref<2048x48xf32, #tpu.memory_space<hbm>> -> memref<2048x48xf32, #tpu.memory_space<hbm>>
    tpu.enqueue_indirect_dma source(%dma_start3A_13 : memref<2048x48xf32, #tpu.memory_space<hbm>>) target(%dma_start3A_7 : memref<128x48xf32, #tpu.memory_space<vmem>>) offsets(%dma_start3A_10 : memref<128xi32, #tpu.memory_space<vmem>>) semaphore(%arg8 : memref<!tpu.dma_semaphore, #tpu.memory_space<semaphore_mem>>)
    %dma_start3A_14 = arith.constant 1 : i32
    %dma_start3A_15 = arith.constant 128 : i32
    %dma_start3A_16 = arith.constant 0 : i32
    %dma_start3A_17 = tpu.memref_slice %arg6[%dma_start3A_15, %dma_start3A_16] : memref<1024x48xf32, #tpu.memory_space<vmem>> -> memref<128x48xf32, #tpu.memory_space<vmem>>
    %dma_start3A_18 = arith.constant 0 : i32
    %dma_start3A_19 = tpu.memref_slice %arg5[%dma_start3A_14, %dma_start3A_18] : memref<8x128xi32, #tpu.memory_space<vmem>> -> memref<1x128xi32, #tpu.memory_space<vmem>>
    %dma_start3A_20 = tpu.memref_squeeze %dma_start3A_19 : memref<1x128xi32, #tpu.memory_space<vmem>> -> memref<128xi32, #tpu.memory_space<vmem>>
    %dma_start3A_21 = arith.constant 0 : i32
    %dma_start3A_22 = arith.constant 0 : i32
    %dma_start3A_23 = tpu.memref_slice %arg3[%dma_start3A_21, %dma_start3A_22] : memref<2048x48xf32, #tpu.memory_space<hbm>> -> memref<2048x48xf32, #tpu.memory_space<hbm>>
    tpu.enqueue_indirect_dma source(%dma_start3A_23 : memref<2048x48xf32, #tpu.memory_space<hbm>>) target(%dma_start3A_17 : memref<128x48xf32, #tpu.memory_space<vmem>>) offsets(%dma_start3A_20 : memref<128xi32, #tpu.memory_space<vmem>>) semaphore(%arg8 : memref<!tpu.dma_semaphore, #tpu.memory_space<semaphore_mem>>)
    %dma_start3A_24 = arith.constant 2 : i32
    %dma_start3A_25 = arith.constant 256 : i32
    %dma_start3A_26 = arith.constant 0 : i32
    %dma_start3A_27 = tpu.memref_slice %arg6[%dma_start3A_25, %dma_start3A_26] : memref<1024x48xf32, #tpu.memory_space<vmem>> -> memref<128x48xf32, #tpu.memory_space<vmem>>
    %dma_start3A_28 = arith.constant 0 : i32
    %dma_start3A_29 = tpu.memref_slice %arg5[%dma_start3A_24, %dma_start3A_28] : memref<8x128xi32, #tpu.memory_space<vmem>> -> memref<1x128xi32, #tpu.memory_space<vmem>>
    %dma_start3A_30 = tpu.memref_squeeze %dma_start3A_29 : memref<1x128xi32, #tpu.memory_space<vmem>> -> memref<128xi32, #tpu.memory_space<vmem>>
    %dma_start3A_31 = arith.constant 0 : i32
    %dma_start3A_32 = arith.constant 0 : i32
    %dma_start3A_33 = tpu.memref_slice %arg3[%dma_start3A_31, %dma_start3A_32] : memref<2048x48xf32, #tpu.memory_space<hbm>> -> memref<2048x48xf32, #tpu.memory_space<hbm>>
    tpu.enqueue_indirect_dma source(%dma_start3A_33 : memref<2048x48xf32, #tpu.memory_space<hbm>>) target(%dma_start3A_27 : memref<128x48xf32, #tpu.memory_space<vmem>>) offsets(%dma_start3A_30 : memref<128xi32, #tpu.memory_space<vmem>>) semaphore(%arg8 : memref<!tpu.dma_semaphore, #tpu.memory_space<semaphore_mem>>)
    %dma_start3A_34 = arith.constant 3 : i32
    %dma_start3A_35 = arith.constant 384 : i32
    %dma_start3A_36 = arith.constant 0 : i32
    %dma_start3A_37 = tpu.memref_slice %arg6[%dma_start3A_35, %dma_start3A_36] : memref<1024x48xf32, #tpu.memory_space<vmem>> -> memref<128x48xf32, #tpu.memory_space<vmem>>
    %dma_start3A_38 = arith.constant 0 : i32
    %dma_start3A_39 = tpu.memref_slice %arg5[%dma_start3A_34, %dma_start3A_38] : memref<8x128xi32, #tpu.memory_space<vmem>> -> memref<1x128xi32, #tpu.memory_space<vmem>>
    %dma_start3A_40 = tpu.memref_squeeze %dma_start3A_39 : memref<1x128xi32, #tpu.memory_space<vmem>> -> memref<128xi32, #tpu.memory_space<vmem>>
    %dma_start3A_41 = arith.constant 0 : i32
    %dma_start3A_42 = arith.constant 0 : i32
    %dma_start3A_43 = tpu.memref_slice %arg3[%dma_start3A_41, %dma_start3A_42] : memref<2048x48xf32, #tpu.memory_space<hbm>> -> memref<2048x48xf32, #tpu.memory_space<hbm>>
    tpu.enqueue_indirect_dma source(%dma_start3A_43 : memref<2048x48xf32, #tpu.memory_space<hbm>>) target(%dma_start3A_37 : memref<128x48xf32, #tpu.memory_space<vmem>>) offsets(%dma_start3A_40 : memref<128xi32, #tpu.memory_space<vmem>>) semaphore(%arg8 : memref<!tpu.dma_semaphore, #tpu.memory_space<semaphore_mem>>)
    %dma_start3A_44 = arith.constant 4 : i32
    %dma_start3A_45 = arith.constant 512 : i32
    %dma_start3A_46 = arith.constant 0 : i32
    %dma_start3A_47 = tpu.memref_slice %arg6[%dma_start3A_45, %dma_start3A_46] : memref<1024x48xf32, #tpu.memory_space<vmem>> -> memref<128x48xf32, #tpu.memory_space<vmem>>
    %dma_start3A_48 = arith.constant 0 : i32
    %dma_start3A_49 = tpu.memref_slice %arg5[%dma_start3A_44, %dma_start3A_48] : memref<8x128xi32, #tpu.memory_space<vmem>> -> memref<1x128xi32, #tpu.memory_space<vmem>>
    %dma_start3A_50 = tpu.memref_squeeze %dma_start3A_49 : memref<1x128xi32, #tpu.memory_space<vmem>> -> memref<128xi32, #tpu.memory_space<vmem>>
    %dma_start3A_51 = arith.constant 0 : i32
    %dma_start3A_52 = arith.constant 0 : i32
    %dma_start3A_53 = tpu.memref_slice %arg3[%dma_start3A_51, %dma_start3A_52] : memref<2048x48xf32, #tpu.memory_space<hbm>> -> memref<2048x48xf32, #tpu.memory_space<hbm>>
    tpu.enqueue_indirect_dma source(%dma_start3A_53 : memref<2048x48xf32, #tpu.memory_space<hbm>>) target(%dma_start3A_47 : memref<128x48xf32, #tpu.memory_space<vmem>>) offsets(%dma_start3A_50 : memref<128xi32, #tpu.memory_space<vmem>>) semaphore(%arg8 : memref<!tpu.dma_semaphore, #tpu.memory_space<semaphore_mem>>)
    %dma_start3A_54 = arith.constant 5 : i32
    %dma_start3A_55 = arith.constant 640 : i32
    %dma_start3A_56 = arith.constant 0 : i32
    %dma_start3A_57 = tpu.memref_slice %arg6[%dma_start3A_55, %dma_start3A_56] : memref<1024x48xf32, #tpu.memory_space<vmem>> -> memref<128x48xf32, #tpu.memory_space<vmem>>
    %dma_start3A_58 = arith.constant 0 : i32
    %dma_start3A_59 = tpu.memref_slice %arg5[%dma_start3A_54, %dma_start3A_58] : memref<8x128xi32, #tpu.memory_space<vmem>> -> memref<1x128xi32, #tpu.memory_space<vmem>>
    %dma_start3A_60 = tpu.memref_squeeze %dma_start3A_59 : memref<1x128xi32, #tpu.memory_space<vmem>> -> memref<128xi32, #tpu.memory_space<vmem>>
    %dma_start3A_61 = arith.constant 0 : i32
    %dma_start3A_62 = arith.constant 0 : i32
    %dma_start3A_63 = tpu.memref_slice %arg3[%dma_start3A_61, %dma_start3A_62] : memref<2048x48xf32, #tpu.memory_space<hbm>> -> memref<2048x48xf32, #tpu.memory_space<hbm>>
    tpu.enqueue_indirect_dma source(%dma_start3A_63 : memref<2048x48xf32, #tpu.memory_space<hbm>>) target(%dma_start3A_57 : memref<128x48xf32, #tpu.memory_space<vmem>>) offsets(%dma_start3A_60 : memref<128xi32, #tpu.memory_space<vmem>>) semaphore(%arg8 : memref<!tpu.dma_semaphore, #tpu.memory_space<semaphore_mem>>)
    %dma_start3A_64 = arith.constant 6 : i32
    %dma_start3A_65 = arith.constant 768 : i32
    %dma_start3A_66 = arith.constant 0 : i32
    %dma_start3A_67 = tpu.memref_slice %arg6[%dma_start3A_65, %dma_start3A_66] : memref<1024x48xf32, #tpu.memory_space<vmem>> -> memref<128x48xf32, #tpu.memory_space<vmem>>
    %dma_start3A_68 = arith.constant 0 : i32
    %dma_start3A_69 = tpu.memref_slice %arg5[%dma_start3A_64, %dma_start3A_68] : memref<8x128xi32, #tpu.memory_space<vmem>> -> memref<1x128xi32, #tpu.memory_space<vmem>>
    %dma_start3A_70 = tpu.memref_squeeze %dma_start3A_69 : memref<1x128xi32, #tpu.memory_space<vmem>> -> memref<128xi32, #tpu.memory_space<vmem>>
    %dma_start3A_71 = arith.constant 0 : i32
    %dma_start3A_72 = arith.constant 0 : i32
    %dma_start3A_73 = tpu.memref_slice %arg3[%dma_start3A_71, %dma_start3A_72] : memref<2048x48xf32, #tpu.memory_space<hbm>> -> memref<2048x48xf32, #tpu.memory_space<hbm>>
    tpu.enqueue_indirect_dma source(%dma_start3A_73 : memref<2048x48xf32, #tpu.memory_space<hbm>>) target(%dma_start3A_67 : memref<128x48xf32, #tpu.memory_space<vmem>>) offsets(%dma_start3A_70 : memref<128xi32, #tpu.memory_space<vmem>>) semaphore(%arg8 : memref<!tpu.dma_semaphore, #tpu.memory_space<semaphore_mem>>)
    %dma_start3A_74 = arith.constant 7 : i32
    %dma_start3A_75 = arith.constant 896 : i32
    %dma_start3A_76 = arith.constant 0 : i32
    %dma_start3A_77 = tpu.memref_slice %arg6[%dma_start3A_75, %dma_start3A_76] : memref<1024x48xf32, #tpu.memory_space<vmem>> -> memref<128x48xf32, #tpu.memory_space<vmem>>
    %dma_start3A_78 = arith.constant 0 : i32
    %dma_start3A_79 = tpu.memref_slice %arg5[%dma_start3A_74, %dma_start3A_78] : memref<8x128xi32, #tpu.memory_space<vmem>> -> memref<1x128xi32, #tpu.memory_space<vmem>>
    %dma_start3A_80 = tpu.memref_squeeze %dma_start3A_79 : memref<1x128xi32, #tpu.memory_space<vmem>> -> memref<128xi32, #tpu.memory_space<vmem>>
    %dma_start3A_81 = arith.constant 0 : i32
    %dma_start3A_82 = arith.constant 0 : i32
    %dma_start3A_83 = tpu.memref_slice %arg3[%dma_start3A_81, %dma_start3A_82] : memref<2048x48xf32, #tpu.memory_space<hbm>> -> memref<2048x48xf32, #tpu.memory_space<hbm>>
    tpu.enqueue_indirect_dma source(%dma_start3A_83 : memref<2048x48xf32, #tpu.memory_space<hbm>>) target(%dma_start3A_77 : memref<128x48xf32, #tpu.memory_space<vmem>>) offsets(%dma_start3A_80 : memref<128xi32, #tpu.memory_space<vmem>>) semaphore(%arg8 : memref<!tpu.dma_semaphore, #tpu.memory_space<semaphore_mem>>)
    %dma_wait3A = arith.constant 0 : i32
    %dma_wait3A_84 = arith.constant 0 : i32
    %dma_wait3A_85 = arith.constant 0 : i32
    %dma_wait3A_86 = tpu.memref_slice %arg6[%dma_wait3A_84, %dma_wait3A_85] : memref<1024x48xf32, #tpu.memory_space<vmem>> -> memref<128x48xf32, #tpu.memory_space<vmem>>
    %dma_wait3A_87 = arith.constant 0 : i32
    %dma_wait3A_88 = tpu.memref_slice %arg5[%dma_wait3A, %dma_wait3A_87] : memref<8x128xi32, #tpu.memory_space<vmem>> -> memref<1x128xi32, #tpu.memory_space<vmem>>
    %dma_wait3A_89 = tpu.memref_squeeze %dma_wait3A_88 : memref<1x128xi32, #tpu.memory_space<vmem>> -> memref<128xi32, #tpu.memory_space<vmem>>
    %dma_wait3A_90 = arith.constant 0 : i32
    %dma_wait3A_91 = arith.constant 0 : i32
    %dma_wait3A_92 = tpu.memref_slice %arg3[%dma_wait3A_90, %dma_wait3A_91] : memref<2048x48xf32, #tpu.memory_space<hbm>> -> memref<2048x48xf32, #tpu.memory_space<hbm>>
    tpu.wait_indirect_dma semaphore(%arg8 : memref<!tpu.dma_semaphore, #tpu.memory_space<semaphore_mem>>) src(%dma_wait3A_92 : memref<2048x48xf32, #tpu.memory_space<hbm>>) dst(%dma_wait3A_86 : memref<128x48xf32, #tpu.memory_space<vmem>>)
    %dma_wait3A_93 = arith.constant 1 : i32
    %dma_wait3A_94 = arith.constant 128 : i32
    %dma_wait3A_95 = arith.constant 0 : i32
    %dma_wait3A_96 = tpu.memref_slice %arg6[%dma_wait3A_94, %dma_wait3A_95] : memref<1024x48xf32, #tpu.memory_space<vmem>> -> memref<128x48xf32, #tpu.memory_space<vmem>>
    %dma_wait3A_97 = arith.constant 0 : i32
    %dma_wait3A_98 = tpu.memref_slice %arg5[%dma_wait3A_93, %dma_wait3A_97] : memref<8x128xi32, #tpu.memory_space<vmem>> -> memref<1x128xi32, #tpu.memory_space<vmem>>
    %dma_wait3A_99 = tpu.memref_squeeze %dma_wait3A_98 : memref<1x128xi32, #tpu.memory_space<vmem>> -> memref<128xi32, #tpu.memory_space<vmem>>
    %dma_wait3A_100 = arith.constant 0 : i32
    %dma_wait3A_101 = arith.constant 0 : i32
    %dma_wait3A_102 = tpu.memref_slice %arg3[%dma_wait3A_100, %dma_wait3A_101] : memref<2048x48xf32, #tpu.memory_space<hbm>> -> memref<2048x48xf32, #tpu.memory_space<hbm>>
    tpu.wait_indirect_dma semaphore(%arg8 : memref<!tpu.dma_semaphore, #tpu.memory_space<semaphore_mem>>) src(%dma_wait3A_102 : memref<2048x48xf32, #tpu.memory_space<hbm>>) dst(%dma_wait3A_96 : memref<128x48xf32, #tpu.memory_space<vmem>>)
    %dma_wait3A_103 = arith.constant 2 : i32
    %dma_wait3A_104 = arith.constant 256 : i32
    %dma_wait3A_105 = arith.constant 0 : i32
    %dma_wait3A_106 = tpu.memref_slice %arg6[%dma_wait3A_104, %dma_wait3A_105] : memref<1024x48xf32, #tpu.memory_space<vmem>> -> memref<128x48xf32, #tpu.memory_space<vmem>>
    %dma_wait3A_107 = arith.constant 0 : i32
    %dma_wait3A_108 = tpu.memref_slice %arg5[%dma_wait3A_103, %dma_wait3A_107] : memref<8x128xi32, #tpu.memory_space<vmem>> -> memref<1x128xi32, #tpu.memory_space<vmem>>
    %dma_wait3A_109 = tpu.memref_squeeze %dma_wait3A_108 : memref<1x128xi32, #tpu.memory_space<vmem>> -> memref<128xi32, #tpu.memory_space<vmem>>
    %dma_wait3A_110 = arith.constant 0 : i32
    %dma_wait3A_111 = arith.constant 0 : i32
    %dma_wait3A_112 = tpu.memref_slice %arg3[%dma_wait3A_110, %dma_wait3A_111] : memref<2048x48xf32, #tpu.memory_space<hbm>> -> memref<2048x48xf32, #tpu.memory_space<hbm>>
    tpu.wait_indirect_dma semaphore(%arg8 : memref<!tpu.dma_semaphore, #tpu.memory_space<semaphore_mem>>) src(%dma_wait3A_112 : memref<2048x48xf32, #tpu.memory_space<hbm>>) dst(%dma_wait3A_106 : memref<128x48xf32, #tpu.memory_space<vmem>>)
    %dma_wait3A_113 = arith.constant 3 : i32
    %dma_wait3A_114 = arith.constant 384 : i32
    %dma_wait3A_115 = arith.constant 0 : i32
    %dma_wait3A_116 = tpu.memref_slice %arg6[%dma_wait3A_114, %dma_wait3A_115] : memref<1024x48xf32, #tpu.memory_space<vmem>> -> memref<128x48xf32, #tpu.memory_space<vmem>>
    %dma_wait3A_117 = arith.constant 0 : i32
    %dma_wait3A_118 = tpu.memref_slice %arg5[%dma_wait3A_113, %dma_wait3A_117] : memref<8x128xi32, #tpu.memory_space<vmem>> -> memref<1x128xi32, #tpu.memory_space<vmem>>
    %dma_wait3A_119 = tpu.memref_squeeze %dma_wait3A_118 : memref<1x128xi32, #tpu.memory_space<vmem>> -> memref<128xi32, #tpu.memory_space<vmem>>
    %dma_wait3A_120 = arith.constant 0 : i32
    %dma_wait3A_121 = arith.constant 0 : i32
    %dma_wait3A_122 = tpu.memref_slice %arg3[%dma_wait3A_120, %dma_wait3A_121] : memref<2048x48xf32, #tpu.memory_space<hbm>> -> memref<2048x48xf32, #tpu.memory_space<hbm>>
    tpu.wait_indirect_dma semaphore(%arg8 : memref<!tpu.dma_semaphore, #tpu.memory_space<semaphore_mem>>) src(%dma_wait3A_122 : memref<2048x48xf32, #tpu.memory_space<hbm>>) dst(%dma_wait3A_116 : memref<128x48xf32, #tpu.memory_space<vmem>>)
    %dma_wait3A_123 = arith.constant 4 : i32
    %dma_wait3A_124 = arith.constant 512 : i32
    %dma_wait3A_125 = arith.constant 0 : i32
    %dma_wait3A_126 = tpu.memref_slice %arg6[%dma_wait3A_124, %dma_wait3A_125] : memref<1024x48xf32, #tpu.memory_space<vmem>> -> memref<128x48xf32, #tpu.memory_space<vmem>>
    %dma_wait3A_127 = arith.constant 0 : i32
    %dma_wait3A_128 = tpu.memref_slice %arg5[%dma_wait3A_123, %dma_wait3A_127] : memref<8x128xi32, #tpu.memory_space<vmem>> -> memref<1x128xi32, #tpu.memory_space<vmem>>
    %dma_wait3A_129 = tpu.memref_squeeze %dma_wait3A_128 : memref<1x128xi32, #tpu.memory_space<vmem>> -> memref<128xi32, #tpu.memory_space<vmem>>
    %dma_wait3A_130 = arith.constant 0 : i32
    %dma_wait3A_131 = arith.constant 0 : i32
    %dma_wait3A_132 = tpu.memref_slice %arg3[%dma_wait3A_130, %dma_wait3A_131] : memref<2048x48xf32, #tpu.memory_space<hbm>> -> memref<2048x48xf32, #tpu.memory_space<hbm>>
    tpu.wait_indirect_dma semaphore(%arg8 : memref<!tpu.dma_semaphore, #tpu.memory_space<semaphore_mem>>) src(%dma_wait3A_132 : memref<2048x48xf32, #tpu.memory_space<hbm>>) dst(%dma_wait3A_126 : memref<128x48xf32, #tpu.memory_space<vmem>>)
    %dma_wait3A_133 = arith.constant 5 : i32
    %dma_wait3A_134 = arith.constant 640 : i32
    %dma_wait3A_135 = arith.constant 0 : i32
    %dma_wait3A_136 = tpu.memref_slice %arg6[%dma_wait3A_134, %dma_wait3A_135] : memref<1024x48xf32, #tpu.memory_space<vmem>> -> memref<128x48xf32, #tpu.memory_space<vmem>>
    %dma_wait3A_137 = arith.constant 0 : i32
    %dma_wait3A_138 = tpu.memref_slice %arg5[%dma_wait3A_133, %dma_wait3A_137] : memref<8x128xi32, #tpu.memory_space<vmem>> -> memref<1x128xi32, #tpu.memory_space<vmem>>
    %dma_wait3A_139 = tpu.memref_squeeze %dma_wait3A_138 : memref<1x128xi32, #tpu.memory_space<vmem>> -> memref<128xi32, #tpu.memory_space<vmem>>
    %dma_wait3A_140 = arith.constant 0 : i32
    %dma_wait3A_141 = arith.constant 0 : i32
    %dma_wait3A_142 = tpu.memref_slice %arg3[%dma_wait3A_140, %dma_wait3A_141] : memref<2048x48xf32, #tpu.memory_space<hbm>> -> memref<2048x48xf32, #tpu.memory_space<hbm>>
    tpu.wait_indirect_dma semaphore(%arg8 : memref<!tpu.dma_semaphore, #tpu.memory_space<semaphore_mem>>) src(%dma_wait3A_142 : memref<2048x48xf32, #tpu.memory_space<hbm>>) dst(%dma_wait3A_136 : memref<128x48xf32, #tpu.memory_space<vmem>>)
    %dma_wait3A_143 = arith.constant 6 : i32
    %dma_wait3A_144 = arith.constant 768 : i32
    %dma_wait3A_145 = arith.constant 0 : i32
    %dma_wait3A_146 = tpu.memref_slice %arg6[%dma_wait3A_144, %dma_wait3A_145] : memref<1024x48xf32, #tpu.memory_space<vmem>> -> memref<128x48xf32, #tpu.memory_space<vmem>>
    %dma_wait3A_147 = arith.constant 0 : i32
    %dma_wait3A_148 = tpu.memref_slice %arg5[%dma_wait3A_143, %dma_wait3A_147] : memref<8x128xi32, #tpu.memory_space<vmem>> -> memref<1x128xi32, #tpu.memory_space<vmem>>
    %dma_wait3A_149 = tpu.memref_squeeze %dma_wait3A_148 : memref<1x128xi32, #tpu.memory_space<vmem>> -> memref<128xi32, #tpu.memory_space<vmem>>
    %dma_wait3A_150 = arith.constant 0 : i32
    %dma_wait3A_151 = arith.constant 0 : i32
    %dma_wait3A_152 = tpu.memref_slice %arg3[%dma_wait3A_150, %dma_wait3A_151] : memref<2048x48xf32, #tpu.memory_space<hbm>> -> memref<2048x48xf32, #tpu.memory_space<hbm>>
    tpu.wait_indirect_dma semaphore(%arg8 : memref<!tpu.dma_semaphore, #tpu.memory_space<semaphore_mem>>) src(%dma_wait3A_152 : memref<2048x48xf32, #tpu.memory_space<hbm>>) dst(%dma_wait3A_146 : memref<128x48xf32, #tpu.memory_space<vmem>>)
    %dma_wait3A_153 = arith.constant 7 : i32
    %dma_wait3A_154 = arith.constant 896 : i32
    %dma_wait3A_155 = arith.constant 0 : i32
    %dma_wait3A_156 = tpu.memref_slice %arg6[%dma_wait3A_154, %dma_wait3A_155] : memref<1024x48xf32, #tpu.memory_space<vmem>> -> memref<128x48xf32, #tpu.memory_space<vmem>>
    %dma_wait3A_157 = arith.constant 0 : i32
    %dma_wait3A_158 = tpu.memref_slice %arg5[%dma_wait3A_153, %dma_wait3A_157] : memref<8x128xi32, #tpu.memory_space<vmem>> -> memref<1x128xi32, #tpu.memory_space<vmem>>
    %dma_wait3A_159 = tpu.memref_squeeze %dma_wait3A_158 : memref<1x128xi32, #tpu.memory_space<vmem>> -> memref<128xi32, #tpu.memory_space<vmem>>
    %dma_wait3A_160 = arith.constant 0 : i32
    %dma_wait3A_161 = arith.constant 0 : i32
    %dma_wait3A_162 = tpu.memref_slice %arg3[%dma_wait3A_160, %dma_wait3A_161] : memref<2048x48xf32, #tpu.memory_space<hbm>> -> memref<2048x48xf32, #tpu.memory_space<hbm>>
    tpu.wait_indirect_dma semaphore(%arg8 : memref<!tpu.dma_semaphore, #tpu.memory_space<semaphore_mem>>) src(%dma_wait3A_162 : memref<2048x48xf32, #tpu.memory_space<hbm>>) dst(%dma_wait3A_156 : memref<128x48xf32, #tpu.memory_space<vmem>>)
    %add3A_163 = arith.constant 8 : i32
    %add3A_164 = arith.addi %mul3A_2, %add3A_163 : i32
    "tpu.region"() ({
      %run_scoped3A = tpu.sem_alloc : memref<!tpu.dma_semaphore, #tpu.memory_space<semaphore_mem>>
      %dma_start3A_523 = arith.constant 0 : i32
      %dma_start3A_524 = tpu.memref_slice %arg2[%add3A_164, %dma_start3A_523] : memref<768x128xi32, #tpu.memory_space<hbm>> -> memref<8x128xi32, #tpu.memory_space<hbm>>
      %dma_start3A_525 = arith.constant 0 : i32
      %dma_start3A_526 = tpu.memref_slice %arg2[%add3A_164, %dma_start3A_525] : memref<768x128xi32, #tpu.memory_space<hbm>> -> memref<8x128xi32, #tpu.memory_space<hbm>>
      tpu.enqueue_dma source(%dma_start3A_526 : memref<8x128xi32, #tpu.memory_space<hbm>>) target(%arg5 : memref<8x128xi32, #tpu.memory_space<vmem>>) target_semaphore(%run_scoped3A : memref<!tpu.dma_semaphore, #tpu.memory_space<semaphore_mem>>)
      %dma_wait3A_527 = arith.constant 0 : i32
      %dma_wait3A_528 = tpu.memref_slice %arg2[%add3A_164, %dma_wait3A_527] : memref<768x128xi32, #tpu.memory_space<hbm>> -> memref<8x128xi32, #tpu.memory_space<hbm>>
      %dma_wait3A_529 = arith.constant 0 : i32
      %dma_wait3A_530 = tpu.memref_slice %arg2[%add3A_164, %dma_wait3A_529] : memref<768x128xi32, #tpu.memory_space<hbm>> -> memref<8x128xi32, #tpu.memory_space<hbm>>
      tpu.wait_dma2 semaphore(%run_scoped3A : memref<!tpu.dma_semaphore, #tpu.memory_space<semaphore_mem>>) src(%dma_wait3A_530 : memref<8x128xi32, #tpu.memory_space<hbm>>) dst(%arg5 : memref<8x128xi32, #tpu.memory_space<vmem>>)
      tpu.yield
    }) : () -> ()
    %dma_start3A_165 = arith.constant 0 : i32
    %dma_start3A_166 = arith.constant 0 : i32
    %dma_start3A_167 = arith.constant 0 : i32
    %dma_start3A_168 = tpu.memref_slice %arg7[%dma_start3A_166, %dma_start3A_167] : memref<1024x48xf32, #tpu.memory_space<vmem>> -> memref<128x48xf32, #tpu.memory_space<vmem>>
    %dma_start3A_169 = arith.constant 0 : i32
    %dma_start3A_170 = tpu.memref_slice %arg5[%dma_start3A_165, %dma_start3A_169] : memref<8x128xi32, #tpu.memory_space<vmem>> -> memref<1x128xi32, #tpu.memory_space<vmem>>
    %dma_start3A_171 = tpu.memref_squeeze %dma_start3A_170 : memref<1x128xi32, #tpu.memory_space<vmem>> -> memref<128xi32, #tpu.memory_space<vmem>>
    %dma_start3A_172 = arith.constant 0 : i32
    %dma_start3A_173 = arith.constant 0 : i32
    %dma_start3A_174 = tpu.memref_slice %arg3[%dma_start3A_172, %dma_start3A_173] : memref<2048x48xf32, #tpu.memory_space<hbm>> -> memref<2048x48xf32, #tpu.memory_space<hbm>>
    tpu.enqueue_indirect_dma source(%dma_start3A_174 : memref<2048x48xf32, #tpu.memory_space<hbm>>) target(%dma_start3A_168 : memref<128x48xf32, #tpu.memory_space<vmem>>) offsets(%dma_start3A_171 : memref<128xi32, #tpu.memory_space<vmem>>) semaphore(%arg8 : memref<!tpu.dma_semaphore, #tpu.memory_space<semaphore_mem>>)
    %dma_start3A_175 = arith.constant 1 : i32
    %dma_start3A_176 = arith.constant 128 : i32
    %dma_start3A_177 = arith.constant 0 : i32
    %dma_start3A_178 = tpu.memref_slice %arg7[%dma_start3A_176, %dma_start3A_177] : memref<1024x48xf32, #tpu.memory_space<vmem>> -> memref<128x48xf32, #tpu.memory_space<vmem>>
    %dma_start3A_179 = arith.constant 0 : i32
    %dma_start3A_180 = tpu.memref_slice %arg5[%dma_start3A_175, %dma_start3A_179] : memref<8x128xi32, #tpu.memory_space<vmem>> -> memref<1x128xi32, #tpu.memory_space<vmem>>
    %dma_start3A_181 = tpu.memref_squeeze %dma_start3A_180 : memref<1x128xi32, #tpu.memory_space<vmem>> -> memref<128xi32, #tpu.memory_space<vmem>>
    %dma_start3A_182 = arith.constant 0 : i32
    %dma_start3A_183 = arith.constant 0 : i32
    %dma_start3A_184 = tpu.memref_slice %arg3[%dma_start3A_182, %dma_start3A_183] : memref<2048x48xf32, #tpu.memory_space<hbm>> -> memref<2048x48xf32, #tpu.memory_space<hbm>>
    tpu.enqueue_indirect_dma source(%dma_start3A_184 : memref<2048x48xf32, #tpu.memory_space<hbm>>) target(%dma_start3A_178 : memref<128x48xf32, #tpu.memory_space<vmem>>) offsets(%dma_start3A_181 : memref<128xi32, #tpu.memory_space<vmem>>) semaphore(%arg8 : memref<!tpu.dma_semaphore, #tpu.memory_space<semaphore_mem>>)
    %dma_start3A_185 = arith.constant 2 : i32
    %dma_start3A_186 = arith.constant 256 : i32
    %dma_start3A_187 = arith.constant 0 : i32
    %dma_start3A_188 = tpu.memref_slice %arg7[%dma_start3A_186, %dma_start3A_187] : memref<1024x48xf32, #tpu.memory_space<vmem>> -> memref<128x48xf32, #tpu.memory_space<vmem>>
    %dma_start3A_189 = arith.constant 0 : i32
    %dma_start3A_190 = tpu.memref_slice %arg5[%dma_start3A_185, %dma_start3A_189] : memref<8x128xi32, #tpu.memory_space<vmem>> -> memref<1x128xi32, #tpu.memory_space<vmem>>
    %dma_start3A_191 = tpu.memref_squeeze %dma_start3A_190 : memref<1x128xi32, #tpu.memory_space<vmem>> -> memref<128xi32, #tpu.memory_space<vmem>>
    %dma_start3A_192 = arith.constant 0 : i32
    %dma_start3A_193 = arith.constant 0 : i32
    %dma_start3A_194 = tpu.memref_slice %arg3[%dma_start3A_192, %dma_start3A_193] : memref<2048x48xf32, #tpu.memory_space<hbm>> -> memref<2048x48xf32, #tpu.memory_space<hbm>>
    tpu.enqueue_indirect_dma source(%dma_start3A_194 : memref<2048x48xf32, #tpu.memory_space<hbm>>) target(%dma_start3A_188 : memref<128x48xf32, #tpu.memory_space<vmem>>) offsets(%dma_start3A_191 : memref<128xi32, #tpu.memory_space<vmem>>) semaphore(%arg8 : memref<!tpu.dma_semaphore, #tpu.memory_space<semaphore_mem>>)
    %dma_start3A_195 = arith.constant 3 : i32
    %dma_start3A_196 = arith.constant 384 : i32
    %dma_start3A_197 = arith.constant 0 : i32
    %dma_start3A_198 = tpu.memref_slice %arg7[%dma_start3A_196, %dma_start3A_197] : memref<1024x48xf32, #tpu.memory_space<vmem>> -> memref<128x48xf32, #tpu.memory_space<vmem>>
    %dma_start3A_199 = arith.constant 0 : i32
    %dma_start3A_200 = tpu.memref_slice %arg5[%dma_start3A_195, %dma_start3A_199] : memref<8x128xi32, #tpu.memory_space<vmem>> -> memref<1x128xi32, #tpu.memory_space<vmem>>
    %dma_start3A_201 = tpu.memref_squeeze %dma_start3A_200 : memref<1x128xi32, #tpu.memory_space<vmem>> -> memref<128xi32, #tpu.memory_space<vmem>>
    %dma_start3A_202 = arith.constant 0 : i32
    %dma_start3A_203 = arith.constant 0 : i32
    %dma_start3A_204 = tpu.memref_slice %arg3[%dma_start3A_202, %dma_start3A_203] : memref<2048x48xf32, #tpu.memory_space<hbm>> -> memref<2048x48xf32, #tpu.memory_space<hbm>>
    tpu.enqueue_indirect_dma source(%dma_start3A_204 : memref<2048x48xf32, #tpu.memory_space<hbm>>) target(%dma_start3A_198 : memref<128x48xf32, #tpu.memory_space<vmem>>) offsets(%dma_start3A_201 : memref<128xi32, #tpu.memory_space<vmem>>) semaphore(%arg8 : memref<!tpu.dma_semaphore, #tpu.memory_space<semaphore_mem>>)
    %dma_start3A_205 = arith.constant 4 : i32
    %dma_start3A_206 = arith.constant 512 : i32
    %dma_start3A_207 = arith.constant 0 : i32
    %dma_start3A_208 = tpu.memref_slice %arg7[%dma_start3A_206, %dma_start3A_207] : memref<1024x48xf32, #tpu.memory_space<vmem>> -> memref<128x48xf32, #tpu.memory_space<vmem>>
    %dma_start3A_209 = arith.constant 0 : i32
    %dma_start3A_210 = tpu.memref_slice %arg5[%dma_start3A_205, %dma_start3A_209] : memref<8x128xi32, #tpu.memory_space<vmem>> -> memref<1x128xi32, #tpu.memory_space<vmem>>
    %dma_start3A_211 = tpu.memref_squeeze %dma_start3A_210 : memref<1x128xi32, #tpu.memory_space<vmem>> -> memref<128xi32, #tpu.memory_space<vmem>>
    %dma_start3A_212 = arith.constant 0 : i32
    %dma_start3A_213 = arith.constant 0 : i32
    %dma_start3A_214 = tpu.memref_slice %arg3[%dma_start3A_212, %dma_start3A_213] : memref<2048x48xf32, #tpu.memory_space<hbm>> -> memref<2048x48xf32, #tpu.memory_space<hbm>>
    tpu.enqueue_indirect_dma source(%dma_start3A_214 : memref<2048x48xf32, #tpu.memory_space<hbm>>) target(%dma_start3A_208 : memref<128x48xf32, #tpu.memory_space<vmem>>) offsets(%dma_start3A_211 : memref<128xi32, #tpu.memory_space<vmem>>) semaphore(%arg8 : memref<!tpu.dma_semaphore, #tpu.memory_space<semaphore_mem>>)
    %dma_start3A_215 = arith.constant 5 : i32
    %dma_start3A_216 = arith.constant 640 : i32
    %dma_start3A_217 = arith.constant 0 : i32
    %dma_start3A_218 = tpu.memref_slice %arg7[%dma_start3A_216, %dma_start3A_217] : memref<1024x48xf32, #tpu.memory_space<vmem>> -> memref<128x48xf32, #tpu.memory_space<vmem>>
    %dma_start3A_219 = arith.constant 0 : i32
    %dma_start3A_220 = tpu.memref_slice %arg5[%dma_start3A_215, %dma_start3A_219] : memref<8x128xi32, #tpu.memory_space<vmem>> -> memref<1x128xi32, #tpu.memory_space<vmem>>
    %dma_start3A_221 = tpu.memref_squeeze %dma_start3A_220 : memref<1x128xi32, #tpu.memory_space<vmem>> -> memref<128xi32, #tpu.memory_space<vmem>>
    %dma_start3A_222 = arith.constant 0 : i32
    %dma_start3A_223 = arith.constant 0 : i32
    %dma_start3A_224 = tpu.memref_slice %arg3[%dma_start3A_222, %dma_start3A_223] : memref<2048x48xf32, #tpu.memory_space<hbm>> -> memref<2048x48xf32, #tpu.memory_space<hbm>>
    tpu.enqueue_indirect_dma source(%dma_start3A_224 : memref<2048x48xf32, #tpu.memory_space<hbm>>) target(%dma_start3A_218 : memref<128x48xf32, #tpu.memory_space<vmem>>) offsets(%dma_start3A_221 : memref<128xi32, #tpu.memory_space<vmem>>) semaphore(%arg8 : memref<!tpu.dma_semaphore, #tpu.memory_space<semaphore_mem>>)
    %dma_start3A_225 = arith.constant 6 : i32
    %dma_start3A_226 = arith.constant 768 : i32
    %dma_start3A_227 = arith.constant 0 : i32
    %dma_start3A_228 = tpu.memref_slice %arg7[%dma_start3A_226, %dma_start3A_227] : memref<1024x48xf32, #tpu.memory_space<vmem>> -> memref<128x48xf32, #tpu.memory_space<vmem>>
    %dma_start3A_229 = arith.constant 0 : i32
    %dma_start3A_230 = tpu.memref_slice %arg5[%dma_start3A_225, %dma_start3A_229] : memref<8x128xi32, #tpu.memory_space<vmem>> -> memref<1x128xi32, #tpu.memory_space<vmem>>
    %dma_start3A_231 = tpu.memref_squeeze %dma_start3A_230 : memref<1x128xi32, #tpu.memory_space<vmem>> -> memref<128xi32, #tpu.memory_space<vmem>>
    %dma_start3A_232 = arith.constant 0 : i32
    %dma_start3A_233 = arith.constant 0 : i32
    %dma_start3A_234 = tpu.memref_slice %arg3[%dma_start3A_232, %dma_start3A_233] : memref<2048x48xf32, #tpu.memory_space<hbm>> -> memref<2048x48xf32, #tpu.memory_space<hbm>>
    tpu.enqueue_indirect_dma source(%dma_start3A_234 : memref<2048x48xf32, #tpu.memory_space<hbm>>) target(%dma_start3A_228 : memref<128x48xf32, #tpu.memory_space<vmem>>) offsets(%dma_start3A_231 : memref<128xi32, #tpu.memory_space<vmem>>) semaphore(%arg8 : memref<!tpu.dma_semaphore, #tpu.memory_space<semaphore_mem>>)
    %dma_start3A_235 = arith.constant 7 : i32
    %dma_start3A_236 = arith.constant 896 : i32
    %dma_start3A_237 = arith.constant 0 : i32
    %dma_start3A_238 = tpu.memref_slice %arg7[%dma_start3A_236, %dma_start3A_237] : memref<1024x48xf32, #tpu.memory_space<vmem>> -> memref<128x48xf32, #tpu.memory_space<vmem>>
    %dma_start3A_239 = arith.constant 0 : i32
    %dma_start3A_240 = tpu.memref_slice %arg5[%dma_start3A_235, %dma_start3A_239] : memref<8x128xi32, #tpu.memory_space<vmem>> -> memref<1x128xi32, #tpu.memory_space<vmem>>
    %dma_start3A_241 = tpu.memref_squeeze %dma_start3A_240 : memref<1x128xi32, #tpu.memory_space<vmem>> -> memref<128xi32, #tpu.memory_space<vmem>>
    %dma_start3A_242 = arith.constant 0 : i32
    %dma_start3A_243 = arith.constant 0 : i32
    %dma_start3A_244 = tpu.memref_slice %arg3[%dma_start3A_242, %dma_start3A_243] : memref<2048x48xf32, #tpu.memory_space<hbm>> -> memref<2048x48xf32, #tpu.memory_space<hbm>>
    tpu.enqueue_indirect_dma source(%dma_start3A_244 : memref<2048x48xf32, #tpu.memory_space<hbm>>) target(%dma_start3A_238 : memref<128x48xf32, #tpu.memory_space<vmem>>) offsets(%dma_start3A_241 : memref<128xi32, #tpu.memory_space<vmem>>) semaphore(%arg8 : memref<!tpu.dma_semaphore, #tpu.memory_space<semaphore_mem>>)
    %add3A_245 = arith.constant 0 : i32
    %add3A_246 = arith.addi %mul3A_2, %add3A_245 : i32
    %mul3A_247 = arith.constant 128 : i32
    %mul3A_248 = arith.muli %add3A_246, %mul3A_247 : i32
    %dma_start3A_249 = arith.constant 0 : i32
    %dma_start3A_250 = tpu.memref_slice %arg4[%mul3A_248, %dma_start3A_249] : memref<98304x48xf32, #tpu.memory_space<hbm>> -> memref<1024x48xf32, #tpu.memory_space<hbm>>
    %dma_start3A_251 = arith.constant 0 : i32
    %dma_start3A_252 = tpu.memref_slice %arg4[%mul3A_248, %dma_start3A_251] : memref<98304x48xf32, #tpu.memory_space<hbm>> -> memref<1024x48xf32, #tpu.memory_space<hbm>>
    tpu.enqueue_dma source(%arg6 : memref<1024x48xf32, #tpu.memory_space<vmem>>) target(%dma_start3A_252 : memref<1024x48xf32, #tpu.memory_space<hbm>>) target_semaphore(%arg9 : memref<!tpu.dma_semaphore, #tpu.memory_space<semaphore_mem>>)
    %dma_wait3A_253 = arith.constant 0 : i32
    %dma_wait3A_254 = tpu.memref_slice %arg4[%mul3A_248, %dma_wait3A_253] : memref<98304x48xf32, #tpu.memory_space<hbm>> -> memref<1024x48xf32, #tpu.memory_space<hbm>>
    %dma_wait3A_255 = arith.constant 0 : i32
    %dma_wait3A_256 = tpu.memref_slice %arg4[%mul3A_248, %dma_wait3A_255] : memref<98304x48xf32, #tpu.memory_space<hbm>> -> memref<1024x48xf32, #tpu.memory_space<hbm>>
    tpu.wait_dma2 semaphore(%arg9 : memref<!tpu.dma_semaphore, #tpu.memory_space<semaphore_mem>>) src(%arg6 : memref<1024x48xf32, #tpu.memory_space<vmem>>) dst(%dma_wait3A_256 : memref<1024x48xf32, #tpu.memory_space<hbm>>)
    %dma_wait3A_257 = arith.constant 0 : i32
    %dma_wait3A_258 = arith.constant 0 : i32
    %dma_wait3A_259 = arith.constant 0 : i32
    %dma_wait3A_260 = tpu.memref_slice %arg7[%dma_wait3A_258, %dma_wait3A_259] : memref<1024x48xf32, #tpu.memory_space<vmem>> -> memref<128x48xf32, #tpu.memory_space<vmem>>
    %dma_wait3A_261 = arith.constant 0 : i32
    %dma_wait3A_262 = tpu.memref_slice %arg5[%dma_wait3A_257, %dma_wait3A_261] : memref<8x128xi32, #tpu.memory_space<vmem>> -> memref<1x128xi32, #tpu.memory_space<vmem>>
    %dma_wait3A_263 = tpu.memref_squeeze %dma_wait3A_262 : memref<1x128xi32, #tpu.memory_space<vmem>> -> memref<128xi32, #tpu.memory_space<vmem>>
    %dma_wait3A_264 = arith.constant 0 : i32
    %dma_wait3A_265 = arith.constant 0 : i32
    %dma_wait3A_266 = tpu.memref_slice %arg3[%dma_wait3A_264, %dma_wait3A_265] : memref<2048x48xf32, #tpu.memory_space<hbm>> -> memref<2048x48xf32, #tpu.memory_space<hbm>>
    tpu.wait_indirect_dma semaphore(%arg8 : memref<!tpu.dma_semaphore, #tpu.memory_space<semaphore_mem>>) src(%dma_wait3A_266 : memref<2048x48xf32, #tpu.memory_space<hbm>>) dst(%dma_wait3A_260 : memref<128x48xf32, #tpu.memory_space<vmem>>)
    %dma_wait3A_267 = arith.constant 1 : i32
    %dma_wait3A_268 = arith.constant 128 : i32
    %dma_wait3A_269 = arith.constant 0 : i32
    %dma_wait3A_270 = tpu.memref_slice %arg7[%dma_wait3A_268, %dma_wait3A_269] : memref<1024x48xf32, #tpu.memory_space<vmem>> -> memref<128x48xf32, #tpu.memory_space<vmem>>
    %dma_wait3A_271 = arith.constant 0 : i32
    %dma_wait3A_272 = tpu.memref_slice %arg5[%dma_wait3A_267, %dma_wait3A_271] : memref<8x128xi32, #tpu.memory_space<vmem>> -> memref<1x128xi32, #tpu.memory_space<vmem>>
    %dma_wait3A_273 = tpu.memref_squeeze %dma_wait3A_272 : memref<1x128xi32, #tpu.memory_space<vmem>> -> memref<128xi32, #tpu.memory_space<vmem>>
    %dma_wait3A_274 = arith.constant 0 : i32
    %dma_wait3A_275 = arith.constant 0 : i32
    %dma_wait3A_276 = tpu.memref_slice %arg3[%dma_wait3A_274, %dma_wait3A_275] : memref<2048x48xf32, #tpu.memory_space<hbm>> -> memref<2048x48xf32, #tpu.memory_space<hbm>>
    tpu.wait_indirect_dma semaphore(%arg8 : memref<!tpu.dma_semaphore, #tpu.memory_space<semaphore_mem>>) src(%dma_wait3A_276 : memref<2048x48xf32, #tpu.memory_space<hbm>>) dst(%dma_wait3A_270 : memref<128x48xf32, #tpu.memory_space<vmem>>)
    %dma_wait3A_277 = arith.constant 2 : i32
    %dma_wait3A_278 = arith.constant 256 : i32
    %dma_wait3A_279 = arith.constant 0 : i32
    %dma_wait3A_280 = tpu.memref_slice %arg7[%dma_wait3A_278, %dma_wait3A_279] : memref<1024x48xf32, #tpu.memory_space<vmem>> -> memref<128x48xf32, #tpu.memory_space<vmem>>
    %dma_wait3A_281 = arith.constant 0 : i32
    %dma_wait3A_282 = tpu.memref_slice %arg5[%dma_wait3A_277, %dma_wait3A_281] : memref<8x128xi32, #tpu.memory_space<vmem>> -> memref<1x128xi32, #tpu.memory_space<vmem>>
    %dma_wait3A_283 = tpu.memref_squeeze %dma_wait3A_282 : memref<1x128xi32, #tpu.memory_space<vmem>> -> memref<128xi32, #tpu.memory_space<vmem>>
    %dma_wait3A_284 = arith.constant 0 : i32
    %dma_wait3A_285 = arith.constant 0 : i32
    %dma_wait3A_286 = tpu.memref_slice %arg3[%dma_wait3A_284, %dma_wait3A_285] : memref<2048x48xf32, #tpu.memory_space<hbm>> -> memref<2048x48xf32, #tpu.memory_space<hbm>>
    tpu.wait_indirect_dma semaphore(%arg8 : memref<!tpu.dma_semaphore, #tpu.memory_space<semaphore_mem>>) src(%dma_wait3A_286 : memref<2048x48xf32, #tpu.memory_space<hbm>>) dst(%dma_wait3A_280 : memref<128x48xf32, #tpu.memory_space<vmem>>)
    %dma_wait3A_287 = arith.constant 3 : i32
    %dma_wait3A_288 = arith.constant 384 : i32
    %dma_wait3A_289 = arith.constant 0 : i32
    %dma_wait3A_290 = tpu.memref_slice %arg7[%dma_wait3A_288, %dma_wait3A_289] : memref<1024x48xf32, #tpu.memory_space<vmem>> -> memref<128x48xf32, #tpu.memory_space<vmem>>
    %dma_wait3A_291 = arith.constant 0 : i32
    %dma_wait3A_292 = tpu.memref_slice %arg5[%dma_wait3A_287, %dma_wait3A_291] : memref<8x128xi32, #tpu.memory_space<vmem>> -> memref<1x128xi32, #tpu.memory_space<vmem>>
    %dma_wait3A_293 = tpu.memref_squeeze %dma_wait3A_292 : memref<1x128xi32, #tpu.memory_space<vmem>> -> memref<128xi32, #tpu.memory_space<vmem>>
    %dma_wait3A_294 = arith.constant 0 : i32
    %dma_wait3A_295 = arith.constant 0 : i32
    %dma_wait3A_296 = tpu.memref_slice %arg3[%dma_wait3A_294, %dma_wait3A_295] : memref<2048x48xf32, #tpu.memory_space<hbm>> -> memref<2048x48xf32, #tpu.memory_space<hbm>>
    tpu.wait_indirect_dma semaphore(%arg8 : memref<!tpu.dma_semaphore, #tpu.memory_space<semaphore_mem>>) src(%dma_wait3A_296 : memref<2048x48xf32, #tpu.memory_space<hbm>>) dst(%dma_wait3A_290 : memref<128x48xf32, #tpu.memory_space<vmem>>)
    %dma_wait3A_297 = arith.constant 4 : i32
    %dma_wait3A_298 = arith.constant 512 : i32
    %dma_wait3A_299 = arith.constant 0 : i32
    %dma_wait3A_300 = tpu.memref_slice %arg7[%dma_wait3A_298, %dma_wait3A_299] : memref<1024x48xf32, #tpu.memory_space<vmem>> -> memref<128x48xf32, #tpu.memory_space<vmem>>
    %dma_wait3A_301 = arith.constant 0 : i32
    %dma_wait3A_302 = tpu.memref_slice %arg5[%dma_wait3A_297, %dma_wait3A_301] : memref<8x128xi32, #tpu.memory_space<vmem>> -> memref<1x128xi32, #tpu.memory_space<vmem>>
    %dma_wait3A_303 = tpu.memref_squeeze %dma_wait3A_302 : memref<1x128xi32, #tpu.memory_space<vmem>> -> memref<128xi32, #tpu.memory_space<vmem>>
    %dma_wait3A_304 = arith.constant 0 : i32
    %dma_wait3A_305 = arith.constant 0 : i32
    %dma_wait3A_306 = tpu.memref_slice %arg3[%dma_wait3A_304, %dma_wait3A_305] : memref<2048x48xf32, #tpu.memory_space<hbm>> -> memref<2048x48xf32, #tpu.memory_space<hbm>>
    tpu.wait_indirect_dma semaphore(%arg8 : memref<!tpu.dma_semaphore, #tpu.memory_space<semaphore_mem>>) src(%dma_wait3A_306 : memref<2048x48xf32, #tpu.memory_space<hbm>>) dst(%dma_wait3A_300 : memref<128x48xf32, #tpu.memory_space<vmem>>)
    %dma_wait3A_307 = arith.constant 5 : i32
    %dma_wait3A_308 = arith.constant 640 : i32
    %dma_wait3A_309 = arith.constant 0 : i32
    %dma_wait3A_310 = tpu.memref_slice %arg7[%dma_wait3A_308, %dma_wait3A_309] : memref<1024x48xf32, #tpu.memory_space<vmem>> -> memref<128x48xf32, #tpu.memory_space<vmem>>
    %dma_wait3A_311 = arith.constant 0 : i32
    %dma_wait3A_312 = tpu.memref_slice %arg5[%dma_wait3A_307, %dma_wait3A_311] : memref<8x128xi32, #tpu.memory_space<vmem>> -> memref<1x128xi32, #tpu.memory_space<vmem>>
    %dma_wait3A_313 = tpu.memref_squeeze %dma_wait3A_312 : memref<1x128xi32, #tpu.memory_space<vmem>> -> memref<128xi32, #tpu.memory_space<vmem>>
    %dma_wait3A_314 = arith.constant 0 : i32
    %dma_wait3A_315 = arith.constant 0 : i32
    %dma_wait3A_316 = tpu.memref_slice %arg3[%dma_wait3A_314, %dma_wait3A_315] : memref<2048x48xf32, #tpu.memory_space<hbm>> -> memref<2048x48xf32, #tpu.memory_space<hbm>>
    tpu.wait_indirect_dma semaphore(%arg8 : memref<!tpu.dma_semaphore, #tpu.memory_space<semaphore_mem>>) src(%dma_wait3A_316 : memref<2048x48xf32, #tpu.memory_space<hbm>>) dst(%dma_wait3A_310 : memref<128x48xf32, #tpu.memory_space<vmem>>)
    %dma_wait3A_317 = arith.constant 6 : i32
    %dma_wait3A_318 = arith.constant 768 : i32
    %dma_wait3A_319 = arith.constant 0 : i32
    %dma_wait3A_320 = tpu.memref_slice %arg7[%dma_wait3A_318, %dma_wait3A_319] : memref<1024x48xf32, #tpu.memory_space<vmem>> -> memref<128x48xf32, #tpu.memory_space<vmem>>
    %dma_wait3A_321 = arith.constant 0 : i32
    %dma_wait3A_322 = tpu.memref_slice %arg5[%dma_wait3A_317, %dma_wait3A_321] : memref<8x128xi32, #tpu.memory_space<vmem>> -> memref<1x128xi32, #tpu.memory_space<vmem>>
    %dma_wait3A_323 = tpu.memref_squeeze %dma_wait3A_322 : memref<1x128xi32, #tpu.memory_space<vmem>> -> memref<128xi32, #tpu.memory_space<vmem>>
    %dma_wait3A_324 = arith.constant 0 : i32
    %dma_wait3A_325 = arith.constant 0 : i32
    %dma_wait3A_326 = tpu.memref_slice %arg3[%dma_wait3A_324, %dma_wait3A_325] : memref<2048x48xf32, #tpu.memory_space<hbm>> -> memref<2048x48xf32, #tpu.memory_space<hbm>>
    tpu.wait_indirect_dma semaphore(%arg8 : memref<!tpu.dma_semaphore, #tpu.memory_space<semaphore_mem>>) src(%dma_wait3A_326 : memref<2048x48xf32, #tpu.memory_space<hbm>>) dst(%dma_wait3A_320 : memref<128x48xf32, #tpu.memory_space<vmem>>)
    %dma_wait3A_327 = arith.constant 7 : i32
    %dma_wait3A_328 = arith.constant 896 : i32
    %dma_wait3A_329 = arith.constant 0 : i32
    %dma_wait3A_330 = tpu.memref_slice %arg7[%dma_wait3A_328, %dma_wait3A_329] : memref<1024x48xf32, #tpu.memory_space<vmem>> -> memref<128x48xf32, #tpu.memory_space<vmem>>
    %dma_wait3A_331 = arith.constant 0 : i32
    %dma_wait3A_332 = tpu.memref_slice %arg5[%dma_wait3A_327, %dma_wait3A_331] : memref<8x128xi32, #tpu.memory_space<vmem>> -> memref<1x128xi32, #tpu.memory_space<vmem>>
    %dma_wait3A_333 = tpu.memref_squeeze %dma_wait3A_332 : memref<1x128xi32, #tpu.memory_space<vmem>> -> memref<128xi32, #tpu.memory_space<vmem>>
    %dma_wait3A_334 = arith.constant 0 : i32
    %dma_wait3A_335 = arith.constant 0 : i32
    %dma_wait3A_336 = tpu.memref_slice %arg3[%dma_wait3A_334, %dma_wait3A_335] : memref<2048x48xf32, #tpu.memory_space<hbm>> -> memref<2048x48xf32, #tpu.memory_space<hbm>>
    tpu.wait_indirect_dma semaphore(%arg8 : memref<!tpu.dma_semaphore, #tpu.memory_space<semaphore_mem>>) src(%dma_wait3A_336 : memref<2048x48xf32, #tpu.memory_space<hbm>>) dst(%dma_wait3A_330 : memref<128x48xf32, #tpu.memory_space<vmem>>)
    %add3A_337 = arith.constant 16 : i32
    %add3A_338 = arith.addi %mul3A_2, %add3A_337 : i32
    "tpu.region"() ({
      %run_scoped3A = tpu.sem_alloc : memref<!tpu.dma_semaphore, #tpu.memory_space<semaphore_mem>>
      %dma_start3A_523 = arith.constant 0 : i32
      %dma_start3A_524 = tpu.memref_slice %arg2[%add3A_338, %dma_start3A_523] : memref<768x128xi32, #tpu.memory_space<hbm>> -> memref<8x128xi32, #tpu.memory_space<hbm>>
      %dma_start3A_525 = arith.constant 0 : i32
      %dma_start3A_526 = tpu.memref_slice %arg2[%add3A_338, %dma_start3A_525] : memref<768x128xi32, #tpu.memory_space<hbm>> -> memref<8x128xi32, #tpu.memory_space<hbm>>
      tpu.enqueue_dma source(%dma_start3A_526 : memref<8x128xi32, #tpu.memory_space<hbm>>) target(%arg5 : memref<8x128xi32, #tpu.memory_space<vmem>>) target_semaphore(%run_scoped3A : memref<!tpu.dma_semaphore, #tpu.memory_space<semaphore_mem>>)
      %dma_wait3A_527 = arith.constant 0 : i32
      %dma_wait3A_528 = tpu.memref_slice %arg2[%add3A_338, %dma_wait3A_527] : memref<768x128xi32, #tpu.memory_space<hbm>> -> memref<8x128xi32, #tpu.memory_space<hbm>>
      %dma_wait3A_529 = arith.constant 0 : i32
      %dma_wait3A_530 = tpu.memref_slice %arg2[%add3A_338, %dma_wait3A_529] : memref<768x128xi32, #tpu.memory_space<hbm>> -> memref<8x128xi32, #tpu.memory_space<hbm>>
      tpu.wait_dma2 semaphore(%run_scoped3A : memref<!tpu.dma_semaphore, #tpu.memory_space<semaphore_mem>>) src(%dma_wait3A_530 : memref<8x128xi32, #tpu.memory_space<hbm>>) dst(%arg5 : memref<8x128xi32, #tpu.memory_space<vmem>>)
      tpu.yield
    }) : () -> ()
    %dma_start3A_339 = arith.constant 0 : i32
    %dma_start3A_340 = arith.constant 0 : i32
    %dma_start3A_341 = arith.constant 0 : i32
    %dma_start3A_342 = tpu.memref_slice %arg6[%dma_start3A_340, %dma_start3A_341] : memref<1024x48xf32, #tpu.memory_space<vmem>> -> memref<128x48xf32, #tpu.memory_space<vmem>>
    %dma_start3A_343 = arith.constant 0 : i32
    %dma_start3A_344 = tpu.memref_slice %arg5[%dma_start3A_339, %dma_start3A_343] : memref<8x128xi32, #tpu.memory_space<vmem>> -> memref<1x128xi32, #tpu.memory_space<vmem>>
    %dma_start3A_345 = tpu.memref_squeeze %dma_start3A_344 : memref<1x128xi32, #tpu.memory_space<vmem>> -> memref<128xi32, #tpu.memory_space<vmem>>
    %dma_start3A_346 = arith.constant 0 : i32
    %dma_start3A_347 = arith.constant 0 : i32
    %dma_start3A_348 = tpu.memref_slice %arg3[%dma_start3A_346, %dma_start3A_347] : memref<2048x48xf32, #tpu.memory_space<hbm>> -> memref<2048x48xf32, #tpu.memory_space<hbm>>
    tpu.enqueue_indirect_dma source(%dma_start3A_348 : memref<2048x48xf32, #tpu.memory_space<hbm>>) target(%dma_start3A_342 : memref<128x48xf32, #tpu.memory_space<vmem>>) offsets(%dma_start3A_345 : memref<128xi32, #tpu.memory_space<vmem>>) semaphore(%arg8 : memref<!tpu.dma_semaphore, #tpu.memory_space<semaphore_mem>>)
    %dma_start3A_349 = arith.constant 1 : i32
    %dma_start3A_350 = arith.constant 128 : i32
    %dma_start3A_351 = arith.constant 0 : i32
    %dma_start3A_352 = tpu.memref_slice %arg6[%dma_start3A_350, %dma_start3A_351] : memref<1024x48xf32, #tpu.memory_space<vmem>> -> memref<128x48xf32, #tpu.memory_space<vmem>>
    %dma_start3A_353 = arith.constant 0 : i32
    %dma_start3A_354 = tpu.memref_slice %arg5[%dma_start3A_349, %dma_start3A_353] : memref<8x128xi32, #tpu.memory_space<vmem>> -> memref<1x128xi32, #tpu.memory_space<vmem>>
    %dma_start3A_355 = tpu.memref_squeeze %dma_start3A_354 : memref<1x128xi32, #tpu.memory_space<vmem>> -> memref<128xi32, #tpu.memory_space<vmem>>
    %dma_start3A_356 = arith.constant 0 : i32
    %dma_start3A_357 = arith.constant 0 : i32
    %dma_start3A_358 = tpu.memref_slice %arg3[%dma_start3A_356, %dma_start3A_357] : memref<2048x48xf32, #tpu.memory_space<hbm>> -> memref<2048x48xf32, #tpu.memory_space<hbm>>
    tpu.enqueue_indirect_dma source(%dma_start3A_358 : memref<2048x48xf32, #tpu.memory_space<hbm>>) target(%dma_start3A_352 : memref<128x48xf32, #tpu.memory_space<vmem>>) offsets(%dma_start3A_355 : memref<128xi32, #tpu.memory_space<vmem>>) semaphore(%arg8 : memref<!tpu.dma_semaphore, #tpu.memory_space<semaphore_mem>>)
    %dma_start3A_359 = arith.constant 2 : i32
    %dma_start3A_360 = arith.constant 256 : i32
    %dma_start3A_361 = arith.constant 0 : i32
    %dma_start3A_362 = tpu.memref_slice %arg6[%dma_start3A_360, %dma_start3A_361] : memref<1024x48xf32, #tpu.memory_space<vmem>> -> memref<128x48xf32, #tpu.memory_space<vmem>>
    %dma_start3A_363 = arith.constant 0 : i32
    %dma_start3A_364 = tpu.memref_slice %arg5[%dma_start3A_359, %dma_start3A_363] : memref<8x128xi32, #tpu.memory_space<vmem>> -> memref<1x128xi32, #tpu.memory_space<vmem>>
    %dma_start3A_365 = tpu.memref_squeeze %dma_start3A_364 : memref<1x128xi32, #tpu.memory_space<vmem>> -> memref<128xi32, #tpu.memory_space<vmem>>
    %dma_start3A_366 = arith.constant 0 : i32
    %dma_start3A_367 = arith.constant 0 : i32
    %dma_start3A_368 = tpu.memref_slice %arg3[%dma_start3A_366, %dma_start3A_367] : memref<2048x48xf32, #tpu.memory_space<hbm>> -> memref<2048x48xf32, #tpu.memory_space<hbm>>
    tpu.enqueue_indirect_dma source(%dma_start3A_368 : memref<2048x48xf32, #tpu.memory_space<hbm>>) target(%dma_start3A_362 : memref<128x48xf32, #tpu.memory_space<vmem>>) offsets(%dma_start3A_365 : memref<128xi32, #tpu.memory_space<vmem>>) semaphore(%arg8 : memref<!tpu.dma_semaphore, #tpu.memory_space<semaphore_mem>>)
    %dma_start3A_369 = arith.constant 3 : i32
    %dma_start3A_370 = arith.constant 384 : i32
    %dma_start3A_371 = arith.constant 0 : i32
    %dma_start3A_372 = tpu.memref_slice %arg6[%dma_start3A_370, %dma_start3A_371] : memref<1024x48xf32, #tpu.memory_space<vmem>> -> memref<128x48xf32, #tpu.memory_space<vmem>>
    %dma_start3A_373 = arith.constant 0 : i32
    %dma_start3A_374 = tpu.memref_slice %arg5[%dma_start3A_369, %dma_start3A_373] : memref<8x128xi32, #tpu.memory_space<vmem>> -> memref<1x128xi32, #tpu.memory_space<vmem>>
    %dma_start3A_375 = tpu.memref_squeeze %dma_start3A_374 : memref<1x128xi32, #tpu.memory_space<vmem>> -> memref<128xi32, #tpu.memory_space<vmem>>
    %dma_start3A_376 = arith.constant 0 : i32
    %dma_start3A_377 = arith.constant 0 : i32
    %dma_start3A_378 = tpu.memref_slice %arg3[%dma_start3A_376, %dma_start3A_377] : memref<2048x48xf32, #tpu.memory_space<hbm>> -> memref<2048x48xf32, #tpu.memory_space<hbm>>
    tpu.enqueue_indirect_dma source(%dma_start3A_378 : memref<2048x48xf32, #tpu.memory_space<hbm>>) target(%dma_start3A_372 : memref<128x48xf32, #tpu.memory_space<vmem>>) offsets(%dma_start3A_375 : memref<128xi32, #tpu.memory_space<vmem>>) semaphore(%arg8 : memref<!tpu.dma_semaphore, #tpu.memory_space<semaphore_mem>>)
    %dma_start3A_379 = arith.constant 4 : i32
    %dma_start3A_380 = arith.constant 512 : i32
    %dma_start3A_381 = arith.constant 0 : i32
    %dma_start3A_382 = tpu.memref_slice %arg6[%dma_start3A_380, %dma_start3A_381] : memref<1024x48xf32, #tpu.memory_space<vmem>> -> memref<128x48xf32, #tpu.memory_space<vmem>>
    %dma_start3A_383 = arith.constant 0 : i32
    %dma_start3A_384 = tpu.memref_slice %arg5[%dma_start3A_379, %dma_start3A_383] : memref<8x128xi32, #tpu.memory_space<vmem>> -> memref<1x128xi32, #tpu.memory_space<vmem>>
    %dma_start3A_385 = tpu.memref_squeeze %dma_start3A_384 : memref<1x128xi32, #tpu.memory_space<vmem>> -> memref<128xi32, #tpu.memory_space<vmem>>
    %dma_start3A_386 = arith.constant 0 : i32
    %dma_start3A_387 = arith.constant 0 : i32
    %dma_start3A_388 = tpu.memref_slice %arg3[%dma_start3A_386, %dma_start3A_387] : memref<2048x48xf32, #tpu.memory_space<hbm>> -> memref<2048x48xf32, #tpu.memory_space<hbm>>
    tpu.enqueue_indirect_dma source(%dma_start3A_388 : memref<2048x48xf32, #tpu.memory_space<hbm>>) target(%dma_start3A_382 : memref<128x48xf32, #tpu.memory_space<vmem>>) offsets(%dma_start3A_385 : memref<128xi32, #tpu.memory_space<vmem>>) semaphore(%arg8 : memref<!tpu.dma_semaphore, #tpu.memory_space<semaphore_mem>>)
    %dma_start3A_389 = arith.constant 5 : i32
    %dma_start3A_390 = arith.constant 640 : i32
    %dma_start3A_391 = arith.constant 0 : i32
    %dma_start3A_392 = tpu.memref_slice %arg6[%dma_start3A_390, %dma_start3A_391] : memref<1024x48xf32, #tpu.memory_space<vmem>> -> memref<128x48xf32, #tpu.memory_space<vmem>>
    %dma_start3A_393 = arith.constant 0 : i32
    %dma_start3A_394 = tpu.memref_slice %arg5[%dma_start3A_389, %dma_start3A_393] : memref<8x128xi32, #tpu.memory_space<vmem>> -> memref<1x128xi32, #tpu.memory_space<vmem>>
    %dma_start3A_395 = tpu.memref_squeeze %dma_start3A_394 : memref<1x128xi32, #tpu.memory_space<vmem>> -> memref<128xi32, #tpu.memory_space<vmem>>
    %dma_start3A_396 = arith.constant 0 : i32
    %dma_start3A_397 = arith.constant 0 : i32
    %dma_start3A_398 = tpu.memref_slice %arg3[%dma_start3A_396, %dma_start3A_397] : memref<2048x48xf32, #tpu.memory_space<hbm>> -> memref<2048x48xf32, #tpu.memory_space<hbm>>
    tpu.enqueue_indirect_dma source(%dma_start3A_398 : memref<2048x48xf32, #tpu.memory_space<hbm>>) target(%dma_start3A_392 : memref<128x48xf32, #tpu.memory_space<vmem>>) offsets(%dma_start3A_395 : memref<128xi32, #tpu.memory_space<vmem>>) semaphore(%arg8 : memref<!tpu.dma_semaphore, #tpu.memory_space<semaphore_mem>>)
    %dma_start3A_399 = arith.constant 6 : i32
    %dma_start3A_400 = arith.constant 768 : i32
    %dma_start3A_401 = arith.constant 0 : i32
    %dma_start3A_402 = tpu.memref_slice %arg6[%dma_start3A_400, %dma_start3A_401] : memref<1024x48xf32, #tpu.memory_space<vmem>> -> memref<128x48xf32, #tpu.memory_space<vmem>>
    %dma_start3A_403 = arith.constant 0 : i32
    %dma_start3A_404 = tpu.memref_slice %arg5[%dma_start3A_399, %dma_start3A_403] : memref<8x128xi32, #tpu.memory_space<vmem>> -> memref<1x128xi32, #tpu.memory_space<vmem>>
    %dma_start3A_405 = tpu.memref_squeeze %dma_start3A_404 : memref<1x128xi32, #tpu.memory_space<vmem>> -> memref<128xi32, #tpu.memory_space<vmem>>
    %dma_start3A_406 = arith.constant 0 : i32
    %dma_start3A_407 = arith.constant 0 : i32
    %dma_start3A_408 = tpu.memref_slice %arg3[%dma_start3A_406, %dma_start3A_407] : memref<2048x48xf32, #tpu.memory_space<hbm>> -> memref<2048x48xf32, #tpu.memory_space<hbm>>
    tpu.enqueue_indirect_dma source(%dma_start3A_408 : memref<2048x48xf32, #tpu.memory_space<hbm>>) target(%dma_start3A_402 : memref<128x48xf32, #tpu.memory_space<vmem>>) offsets(%dma_start3A_405 : memref<128xi32, #tpu.memory_space<vmem>>) semaphore(%arg8 : memref<!tpu.dma_semaphore, #tpu.memory_space<semaphore_mem>>)
    %dma_start3A_409 = arith.constant 7 : i32
    %dma_start3A_410 = arith.constant 896 : i32
    %dma_start3A_411 = arith.constant 0 : i32
    %dma_start3A_412 = tpu.memref_slice %arg6[%dma_start3A_410, %dma_start3A_411] : memref<1024x48xf32, #tpu.memory_space<vmem>> -> memref<128x48xf32, #tpu.memory_space<vmem>>
    %dma_start3A_413 = arith.constant 0 : i32
    %dma_start3A_414 = tpu.memref_slice %arg5[%dma_start3A_409, %dma_start3A_413] : memref<8x128xi32, #tpu.memory_space<vmem>> -> memref<1x128xi32, #tpu.memory_space<vmem>>
    %dma_start3A_415 = tpu.memref_squeeze %dma_start3A_414 : memref<1x128xi32, #tpu.memory_space<vmem>> -> memref<128xi32, #tpu.memory_space<vmem>>
    %dma_start3A_416 = arith.constant 0 : i32
    %dma_start3A_417 = arith.constant 0 : i32
    %dma_start3A_418 = tpu.memref_slice %arg3[%dma_start3A_416, %dma_start3A_417] : memref<2048x48xf32, #tpu.memory_space<hbm>> -> memref<2048x48xf32, #tpu.memory_space<hbm>>
    tpu.enqueue_indirect_dma source(%dma_start3A_418 : memref<2048x48xf32, #tpu.memory_space<hbm>>) target(%dma_start3A_412 : memref<128x48xf32, #tpu.memory_space<vmem>>) offsets(%dma_start3A_415 : memref<128xi32, #tpu.memory_space<vmem>>) semaphore(%arg8 : memref<!tpu.dma_semaphore, #tpu.memory_space<semaphore_mem>>)
    %add3A_419 = arith.constant 8 : i32
    %add3A_420 = arith.addi %mul3A_2, %add3A_419 : i32
    %mul3A_421 = arith.constant 128 : i32
    %mul3A_422 = arith.muli %add3A_420, %mul3A_421 : i32
    %dma_start3A_423 = arith.constant 0 : i32
    %dma_start3A_424 = tpu.memref_slice %arg4[%mul3A_422, %dma_start3A_423] : memref<98304x48xf32, #tpu.memory_space<hbm>> -> memref<1024x48xf32, #tpu.memory_space<hbm>>
    %dma_start3A_425 = arith.constant 0 : i32
    %dma_start3A_426 = tpu.memref_slice %arg4[%mul3A_422, %dma_start3A_425] : memref<98304x48xf32, #tpu.memory_space<hbm>> -> memref<1024x48xf32, #tpu.memory_space<hbm>>
    tpu.enqueue_dma source(%arg7 : memref<1024x48xf32, #tpu.memory_space<vmem>>) target(%dma_start3A_426 : memref<1024x48xf32, #tpu.memory_space<hbm>>) target_semaphore(%arg9 : memref<!tpu.dma_semaphore, #tpu.memory_space<semaphore_mem>>)
    %dma_wait3A_427 = arith.constant 0 : i32
    %dma_wait3A_428 = tpu.memref_slice %arg4[%mul3A_422, %dma_wait3A_427] : memref<98304x48xf32, #tpu.memory_space<hbm>> -> memref<1024x48xf32, #tpu.memory_space<hbm>>
    %dma_wait3A_429 = arith.constant 0 : i32
    %dma_wait3A_430 = tpu.memref_slice %arg4[%mul3A_422, %dma_wait3A_429] : memref<98304x48xf32, #tpu.memory_space<hbm>> -> memref<1024x48xf32, #tpu.memory_space<hbm>>
    tpu.wait_dma2 semaphore(%arg9 : memref<!tpu.dma_semaphore, #tpu.memory_space<semaphore_mem>>) src(%arg7 : memref<1024x48xf32, #tpu.memory_space<vmem>>) dst(%dma_wait3A_430 : memref<1024x48xf32, #tpu.memory_space<hbm>>)
    %dma_wait3A_431 = arith.constant 0 : i32
    %dma_wait3A_432 = arith.constant 0 : i32
    %dma_wait3A_433 = arith.constant 0 : i32
    %dma_wait3A_434 = tpu.memref_slice %arg6[%dma_wait3A_432, %dma_wait3A_433] : memref<1024x48xf32, #tpu.memory_space<vmem>> -> memref<128x48xf32, #tpu.memory_space<vmem>>
    %dma_wait3A_435 = arith.constant 0 : i32
    %dma_wait3A_436 = tpu.memref_slice %arg5[%dma_wait3A_431, %dma_wait3A_435] : memref<8x128xi32, #tpu.memory_space<vmem>> -> memref<1x128xi32, #tpu.memory_space<vmem>>
    %dma_wait3A_437 = tpu.memref_squeeze %dma_wait3A_436 : memref<1x128xi32, #tpu.memory_space<vmem>> -> memref<128xi32, #tpu.memory_space<vmem>>
    %dma_wait3A_438 = arith.constant 0 : i32
    %dma_wait3A_439 = arith.constant 0 : i32
    %dma_wait3A_440 = tpu.memref_slice %arg3[%dma_wait3A_438, %dma_wait3A_439] : memref<2048x48xf32, #tpu.memory_space<hbm>> -> memref<2048x48xf32, #tpu.memory_space<hbm>>
    tpu.wait_indirect_dma semaphore(%arg8 : memref<!tpu.dma_semaphore, #tpu.memory_space<semaphore_mem>>) src(%dma_wait3A_440 : memref<2048x48xf32, #tpu.memory_space<hbm>>) dst(%dma_wait3A_434 : memref<128x48xf32, #tpu.memory_space<vmem>>)
    %dma_wait3A_441 = arith.constant 1 : i32
    %dma_wait3A_442 = arith.constant 128 : i32
    %dma_wait3A_443 = arith.constant 0 : i32
    %dma_wait3A_444 = tpu.memref_slice %arg6[%dma_wait3A_442, %dma_wait3A_443] : memref<1024x48xf32, #tpu.memory_space<vmem>> -> memref<128x48xf32, #tpu.memory_space<vmem>>
    %dma_wait3A_445 = arith.constant 0 : i32
    %dma_wait3A_446 = tpu.memref_slice %arg5[%dma_wait3A_441, %dma_wait3A_445] : memref<8x128xi32, #tpu.memory_space<vmem>> -> memref<1x128xi32, #tpu.memory_space<vmem>>
    %dma_wait3A_447 = tpu.memref_squeeze %dma_wait3A_446 : memref<1x128xi32, #tpu.memory_space<vmem>> -> memref<128xi32, #tpu.memory_space<vmem>>
    %dma_wait3A_448 = arith.constant 0 : i32
    %dma_wait3A_449 = arith.constant 0 : i32
    %dma_wait3A_450 = tpu.memref_slice %arg3[%dma_wait3A_448, %dma_wait3A_449] : memref<2048x48xf32, #tpu.memory_space<hbm>> -> memref<2048x48xf32, #tpu.memory_space<hbm>>
    tpu.wait_indirect_dma semaphore(%arg8 : memref<!tpu.dma_semaphore, #tpu.memory_space<semaphore_mem>>) src(%dma_wait3A_450 : memref<2048x48xf32, #tpu.memory_space<hbm>>) dst(%dma_wait3A_444 : memref<128x48xf32, #tpu.memory_space<vmem>>)
    %dma_wait3A_451 = arith.constant 2 : i32
    %dma_wait3A_452 = arith.constant 256 : i32
    %dma_wait3A_453 = arith.constant 0 : i32
    %dma_wait3A_454 = tpu.memref_slice %arg6[%dma_wait3A_452, %dma_wait3A_453] : memref<1024x48xf32, #tpu.memory_space<vmem>> -> memref<128x48xf32, #tpu.memory_space<vmem>>
    %dma_wait3A_455 = arith.constant 0 : i32
    %dma_wait3A_456 = tpu.memref_slice %arg5[%dma_wait3A_451, %dma_wait3A_455] : memref<8x128xi32, #tpu.memory_space<vmem>> -> memref<1x128xi32, #tpu.memory_space<vmem>>
    %dma_wait3A_457 = tpu.memref_squeeze %dma_wait3A_456 : memref<1x128xi32, #tpu.memory_space<vmem>> -> memref<128xi32, #tpu.memory_space<vmem>>
    %dma_wait3A_458 = arith.constant 0 : i32
    %dma_wait3A_459 = arith.constant 0 : i32
    %dma_wait3A_460 = tpu.memref_slice %arg3[%dma_wait3A_458, %dma_wait3A_459] : memref<2048x48xf32, #tpu.memory_space<hbm>> -> memref<2048x48xf32, #tpu.memory_space<hbm>>
    tpu.wait_indirect_dma semaphore(%arg8 : memref<!tpu.dma_semaphore, #tpu.memory_space<semaphore_mem>>) src(%dma_wait3A_460 : memref<2048x48xf32, #tpu.memory_space<hbm>>) dst(%dma_wait3A_454 : memref<128x48xf32, #tpu.memory_space<vmem>>)
    %dma_wait3A_461 = arith.constant 3 : i32
    %dma_wait3A_462 = arith.constant 384 : i32
    %dma_wait3A_463 = arith.constant 0 : i32
    %dma_wait3A_464 = tpu.memref_slice %arg6[%dma_wait3A_462, %dma_wait3A_463] : memref<1024x48xf32, #tpu.memory_space<vmem>> -> memref<128x48xf32, #tpu.memory_space<vmem>>
    %dma_wait3A_465 = arith.constant 0 : i32
    %dma_wait3A_466 = tpu.memref_slice %arg5[%dma_wait3A_461, %dma_wait3A_465] : memref<8x128xi32, #tpu.memory_space<vmem>> -> memref<1x128xi32, #tpu.memory_space<vmem>>
    %dma_wait3A_467 = tpu.memref_squeeze %dma_wait3A_466 : memref<1x128xi32, #tpu.memory_space<vmem>> -> memref<128xi32, #tpu.memory_space<vmem>>
    %dma_wait3A_468 = arith.constant 0 : i32
    %dma_wait3A_469 = arith.constant 0 : i32
    %dma_wait3A_470 = tpu.memref_slice %arg3[%dma_wait3A_468, %dma_wait3A_469] : memref<2048x48xf32, #tpu.memory_space<hbm>> -> memref<2048x48xf32, #tpu.memory_space<hbm>>
    tpu.wait_indirect_dma semaphore(%arg8 : memref<!tpu.dma_semaphore, #tpu.memory_space<semaphore_mem>>) src(%dma_wait3A_470 : memref<2048x48xf32, #tpu.memory_space<hbm>>) dst(%dma_wait3A_464 : memref<128x48xf32, #tpu.memory_space<vmem>>)
    %dma_wait3A_471 = arith.constant 4 : i32
    %dma_wait3A_472 = arith.constant 512 : i32
    %dma_wait3A_473 = arith.constant 0 : i32
    %dma_wait3A_474 = tpu.memref_slice %arg6[%dma_wait3A_472, %dma_wait3A_473] : memref<1024x48xf32, #tpu.memory_space<vmem>> -> memref<128x48xf32, #tpu.memory_space<vmem>>
    %dma_wait3A_475 = arith.constant 0 : i32
    %dma_wait3A_476 = tpu.memref_slice %arg5[%dma_wait3A_471, %dma_wait3A_475] : memref<8x128xi32, #tpu.memory_space<vmem>> -> memref<1x128xi32, #tpu.memory_space<vmem>>
    %dma_wait3A_477 = tpu.memref_squeeze %dma_wait3A_476 : memref<1x128xi32, #tpu.memory_space<vmem>> -> memref<128xi32, #tpu.memory_space<vmem>>
    %dma_wait3A_478 = arith.constant 0 : i32
    %dma_wait3A_479 = arith.constant 0 : i32
    %dma_wait3A_480 = tpu.memref_slice %arg3[%dma_wait3A_478, %dma_wait3A_479] : memref<2048x48xf32, #tpu.memory_space<hbm>> -> memref<2048x48xf32, #tpu.memory_space<hbm>>
    tpu.wait_indirect_dma semaphore(%arg8 : memref<!tpu.dma_semaphore, #tpu.memory_space<semaphore_mem>>) src(%dma_wait3A_480 : memref<2048x48xf32, #tpu.memory_space<hbm>>) dst(%dma_wait3A_474 : memref<128x48xf32, #tpu.memory_space<vmem>>)
    %dma_wait3A_481 = arith.constant 5 : i32
    %dma_wait3A_482 = arith.constant 640 : i32
    %dma_wait3A_483 = arith.constant 0 : i32
    %dma_wait3A_484 = tpu.memref_slice %arg6[%dma_wait3A_482, %dma_wait3A_483] : memref<1024x48xf32, #tpu.memory_space<vmem>> -> memref<128x48xf32, #tpu.memory_space<vmem>>
    %dma_wait3A_485 = arith.constant 0 : i32
    %dma_wait3A_486 = tpu.memref_slice %arg5[%dma_wait3A_481, %dma_wait3A_485] : memref<8x128xi32, #tpu.memory_space<vmem>> -> memref<1x128xi32, #tpu.memory_space<vmem>>
    %dma_wait3A_487 = tpu.memref_squeeze %dma_wait3A_486 : memref<1x128xi32, #tpu.memory_space<vmem>> -> memref<128xi32, #tpu.memory_space<vmem>>
    %dma_wait3A_488 = arith.constant 0 : i32
    %dma_wait3A_489 = arith.constant 0 : i32
    %dma_wait3A_490 = tpu.memref_slice %arg3[%dma_wait3A_488, %dma_wait3A_489] : memref<2048x48xf32, #tpu.memory_space<hbm>> -> memref<2048x48xf32, #tpu.memory_space<hbm>>
    tpu.wait_indirect_dma semaphore(%arg8 : memref<!tpu.dma_semaphore, #tpu.memory_space<semaphore_mem>>) src(%dma_wait3A_490 : memref<2048x48xf32, #tpu.memory_space<hbm>>) dst(%dma_wait3A_484 : memref<128x48xf32, #tpu.memory_space<vmem>>)
    %dma_wait3A_491 = arith.constant 6 : i32
    %dma_wait3A_492 = arith.constant 768 : i32
    %dma_wait3A_493 = arith.constant 0 : i32
    %dma_wait3A_494 = tpu.memref_slice %arg6[%dma_wait3A_492, %dma_wait3A_493] : memref<1024x48xf32, #tpu.memory_space<vmem>> -> memref<128x48xf32, #tpu.memory_space<vmem>>
    %dma_wait3A_495 = arith.constant 0 : i32
    %dma_wait3A_496 = tpu.memref_slice %arg5[%dma_wait3A_491, %dma_wait3A_495] : memref<8x128xi32, #tpu.memory_space<vmem>> -> memref<1x128xi32, #tpu.memory_space<vmem>>
    %dma_wait3A_497 = tpu.memref_squeeze %dma_wait3A_496 : memref<1x128xi32, #tpu.memory_space<vmem>> -> memref<128xi32, #tpu.memory_space<vmem>>
    %dma_wait3A_498 = arith.constant 0 : i32
    %dma_wait3A_499 = arith.constant 0 : i32
    %dma_wait3A_500 = tpu.memref_slice %arg3[%dma_wait3A_498, %dma_wait3A_499] : memref<2048x48xf32, #tpu.memory_space<hbm>> -> memref<2048x48xf32, #tpu.memory_space<hbm>>
    tpu.wait_indirect_dma semaphore(%arg8 : memref<!tpu.dma_semaphore, #tpu.memory_space<semaphore_mem>>) src(%dma_wait3A_500 : memref<2048x48xf32, #tpu.memory_space<hbm>>) dst(%dma_wait3A_494 : memref<128x48xf32, #tpu.memory_space<vmem>>)
    %dma_wait3A_501 = arith.constant 7 : i32
    %dma_wait3A_502 = arith.constant 896 : i32
    %dma_wait3A_503 = arith.constant 0 : i32
    %dma_wait3A_504 = tpu.memref_slice %arg6[%dma_wait3A_502, %dma_wait3A_503] : memref<1024x48xf32, #tpu.memory_space<vmem>> -> memref<128x48xf32, #tpu.memory_space<vmem>>
    %dma_wait3A_505 = arith.constant 0 : i32
    %dma_wait3A_506 = tpu.memref_slice %arg5[%dma_wait3A_501, %dma_wait3A_505] : memref<8x128xi32, #tpu.memory_space<vmem>> -> memref<1x128xi32, #tpu.memory_space<vmem>>
    %dma_wait3A_507 = tpu.memref_squeeze %dma_wait3A_506 : memref<1x128xi32, #tpu.memory_space<vmem>> -> memref<128xi32, #tpu.memory_space<vmem>>
    %dma_wait3A_508 = arith.constant 0 : i32
    %dma_wait3A_509 = arith.constant 0 : i32
    %dma_wait3A_510 = tpu.memref_slice %arg3[%dma_wait3A_508, %dma_wait3A_509] : memref<2048x48xf32, #tpu.memory_space<hbm>> -> memref<2048x48xf32, #tpu.memory_space<hbm>>
    tpu.wait_indirect_dma semaphore(%arg8 : memref<!tpu.dma_semaphore, #tpu.memory_space<semaphore_mem>>) src(%dma_wait3A_510 : memref<2048x48xf32, #tpu.memory_space<hbm>>) dst(%dma_wait3A_504 : memref<128x48xf32, #tpu.memory_space<vmem>>)
    %add3A_511 = arith.constant 16 : i32
    %add3A_512 = arith.addi %mul3A_2, %add3A_511 : i32
    %mul3A_513 = arith.constant 128 : i32
    %mul3A_514 = arith.muli %add3A_512, %mul3A_513 : i32
    %dma_start3A_515 = arith.constant 0 : i32
    %dma_start3A_516 = tpu.memref_slice %arg4[%mul3A_514, %dma_start3A_515] : memref<98304x48xf32, #tpu.memory_space<hbm>> -> memref<1024x48xf32, #tpu.memory_space<hbm>>
    %dma_start3A_517 = arith.constant 0 : i32
    %dma_start3A_518 = tpu.memref_slice %arg4[%mul3A_514, %dma_start3A_517] : memref<98304x48xf32, #tpu.memory_space<hbm>> -> memref<1024x48xf32, #tpu.memory_space<hbm>>
    tpu.enqueue_dma source(%arg6 : memref<1024x48xf32, #tpu.memory_space<vmem>>) target(%dma_start3A_518 : memref<1024x48xf32, #tpu.memory_space<hbm>>) target_semaphore(%arg9 : memref<!tpu.dma_semaphore, #tpu.memory_space<semaphore_mem>>)
    %dma_wait3A_519 = arith.constant 0 : i32
    %dma_wait3A_520 = tpu.memref_slice %arg4[%mul3A_514, %dma_wait3A_519] : memref<98304x48xf32, #tpu.memory_space<hbm>> -> memref<1024x48xf32, #tpu.memory_space<hbm>>
    %dma_wait3A_521 = arith.constant 0 : i32
    %dma_wait3A_522 = tpu.memref_slice %arg4[%mul3A_514, %dma_wait3A_521] : memref<98304x48xf32, #tpu.memory_space<hbm>> -> memref<1024x48xf32, #tpu.memory_space<hbm>>
    tpu.wait_dma2 semaphore(%arg9 : memref<!tpu.dma_semaphore, #tpu.memory_space<semaphore_mem>>) src(%arg6 : memref<1024x48xf32, #tpu.memory_space<vmem>>) dst(%dma_wait3A_522 : memref<1024x48xf32, #tpu.memory_space<hbm>>)
    return
  }
}

#map = affine_map<(d0, d1) -> (0, 0)>
module attributes {stable_mosaic.version = 14 : i64} {
  func.func @_edge_kernel(%arg0: i32, %arg1: i32, %arg2: memref<13056x128xi32, #tpu.memory_space<hbm>>, %arg3: memref<13056x128xi32, #tpu.memory_space<hbm>>, %arg4: memref<98304x16xf32, #tpu.memory_space<hbm>>, %arg5: memref<208896x128xf32, #tpu.memory_space<hbm>>, %arg6: memref<64x16xf32, #tpu.memory_space<hbm>>, %arg7: memref<8x128xi32, #tpu.memory_space<vmem>>, %arg8: memref<8x128xi32, #tpu.memory_space<vmem>>, %arg9: memref<8x128xi32, #tpu.memory_space<vmem>>, %arg10: memref<8x128xi32, #tpu.memory_space<vmem>>, %arg11: memref<1024x16xf32, #tpu.memory_space<vmem>>, %arg12: memref<1024x16xf32, #tpu.memory_space<vmem>>, %arg13: memref<1024x16xf32, #tpu.memory_space<vmem>>, %arg14: memref<1024x16xf32, #tpu.memory_space<vmem>>, %arg15: memref<128x128xf32, #tpu.memory_space<vmem>>, %arg16: memref<128x128xf32, #tpu.memory_space<vmem>>, %arg17: memref<2x16xf32, #tpu.memory_space<vmem>>, %arg18: memref<!tpu.dma_semaphore, #tpu.memory_space<semaphore_mem>>, %arg19: memref<!tpu.dma_semaphore, #tpu.memory_space<semaphore_mem>>) attributes {dimension_semantics = [#tpu.dimension_semantics<core_parallel>, #tpu.dimension_semantics<subcore_parallel>], iteration_bounds = array<i64: 2, 16>, scalar_prefetch = 0 : i64, scratch_operands = 13 : i64, tpu.core_type = #tpu.core_type<sc_vector_subcore>, window_params = [{transform_indices = #map}, {transform_indices = #map}, {transform_indices = #map}, {transform_indices = #map}, {transform_indices = #map}]} {
    %mul3A = arith.constant 2 : i32
    %mul3A_0 = arith.muli %arg1, %mul3A : i32
    %add3A = arith.addi %mul3A_0, %arg0 : i32
    %jit3A = arith.constant 2 : i32
    %div3A = arith.divsi %add3A, %jit3A : i32
    %sign3A = arith.constant 0 : i32
    %sign3A_1 = arith.cmpi sgt, %add3A, %sign3A : i32
    %sign3A_2 = arith.extui %sign3A_1 : i1 to i32
    %sign3A_3 = arith.constant 0 : i32
    %sign3A_4 = arith.cmpi slt, %add3A, %sign3A_3 : i32
    %sign3A_5 = arith.extui %sign3A_4 : i1 to i32
    %sign3A_6 = arith.subi %sign3A_2, %sign3A_5 : i32
    %sign3A_7 = arith.constant 0 : i32
    %sign3A_8 = arith.cmpi sgt, %jit3A, %sign3A_7 : i32
    %sign3A_9 = arith.extui %sign3A_8 : i1 to i32
    %sign3A_10 = arith.constant 0 : i32
    %sign3A_11 = arith.cmpi slt, %jit3A, %sign3A_10 : i32
    %sign3A_12 = arith.extui %sign3A_11 : i1 to i32
    %sign3A_13 = arith.subi %sign3A_9, %sign3A_12 : i32
    %ne3A = arith.cmpi ne, %sign3A_6, %sign3A_13 : i32
    %rem3A = arith.remsi %add3A, %jit3A : i32
    %ne3A_14 = arith.constant 0 : i32
    %ne3A_15 = arith.cmpi ne, %rem3A, %ne3A_14 : i32
    %and3A = arith.andi %ne3A, %ne3A_15 : i1
    %sub3A = arith.constant 1 : i32
    %sub3A_16 = arith.subi %div3A, %sub3A : i32
    %select_n3A = arith.select %and3A, %sub3A_16, %div3A : i32
    %jit3A_17 = arith.constant 2 : i32
    %eq3A = arith.constant 0 : i32
    %eq3A_18 = arith.cmpi eq, %jit3A_17, %eq3A : i32
    %jit3A_19 = arith.constant 1 : i32
    %select_n3A_20 = arith.select %eq3A_18, %jit3A_19, %jit3A_17 : i32
    %rem3A_21 = arith.remsi %add3A, %select_n3A_20 : i32
    %ne3A_22 = arith.constant 0 : i32
    %ne3A_23 = arith.cmpi ne, %rem3A_21, %ne3A_22 : i32
    %lt3A = arith.constant 0 : i32
    %lt3A_24 = arith.cmpi slt, %rem3A_21, %lt3A : i32
    %lt3A_25 = arith.constant 0 : i32
    %lt3A_26 = arith.cmpi slt, %select_n3A_20, %lt3A_25 : i32
    %ne3A_27 = arith.xori %lt3A_24, %lt3A_26 : i1
    %and3A_28 = arith.andi %ne3A_27, %ne3A_23 : i1
    %add3A_29 = arith.addi %rem3A_21, %select_n3A_20 : i32
    %select_n3A_30 = arith.select %and3A_28, %add3A_29, %rem3A_21 : i32
    %mul3A_31 = arith.constant 768 : i32
    %mul3A_32 = arith.muli %select_n3A, %mul3A_31 : i32
    %mul3A_33 = arith.constant 384 : i32
    %mul3A_34 = arith.muli %select_n3A_30, %mul3A_33 : i32
    %add3A_35 = arith.addi %mul3A_32, %mul3A_34 : i32
    %mul3A_36 = arith.constant 48 : i32
    %mul3A_37 = arith.muli %select_n3A, %mul3A_36 : i32
    %add3A_38 = arith.constant 12288 : i32
    %add3A_39 = arith.addi %add3A_38, %mul3A_37 : i32
    %mul3A_40 = arith.constant 24 : i32
    %mul3A_41 = arith.muli %select_n3A_30, %mul3A_40 : i32
    %add3A_42 = arith.addi %add3A_39, %mul3A_41 : i32
    %broadcast_in_dim3A = arith.constant 0.000000e+00 : f32
    %broadcast_in_dim3A_43 = vector.broadcast %broadcast_in_dim3A : f32 to vector<16xf32>
    %add3A_44 = arith.constant 0 : i32
    %add3A_45 = arith.addi %add3A_35, %add3A_44 : i32
    %add3A_46 = arith.constant -384 : i32
    %add3A_47 = arith.addi %add3A_42, %add3A_46 : i32
    %jit3A_48 = arith.constant true
    %select_n3A_49 = arith.select %jit3A_48, %add3A_45, %add3A_47 : i32
    "tpu.region"() ({
      %run_scoped3A_411 = tpu.sem_alloc : memref<!tpu.dma_semaphore, #tpu.memory_space<semaphore_mem>>
      %dma_start3A_412 = arith.constant 0 : i32
      %dma_start3A_413 = tpu.memref_slice %arg2[%select_n3A_49, %dma_start3A_412] : memref<13056x128xi32, #tpu.memory_space<hbm>> -> memref<8x128xi32, #tpu.memory_space<hbm>>
      %dma_start3A_414 = arith.constant 0 : i32
      %dma_start3A_415 = tpu.memref_slice %arg2[%select_n3A_49, %dma_start3A_414] : memref<13056x128xi32, #tpu.memory_space<hbm>> -> memref<8x128xi32, #tpu.memory_space<hbm>>
      tpu.enqueue_dma source(%dma_start3A_415 : memref<8x128xi32, #tpu.memory_space<hbm>>) target(%arg7 : memref<8x128xi32, #tpu.memory_space<vmem>>) target_semaphore(%run_scoped3A_411 : memref<!tpu.dma_semaphore, #tpu.memory_space<semaphore_mem>>)
      %dma_wait3A_416 = arith.constant 0 : i32
      %dma_wait3A_417 = tpu.memref_slice %arg2[%select_n3A_49, %dma_wait3A_416] : memref<13056x128xi32, #tpu.memory_space<hbm>> -> memref<8x128xi32, #tpu.memory_space<hbm>>
      %dma_wait3A_418 = arith.constant 0 : i32
      %dma_wait3A_419 = tpu.memref_slice %arg2[%select_n3A_49, %dma_wait3A_418] : memref<13056x128xi32, #tpu.memory_space<hbm>> -> memref<8x128xi32, #tpu.memory_space<hbm>>
      tpu.wait_dma2 semaphore(%run_scoped3A_411 : memref<!tpu.dma_semaphore, #tpu.memory_space<semaphore_mem>>) src(%dma_wait3A_419 : memref<8x128xi32, #tpu.memory_space<hbm>>) dst(%arg7 : memref<8x128xi32, #tpu.memory_space<vmem>>)
      tpu.yield
    }) : () -> ()
    "tpu.region"() ({
      %run_scoped3A_411 = tpu.sem_alloc : memref<!tpu.dma_semaphore, #tpu.memory_space<semaphore_mem>>
      %dma_start3A_412 = arith.constant 0 : i32
      %dma_start3A_413 = tpu.memref_slice %arg3[%select_n3A_49, %dma_start3A_412] : memref<13056x128xi32, #tpu.memory_space<hbm>> -> memref<8x128xi32, #tpu.memory_space<hbm>>
      %dma_start3A_414 = arith.constant 0 : i32
      %dma_start3A_415 = tpu.memref_slice %arg3[%select_n3A_49, %dma_start3A_414] : memref<13056x128xi32, #tpu.memory_space<hbm>> -> memref<8x128xi32, #tpu.memory_space<hbm>>
      tpu.enqueue_dma source(%dma_start3A_415 : memref<8x128xi32, #tpu.memory_space<hbm>>) target(%arg8 : memref<8x128xi32, #tpu.memory_space<vmem>>) target_semaphore(%run_scoped3A_411 : memref<!tpu.dma_semaphore, #tpu.memory_space<semaphore_mem>>)
      %dma_wait3A_416 = arith.constant 0 : i32
      %dma_wait3A_417 = tpu.memref_slice %arg3[%select_n3A_49, %dma_wait3A_416] : memref<13056x128xi32, #tpu.memory_space<hbm>> -> memref<8x128xi32, #tpu.memory_space<hbm>>
      %dma_wait3A_418 = arith.constant 0 : i32
      %dma_wait3A_419 = tpu.memref_slice %arg3[%select_n3A_49, %dma_wait3A_418] : memref<13056x128xi32, #tpu.memory_space<hbm>> -> memref<8x128xi32, #tpu.memory_space<hbm>>
      tpu.wait_dma2 semaphore(%run_scoped3A_411 : memref<!tpu.dma_semaphore, #tpu.memory_space<semaphore_mem>>) src(%dma_wait3A_419 : memref<8x128xi32, #tpu.memory_space<hbm>>) dst(%arg8 : memref<8x128xi32, #tpu.memory_space<vmem>>)
      tpu.yield
    }) : () -> ()
    %dma_start3A = arith.constant 0 : i32
    %dma_start3A_50 = arith.constant 0 : i32
    %dma_start3A_51 = arith.constant 0 : i32
    %dma_start3A_52 = tpu.memref_slice %arg11[%dma_start3A_50, %dma_start3A_51] : memref<1024x16xf32, #tpu.memory_space<vmem>> -> memref<128x16xf32, #tpu.memory_space<vmem>>
    %dma_start3A_53 = arith.constant 0 : i32
    %dma_start3A_54 = tpu.memref_slice %arg7[%dma_start3A, %dma_start3A_53] : memref<8x128xi32, #tpu.memory_space<vmem>> -> memref<1x128xi32, #tpu.memory_space<vmem>>
    %dma_start3A_55 = tpu.memref_squeeze %dma_start3A_54 : memref<1x128xi32, #tpu.memory_space<vmem>> -> memref<128xi32, #tpu.memory_space<vmem>>
    %dma_start3A_56 = arith.constant 0 : i32
    %dma_start3A_57 = arith.constant 0 : i32
    %dma_start3A_58 = tpu.memref_slice %arg4[%dma_start3A_56, %dma_start3A_57] : memref<98304x16xf32, #tpu.memory_space<hbm>> -> memref<98304x16xf32, #tpu.memory_space<hbm>>
    tpu.enqueue_indirect_dma source(%dma_start3A_58 : memref<98304x16xf32, #tpu.memory_space<hbm>>) target(%dma_start3A_52 : memref<128x16xf32, #tpu.memory_space<vmem>>) offsets(%dma_start3A_55 : memref<128xi32, #tpu.memory_space<vmem>>) semaphore(%arg18 : memref<!tpu.dma_semaphore, #tpu.memory_space<semaphore_mem>>)
    %dma_start3A_59 = arith.constant 0 : i32
    %dma_start3A_60 = arith.constant 0 : i32
    %dma_start3A_61 = arith.constant 0 : i32
    %dma_start3A_62 = tpu.memref_slice %arg12[%dma_start3A_60, %dma_start3A_61] : memref<1024x16xf32, #tpu.memory_space<vmem>> -> memref<128x16xf32, #tpu.memory_space<vmem>>
    %dma_start3A_63 = arith.constant 0 : i32
    %dma_start3A_64 = tpu.memref_slice %arg8[%dma_start3A_59, %dma_start3A_63] : memref<8x128xi32, #tpu.memory_space<vmem>> -> memref<1x128xi32, #tpu.memory_space<vmem>>
    %dma_start3A_65 = tpu.memref_squeeze %dma_start3A_64 : memref<1x128xi32, #tpu.memory_space<vmem>> -> memref<128xi32, #tpu.memory_space<vmem>>
    %dma_start3A_66 = arith.constant 0 : i32
    %dma_start3A_67 = arith.constant 0 : i32
    %dma_start3A_68 = tpu.memref_slice %arg4[%dma_start3A_66, %dma_start3A_67] : memref<98304x16xf32, #tpu.memory_space<hbm>> -> memref<98304x16xf32, #tpu.memory_space<hbm>>
    tpu.enqueue_indirect_dma source(%dma_start3A_68 : memref<98304x16xf32, #tpu.memory_space<hbm>>) target(%dma_start3A_62 : memref<128x16xf32, #tpu.memory_space<vmem>>) offsets(%dma_start3A_65 : memref<128xi32, #tpu.memory_space<vmem>>) semaphore(%arg18 : memref<!tpu.dma_semaphore, #tpu.memory_space<semaphore_mem>>)
    %dma_start3A_69 = arith.constant 1 : i32
    %dma_start3A_70 = arith.constant 128 : i32
    %dma_start3A_71 = arith.constant 0 : i32
    %dma_start3A_72 = tpu.memref_slice %arg11[%dma_start3A_70, %dma_start3A_71] : memref<1024x16xf32, #tpu.memory_space<vmem>> -> memref<128x16xf32, #tpu.memory_space<vmem>>
    %dma_start3A_73 = arith.constant 0 : i32
    %dma_start3A_74 = tpu.memref_slice %arg7[%dma_start3A_69, %dma_start3A_73] : memref<8x128xi32, #tpu.memory_space<vmem>> -> memref<1x128xi32, #tpu.memory_space<vmem>>
    %dma_start3A_75 = tpu.memref_squeeze %dma_start3A_74 : memref<1x128xi32, #tpu.memory_space<vmem>> -> memref<128xi32, #tpu.memory_space<vmem>>
    %dma_start3A_76 = arith.constant 0 : i32
    %dma_start3A_77 = arith.constant 0 : i32
    %dma_start3A_78 = tpu.memref_slice %arg4[%dma_start3A_76, %dma_start3A_77] : memref<98304x16xf32, #tpu.memory_space<hbm>> -> memref<98304x16xf32, #tpu.memory_space<hbm>>
    tpu.enqueue_indirect_dma source(%dma_start3A_78 : memref<98304x16xf32, #tpu.memory_space<hbm>>) target(%dma_start3A_72 : memref<128x16xf32, #tpu.memory_space<vmem>>) offsets(%dma_start3A_75 : memref<128xi32, #tpu.memory_space<vmem>>) semaphore(%arg18 : memref<!tpu.dma_semaphore, #tpu.memory_space<semaphore_mem>>)
    %dma_start3A_79 = arith.constant 1 : i32
    %dma_start3A_80 = arith.constant 128 : i32
    %dma_start3A_81 = arith.constant 0 : i32
    %dma_start3A_82 = tpu.memref_slice %arg12[%dma_start3A_80, %dma_start3A_81] : memref<1024x16xf32, #tpu.memory_space<vmem>> -> memref<128x16xf32, #tpu.memory_space<vmem>>
    %dma_start3A_83 = arith.constant 0 : i32
    %dma_start3A_84 = tpu.memref_slice %arg8[%dma_start3A_79, %dma_start3A_83] : memref<8x128xi32, #tpu.memory_space<vmem>> -> memref<1x128xi32, #tpu.memory_space<vmem>>
    %dma_start3A_85 = tpu.memref_squeeze %dma_start3A_84 : memref<1x128xi32, #tpu.memory_space<vmem>> -> memref<128xi32, #tpu.memory_space<vmem>>
    %dma_start3A_86 = arith.constant 0 : i32
    %dma_start3A_87 = arith.constant 0 : i32
    %dma_start3A_88 = tpu.memref_slice %arg4[%dma_start3A_86, %dma_start3A_87] : memref<98304x16xf32, #tpu.memory_space<hbm>> -> memref<98304x16xf32, #tpu.memory_space<hbm>>
    tpu.enqueue_indirect_dma source(%dma_start3A_88 : memref<98304x16xf32, #tpu.memory_space<hbm>>) target(%dma_start3A_82 : memref<128x16xf32, #tpu.memory_space<vmem>>) offsets(%dma_start3A_85 : memref<128xi32, #tpu.memory_space<vmem>>) semaphore(%arg18 : memref<!tpu.dma_semaphore, #tpu.memory_space<semaphore_mem>>)
    %dma_start3A_89 = arith.constant 2 : i32
    %dma_start3A_90 = arith.constant 256 : i32
    %dma_start3A_91 = arith.constant 0 : i32
    %dma_start3A_92 = tpu.memref_slice %arg11[%dma_start3A_90, %dma_start3A_91] : memref<1024x16xf32, #tpu.memory_space<vmem>> -> memref<128x16xf32, #tpu.memory_space<vmem>>
    %dma_start3A_93 = arith.constant 0 : i32
    %dma_start3A_94 = tpu.memref_slice %arg7[%dma_start3A_89, %dma_start3A_93] : memref<8x128xi32, #tpu.memory_space<vmem>> -> memref<1x128xi32, #tpu.memory_space<vmem>>
    %dma_start3A_95 = tpu.memref_squeeze %dma_start3A_94 : memref<1x128xi32, #tpu.memory_space<vmem>> -> memref<128xi32, #tpu.memory_space<vmem>>
    %dma_start3A_96 = arith.constant 0 : i32
    %dma_start3A_97 = arith.constant 0 : i32
    %dma_start3A_98 = tpu.memref_slice %arg4[%dma_start3A_96, %dma_start3A_97] : memref<98304x16xf32, #tpu.memory_space<hbm>> -> memref<98304x16xf32, #tpu.memory_space<hbm>>
    tpu.enqueue_indirect_dma source(%dma_start3A_98 : memref<98304x16xf32, #tpu.memory_space<hbm>>) target(%dma_start3A_92 : memref<128x16xf32, #tpu.memory_space<vmem>>) offsets(%dma_start3A_95 : memref<128xi32, #tpu.memory_space<vmem>>) semaphore(%arg18 : memref<!tpu.dma_semaphore, #tpu.memory_space<semaphore_mem>>)
    %dma_start3A_99 = arith.constant 2 : i32
    %dma_start3A_100 = arith.constant 256 : i32
    %dma_start3A_101 = arith.constant 0 : i32
    %dma_start3A_102 = tpu.memref_slice %arg12[%dma_start3A_100, %dma_start3A_101] : memref<1024x16xf32, #tpu.memory_space<vmem>> -> memref<128x16xf32, #tpu.memory_space<vmem>>
    %dma_start3A_103 = arith.constant 0 : i32
    %dma_start3A_104 = tpu.memref_slice %arg8[%dma_start3A_99, %dma_start3A_103] : memref<8x128xi32, #tpu.memory_space<vmem>> -> memref<1x128xi32, #tpu.memory_space<vmem>>
    %dma_start3A_105 = tpu.memref_squeeze %dma_start3A_104 : memref<1x128xi32, #tpu.memory_space<vmem>> -> memref<128xi32, #tpu.memory_space<vmem>>
    %dma_start3A_106 = arith.constant 0 : i32
    %dma_start3A_107 = arith.constant 0 : i32
    %dma_start3A_108 = tpu.memref_slice %arg4[%dma_start3A_106, %dma_start3A_107] : memref<98304x16xf32, #tpu.memory_space<hbm>> -> memref<98304x16xf32, #tpu.memory_space<hbm>>
    tpu.enqueue_indirect_dma source(%dma_start3A_108 : memref<98304x16xf32, #tpu.memory_space<hbm>>) target(%dma_start3A_102 : memref<128x16xf32, #tpu.memory_space<vmem>>) offsets(%dma_start3A_105 : memref<128xi32, #tpu.memory_space<vmem>>) semaphore(%arg18 : memref<!tpu.dma_semaphore, #tpu.memory_space<semaphore_mem>>)
    %dma_start3A_109 = arith.constant 3 : i32
    %dma_start3A_110 = arith.constant 384 : i32
    %dma_start3A_111 = arith.constant 0 : i32
    %dma_start3A_112 = tpu.memref_slice %arg11[%dma_start3A_110, %dma_start3A_111] : memref<1024x16xf32, #tpu.memory_space<vmem>> -> memref<128x16xf32, #tpu.memory_space<vmem>>
    %dma_start3A_113 = arith.constant 0 : i32
    %dma_start3A_114 = tpu.memref_slice %arg7[%dma_start3A_109, %dma_start3A_113] : memref<8x128xi32, #tpu.memory_space<vmem>> -> memref<1x128xi32, #tpu.memory_space<vmem>>
    %dma_start3A_115 = tpu.memref_squeeze %dma_start3A_114 : memref<1x128xi32, #tpu.memory_space<vmem>> -> memref<128xi32, #tpu.memory_space<vmem>>
    %dma_start3A_116 = arith.constant 0 : i32
    %dma_start3A_117 = arith.constant 0 : i32
    %dma_start3A_118 = tpu.memref_slice %arg4[%dma_start3A_116, %dma_start3A_117] : memref<98304x16xf32, #tpu.memory_space<hbm>> -> memref<98304x16xf32, #tpu.memory_space<hbm>>
    tpu.enqueue_indirect_dma source(%dma_start3A_118 : memref<98304x16xf32, #tpu.memory_space<hbm>>) target(%dma_start3A_112 : memref<128x16xf32, #tpu.memory_space<vmem>>) offsets(%dma_start3A_115 : memref<128xi32, #tpu.memory_space<vmem>>) semaphore(%arg18 : memref<!tpu.dma_semaphore, #tpu.memory_space<semaphore_mem>>)
    %dma_start3A_119 = arith.constant 3 : i32
    %dma_start3A_120 = arith.constant 384 : i32
    %dma_start3A_121 = arith.constant 0 : i32
    %dma_start3A_122 = tpu.memref_slice %arg12[%dma_start3A_120, %dma_start3A_121] : memref<1024x16xf32, #tpu.memory_space<vmem>> -> memref<128x16xf32, #tpu.memory_space<vmem>>
    %dma_start3A_123 = arith.constant 0 : i32
    %dma_start3A_124 = tpu.memref_slice %arg8[%dma_start3A_119, %dma_start3A_123] : memref<8x128xi32, #tpu.memory_space<vmem>> -> memref<1x128xi32, #tpu.memory_space<vmem>>
    %dma_start3A_125 = tpu.memref_squeeze %dma_start3A_124 : memref<1x128xi32, #tpu.memory_space<vmem>> -> memref<128xi32, #tpu.memory_space<vmem>>
    %dma_start3A_126 = arith.constant 0 : i32
    %dma_start3A_127 = arith.constant 0 : i32
    %dma_start3A_128 = tpu.memref_slice %arg4[%dma_start3A_126, %dma_start3A_127] : memref<98304x16xf32, #tpu.memory_space<hbm>> -> memref<98304x16xf32, #tpu.memory_space<hbm>>
    tpu.enqueue_indirect_dma source(%dma_start3A_128 : memref<98304x16xf32, #tpu.memory_space<hbm>>) target(%dma_start3A_122 : memref<128x16xf32, #tpu.memory_space<vmem>>) offsets(%dma_start3A_125 : memref<128xi32, #tpu.memory_space<vmem>>) semaphore(%arg18 : memref<!tpu.dma_semaphore, #tpu.memory_space<semaphore_mem>>)
    %dma_start3A_129 = arith.constant 4 : i32
    %dma_start3A_130 = arith.constant 512 : i32
    %dma_start3A_131 = arith.constant 0 : i32
    %dma_start3A_132 = tpu.memref_slice %arg11[%dma_start3A_130, %dma_start3A_131] : memref<1024x16xf32, #tpu.memory_space<vmem>> -> memref<128x16xf32, #tpu.memory_space<vmem>>
    %dma_start3A_133 = arith.constant 0 : i32
    %dma_start3A_134 = tpu.memref_slice %arg7[%dma_start3A_129, %dma_start3A_133] : memref<8x128xi32, #tpu.memory_space<vmem>> -> memref<1x128xi32, #tpu.memory_space<vmem>>
    %dma_start3A_135 = tpu.memref_squeeze %dma_start3A_134 : memref<1x128xi32, #tpu.memory_space<vmem>> -> memref<128xi32, #tpu.memory_space<vmem>>
    %dma_start3A_136 = arith.constant 0 : i32
    %dma_start3A_137 = arith.constant 0 : i32
    %dma_start3A_138 = tpu.memref_slice %arg4[%dma_start3A_136, %dma_start3A_137] : memref<98304x16xf32, #tpu.memory_space<hbm>> -> memref<98304x16xf32, #tpu.memory_space<hbm>>
    tpu.enqueue_indirect_dma source(%dma_start3A_138 : memref<98304x16xf32, #tpu.memory_space<hbm>>) target(%dma_start3A_132 : memref<128x16xf32, #tpu.memory_space<vmem>>) offsets(%dma_start3A_135 : memref<128xi32, #tpu.memory_space<vmem>>) semaphore(%arg18 : memref<!tpu.dma_semaphore, #tpu.memory_space<semaphore_mem>>)
    %dma_start3A_139 = arith.constant 4 : i32
    %dma_start3A_140 = arith.constant 512 : i32
    %dma_start3A_141 = arith.constant 0 : i32
    %dma_start3A_142 = tpu.memref_slice %arg12[%dma_start3A_140, %dma_start3A_141] : memref<1024x16xf32, #tpu.memory_space<vmem>> -> memref<128x16xf32, #tpu.memory_space<vmem>>
    %dma_start3A_143 = arith.constant 0 : i32
    %dma_start3A_144 = tpu.memref_slice %arg8[%dma_start3A_139, %dma_start3A_143] : memref<8x128xi32, #tpu.memory_space<vmem>> -> memref<1x128xi32, #tpu.memory_space<vmem>>
    %dma_start3A_145 = tpu.memref_squeeze %dma_start3A_144 : memref<1x128xi32, #tpu.memory_space<vmem>> -> memref<128xi32, #tpu.memory_space<vmem>>
    %dma_start3A_146 = arith.constant 0 : i32
    %dma_start3A_147 = arith.constant 0 : i32
    %dma_start3A_148 = tpu.memref_slice %arg4[%dma_start3A_146, %dma_start3A_147] : memref<98304x16xf32, #tpu.memory_space<hbm>> -> memref<98304x16xf32, #tpu.memory_space<hbm>>
    tpu.enqueue_indirect_dma source(%dma_start3A_148 : memref<98304x16xf32, #tpu.memory_space<hbm>>) target(%dma_start3A_142 : memref<128x16xf32, #tpu.memory_space<vmem>>) offsets(%dma_start3A_145 : memref<128xi32, #tpu.memory_space<vmem>>) semaphore(%arg18 : memref<!tpu.dma_semaphore, #tpu.memory_space<semaphore_mem>>)
    %dma_start3A_149 = arith.constant 5 : i32
    %dma_start3A_150 = arith.constant 640 : i32
    %dma_start3A_151 = arith.constant 0 : i32
    %dma_start3A_152 = tpu.memref_slice %arg11[%dma_start3A_150, %dma_start3A_151] : memref<1024x16xf32, #tpu.memory_space<vmem>> -> memref<128x16xf32, #tpu.memory_space<vmem>>
    %dma_start3A_153 = arith.constant 0 : i32
    %dma_start3A_154 = tpu.memref_slice %arg7[%dma_start3A_149, %dma_start3A_153] : memref<8x128xi32, #tpu.memory_space<vmem>> -> memref<1x128xi32, #tpu.memory_space<vmem>>
    %dma_start3A_155 = tpu.memref_squeeze %dma_start3A_154 : memref<1x128xi32, #tpu.memory_space<vmem>> -> memref<128xi32, #tpu.memory_space<vmem>>
    %dma_start3A_156 = arith.constant 0 : i32
    %dma_start3A_157 = arith.constant 0 : i32
    %dma_start3A_158 = tpu.memref_slice %arg4[%dma_start3A_156, %dma_start3A_157] : memref<98304x16xf32, #tpu.memory_space<hbm>> -> memref<98304x16xf32, #tpu.memory_space<hbm>>
    tpu.enqueue_indirect_dma source(%dma_start3A_158 : memref<98304x16xf32, #tpu.memory_space<hbm>>) target(%dma_start3A_152 : memref<128x16xf32, #tpu.memory_space<vmem>>) offsets(%dma_start3A_155 : memref<128xi32, #tpu.memory_space<vmem>>) semaphore(%arg18 : memref<!tpu.dma_semaphore, #tpu.memory_space<semaphore_mem>>)
    %dma_start3A_159 = arith.constant 5 : i32
    %dma_start3A_160 = arith.constant 640 : i32
    %dma_start3A_161 = arith.constant 0 : i32
    %dma_start3A_162 = tpu.memref_slice %arg12[%dma_start3A_160, %dma_start3A_161] : memref<1024x16xf32, #tpu.memory_space<vmem>> -> memref<128x16xf32, #tpu.memory_space<vmem>>
    %dma_start3A_163 = arith.constant 0 : i32
    %dma_start3A_164 = tpu.memref_slice %arg8[%dma_start3A_159, %dma_start3A_163] : memref<8x128xi32, #tpu.memory_space<vmem>> -> memref<1x128xi32, #tpu.memory_space<vmem>>
    %dma_start3A_165 = tpu.memref_squeeze %dma_start3A_164 : memref<1x128xi32, #tpu.memory_space<vmem>> -> memref<128xi32, #tpu.memory_space<vmem>>
    %dma_start3A_166 = arith.constant 0 : i32
    %dma_start3A_167 = arith.constant 0 : i32
    %dma_start3A_168 = tpu.memref_slice %arg4[%dma_start3A_166, %dma_start3A_167] : memref<98304x16xf32, #tpu.memory_space<hbm>> -> memref<98304x16xf32, #tpu.memory_space<hbm>>
    tpu.enqueue_indirect_dma source(%dma_start3A_168 : memref<98304x16xf32, #tpu.memory_space<hbm>>) target(%dma_start3A_162 : memref<128x16xf32, #tpu.memory_space<vmem>>) offsets(%dma_start3A_165 : memref<128xi32, #tpu.memory_space<vmem>>) semaphore(%arg18 : memref<!tpu.dma_semaphore, #tpu.memory_space<semaphore_mem>>)
    %dma_start3A_169 = arith.constant 6 : i32
    %dma_start3A_170 = arith.constant 768 : i32
    %dma_start3A_171 = arith.constant 0 : i32
    %dma_start3A_172 = tpu.memref_slice %arg11[%dma_start3A_170, %dma_start3A_171] : memref<1024x16xf32, #tpu.memory_space<vmem>> -> memref<128x16xf32, #tpu.memory_space<vmem>>
    %dma_start3A_173 = arith.constant 0 : i32
    %dma_start3A_174 = tpu.memref_slice %arg7[%dma_start3A_169, %dma_start3A_173] : memref<8x128xi32, #tpu.memory_space<vmem>> -> memref<1x128xi32, #tpu.memory_space<vmem>>
    %dma_start3A_175 = tpu.memref_squeeze %dma_start3A_174 : memref<1x128xi32, #tpu.memory_space<vmem>> -> memref<128xi32, #tpu.memory_space<vmem>>
    %dma_start3A_176 = arith.constant 0 : i32
    %dma_start3A_177 = arith.constant 0 : i32
    %dma_start3A_178 = tpu.memref_slice %arg4[%dma_start3A_176, %dma_start3A_177] : memref<98304x16xf32, #tpu.memory_space<hbm>> -> memref<98304x16xf32, #tpu.memory_space<hbm>>
    tpu.enqueue_indirect_dma source(%dma_start3A_178 : memref<98304x16xf32, #tpu.memory_space<hbm>>) target(%dma_start3A_172 : memref<128x16xf32, #tpu.memory_space<vmem>>) offsets(%dma_start3A_175 : memref<128xi32, #tpu.memory_space<vmem>>) semaphore(%arg18 : memref<!tpu.dma_semaphore, #tpu.memory_space<semaphore_mem>>)
    %dma_start3A_179 = arith.constant 6 : i32
    %dma_start3A_180 = arith.constant 768 : i32
    %dma_start3A_181 = arith.constant 0 : i32
    %dma_start3A_182 = tpu.memref_slice %arg12[%dma_start3A_180, %dma_start3A_181] : memref<1024x16xf32, #tpu.memory_space<vmem>> -> memref<128x16xf32, #tpu.memory_space<vmem>>
    %dma_start3A_183 = arith.constant 0 : i32
    %dma_start3A_184 = tpu.memref_slice %arg8[%dma_start3A_179, %dma_start3A_183] : memref<8x128xi32, #tpu.memory_space<vmem>> -> memref<1x128xi32, #tpu.memory_space<vmem>>
    %dma_start3A_185 = tpu.memref_squeeze %dma_start3A_184 : memref<1x128xi32, #tpu.memory_space<vmem>> -> memref<128xi32, #tpu.memory_space<vmem>>
    %dma_start3A_186 = arith.constant 0 : i32
    %dma_start3A_187 = arith.constant 0 : i32
    %dma_start3A_188 = tpu.memref_slice %arg4[%dma_start3A_186, %dma_start3A_187] : memref<98304x16xf32, #tpu.memory_space<hbm>> -> memref<98304x16xf32, #tpu.memory_space<hbm>>
    tpu.enqueue_indirect_dma source(%dma_start3A_188 : memref<98304x16xf32, #tpu.memory_space<hbm>>) target(%dma_start3A_182 : memref<128x16xf32, #tpu.memory_space<vmem>>) offsets(%dma_start3A_185 : memref<128xi32, #tpu.memory_space<vmem>>) semaphore(%arg18 : memref<!tpu.dma_semaphore, #tpu.memory_space<semaphore_mem>>)
    %dma_start3A_189 = arith.constant 7 : i32
    %dma_start3A_190 = arith.constant 896 : i32
    %dma_start3A_191 = arith.constant 0 : i32
    %dma_start3A_192 = tpu.memref_slice %arg11[%dma_start3A_190, %dma_start3A_191] : memref<1024x16xf32, #tpu.memory_space<vmem>> -> memref<128x16xf32, #tpu.memory_space<vmem>>
    %dma_start3A_193 = arith.constant 0 : i32
    %dma_start3A_194 = tpu.memref_slice %arg7[%dma_start3A_189, %dma_start3A_193] : memref<8x128xi32, #tpu.memory_space<vmem>> -> memref<1x128xi32, #tpu.memory_space<vmem>>
    %dma_start3A_195 = tpu.memref_squeeze %dma_start3A_194 : memref<1x128xi32, #tpu.memory_space<vmem>> -> memref<128xi32, #tpu.memory_space<vmem>>
    %dma_start3A_196 = arith.constant 0 : i32
    %dma_start3A_197 = arith.constant 0 : i32
    %dma_start3A_198 = tpu.memref_slice %arg4[%dma_start3A_196, %dma_start3A_197] : memref<98304x16xf32, #tpu.memory_space<hbm>> -> memref<98304x16xf32, #tpu.memory_space<hbm>>
    tpu.enqueue_indirect_dma source(%dma_start3A_198 : memref<98304x16xf32, #tpu.memory_space<hbm>>) target(%dma_start3A_192 : memref<128x16xf32, #tpu.memory_space<vmem>>) offsets(%dma_start3A_195 : memref<128xi32, #tpu.memory_space<vmem>>) semaphore(%arg18 : memref<!tpu.dma_semaphore, #tpu.memory_space<semaphore_mem>>)
    %dma_start3A_199 = arith.constant 7 : i32
    %dma_start3A_200 = arith.constant 896 : i32
    %dma_start3A_201 = arith.constant 0 : i32
    %dma_start3A_202 = tpu.memref_slice %arg12[%dma_start3A_200, %dma_start3A_201] : memref<1024x16xf32, #tpu.memory_space<vmem>> -> memref<128x16xf32, #tpu.memory_space<vmem>>
    %dma_start3A_203 = arith.constant 0 : i32
    %dma_start3A_204 = tpu.memref_slice %arg8[%dma_start3A_199, %dma_start3A_203] : memref<8x128xi32, #tpu.memory_space<vmem>> -> memref<1x128xi32, #tpu.memory_space<vmem>>
    %dma_start3A_205 = tpu.memref_squeeze %dma_start3A_204 : memref<1x128xi32, #tpu.memory_space<vmem>> -> memref<128xi32, #tpu.memory_space<vmem>>
    %dma_start3A_206 = arith.constant 0 : i32
    %dma_start3A_207 = arith.constant 0 : i32
    %dma_start3A_208 = tpu.memref_slice %arg4[%dma_start3A_206, %dma_start3A_207] : memref<98304x16xf32, #tpu.memory_space<hbm>> -> memref<98304x16xf32, #tpu.memory_space<hbm>>
    tpu.enqueue_indirect_dma source(%dma_start3A_208 : memref<98304x16xf32, #tpu.memory_space<hbm>>) target(%dma_start3A_202 : memref<128x16xf32, #tpu.memory_space<vmem>>) offsets(%dma_start3A_205 : memref<128xi32, #tpu.memory_space<vmem>>) semaphore(%arg18 : memref<!tpu.dma_semaphore, #tpu.memory_space<semaphore_mem>>)
    %scan3A = arith.constant 0 : i32
    %scan3A_209 = arith.constant 25 : i32
    %scan3A_210 = arith.addi %scan3A, %scan3A_209 : i32
    %scan3A_211 = arith.constant 1 : i32
    %scan3A_212:4 = scf.for %scan3A_411 = %scan3A to %scan3A_210 step %scan3A_211 iter_args(%scan3A_412 = %broadcast_in_dim3A_43, %scan3A_413 = %broadcast_in_dim3A_43, %scan3A_414 = %broadcast_in_dim3A_43, %scan3A_415 = %broadcast_in_dim3A_43) -> (vector<16xf32>, vector<16xf32>, vector<16xf32>, vector<16xf32>)  : i32 {
      %dma_wait3A_416 = arith.constant 0 : i32
      %dma_wait3A_417 = arith.constant 0 : i32
      %dma_wait3A_418 = arith.constant 0 : i32
      %dma_wait3A_419 = tpu.memref_slice %arg11[%dma_wait3A_417, %dma_wait3A_418] : memref<1024x16xf32, #tpu.memory_space<vmem>> -> memref<128x16xf32, #tpu.memory_space<vmem>>
      %dma_wait3A_420 = arith.constant 0 : i32
      %dma_wait3A_421 = tpu.memref_slice %arg7[%dma_wait3A_416, %dma_wait3A_420] : memref<8x128xi32, #tpu.memory_space<vmem>> -> memref<1x128xi32, #tpu.memory_space<vmem>>
      %dma_wait3A_422 = tpu.memref_squeeze %dma_wait3A_421 : memref<1x128xi32, #tpu.memory_space<vmem>> -> memref<128xi32, #tpu.memory_space<vmem>>
      %dma_wait3A_423 = arith.constant 0 : i32
      %dma_wait3A_424 = arith.constant 0 : i32
      %dma_wait3A_425 = tpu.memref_slice %arg4[%dma_wait3A_423, %dma_wait3A_424] : memref<98304x16xf32, #tpu.memory_space<hbm>> -> memref<98304x16xf32, #tpu.memory_space<hbm>>
      tpu.wait_indirect_dma semaphore(%arg18 : memref<!tpu.dma_semaphore, #tpu.memory_space<semaphore_mem>>) src(%dma_wait3A_425 : memref<98304x16xf32, #tpu.memory_space<hbm>>) dst(%dma_wait3A_419 : memref<128x16xf32, #tpu.memory_space<vmem>>)
      %dma_wait3A_426 = arith.constant 0 : i32
      %dma_wait3A_427 = arith.constant 0 : i32
      %dma_wait3A_428 = arith.constant 0 : i32
      %dma_wait3A_429 = tpu.memref_slice %arg12[%dma_wait3A_427, %dma_wait3A_428] : memref<1024x16xf32, #tpu.memory_space<vmem>> -> memref<128x16xf32, #tpu.memory_space<vmem>>
      %dma_wait3A_430 = arith.constant 0 : i32
      %dma_wait3A_431 = tpu.memref_slice %arg8[%dma_wait3A_426, %dma_wait3A_430] : memref<8x128xi32, #tpu.memory_space<vmem>> -> memref<1x128xi32, #tpu.memory_space<vmem>>
      %dma_wait3A_432 = tpu.memref_squeeze %dma_wait3A_431 : memref<1x128xi32, #tpu.memory_space<vmem>> -> memref<128xi32, #tpu.memory_space<vmem>>
      %dma_wait3A_433 = arith.constant 0 : i32
      %dma_wait3A_434 = arith.constant 0 : i32
      %dma_wait3A_435 = tpu.memref_slice %arg4[%dma_wait3A_433, %dma_wait3A_434] : memref<98304x16xf32, #tpu.memory_space<hbm>> -> memref<98304x16xf32, #tpu.memory_space<hbm>>
      tpu.wait_indirect_dma semaphore(%arg18 : memref<!tpu.dma_semaphore, #tpu.memory_space<semaphore_mem>>) src(%dma_wait3A_435 : memref<98304x16xf32, #tpu.memory_space<hbm>>) dst(%dma_wait3A_429 : memref<128x16xf32, #tpu.memory_space<vmem>>)
      %dma_wait3A_436 = arith.constant 1 : i32
      %dma_wait3A_437 = arith.constant 128 : i32
      %dma_wait3A_438 = arith.constant 0 : i32
      %dma_wait3A_439 = tpu.memref_slice %arg11[%dma_wait3A_437, %dma_wait3A_438] : memref<1024x16xf32, #tpu.memory_space<vmem>> -> memref<128x16xf32, #tpu.memory_space<vmem>>
      %dma_wait3A_440 = arith.constant 0 : i32
      %dma_wait3A_441 = tpu.memref_slice %arg7[%dma_wait3A_436, %dma_wait3A_440] : memref<8x128xi32, #tpu.memory_space<vmem>> -> memref<1x128xi32, #tpu.memory_space<vmem>>
      %dma_wait3A_442 = tpu.memref_squeeze %dma_wait3A_441 : memref<1x128xi32, #tpu.memory_space<vmem>> -> memref<128xi32, #tpu.memory_space<vmem>>
      %dma_wait3A_443 = arith.constant 0 : i32
      %dma_wait3A_444 = arith.constant 0 : i32
      %dma_wait3A_445 = tpu.memref_slice %arg4[%dma_wait3A_443, %dma_wait3A_444] : memref<98304x16xf32, #tpu.memory_space<hbm>> -> memref<98304x16xf32, #tpu.memory_space<hbm>>
      tpu.wait_indirect_dma semaphore(%arg18 : memref<!tpu.dma_semaphore, #tpu.memory_space<semaphore_mem>>) src(%dma_wait3A_445 : memref<98304x16xf32, #tpu.memory_space<hbm>>) dst(%dma_wait3A_439 : memref<128x16xf32, #tpu.memory_space<vmem>>)
      %dma_wait3A_446 = arith.constant 1 : i32
      %dma_wait3A_447 = arith.constant 128 : i32
      %dma_wait3A_448 = arith.constant 0 : i32
      %dma_wait3A_449 = tpu.memref_slice %arg12[%dma_wait3A_447, %dma_wait3A_448] : memref<1024x16xf32, #tpu.memory_space<vmem>> -> memref<128x16xf32, #tpu.memory_space<vmem>>
      %dma_wait3A_450 = arith.constant 0 : i32
      %dma_wait3A_451 = tpu.memref_slice %arg8[%dma_wait3A_446, %dma_wait3A_450] : memref<8x128xi32, #tpu.memory_space<vmem>> -> memref<1x128xi32, #tpu.memory_space<vmem>>
      %dma_wait3A_452 = tpu.memref_squeeze %dma_wait3A_451 : memref<1x128xi32, #tpu.memory_space<vmem>> -> memref<128xi32, #tpu.memory_space<vmem>>
      %dma_wait3A_453 = arith.constant 0 : i32
      %dma_wait3A_454 = arith.constant 0 : i32
      %dma_wait3A_455 = tpu.memref_slice %arg4[%dma_wait3A_453, %dma_wait3A_454] : memref<98304x16xf32, #tpu.memory_space<hbm>> -> memref<98304x16xf32, #tpu.memory_space<hbm>>
      tpu.wait_indirect_dma semaphore(%arg18 : memref<!tpu.dma_semaphore, #tpu.memory_space<semaphore_mem>>) src(%dma_wait3A_455 : memref<98304x16xf32, #tpu.memory_space<hbm>>) dst(%dma_wait3A_449 : memref<128x16xf32, #tpu.memory_space<vmem>>)
      %dma_wait3A_456 = arith.constant 2 : i32
      %dma_wait3A_457 = arith.constant 256 : i32
      %dma_wait3A_458 = arith.constant 0 : i32
      %dma_wait3A_459 = tpu.memref_slice %arg11[%dma_wait3A_457, %dma_wait3A_458] : memref<1024x16xf32, #tpu.memory_space<vmem>> -> memref<128x16xf32, #tpu.memory_space<vmem>>
      %dma_wait3A_460 = arith.constant 0 : i32
      %dma_wait3A_461 = tpu.memref_slice %arg7[%dma_wait3A_456, %dma_wait3A_460] : memref<8x128xi32, #tpu.memory_space<vmem>> -> memref<1x128xi32, #tpu.memory_space<vmem>>
      %dma_wait3A_462 = tpu.memref_squeeze %dma_wait3A_461 : memref<1x128xi32, #tpu.memory_space<vmem>> -> memref<128xi32, #tpu.memory_space<vmem>>
      %dma_wait3A_463 = arith.constant 0 : i32
      %dma_wait3A_464 = arith.constant 0 : i32
      %dma_wait3A_465 = tpu.memref_slice %arg4[%dma_wait3A_463, %dma_wait3A_464] : memref<98304x16xf32, #tpu.memory_space<hbm>> -> memref<98304x16xf32, #tpu.memory_space<hbm>>
      tpu.wait_indirect_dma semaphore(%arg18 : memref<!tpu.dma_semaphore, #tpu.memory_space<semaphore_mem>>) src(%dma_wait3A_465 : memref<98304x16xf32, #tpu.memory_space<hbm>>) dst(%dma_wait3A_459 : memref<128x16xf32, #tpu.memory_space<vmem>>)
      %dma_wait3A_466 = arith.constant 2 : i32
      %dma_wait3A_467 = arith.constant 256 : i32
      %dma_wait3A_468 = arith.constant 0 : i32
      %dma_wait3A_469 = tpu.memref_slice %arg12[%dma_wait3A_467, %dma_wait3A_468] : memref<1024x16xf32, #tpu.memory_space<vmem>> -> memref<128x16xf32, #tpu.memory_space<vmem>>
      %dma_wait3A_470 = arith.constant 0 : i32
      %dma_wait3A_471 = tpu.memref_slice %arg8[%dma_wait3A_466, %dma_wait3A_470] : memref<8x128xi32, #tpu.memory_space<vmem>> -> memref<1x128xi32, #tpu.memory_space<vmem>>
      %dma_wait3A_472 = tpu.memref_squeeze %dma_wait3A_471 : memref<1x128xi32, #tpu.memory_space<vmem>> -> memref<128xi32, #tpu.memory_space<vmem>>
      %dma_wait3A_473 = arith.constant 0 : i32
      %dma_wait3A_474 = arith.constant 0 : i32
      %dma_wait3A_475 = tpu.memref_slice %arg4[%dma_wait3A_473, %dma_wait3A_474] : memref<98304x16xf32, #tpu.memory_space<hbm>> -> memref<98304x16xf32, #tpu.memory_space<hbm>>
      tpu.wait_indirect_dma semaphore(%arg18 : memref<!tpu.dma_semaphore, #tpu.memory_space<semaphore_mem>>) src(%dma_wait3A_475 : memref<98304x16xf32, #tpu.memory_space<hbm>>) dst(%dma_wait3A_469 : memref<128x16xf32, #tpu.memory_space<vmem>>)
      %dma_wait3A_476 = arith.constant 3 : i32
      %dma_wait3A_477 = arith.constant 384 : i32
      %dma_wait3A_478 = arith.constant 0 : i32
      %dma_wait3A_479 = tpu.memref_slice %arg11[%dma_wait3A_477, %dma_wait3A_478] : memref<1024x16xf32, #tpu.memory_space<vmem>> -> memref<128x16xf32, #tpu.memory_space<vmem>>
      %dma_wait3A_480 = arith.constant 0 : i32
      %dma_wait3A_481 = tpu.memref_slice %arg7[%dma_wait3A_476, %dma_wait3A_480] : memref<8x128xi32, #tpu.memory_space<vmem>> -> memref<1x128xi32, #tpu.memory_space<vmem>>
      %dma_wait3A_482 = tpu.memref_squeeze %dma_wait3A_481 : memref<1x128xi32, #tpu.memory_space<vmem>> -> memref<128xi32, #tpu.memory_space<vmem>>
      %dma_wait3A_483 = arith.constant 0 : i32
      %dma_wait3A_484 = arith.constant 0 : i32
      %dma_wait3A_485 = tpu.memref_slice %arg4[%dma_wait3A_483, %dma_wait3A_484] : memref<98304x16xf32, #tpu.memory_space<hbm>> -> memref<98304x16xf32, #tpu.memory_space<hbm>>
      tpu.wait_indirect_dma semaphore(%arg18 : memref<!tpu.dma_semaphore, #tpu.memory_space<semaphore_mem>>) src(%dma_wait3A_485 : memref<98304x16xf32, #tpu.memory_space<hbm>>) dst(%dma_wait3A_479 : memref<128x16xf32, #tpu.memory_space<vmem>>)
      %dma_wait3A_486 = arith.constant 3 : i32
      %dma_wait3A_487 = arith.constant 384 : i32
      %dma_wait3A_488 = arith.constant 0 : i32
      %dma_wait3A_489 = tpu.memref_slice %arg12[%dma_wait3A_487, %dma_wait3A_488] : memref<1024x16xf32, #tpu.memory_space<vmem>> -> memref<128x16xf32, #tpu.memory_space<vmem>>
      %dma_wait3A_490 = arith.constant 0 : i32
      %dma_wait3A_491 = tpu.memref_slice %arg8[%dma_wait3A_486, %dma_wait3A_490] : memref<8x128xi32, #tpu.memory_space<vmem>> -> memref<1x128xi32, #tpu.memory_space<vmem>>
      %dma_wait3A_492 = tpu.memref_squeeze %dma_wait3A_491 : memref<1x128xi32, #tpu.memory_space<vmem>> -> memref<128xi32, #tpu.memory_space<vmem>>
      %dma_wait3A_493 = arith.constant 0 : i32
      %dma_wait3A_494 = arith.constant 0 : i32
      %dma_wait3A_495 = tpu.memref_slice %arg4[%dma_wait3A_493, %dma_wait3A_494] : memref<98304x16xf32, #tpu.memory_space<hbm>> -> memref<98304x16xf32, #tpu.memory_space<hbm>>
      tpu.wait_indirect_dma semaphore(%arg18 : memref<!tpu.dma_semaphore, #tpu.memory_space<semaphore_mem>>) src(%dma_wait3A_495 : memref<98304x16xf32, #tpu.memory_space<hbm>>) dst(%dma_wait3A_489 : memref<128x16xf32, #tpu.memory_space<vmem>>)
      %dma_wait3A_496 = arith.constant 4 : i32
      %dma_wait3A_497 = arith.constant 512 : i32
      %dma_wait3A_498 = arith.constant 0 : i32
      %dma_wait3A_499 = tpu.memref_slice %arg11[%dma_wait3A_497, %dma_wait3A_498] : memref<1024x16xf32, #tpu.memory_space<vmem>> -> memref<128x16xf32, #tpu.memory_space<vmem>>
      %dma_wait3A_500 = arith.constant 0 : i32
      %dma_wait3A_501 = tpu.memref_slice %arg7[%dma_wait3A_496, %dma_wait3A_500] : memref<8x128xi32, #tpu.memory_space<vmem>> -> memref<1x128xi32, #tpu.memory_space<vmem>>
      %dma_wait3A_502 = tpu.memref_squeeze %dma_wait3A_501 : memref<1x128xi32, #tpu.memory_space<vmem>> -> memref<128xi32, #tpu.memory_space<vmem>>
      %dma_wait3A_503 = arith.constant 0 : i32
      %dma_wait3A_504 = arith.constant 0 : i32
      %dma_wait3A_505 = tpu.memref_slice %arg4[%dma_wait3A_503, %dma_wait3A_504] : memref<98304x16xf32, #tpu.memory_space<hbm>> -> memref<98304x16xf32, #tpu.memory_space<hbm>>
      tpu.wait_indirect_dma semaphore(%arg18 : memref<!tpu.dma_semaphore, #tpu.memory_space<semaphore_mem>>) src(%dma_wait3A_505 : memref<98304x16xf32, #tpu.memory_space<hbm>>) dst(%dma_wait3A_499 : memref<128x16xf32, #tpu.memory_space<vmem>>)
      %dma_wait3A_506 = arith.constant 4 : i32
      %dma_wait3A_507 = arith.constant 512 : i32
      %dma_wait3A_508 = arith.constant 0 : i32
      %dma_wait3A_509 = tpu.memref_slice %arg12[%dma_wait3A_507, %dma_wait3A_508] : memref<1024x16xf32, #tpu.memory_space<vmem>> -> memref<128x16xf32, #tpu.memory_space<vmem>>
      %dma_wait3A_510 = arith.constant 0 : i32
      %dma_wait3A_511 = tpu.memref_slice %arg8[%dma_wait3A_506, %dma_wait3A_510] : memref<8x128xi32, #tpu.memory_space<vmem>> -> memref<1x128xi32, #tpu.memory_space<vmem>>
      %dma_wait3A_512 = tpu.memref_squeeze %dma_wait3A_511 : memref<1x128xi32, #tpu.memory_space<vmem>> -> memref<128xi32, #tpu.memory_space<vmem>>
      %dma_wait3A_513 = arith.constant 0 : i32
      %dma_wait3A_514 = arith.constant 0 : i32
      %dma_wait3A_515 = tpu.memref_slice %arg4[%dma_wait3A_513, %dma_wait3A_514] : memref<98304x16xf32, #tpu.memory_space<hbm>> -> memref<98304x16xf32, #tpu.memory_space<hbm>>
      tpu.wait_indirect_dma semaphore(%arg18 : memref<!tpu.dma_semaphore, #tpu.memory_space<semaphore_mem>>) src(%dma_wait3A_515 : memref<98304x16xf32, #tpu.memory_space<hbm>>) dst(%dma_wait3A_509 : memref<128x16xf32, #tpu.memory_space<vmem>>)
      %dma_wait3A_516 = arith.constant 5 : i32
      %dma_wait3A_517 = arith.constant 640 : i32
      %dma_wait3A_518 = arith.constant 0 : i32
      %dma_wait3A_519 = tpu.memref_slice %arg11[%dma_wait3A_517, %dma_wait3A_518] : memref<1024x16xf32, #tpu.memory_space<vmem>> -> memref<128x16xf32, #tpu.memory_space<vmem>>
      %dma_wait3A_520 = arith.constant 0 : i32
      %dma_wait3A_521 = tpu.memref_slice %arg7[%dma_wait3A_516, %dma_wait3A_520] : memref<8x128xi32, #tpu.memory_space<vmem>> -> memref<1x128xi32, #tpu.memory_space<vmem>>
      %dma_wait3A_522 = tpu.memref_squeeze %dma_wait3A_521 : memref<1x128xi32, #tpu.memory_space<vmem>> -> memref<128xi32, #tpu.memory_space<vmem>>
      %dma_wait3A_523 = arith.constant 0 : i32
      %dma_wait3A_524 = arith.constant 0 : i32
      %dma_wait3A_525 = tpu.memref_slice %arg4[%dma_wait3A_523, %dma_wait3A_524] : memref<98304x16xf32, #tpu.memory_space<hbm>> -> memref<98304x16xf32, #tpu.memory_space<hbm>>
      tpu.wait_indirect_dma semaphore(%arg18 : memref<!tpu.dma_semaphore, #tpu.memory_space<semaphore_mem>>) src(%dma_wait3A_525 : memref<98304x16xf32, #tpu.memory_space<hbm>>) dst(%dma_wait3A_519 : memref<128x16xf32, #tpu.memory_space<vmem>>)
      %dma_wait3A_526 = arith.constant 5 : i32
      %dma_wait3A_527 = arith.constant 640 : i32
      %dma_wait3A_528 = arith.constant 0 : i32
      %dma_wait3A_529 = tpu.memref_slice %arg12[%dma_wait3A_527, %dma_wait3A_528] : memref<1024x16xf32, #tpu.memory_space<vmem>> -> memref<128x16xf32, #tpu.memory_space<vmem>>
      %dma_wait3A_530 = arith.constant 0 : i32
      %dma_wait3A_531 = tpu.memref_slice %arg8[%dma_wait3A_526, %dma_wait3A_530] : memref<8x128xi32, #tpu.memory_space<vmem>> -> memref<1x128xi32, #tpu.memory_space<vmem>>
      %dma_wait3A_532 = tpu.memref_squeeze %dma_wait3A_531 : memref<1x128xi32, #tpu.memory_space<vmem>> -> memref<128xi32, #tpu.memory_space<vmem>>
      %dma_wait3A_533 = arith.constant 0 : i32
      %dma_wait3A_534 = arith.constant 0 : i32
      %dma_wait3A_535 = tpu.memref_slice %arg4[%dma_wait3A_533, %dma_wait3A_534] : memref<98304x16xf32, #tpu.memory_space<hbm>> -> memref<98304x16xf32, #tpu.memory_space<hbm>>
      tpu.wait_indirect_dma semaphore(%arg18 : memref<!tpu.dma_semaphore, #tpu.memory_space<semaphore_mem>>) src(%dma_wait3A_535 : memref<98304x16xf32, #tpu.memory_space<hbm>>) dst(%dma_wait3A_529 : memref<128x16xf32, #tpu.memory_space<vmem>>)
      %dma_wait3A_536 = arith.constant 6 : i32
      %dma_wait3A_537 = arith.constant 768 : i32
      %dma_wait3A_538 = arith.constant 0 : i32
      %dma_wait3A_539 = tpu.memref_slice %arg11[%dma_wait3A_537, %dma_wait3A_538] : memref<1024x16xf32, #tpu.memory_space<vmem>> -> memref<128x16xf32, #tpu.memory_space<vmem>>
      %dma_wait3A_540 = arith.constant 0 : i32
      %dma_wait3A_541 = tpu.memref_slice %arg7[%dma_wait3A_536, %dma_wait3A_540] : memref<8x128xi32, #tpu.memory_space<vmem>> -> memref<1x128xi32, #tpu.memory_space<vmem>>
      %dma_wait3A_542 = tpu.memref_squeeze %dma_wait3A_541 : memref<1x128xi32, #tpu.memory_space<vmem>> -> memref<128xi32, #tpu.memory_space<vmem>>
      %dma_wait3A_543 = arith.constant 0 : i32
      %dma_wait3A_544 = arith.constant 0 : i32
      %dma_wait3A_545 = tpu.memref_slice %arg4[%dma_wait3A_543, %dma_wait3A_544] : memref<98304x16xf32, #tpu.memory_space<hbm>> -> memref<98304x16xf32, #tpu.memory_space<hbm>>
      tpu.wait_indirect_dma semaphore(%arg18 : memref<!tpu.dma_semaphore, #tpu.memory_space<semaphore_mem>>) src(%dma_wait3A_545 : memref<98304x16xf32, #tpu.memory_space<hbm>>) dst(%dma_wait3A_539 : memref<128x16xf32, #tpu.memory_space<vmem>>)
      %dma_wait3A_546 = arith.constant 6 : i32
      %dma_wait3A_547 = arith.constant 768 : i32
      %dma_wait3A_548 = arith.constant 0 : i32
      %dma_wait3A_549 = tpu.memref_slice %arg12[%dma_wait3A_547, %dma_wait3A_548] : memref<1024x16xf32, #tpu.memory_space<vmem>> -> memref<128x16xf32, #tpu.memory_space<vmem>>
      %dma_wait3A_550 = arith.constant 0 : i32
      %dma_wait3A_551 = tpu.memref_slice %arg8[%dma_wait3A_546, %dma_wait3A_550] : memref<8x128xi32, #tpu.memory_space<vmem>> -> memref<1x128xi32, #tpu.memory_space<vmem>>
      %dma_wait3A_552 = tpu.memref_squeeze %dma_wait3A_551 : memref<1x128xi32, #tpu.memory_space<vmem>> -> memref<128xi32, #tpu.memory_space<vmem>>
      %dma_wait3A_553 = arith.constant 0 : i32
      %dma_wait3A_554 = arith.constant 0 : i32
      %dma_wait3A_555 = tpu.memref_slice %arg4[%dma_wait3A_553, %dma_wait3A_554] : memref<98304x16xf32, #tpu.memory_space<hbm>> -> memref<98304x16xf32, #tpu.memory_space<hbm>>
      tpu.wait_indirect_dma semaphore(%arg18 : memref<!tpu.dma_semaphore, #tpu.memory_space<semaphore_mem>>) src(%dma_wait3A_555 : memref<98304x16xf32, #tpu.memory_space<hbm>>) dst(%dma_wait3A_549 : memref<128x16xf32, #tpu.memory_space<vmem>>)
      %dma_wait3A_556 = arith.constant 7 : i32
      %dma_wait3A_557 = arith.constant 896 : i32
      %dma_wait3A_558 = arith.constant 0 : i32
      %dma_wait3A_559 = tpu.memref_slice %arg11[%dma_wait3A_557, %dma_wait3A_558] : memref<1024x16xf32, #tpu.memory_space<vmem>> -> memref<128x16xf32, #tpu.memory_space<vmem>>
      %dma_wait3A_560 = arith.constant 0 : i32
      %dma_wait3A_561 = tpu.memref_slice %arg7[%dma_wait3A_556, %dma_wait3A_560] : memref<8x128xi32, #tpu.memory_space<vmem>> -> memref<1x128xi32, #tpu.memory_space<vmem>>
      %dma_wait3A_562 = tpu.memref_squeeze %dma_wait3A_561 : memref<1x128xi32, #tpu.memory_space<vmem>> -> memref<128xi32, #tpu.memory_space<vmem>>
      %dma_wait3A_563 = arith.constant 0 : i32
      %dma_wait3A_564 = arith.constant 0 : i32
      %dma_wait3A_565 = tpu.memref_slice %arg4[%dma_wait3A_563, %dma_wait3A_564] : memref<98304x16xf32, #tpu.memory_space<hbm>> -> memref<98304x16xf32, #tpu.memory_space<hbm>>
      tpu.wait_indirect_dma semaphore(%arg18 : memref<!tpu.dma_semaphore, #tpu.memory_space<semaphore_mem>>) src(%dma_wait3A_565 : memref<98304x16xf32, #tpu.memory_space<hbm>>) dst(%dma_wait3A_559 : memref<128x16xf32, #tpu.memory_space<vmem>>)
      %dma_wait3A_566 = arith.constant 7 : i32
      %dma_wait3A_567 = arith.constant 896 : i32
      %dma_wait3A_568 = arith.constant 0 : i32
      %dma_wait3A_569 = tpu.memref_slice %arg12[%dma_wait3A_567, %dma_wait3A_568] : memref<1024x16xf32, #tpu.memory_space<vmem>> -> memref<128x16xf32, #tpu.memory_space<vmem>>
      %dma_wait3A_570 = arith.constant 0 : i32
      %dma_wait3A_571 = tpu.memref_slice %arg8[%dma_wait3A_566, %dma_wait3A_570] : memref<8x128xi32, #tpu.memory_space<vmem>> -> memref<1x128xi32, #tpu.memory_space<vmem>>
      %dma_wait3A_572 = tpu.memref_squeeze %dma_wait3A_571 : memref<1x128xi32, #tpu.memory_space<vmem>> -> memref<128xi32, #tpu.memory_space<vmem>>
      %dma_wait3A_573 = arith.constant 0 : i32
      %dma_wait3A_574 = arith.constant 0 : i32
      %dma_wait3A_575 = tpu.memref_slice %arg4[%dma_wait3A_573, %dma_wait3A_574] : memref<98304x16xf32, #tpu.memory_space<hbm>> -> memref<98304x16xf32, #tpu.memory_space<hbm>>
      tpu.wait_indirect_dma semaphore(%arg18 : memref<!tpu.dma_semaphore, #tpu.memory_space<semaphore_mem>>) src(%dma_wait3A_575 : memref<98304x16xf32, #tpu.memory_space<hbm>>) dst(%dma_wait3A_569 : memref<128x16xf32, #tpu.memory_space<vmem>>)
      %mul3A_576 = arith.constant 2 : i32
      %mul3A_577 = arith.muli %mul3A_576, %scan3A_411 : i32
      %add3A_578 = arith.constant 1 : i32
      %add3A_579 = arith.addi %mul3A_577, %add3A_578 : i32
      %lt3A_580 = arith.constant 48 : i32
      %lt3A_581 = arith.cmpi slt, %add3A_579, %lt3A_580 : i32
      %mul3A_582 = arith.constant 8 : i32
      %mul3A_583 = arith.muli %add3A_579, %mul3A_582 : i32
      %add3A_584 = arith.addi %add3A_35, %mul3A_583 : i32
      %sub3A_585 = arith.constant 48 : i32
      %sub3A_586 = arith.subi %add3A_579, %sub3A_585 : i32
      %mul3A_587 = arith.constant 8 : i32
      %mul3A_588 = arith.muli %sub3A_586, %mul3A_587 : i32
      %add3A_589 = arith.addi %add3A_42, %mul3A_588 : i32
      %select_n3A_590 = arith.select %lt3A_581, %add3A_584, %add3A_589 : i32
      "tpu.region"() ({
        %run_scoped3A_1146 = tpu.sem_alloc : memref<!tpu.dma_semaphore, #tpu.memory_space<semaphore_mem>>
        %dma_start3A_1147 = arith.constant 0 : i32
        %dma_start3A_1148 = tpu.memref_slice %arg2[%select_n3A_590, %dma_start3A_1147] : memref<13056x128xi32, #tpu.memory_space<hbm>> -> memref<8x128xi32, #tpu.memory_space<hbm>>
        %dma_start3A_1149 = arith.constant 0 : i32
        %dma_start3A_1150 = tpu.memref_slice %arg2[%select_n3A_590, %dma_start3A_1149] : memref<13056x128xi32, #tpu.memory_space<hbm>> -> memref<8x128xi32, #tpu.memory_space<hbm>>
        tpu.enqueue_dma source(%dma_start3A_1150 : memref<8x128xi32, #tpu.memory_space<hbm>>) target(%arg9 : memref<8x128xi32, #tpu.memory_space<vmem>>) target_semaphore(%run_scoped3A_1146 : memref<!tpu.dma_semaphore, #tpu.memory_space<semaphore_mem>>)
        %dma_wait3A_1151 = arith.constant 0 : i32
        %dma_wait3A_1152 = tpu.memref_slice %arg2[%select_n3A_590, %dma_wait3A_1151] : memref<13056x128xi32, #tpu.memory_space<hbm>> -> memref<8x128xi32, #tpu.memory_space<hbm>>
        %dma_wait3A_1153 = arith.constant 0 : i32
        %dma_wait3A_1154 = tpu.memref_slice %arg2[%select_n3A_590, %dma_wait3A_1153] : memref<13056x128xi32, #tpu.memory_space<hbm>> -> memref<8x128xi32, #tpu.memory_space<hbm>>
        tpu.wait_dma2 semaphore(%run_scoped3A_1146 : memref<!tpu.dma_semaphore, #tpu.memory_space<semaphore_mem>>) src(%dma_wait3A_1154 : memref<8x128xi32, #tpu.memory_space<hbm>>) dst(%arg9 : memref<8x128xi32, #tpu.memory_space<vmem>>)
        tpu.yield
      }) : () -> ()
      "tpu.region"() ({
        %run_scoped3A_1146 = tpu.sem_alloc : memref<!tpu.dma_semaphore, #tpu.memory_space<semaphore_mem>>
        %dma_start3A_1147 = arith.constant 0 : i32
        %dma_start3A_1148 = tpu.memref_slice %arg3[%select_n3A_590, %dma_start3A_1147] : memref<13056x128xi32, #tpu.memory_space<hbm>> -> memref<8x128xi32, #tpu.memory_space<hbm>>
        %dma_start3A_1149 = arith.constant 0 : i32
        %dma_start3A_1150 = tpu.memref_slice %arg3[%select_n3A_590, %dma_start3A_1149] : memref<13056x128xi32, #tpu.memory_space<hbm>> -> memref<8x128xi32, #tpu.memory_space<hbm>>
        tpu.enqueue_dma source(%dma_start3A_1150 : memref<8x128xi32, #tpu.memory_space<hbm>>) target(%arg10 : memref<8x128xi32, #tpu.memory_space<vmem>>) target_semaphore(%run_scoped3A_1146 : memref<!tpu.dma_semaphore, #tpu.memory_space<semaphore_mem>>)
        %dma_wait3A_1151 = arith.constant 0 : i32
        %dma_wait3A_1152 = tpu.memref_slice %arg3[%select_n3A_590, %dma_wait3A_1151] : memref<13056x128xi32, #tpu.memory_space<hbm>> -> memref<8x128xi32, #tpu.memory_space<hbm>>
        %dma_wait3A_1153 = arith.constant 0 : i32
        %dma_wait3A_1154 = tpu.memref_slice %arg3[%select_n3A_590, %dma_wait3A_1153] : memref<13056x128xi32, #tpu.memory_space<hbm>> -> memref<8x128xi32, #tpu.memory_space<hbm>>
        tpu.wait_dma2 semaphore(%run_scoped3A_1146 : memref<!tpu.dma_semaphore, #tpu.memory_space<semaphore_mem>>) src(%dma_wait3A_1154 : memref<8x128xi32, #tpu.memory_space<hbm>>) dst(%arg10 : memref<8x128xi32, #tpu.memory_space<vmem>>)
        tpu.yield
      }) : () -> ()
      %dma_start3A_591 = arith.constant 0 : i32
      %dma_start3A_592 = arith.constant 0 : i32
      %dma_start3A_593 = arith.constant 0 : i32
      %dma_start3A_594 = tpu.memref_slice %arg13[%dma_start3A_592, %dma_start3A_593] : memref<1024x16xf32, #tpu.memory_space<vmem>> -> memref<128x16xf32, #tpu.memory_space<vmem>>
      %dma_start3A_595 = arith.constant 0 : i32
      %dma_start3A_596 = tpu.memref_slice %arg9[%dma_start3A_591, %dma_start3A_595] : memref<8x128xi32, #tpu.memory_space<vmem>> -> memref<1x128xi32, #tpu.memory_space<vmem>>
      %dma_start3A_597 = tpu.memref_squeeze %dma_start3A_596 : memref<1x128xi32, #tpu.memory_space<vmem>> -> memref<128xi32, #tpu.memory_space<vmem>>
      %dma_start3A_598 = arith.constant 0 : i32
      %dma_start3A_599 = arith.constant 0 : i32
      %dma_start3A_600 = tpu.memref_slice %arg4[%dma_start3A_598, %dma_start3A_599] : memref<98304x16xf32, #tpu.memory_space<hbm>> -> memref<98304x16xf32, #tpu.memory_space<hbm>>
      tpu.enqueue_indirect_dma source(%dma_start3A_600 : memref<98304x16xf32, #tpu.memory_space<hbm>>) target(%dma_start3A_594 : memref<128x16xf32, #tpu.memory_space<vmem>>) offsets(%dma_start3A_597 : memref<128xi32, #tpu.memory_space<vmem>>) semaphore(%arg18 : memref<!tpu.dma_semaphore, #tpu.memory_space<semaphore_mem>>)
      %dma_start3A_601 = arith.constant 0 : i32
      %dma_start3A_602 = arith.constant 0 : i32
      %dma_start3A_603 = arith.constant 0 : i32
      %dma_start3A_604 = tpu.memref_slice %arg14[%dma_start3A_602, %dma_start3A_603] : memref<1024x16xf32, #tpu.memory_space<vmem>> -> memref<128x16xf32, #tpu.memory_space<vmem>>
      %dma_start3A_605 = arith.constant 0 : i32
      %dma_start3A_606 = tpu.memref_slice %arg10[%dma_start3A_601, %dma_start3A_605] : memref<8x128xi32, #tpu.memory_space<vmem>> -> memref<1x128xi32, #tpu.memory_space<vmem>>
      %dma_start3A_607 = tpu.memref_squeeze %dma_start3A_606 : memref<1x128xi32, #tpu.memory_space<vmem>> -> memref<128xi32, #tpu.memory_space<vmem>>
      %dma_start3A_608 = arith.constant 0 : i32
      %dma_start3A_609 = arith.constant 0 : i32
      %dma_start3A_610 = tpu.memref_slice %arg4[%dma_start3A_608, %dma_start3A_609] : memref<98304x16xf32, #tpu.memory_space<hbm>> -> memref<98304x16xf32, #tpu.memory_space<hbm>>
      tpu.enqueue_indirect_dma source(%dma_start3A_610 : memref<98304x16xf32, #tpu.memory_space<hbm>>) target(%dma_start3A_604 : memref<128x16xf32, #tpu.memory_space<vmem>>) offsets(%dma_start3A_607 : memref<128xi32, #tpu.memory_space<vmem>>) semaphore(%arg18 : memref<!tpu.dma_semaphore, #tpu.memory_space<semaphore_mem>>)
      %dma_start3A_611 = arith.constant 1 : i32
      %dma_start3A_612 = arith.constant 128 : i32
      %dma_start3A_613 = arith.constant 0 : i32
      %dma_start3A_614 = tpu.memref_slice %arg13[%dma_start3A_612, %dma_start3A_613] : memref<1024x16xf32, #tpu.memory_space<vmem>> -> memref<128x16xf32, #tpu.memory_space<vmem>>
      %dma_start3A_615 = arith.constant 0 : i32
      %dma_start3A_616 = tpu.memref_slice %arg9[%dma_start3A_611, %dma_start3A_615] : memref<8x128xi32, #tpu.memory_space<vmem>> -> memref<1x128xi32, #tpu.memory_space<vmem>>
      %dma_start3A_617 = tpu.memref_squeeze %dma_start3A_616 : memref<1x128xi32, #tpu.memory_space<vmem>> -> memref<128xi32, #tpu.memory_space<vmem>>
      %dma_start3A_618 = arith.constant 0 : i32
      %dma_start3A_619 = arith.constant 0 : i32
      %dma_start3A_620 = tpu.memref_slice %arg4[%dma_start3A_618, %dma_start3A_619] : memref<98304x16xf32, #tpu.memory_space<hbm>> -> memref<98304x16xf32, #tpu.memory_space<hbm>>
      tpu.enqueue_indirect_dma source(%dma_start3A_620 : memref<98304x16xf32, #tpu.memory_space<hbm>>) target(%dma_start3A_614 : memref<128x16xf32, #tpu.memory_space<vmem>>) offsets(%dma_start3A_617 : memref<128xi32, #tpu.memory_space<vmem>>) semaphore(%arg18 : memref<!tpu.dma_semaphore, #tpu.memory_space<semaphore_mem>>)
      %dma_start3A_621 = arith.constant 1 : i32
      %dma_start3A_622 = arith.constant 128 : i32
      %dma_start3A_623 = arith.constant 0 : i32
      %dma_start3A_624 = tpu.memref_slice %arg14[%dma_start3A_622, %dma_start3A_623] : memref<1024x16xf32, #tpu.memory_space<vmem>> -> memref<128x16xf32, #tpu.memory_space<vmem>>
      %dma_start3A_625 = arith.constant 0 : i32
      %dma_start3A_626 = tpu.memref_slice %arg10[%dma_start3A_621, %dma_start3A_625] : memref<8x128xi32, #tpu.memory_space<vmem>> -> memref<1x128xi32, #tpu.memory_space<vmem>>
      %dma_start3A_627 = tpu.memref_squeeze %dma_start3A_626 : memref<1x128xi32, #tpu.memory_space<vmem>> -> memref<128xi32, #tpu.memory_space<vmem>>
      %dma_start3A_628 = arith.constant 0 : i32
      %dma_start3A_629 = arith.constant 0 : i32
      %dma_start3A_630 = tpu.memref_slice %arg4[%dma_start3A_628, %dma_start3A_629] : memref<98304x16xf32, #tpu.memory_space<hbm>> -> memref<98304x16xf32, #tpu.memory_space<hbm>>
      tpu.enqueue_indirect_dma source(%dma_start3A_630 : memref<98304x16xf32, #tpu.memory_space<hbm>>) target(%dma_start3A_624 : memref<128x16xf32, #tpu.memory_space<vmem>>) offsets(%dma_start3A_627 : memref<128xi32, #tpu.memory_space<vmem>>) semaphore(%arg18 : memref<!tpu.dma_semaphore, #tpu.memory_space<semaphore_mem>>)
      %dma_start3A_631 = arith.constant 2 : i32
      %dma_start3A_632 = arith.constant 256 : i32
      %dma_start3A_633 = arith.constant 0 : i32
      %dma_start3A_634 = tpu.memref_slice %arg13[%dma_start3A_632, %dma_start3A_633] : memref<1024x16xf32, #tpu.memory_space<vmem>> -> memref<128x16xf32, #tpu.memory_space<vmem>>
      %dma_start3A_635 = arith.constant 0 : i32
      %dma_start3A_636 = tpu.memref_slice %arg9[%dma_start3A_631, %dma_start3A_635] : memref<8x128xi32, #tpu.memory_space<vmem>> -> memref<1x128xi32, #tpu.memory_space<vmem>>
      %dma_start3A_637 = tpu.memref_squeeze %dma_start3A_636 : memref<1x128xi32, #tpu.memory_space<vmem>> -> memref<128xi32, #tpu.memory_space<vmem>>
      %dma_start3A_638 = arith.constant 0 : i32
      %dma_start3A_639 = arith.constant 0 : i32
      %dma_start3A_640 = tpu.memref_slice %arg4[%dma_start3A_638, %dma_start3A_639] : memref<98304x16xf32, #tpu.memory_space<hbm>> -> memref<98304x16xf32, #tpu.memory_space<hbm>>
      tpu.enqueue_indirect_dma source(%dma_start3A_640 : memref<98304x16xf32, #tpu.memory_space<hbm>>) target(%dma_start3A_634 : memref<128x16xf32, #tpu.memory_space<vmem>>) offsets(%dma_start3A_637 : memref<128xi32, #tpu.memory_space<vmem>>) semaphore(%arg18 : memref<!tpu.dma_semaphore, #tpu.memory_space<semaphore_mem>>)
      %dma_start3A_641 = arith.constant 2 : i32
      %dma_start3A_642 = arith.constant 256 : i32
      %dma_start3A_643 = arith.constant 0 : i32
      %dma_start3A_644 = tpu.memref_slice %arg14[%dma_start3A_642, %dma_start3A_643] : memref<1024x16xf32, #tpu.memory_space<vmem>> -> memref<128x16xf32, #tpu.memory_space<vmem>>
      %dma_start3A_645 = arith.constant 0 : i32
      %dma_start3A_646 = tpu.memref_slice %arg10[%dma_start3A_641, %dma_start3A_645] : memref<8x128xi32, #tpu.memory_space<vmem>> -> memref<1x128xi32, #tpu.memory_space<vmem>>
      %dma_start3A_647 = tpu.memref_squeeze %dma_start3A_646 : memref<1x128xi32, #tpu.memory_space<vmem>> -> memref<128xi32, #tpu.memory_space<vmem>>
      %dma_start3A_648 = arith.constant 0 : i32
      %dma_start3A_649 = arith.constant 0 : i32
      %dma_start3A_650 = tpu.memref_slice %arg4[%dma_start3A_648, %dma_start3A_649] : memref<98304x16xf32, #tpu.memory_space<hbm>> -> memref<98304x16xf32, #tpu.memory_space<hbm>>
      tpu.enqueue_indirect_dma source(%dma_start3A_650 : memref<98304x16xf32, #tpu.memory_space<hbm>>) target(%dma_start3A_644 : memref<128x16xf32, #tpu.memory_space<vmem>>) offsets(%dma_start3A_647 : memref<128xi32, #tpu.memory_space<vmem>>) semaphore(%arg18 : memref<!tpu.dma_semaphore, #tpu.memory_space<semaphore_mem>>)
      %dma_start3A_651 = arith.constant 3 : i32
      %dma_start3A_652 = arith.constant 384 : i32
      %dma_start3A_653 = arith.constant 0 : i32
      %dma_start3A_654 = tpu.memref_slice %arg13[%dma_start3A_652, %dma_start3A_653] : memref<1024x16xf32, #tpu.memory_space<vmem>> -> memref<128x16xf32, #tpu.memory_space<vmem>>
      %dma_start3A_655 = arith.constant 0 : i32
      %dma_start3A_656 = tpu.memref_slice %arg9[%dma_start3A_651, %dma_start3A_655] : memref<8x128xi32, #tpu.memory_space<vmem>> -> memref<1x128xi32, #tpu.memory_space<vmem>>
      %dma_start3A_657 = tpu.memref_squeeze %dma_start3A_656 : memref<1x128xi32, #tpu.memory_space<vmem>> -> memref<128xi32, #tpu.memory_space<vmem>>
      %dma_start3A_658 = arith.constant 0 : i32
      %dma_start3A_659 = arith.constant 0 : i32
      %dma_start3A_660 = tpu.memref_slice %arg4[%dma_start3A_658, %dma_start3A_659] : memref<98304x16xf32, #tpu.memory_space<hbm>> -> memref<98304x16xf32, #tpu.memory_space<hbm>>
      tpu.enqueue_indirect_dma source(%dma_start3A_660 : memref<98304x16xf32, #tpu.memory_space<hbm>>) target(%dma_start3A_654 : memref<128x16xf32, #tpu.memory_space<vmem>>) offsets(%dma_start3A_657 : memref<128xi32, #tpu.memory_space<vmem>>) semaphore(%arg18 : memref<!tpu.dma_semaphore, #tpu.memory_space<semaphore_mem>>)
      %dma_start3A_661 = arith.constant 3 : i32
      %dma_start3A_662 = arith.constant 384 : i32
      %dma_start3A_663 = arith.constant 0 : i32
      %dma_start3A_664 = tpu.memref_slice %arg14[%dma_start3A_662, %dma_start3A_663] : memref<1024x16xf32, #tpu.memory_space<vmem>> -> memref<128x16xf32, #tpu.memory_space<vmem>>
      %dma_start3A_665 = arith.constant 0 : i32
      %dma_start3A_666 = tpu.memref_slice %arg10[%dma_start3A_661, %dma_start3A_665] : memref<8x128xi32, #tpu.memory_space<vmem>> -> memref<1x128xi32, #tpu.memory_space<vmem>>
      %dma_start3A_667 = tpu.memref_squeeze %dma_start3A_666 : memref<1x128xi32, #tpu.memory_space<vmem>> -> memref<128xi32, #tpu.memory_space<vmem>>
      %dma_start3A_668 = arith.constant 0 : i32
      %dma_start3A_669 = arith.constant 0 : i32
      %dma_start3A_670 = tpu.memref_slice %arg4[%dma_start3A_668, %dma_start3A_669] : memref<98304x16xf32, #tpu.memory_space<hbm>> -> memref<98304x16xf32, #tpu.memory_space<hbm>>
      tpu.enqueue_indirect_dma source(%dma_start3A_670 : memref<98304x16xf32, #tpu.memory_space<hbm>>) target(%dma_start3A_664 : memref<128x16xf32, #tpu.memory_space<vmem>>) offsets(%dma_start3A_667 : memref<128xi32, #tpu.memory_space<vmem>>) semaphore(%arg18 : memref<!tpu.dma_semaphore, #tpu.memory_space<semaphore_mem>>)
      %dma_start3A_671 = arith.constant 4 : i32
      %dma_start3A_672 = arith.constant 512 : i32
      %dma_start3A_673 = arith.constant 0 : i32
      %dma_start3A_674 = tpu.memref_slice %arg13[%dma_start3A_672, %dma_start3A_673] : memref<1024x16xf32, #tpu.memory_space<vmem>> -> memref<128x16xf32, #tpu.memory_space<vmem>>
      %dma_start3A_675 = arith.constant 0 : i32
      %dma_start3A_676 = tpu.memref_slice %arg9[%dma_start3A_671, %dma_start3A_675] : memref<8x128xi32, #tpu.memory_space<vmem>> -> memref<1x128xi32, #tpu.memory_space<vmem>>
      %dma_start3A_677 = tpu.memref_squeeze %dma_start3A_676 : memref<1x128xi32, #tpu.memory_space<vmem>> -> memref<128xi32, #tpu.memory_space<vmem>>
      %dma_start3A_678 = arith.constant 0 : i32
      %dma_start3A_679 = arith.constant 0 : i32
      %dma_start3A_680 = tpu.memref_slice %arg4[%dma_start3A_678, %dma_start3A_679] : memref<98304x16xf32, #tpu.memory_space<hbm>> -> memref<98304x16xf32, #tpu.memory_space<hbm>>
      tpu.enqueue_indirect_dma source(%dma_start3A_680 : memref<98304x16xf32, #tpu.memory_space<hbm>>) target(%dma_start3A_674 : memref<128x16xf32, #tpu.memory_space<vmem>>) offsets(%dma_start3A_677 : memref<128xi32, #tpu.memory_space<vmem>>) semaphore(%arg18 : memref<!tpu.dma_semaphore, #tpu.memory_space<semaphore_mem>>)
      %dma_start3A_681 = arith.constant 4 : i32
      %dma_start3A_682 = arith.constant 512 : i32
      %dma_start3A_683 = arith.constant 0 : i32
      %dma_start3A_684 = tpu.memref_slice %arg14[%dma_start3A_682, %dma_start3A_683] : memref<1024x16xf32, #tpu.memory_space<vmem>> -> memref<128x16xf32, #tpu.memory_space<vmem>>
      %dma_start3A_685 = arith.constant 0 : i32
      %dma_start3A_686 = tpu.memref_slice %arg10[%dma_start3A_681, %dma_start3A_685] : memref<8x128xi32, #tpu.memory_space<vmem>> -> memref<1x128xi32, #tpu.memory_space<vmem>>
      %dma_start3A_687 = tpu.memref_squeeze %dma_start3A_686 : memref<1x128xi32, #tpu.memory_space<vmem>> -> memref<128xi32, #tpu.memory_space<vmem>>
      %dma_start3A_688 = arith.constant 0 : i32
      %dma_start3A_689 = arith.constant 0 : i32
      %dma_start3A_690 = tpu.memref_slice %arg4[%dma_start3A_688, %dma_start3A_689] : memref<98304x16xf32, #tpu.memory_space<hbm>> -> memref<98304x16xf32, #tpu.memory_space<hbm>>
      tpu.enqueue_indirect_dma source(%dma_start3A_690 : memref<98304x16xf32, #tpu.memory_space<hbm>>) target(%dma_start3A_684 : memref<128x16xf32, #tpu.memory_space<vmem>>) offsets(%dma_start3A_687 : memref<128xi32, #tpu.memory_space<vmem>>) semaphore(%arg18 : memref<!tpu.dma_semaphore, #tpu.memory_space<semaphore_mem>>)
      %dma_start3A_691 = arith.constant 5 : i32
      %dma_start3A_692 = arith.constant 640 : i32
      %dma_start3A_693 = arith.constant 0 : i32
      %dma_start3A_694 = tpu.memref_slice %arg13[%dma_start3A_692, %dma_start3A_693] : memref<1024x16xf32, #tpu.memory_space<vmem>> -> memref<128x16xf32, #tpu.memory_space<vmem>>
      %dma_start3A_695 = arith.constant 0 : i32
      %dma_start3A_696 = tpu.memref_slice %arg9[%dma_start3A_691, %dma_start3A_695] : memref<8x128xi32, #tpu.memory_space<vmem>> -> memref<1x128xi32, #tpu.memory_space<vmem>>
      %dma_start3A_697 = tpu.memref_squeeze %dma_start3A_696 : memref<1x128xi32, #tpu.memory_space<vmem>> -> memref<128xi32, #tpu.memory_space<vmem>>
      %dma_start3A_698 = arith.constant 0 : i32
      %dma_start3A_699 = arith.constant 0 : i32
      %dma_start3A_700 = tpu.memref_slice %arg4[%dma_start3A_698, %dma_start3A_699] : memref<98304x16xf32, #tpu.memory_space<hbm>> -> memref<98304x16xf32, #tpu.memory_space<hbm>>
      tpu.enqueue_indirect_dma source(%dma_start3A_700 : memref<98304x16xf32, #tpu.memory_space<hbm>>) target(%dma_start3A_694 : memref<128x16xf32, #tpu.memory_space<vmem>>) offsets(%dma_start3A_697 : memref<128xi32, #tpu.memory_space<vmem>>) semaphore(%arg18 : memref<!tpu.dma_semaphore, #tpu.memory_space<semaphore_mem>>)
      %dma_start3A_701 = arith.constant 5 : i32
      %dma_start3A_702 = arith.constant 640 : i32
      %dma_start3A_703 = arith.constant 0 : i32
      %dma_start3A_704 = tpu.memref_slice %arg14[%dma_start3A_702, %dma_start3A_703] : memref<1024x16xf32, #tpu.memory_space<vmem>> -> memref<128x16xf32, #tpu.memory_space<vmem>>
      %dma_start3A_705 = arith.constant 0 : i32
      %dma_start3A_706 = tpu.memref_slice %arg10[%dma_start3A_701, %dma_start3A_705] : memref<8x128xi32, #tpu.memory_space<vmem>> -> memref<1x128xi32, #tpu.memory_space<vmem>>
      %dma_start3A_707 = tpu.memref_squeeze %dma_start3A_706 : memref<1x128xi32, #tpu.memory_space<vmem>> -> memref<128xi32, #tpu.memory_space<vmem>>
      %dma_start3A_708 = arith.constant 0 : i32
      %dma_start3A_709 = arith.constant 0 : i32
      %dma_start3A_710 = tpu.memref_slice %arg4[%dma_start3A_708, %dma_start3A_709] : memref<98304x16xf32, #tpu.memory_space<hbm>> -> memref<98304x16xf32, #tpu.memory_space<hbm>>
      tpu.enqueue_indirect_dma source(%dma_start3A_710 : memref<98304x16xf32, #tpu.memory_space<hbm>>) target(%dma_start3A_704 : memref<128x16xf32, #tpu.memory_space<vmem>>) offsets(%dma_start3A_707 : memref<128xi32, #tpu.memory_space<vmem>>) semaphore(%arg18 : memref<!tpu.dma_semaphore, #tpu.memory_space<semaphore_mem>>)
      %dma_start3A_711 = arith.constant 6 : i32
      %dma_start3A_712 = arith.constant 768 : i32
      %dma_start3A_713 = arith.constant 0 : i32
      %dma_start3A_714 = tpu.memref_slice %arg13[%dma_start3A_712, %dma_start3A_713] : memref<1024x16xf32, #tpu.memory_space<vmem>> -> memref<128x16xf32, #tpu.memory_space<vmem>>
      %dma_start3A_715 = arith.constant 0 : i32
      %dma_start3A_716 = tpu.memref_slice %arg9[%dma_start3A_711, %dma_start3A_715] : memref<8x128xi32, #tpu.memory_space<vmem>> -> memref<1x128xi32, #tpu.memory_space<vmem>>
      %dma_start3A_717 = tpu.memref_squeeze %dma_start3A_716 : memref<1x128xi32, #tpu.memory_space<vmem>> -> memref<128xi32, #tpu.memory_space<vmem>>
      %dma_start3A_718 = arith.constant 0 : i32
      %dma_start3A_719 = arith.constant 0 : i32
      %dma_start3A_720 = tpu.memref_slice %arg4[%dma_start3A_718, %dma_start3A_719] : memref<98304x16xf32, #tpu.memory_space<hbm>> -> memref<98304x16xf32, #tpu.memory_space<hbm>>
      tpu.enqueue_indirect_dma source(%dma_start3A_720 : memref<98304x16xf32, #tpu.memory_space<hbm>>) target(%dma_start3A_714 : memref<128x16xf32, #tpu.memory_space<vmem>>) offsets(%dma_start3A_717 : memref<128xi32, #tpu.memory_space<vmem>>) semaphore(%arg18 : memref<!tpu.dma_semaphore, #tpu.memory_space<semaphore_mem>>)
      %dma_start3A_721 = arith.constant 6 : i32
      %dma_start3A_722 = arith.constant 768 : i32
      %dma_start3A_723 = arith.constant 0 : i32
      %dma_start3A_724 = tpu.memref_slice %arg14[%dma_start3A_722, %dma_start3A_723] : memref<1024x16xf32, #tpu.memory_space<vmem>> -> memref<128x16xf32, #tpu.memory_space<vmem>>
      %dma_start3A_725 = arith.constant 0 : i32
      %dma_start3A_726 = tpu.memref_slice %arg10[%dma_start3A_721, %dma_start3A_725] : memref<8x128xi32, #tpu.memory_space<vmem>> -> memref<1x128xi32, #tpu.memory_space<vmem>>
      %dma_start3A_727 = tpu.memref_squeeze %dma_start3A_726 : memref<1x128xi32, #tpu.memory_space<vmem>> -> memref<128xi32, #tpu.memory_space<vmem>>
      %dma_start3A_728 = arith.constant 0 : i32
      %dma_start3A_729 = arith.constant 0 : i32
      %dma_start3A_730 = tpu.memref_slice %arg4[%dma_start3A_728, %dma_start3A_729] : memref<98304x16xf32, #tpu.memory_space<hbm>> -> memref<98304x16xf32, #tpu.memory_space<hbm>>
      tpu.enqueue_indirect_dma source(%dma_start3A_730 : memref<98304x16xf32, #tpu.memory_space<hbm>>) target(%dma_start3A_724 : memref<128x16xf32, #tpu.memory_space<vmem>>) offsets(%dma_start3A_727 : memref<128xi32, #tpu.memory_space<vmem>>) semaphore(%arg18 : memref<!tpu.dma_semaphore, #tpu.memory_space<semaphore_mem>>)
      %dma_start3A_731 = arith.constant 7 : i32
      %dma_start3A_732 = arith.constant 896 : i32
      %dma_start3A_733 = arith.constant 0 : i32
      %dma_start3A_734 = tpu.memref_slice %arg13[%dma_start3A_732, %dma_start3A_733] : memref<1024x16xf32, #tpu.memory_space<vmem>> -> memref<128x16xf32, #tpu.memory_space<vmem>>
      %dma_start3A_735 = arith.constant 0 : i32
      %dma_start3A_736 = tpu.memref_slice %arg9[%dma_start3A_731, %dma_start3A_735] : memref<8x128xi32, #tpu.memory_space<vmem>> -> memref<1x128xi32, #tpu.memory_space<vmem>>
      %dma_start3A_737 = tpu.memref_squeeze %dma_start3A_736 : memref<1x128xi32, #tpu.memory_space<vmem>> -> memref<128xi32, #tpu.memory_space<vmem>>
      %dma_start3A_738 = arith.constant 0 : i32
      %dma_start3A_739 = arith.constant 0 : i32
      %dma_start3A_740 = tpu.memref_slice %arg4[%dma_start3A_738, %dma_start3A_739] : memref<98304x16xf32, #tpu.memory_space<hbm>> -> memref<98304x16xf32, #tpu.memory_space<hbm>>
      tpu.enqueue_indirect_dma source(%dma_start3A_740 : memref<98304x16xf32, #tpu.memory_space<hbm>>) target(%dma_start3A_734 : memref<128x16xf32, #tpu.memory_space<vmem>>) offsets(%dma_start3A_737 : memref<128xi32, #tpu.memory_space<vmem>>) semaphore(%arg18 : memref<!tpu.dma_semaphore, #tpu.memory_space<semaphore_mem>>)
      %dma_start3A_741 = arith.constant 7 : i32
      %dma_start3A_742 = arith.constant 896 : i32
      %dma_start3A_743 = arith.constant 0 : i32
      %dma_start3A_744 = tpu.memref_slice %arg14[%dma_start3A_742, %dma_start3A_743] : memref<1024x16xf32, #tpu.memory_space<vmem>> -> memref<128x16xf32, #tpu.memory_space<vmem>>
      %dma_start3A_745 = arith.constant 0 : i32
      %dma_start3A_746 = tpu.memref_slice %arg10[%dma_start3A_741, %dma_start3A_745] : memref<8x128xi32, #tpu.memory_space<vmem>> -> memref<1x128xi32, #tpu.memory_space<vmem>>
      %dma_start3A_747 = tpu.memref_squeeze %dma_start3A_746 : memref<1x128xi32, #tpu.memory_space<vmem>> -> memref<128xi32, #tpu.memory_space<vmem>>
      %dma_start3A_748 = arith.constant 0 : i32
      %dma_start3A_749 = arith.constant 0 : i32
      %dma_start3A_750 = tpu.memref_slice %arg4[%dma_start3A_748, %dma_start3A_749] : memref<98304x16xf32, #tpu.memory_space<hbm>> -> memref<98304x16xf32, #tpu.memory_space<hbm>>
      tpu.enqueue_indirect_dma source(%dma_start3A_750 : memref<98304x16xf32, #tpu.memory_space<hbm>>) target(%dma_start3A_744 : memref<128x16xf32, #tpu.memory_space<vmem>>) offsets(%dma_start3A_747 : memref<128xi32, #tpu.memory_space<vmem>>) semaphore(%arg18 : memref<!tpu.dma_semaphore, #tpu.memory_space<semaphore_mem>>)
      %mul3A_751 = arith.constant 2 : i32
      %mul3A_752 = arith.muli %mul3A_751, %scan3A_411 : i32
      %scan3A_753 = arith.constant 0 : i32
      %scan3A_754 = arith.constant 128 : i32
      %scan3A_755 = arith.addi %scan3A_753, %scan3A_754 : i32
      %scan3A_756 = arith.constant 1 : i32
      %scan3A_757:4 = scf.for %scan3A_1146 = %scan3A_753 to %scan3A_755 step %scan3A_756 iter_args(%scan3A_1147 = %scan3A_412, %scan3A_1148 = %scan3A_413, %scan3A_1149 = %scan3A_414, %scan3A_1150 = %scan3A_415) -> (vector<16xf32>, vector<16xf32>, vector<16xf32>, vector<16xf32>)  : i32 {
        %mul3A_1151 = arith.constant 8 : i32
        %mul3A_1152 = arith.muli %scan3A_1146, %mul3A_1151 : i32
        %add3A_1153 = arith.constant 0 : i32
        %add3A_1154 = arith.addi %mul3A_1152, %add3A_1153 : i32
        %get3A = arith.index_cast %add3A_1154 : i32 to index
        %get3A_1155 = arith.constant 0 : index
        %get3A_1156 = tpu.vector_load %arg11[%get3A, %get3A_1155] {strides = array<i32>} : memref<1024x16xf32, #tpu.memory_space<vmem>>, vector<1x16xf32>,
        %get3A_1157 = vector.shape_cast %get3A_1156 : vector<1x16xf32> to vector<16xf32>
        %add3A_1158 = arith.constant 0 : i32
        %add3A_1159 = arith.addi %mul3A_1152, %add3A_1158 : i32
        %get3A_1160 = arith.index_cast %add3A_1159 : i32 to index
        %get3A_1161 = arith.constant 0 : index
        %get3A_1162 = tpu.vector_load %arg12[%get3A_1160, %get3A_1161] {strides = array<i32>} : memref<1024x16xf32, #tpu.memory_space<vmem>>, vector<1x16xf32>,
        %get3A_1163 = vector.shape_cast %get3A_1162 : vector<1x16xf32> to vector<16xf32>
        %add3A_1164 = arith.addf %get3A_1157, %get3A_1163 : vector<16xf32>
        %mul3A_1165 = arith.constant 5.000000e-01 : f32
        %mul3A_1166 = vector.broadcast %mul3A_1165 : f32 to vector<16xf32>
        %mul3A_1167 = arith.mulf %add3A_1164, %mul3A_1166 : vector<16xf32>
        %swap3A_1168 = arith.index_cast %scan3A_1146 : i32 to index
        %swap3A_1169 = arith.constant 0 : index
        %swap3A_1170 = tpu.vector_load %arg15[%swap3A_1168, %swap3A_1169] {strides = array<i32>} : memref<128x128xf32, #tpu.memory_space<vmem>>, vector<1x16xf32>,
        %swap3A_1171 = vector.shape_cast %swap3A_1170 : vector<1x16xf32> to vector<16xf32>
        %swap3A_1172 = vector.shape_cast %mul3A_1167 : vector<16xf32> to vector<1x16xf32>
        tpu.vector_store %arg15[%swap3A_1168, %swap3A_1169], %swap3A_1172 {strides = array<i32>} : memref<128x128xf32, #tpu.memory_space<vmem>>, vector<1x16xf32>,
        %add3A_1173 = arith.addf %scan3A_1147, %mul3A_1167 : vector<16xf32>
        %mul3A_1174 = arith.mulf %mul3A_1167, %mul3A_1167 : vector<16xf32>
        %add3A_1175 = arith.addf %scan3A_1148, %mul3A_1174 : vector<16xf32>
        %add3A_1176 = arith.constant 1 : i32
        %add3A_1177 = arith.addi %mul3A_1152, %add3A_1176 : i32
        %get3A_1178 = arith.index_cast %add3A_1177 : i32 to index
        %get3A_1179 = arith.constant 0 : index
        %get3A_1180 = tpu.vector_load %arg11[%get3A_1178, %get3A_1179] {strides = array<i32>} : memref<1024x16xf32, #tpu.memory_space<vmem>>, vector<1x16xf32>,
        %get3A_1181 = vector.shape_cast %get3A_1180 : vector<1x16xf32> to vector<16xf32>
        %add3A_1182 = arith.constant 1 : i32
        %add3A_1183 = arith.addi %mul3A_1152, %add3A_1182 : i32
        %get3A_1184 = arith.index_cast %add3A_1183 : i32 to index
        %get3A_1185 = arith.constant 0 : index
        %get3A_1186 = tpu.vector_load %arg12[%get3A_1184, %get3A_1185] {strides = array<i32>} : memref<1024x16xf32, #tpu.memory_space<vmem>>, vector<1x16xf32>,
        %get3A_1187 = vector.shape_cast %get3A_1186 : vector<1x16xf32> to vector<16xf32>
        %add3A_1188 = arith.addf %get3A_1181, %get3A_1187 : vector<16xf32>
        %mul3A_1189 = arith.constant 5.000000e-01 : f32
        %mul3A_1190 = vector.broadcast %mul3A_1189 : f32 to vector<16xf32>
        %mul3A_1191 = arith.mulf %add3A_1188, %mul3A_1190 : vector<16xf32>
        %swap3A_1192 = arith.index_cast %scan3A_1146 : i32 to index
        %swap3A_1193 = arith.constant 16 : index
        %swap3A_1194 = tpu.vector_load %arg15[%swap3A_1192, %swap3A_1193] {strides = array<i32>} : memref<128x128xf32, #tpu.memory_space<vmem>>, vector<1x16xf32>,
        %swap3A_1195 = vector.shape_cast %swap3A_1194 : vector<1x16xf32> to vector<16xf32>
        %swap3A_1196 = vector.shape_cast %mul3A_1191 : vector<16xf32> to vector<1x16xf32>
        tpu.vector_store %arg15[%swap3A_1192, %swap3A_1193], %swap3A_1196 {strides = array<i32>} : memref<128x128xf32, #tpu.memory_space<vmem>>, vector<1x16xf32>,
        %add3A_1197 = arith.addf %scan3A_1149, %mul3A_1191 : vector<16xf32>
        %mul3A_1198 = arith.mulf %mul3A_1191, %mul3A_1191 : vector<16xf32>
        %add3A_1199 = arith.addf %scan3A_1150, %mul3A_1198 : vector<16xf32>
        %add3A_1200 = arith.constant 2 : i32
        %add3A_1201 = arith.addi %mul3A_1152, %add3A_1200 : i32
        %get3A_1202 = arith.index_cast %add3A_1201 : i32 to index
        %get3A_1203 = arith.constant 0 : index
        %get3A_1204 = tpu.vector_load %arg11[%get3A_1202, %get3A_1203] {strides = array<i32>} : memref<1024x16xf32, #tpu.memory_space<vmem>>, vector<1x16xf32>,
        %get3A_1205 = vector.shape_cast %get3A_1204 : vector<1x16xf32> to vector<16xf32>
        %add3A_1206 = arith.constant 2 : i32
        %add3A_1207 = arith.addi %mul3A_1152, %add3A_1206 : i32
        %get3A_1208 = arith.index_cast %add3A_1207 : i32 to index
        %get3A_1209 = arith.constant 0 : index
        %get3A_1210 = tpu.vector_load %arg12[%get3A_1208, %get3A_1209] {strides = array<i32>} : memref<1024x16xf32, #tpu.memory_space<vmem>>, vector<1x16xf32>,
        %get3A_1211 = vector.shape_cast %get3A_1210 : vector<1x16xf32> to vector<16xf32>
        %add3A_1212 = arith.addf %get3A_1205, %get3A_1211 : vector<16xf32>
        %mul3A_1213 = arith.constant 5.000000e-01 : f32
        %mul3A_1214 = vector.broadcast %mul3A_1213 : f32 to vector<16xf32>
        %mul3A_1215 = arith.mulf %add3A_1212, %mul3A_1214 : vector<16xf32>
        %swap3A_1216 = arith.index_cast %scan3A_1146 : i32 to index
        %swap3A_1217 = arith.constant 32 : index
        %swap3A_1218 = tpu.vector_load %arg15[%swap3A_1216, %swap3A_1217] {strides = array<i32>} : memref<128x128xf32, #tpu.memory_space<vmem>>, vector<1x16xf32>,
        %swap3A_1219 = vector.shape_cast %swap3A_1218 : vector<1x16xf32> to vector<16xf32>
        %swap3A_1220 = vector.shape_cast %mul3A_1215 : vector<16xf32> to vector<1x16xf32>
        tpu.vector_store %arg15[%swap3A_1216, %swap3A_1217], %swap3A_1220 {strides = array<i32>} : memref<128x128xf32, #tpu.memory_space<vmem>>, vector<1x16xf32>,
        %add3A_1221 = arith.addf %add3A_1173, %mul3A_1215 : vector<16xf32>
        %mul3A_1222 = arith.mulf %mul3A_1215, %mul3A_1215 : vector<16xf32>
        %add3A_1223 = arith.addf %add3A_1175, %mul3A_1222 : vector<16xf32>
        %add3A_1224 = arith.constant 3 : i32
        %add3A_1225 = arith.addi %mul3A_1152, %add3A_1224 : i32
        %get3A_1226 = arith.index_cast %add3A_1225 : i32 to index
        %get3A_1227 = arith.constant 0 : index
        %get3A_1228 = tpu.vector_load %arg11[%get3A_1226, %get3A_1227] {strides = array<i32>} : memref<1024x16xf32, #tpu.memory_space<vmem>>, vector<1x16xf32>,
        %get3A_1229 = vector.shape_cast %get3A_1228 : vector<1x16xf32> to vector<16xf32>
        %add3A_1230 = arith.constant 3 : i32
        %add3A_1231 = arith.addi %mul3A_1152, %add3A_1230 : i32
        %get3A_1232 = arith.index_cast %add3A_1231 : i32 to index
        %get3A_1233 = arith.constant 0 : index
        %get3A_1234 = tpu.vector_load %arg12[%get3A_1232, %get3A_1233] {strides = array<i32>} : memref<1024x16xf32, #tpu.memory_space<vmem>>, vector<1x16xf32>,
        %get3A_1235 = vector.shape_cast %get3A_1234 : vector<1x16xf32> to vector<16xf32>
        %add3A_1236 = arith.addf %get3A_1229, %get3A_1235 : vector<16xf32>
        %mul3A_1237 = arith.constant 5.000000e-01 : f32
        %mul3A_1238 = vector.broadcast %mul3A_1237 : f32 to vector<16xf32>
        %mul3A_1239 = arith.mulf %add3A_1236, %mul3A_1238 : vector<16xf32>
        %swap3A_1240 = arith.index_cast %scan3A_1146 : i32 to index
        %swap3A_1241 = arith.constant 48 : index
        %swap3A_1242 = tpu.vector_load %arg15[%swap3A_1240, %swap3A_1241] {strides = array<i32>} : memref<128x128xf32, #tpu.memory_space<vmem>>, vector<1x16xf32>,
        %swap3A_1243 = vector.shape_cast %swap3A_1242 : vector<1x16xf32> to vector<16xf32>
        %swap3A_1244 = vector.shape_cast %mul3A_1239 : vector<16xf32> to vector<1x16xf32>
        tpu.vector_store %arg15[%swap3A_1240, %swap3A_1241], %swap3A_1244 {strides = array<i32>} : memref<128x128xf32, #tpu.memory_space<vmem>>, vector<1x16xf32>,
        %add3A_1245 = arith.addf %add3A_1197, %mul3A_1239 : vector<16xf32>
        %mul3A_1246 = arith.mulf %mul3A_1239, %mul3A_1239 : vector<16xf32>
        %add3A_1247 = arith.addf %add3A_1199, %mul3A_1246 : vector<16xf32>
        %add3A_1248 = arith.constant 4 : i32
        %add3A_1249 = arith.addi %mul3A_1152, %add3A_1248 : i32
        %get3A_1250 = arith.index_cast %add3A_1249 : i32 to index
        %get3A_1251 = arith.constant 0 : index
        %get3A_1252 = tpu.vector_load %arg11[%get3A_1250, %get3A_1251] {strides = array<i32>} : memref<1024x16xf32, #tpu.memory_space<vmem>>, vector<1x16xf32>,
        %get3A_1253 = vector.shape_cast %get3A_1252 : vector<1x16xf32> to vector<16xf32>
        %add3A_1254 = arith.constant 4 : i32
        %add3A_1255 = arith.addi %mul3A_1152, %add3A_1254 : i32
        %get3A_1256 = arith.index_cast %add3A_1255 : i32 to index
        %get3A_1257 = arith.constant 0 : index
        %get3A_1258 = tpu.vector_load %arg12[%get3A_1256, %get3A_1257] {strides = array<i32>} : memref<1024x16xf32, #tpu.memory_space<vmem>>, vector<1x16xf32>,
        %get3A_1259 = vector.shape_cast %get3A_1258 : vector<1x16xf32> to vector<16xf32>
        %add3A_1260 = arith.addf %get3A_1253, %get3A_1259 : vector<16xf32>
        %mul3A_1261 = arith.constant 5.000000e-01 : f32
        %mul3A_1262 = vector.broadcast %mul3A_1261 : f32 to vector<16xf32>
        %mul3A_1263 = arith.mulf %add3A_1260, %mul3A_1262 : vector<16xf32>
        %swap3A_1264 = arith.index_cast %scan3A_1146 : i32 to index
        %swap3A_1265 = arith.constant 64 : index
        %swap3A_1266 = tpu.vector_load %arg15[%swap3A_1264, %swap3A_1265] {strides = array<i32>} : memref<128x128xf32, #tpu.memory_space<vmem>>, vector<1x16xf32>,
        %swap3A_1267 = vector.shape_cast %swap3A_1266 : vector<1x16xf32> to vector<16xf32>
        %swap3A_1268 = vector.shape_cast %mul3A_1263 : vector<16xf32> to vector<1x16xf32>
        tpu.vector_store %arg15[%swap3A_1264, %swap3A_1265], %swap3A_1268 {strides = array<i32>} : memref<128x128xf32, #tpu.memory_space<vmem>>, vector<1x16xf32>,
        %add3A_1269 = arith.addf %add3A_1221, %mul3A_1263 : vector<16xf32>
        %mul3A_1270 = arith.mulf %mul3A_1263, %mul3A_1263 : vector<16xf32>
        %add3A_1271 = arith.addf %add3A_1223, %mul3A_1270 : vector<16xf32>
        %add3A_1272 = arith.constant 5 : i32
        %add3A_1273 = arith.addi %mul3A_1152, %add3A_1272 : i32
        %get3A_1274 = arith.index_cast %add3A_1273 : i32 to index
        %get3A_1275 = arith.constant 0 : index
        %get3A_1276 = tpu.vector_load %arg11[%get3A_1274, %get3A_1275] {strides = array<i32>} : memref<1024x16xf32, #tpu.memory_space<vmem>>, vector<1x16xf32>,
        %get3A_1277 = vector.shape_cast %get3A_1276 : vector<1x16xf32> to vector<16xf32>
        %add3A_1278 = arith.constant 5 : i32
        %add3A_1279 = arith.addi %mul3A_1152, %add3A_1278 : i32
        %get3A_1280 = arith.index_cast %add3A_1279 : i32 to index
        %get3A_1281 = arith.constant 0 : index
        %get3A_1282 = tpu.vector_load %arg12[%get3A_1280, %get3A_1281] {strides = array<i32>} : memref<1024x16xf32, #tpu.memory_space<vmem>>, vector<1x16xf32>,
        %get3A_1283 = vector.shape_cast %get3A_1282 : vector<1x16xf32> to vector<16xf32>
        %add3A_1284 = arith.addf %get3A_1277, %get3A_1283 : vector<16xf32>
        %mul3A_1285 = arith.constant 5.000000e-01 : f32
        %mul3A_1286 = vector.broadcast %mul3A_1285 : f32 to vector<16xf32>
        %mul3A_1287 = arith.mulf %add3A_1284, %mul3A_1286 : vector<16xf32>
        %swap3A_1288 = arith.index_cast %scan3A_1146 : i32 to index
        %swap3A_1289 = arith.constant 80 : index
        %swap3A_1290 = tpu.vector_load %arg15[%swap3A_1288, %swap3A_1289] {strides = array<i32>} : memref<128x128xf32, #tpu.memory_space<vmem>>, vector<1x16xf32>,
        %swap3A_1291 = vector.shape_cast %swap3A_1290 : vector<1x16xf32> to vector<16xf32>
        %swap3A_1292 = vector.shape_cast %mul3A_1287 : vector<16xf32> to vector<1x16xf32>
        tpu.vector_store %arg15[%swap3A_1288, %swap3A_1289], %swap3A_1292 {strides = array<i32>} : memref<128x128xf32, #tpu.memory_space<vmem>>, vector<1x16xf32>,
        %add3A_1293 = arith.addf %add3A_1245, %mul3A_1287 : vector<16xf32>
        %mul3A_1294 = arith.mulf %mul3A_1287, %mul3A_1287 : vector<16xf32>
        %add3A_1295 = arith.addf %add3A_1247, %mul3A_1294 : vector<16xf32>
        %add3A_1296 = arith.constant 6 : i32
        %add3A_1297 = arith.addi %mul3A_1152, %add3A_1296 : i32
        %get3A_1298 = arith.index_cast %add3A_1297 : i32 to index
        %get3A_1299 = arith.constant 0 : index
        %get3A_1300 = tpu.vector_load %arg11[%get3A_1298, %get3A_1299] {strides = array<i32>} : memref<1024x16xf32, #tpu.memory_space<vmem>>, vector<1x16xf32>,
        %get3A_1301 = vector.shape_cast %get3A_1300 : vector<1x16xf32> to vector<16xf32>
        %add3A_1302 = arith.constant 6 : i32
        %add3A_1303 = arith.addi %mul3A_1152, %add3A_1302 : i32
        %get3A_1304 = arith.index_cast %add3A_1303 : i32 to index
        %get3A_1305 = arith.constant 0 : index
        %get3A_1306 = tpu.vector_load %arg12[%get3A_1304, %get3A_1305] {strides = array<i32>} : memref<1024x16xf32, #tpu.memory_space<vmem>>, vector<1x16xf32>,
        %get3A_1307 = vector.shape_cast %get3A_1306 : vector<1x16xf32> to vector<16xf32>
        %add3A_1308 = arith.addf %get3A_1301, %get3A_1307 : vector<16xf32>
        %mul3A_1309 = arith.constant 5.000000e-01 : f32
        %mul3A_1310 = vector.broadcast %mul3A_1309 : f32 to vector<16xf32>
        %mul3A_1311 = arith.mulf %add3A_1308, %mul3A_1310 : vector<16xf32>
        %swap3A_1312 = arith.index_cast %scan3A_1146 : i32 to index
        %swap3A_1313 = arith.constant 96 : index
        %swap3A_1314 = tpu.vector_load %arg15[%swap3A_1312, %swap3A_1313] {strides = array<i32>} : memref<128x128xf32, #tpu.memory_space<vmem>>, vector<1x16xf32>,
        %swap3A_1315 = vector.shape_cast %swap3A_1314 : vector<1x16xf32> to vector<16xf32>
        %swap3A_1316 = vector.shape_cast %mul3A_1311 : vector<16xf32> to vector<1x16xf32>
        tpu.vector_store %arg15[%swap3A_1312, %swap3A_1313], %swap3A_1316 {strides = array<i32>} : memref<128x128xf32, #tpu.memory_space<vmem>>, vector<1x16xf32>,
        %add3A_1317 = arith.addf %add3A_1269, %mul3A_1311 : vector<16xf32>
        %mul3A_1318 = arith.mulf %mul3A_1311, %mul3A_1311 : vector<16xf32>
        %add3A_1319 = arith.addf %add3A_1271, %mul3A_1318 : vector<16xf32>
        %add3A_1320 = arith.constant 7 : i32
        %add3A_1321 = arith.addi %mul3A_1152, %add3A_1320 : i32
        %get3A_1322 = arith.index_cast %add3A_1321 : i32 to index
        %get3A_1323 = arith.constant 0 : index
        %get3A_1324 = tpu.vector_load %arg11[%get3A_1322, %get3A_1323] {strides = array<i32>} : memref<1024x16xf32, #tpu.memory_space<vmem>>, vector<1x16xf32>,
        %get3A_1325 = vector.shape_cast %get3A_1324 : vector<1x16xf32> to vector<16xf32>
        %add3A_1326 = arith.constant 7 : i32
        %add3A_1327 = arith.addi %mul3A_1152, %add3A_1326 : i32
        %get3A_1328 = arith.index_cast %add3A_1327 : i32 to index
        %get3A_1329 = arith.constant 0 : index
        %get3A_1330 = tpu.vector_load %arg12[%get3A_1328, %get3A_1329] {strides = array<i32>} : memref<1024x16xf32, #tpu.memory_space<vmem>>, vector<1x16xf32>,
        %get3A_1331 = vector.shape_cast %get3A_1330 : vector<1x16xf32> to vector<16xf32>
        %add3A_1332 = arith.addf %get3A_1325, %get3A_1331 : vector<16xf32>
        %mul3A_1333 = arith.constant 5.000000e-01 : f32
        %mul3A_1334 = vector.broadcast %mul3A_1333 : f32 to vector<16xf32>
        %mul3A_1335 = arith.mulf %add3A_1332, %mul3A_1334 : vector<16xf32>
        %swap3A_1336 = arith.index_cast %scan3A_1146 : i32 to index
        %swap3A_1337 = arith.constant 112 : index
        %swap3A_1338 = tpu.vector_load %arg15[%swap3A_1336, %swap3A_1337] {strides = array<i32>} : memref<128x128xf32, #tpu.memory_space<vmem>>, vector<1x16xf32>,
        %swap3A_1339 = vector.shape_cast %swap3A_1338 : vector<1x16xf32> to vector<16xf32>
        %swap3A_1340 = vector.shape_cast %mul3A_1335 : vector<16xf32> to vector<1x16xf32>
        tpu.vector_store %arg15[%swap3A_1336, %swap3A_1337], %swap3A_1340 {strides = array<i32>} : memref<128x128xf32, #tpu.memory_space<vmem>>, vector<1x16xf32>,
        %add3A_1341 = arith.addf %add3A_1293, %mul3A_1335 : vector<16xf32>
        %mul3A_1342 = arith.mulf %mul3A_1335, %mul3A_1335 : vector<16xf32>
        %add3A_1343 = arith.addf %add3A_1295, %mul3A_1342 : vector<16xf32>
        scf.yield %add3A_1317, %add3A_1319, %add3A_1341, %add3A_1343 : vector<16xf32>, vector<16xf32>, vector<16xf32>, vector<16xf32>
      }
      %scan3A_758 = arith.constant 128 : i32
      %lt3A_759 = arith.constant 48 : i32
      %lt3A_760 = arith.cmpi slt, %mul3A_752, %lt3A_759 : i32
      %mul3A_761 = arith.constant 8 : i32
      %mul3A_762 = arith.muli %mul3A_752, %mul3A_761 : i32
      %add3A_763 = arith.addi %add3A_35, %mul3A_762 : i32
      %sub3A_764 = arith.constant 48 : i32
      %sub3A_765 = arith.subi %mul3A_752, %sub3A_764 : i32
      %mul3A_766 = arith.constant 8 : i32
      %mul3A_767 = arith.muli %sub3A_765, %mul3A_766 : i32
      %add3A_768 = arith.addi %add3A_42, %mul3A_767 : i32
      %select_n3A_769 = arith.select %lt3A_760, %add3A_763, %add3A_768 : i32
      %mul3A_770 = arith.constant 16 : i32
      %mul3A_771 = arith.muli %select_n3A_769, %mul3A_770 : i32
      %dma_start3A_772 = arith.constant 0 : i32
      %dma_start3A_773 = tpu.memref_slice %arg5[%mul3A_771, %dma_start3A_772] : memref<208896x128xf32, #tpu.memory_space<hbm>> -> memref<128x128xf32, #tpu.memory_space<hbm>>
      %dma_start3A_774 = arith.constant 0 : i32
      %dma_start3A_775 = tpu.memref_slice %arg5[%mul3A_771, %dma_start3A_774] : memref<208896x128xf32, #tpu.memory_space<hbm>> -> memref<128x128xf32, #tpu.memory_space<hbm>>
      tpu.enqueue_dma source(%arg15 : memref<128x128xf32, #tpu.memory_space<vmem>>) target(%dma_start3A_775 : memref<128x128xf32, #tpu.memory_space<hbm>>) target_semaphore(%arg19 : memref<!tpu.dma_semaphore, #tpu.memory_space<semaphore_mem>>)
      %dma_wait3A_776 = arith.constant 0 : i32
      %dma_wait3A_777 = tpu.memref_slice %arg5[%mul3A_771, %dma_wait3A_776] : memref<208896x128xf32, #tpu.memory_space<hbm>> -> memref<128x128xf32, #tpu.memory_space<hbm>>
      %dma_wait3A_778 = arith.constant 0 : i32
      %dma_wait3A_779 = tpu.memref_slice %arg5[%mul3A_771, %dma_wait3A_778] : memref<208896x128xf32, #tpu.memory_space<hbm>> -> memref<128x128xf32, #tpu.memory_space<hbm>>
      tpu.wait_dma2 semaphore(%arg19 : memref<!tpu.dma_semaphore, #tpu.memory_space<semaphore_mem>>) src(%arg15 : memref<128x128xf32, #tpu.memory_space<vmem>>) dst(%dma_wait3A_779 : memref<128x128xf32, #tpu.memory_space<hbm>>)
      %dma_wait3A_780 = arith.constant 0 : i32
      %dma_wait3A_781 = arith.constant 0 : i32
      %dma_wait3A_782 = arith.constant 0 : i32
      %dma_wait3A_783 = tpu.memref_slice %arg13[%dma_wait3A_781, %dma_wait3A_782] : memref<1024x16xf32, #tpu.memory_space<vmem>> -> memref<128x16xf32, #tpu.memory_space<vmem>>
      %dma_wait3A_784 = arith.constant 0 : i32
      %dma_wait3A_785 = tpu.memref_slice %arg9[%dma_wait3A_780, %dma_wait3A_784] : memref<8x128xi32, #tpu.memory_space<vmem>> -> memref<1x128xi32, #tpu.memory_space<vmem>>
      %dma_wait3A_786 = tpu.memref_squeeze %dma_wait3A_785 : memref<1x128xi32, #tpu.memory_space<vmem>> -> memref<128xi32, #tpu.memory_space<vmem>>
      %dma_wait3A_787 = arith.constant 0 : i32
      %dma_wait3A_788 = arith.constant 0 : i32
      %dma_wait3A_789 = tpu.memref_slice %arg4[%dma_wait3A_787, %dma_wait3A_788] : memref<98304x16xf32, #tpu.memory_space<hbm>> -> memref<98304x16xf32, #tpu.memory_space<hbm>>
      tpu.wait_indirect_dma semaphore(%arg18 : memref<!tpu.dma_semaphore, #tpu.memory_space<semaphore_mem>>) src(%dma_wait3A_789 : memref<98304x16xf32, #tpu.memory_space<hbm>>) dst(%dma_wait3A_783 : memref<128x16xf32, #tpu.memory_space<vmem>>)
      %dma_wait3A_790 = arith.constant 0 : i32
      %dma_wait3A_791 = arith.constant 0 : i32
      %dma_wait3A_792 = arith.constant 0 : i32
      %dma_wait3A_793 = tpu.memref_slice %arg14[%dma_wait3A_791, %dma_wait3A_792] : memref<1024x16xf32, #tpu.memory_space<vmem>> -> memref<128x16xf32, #tpu.memory_space<vmem>>
      %dma_wait3A_794 = arith.constant 0 : i32
      %dma_wait3A_795 = tpu.memref_slice %arg10[%dma_wait3A_790, %dma_wait3A_794] : memref<8x128xi32, #tpu.memory_space<vmem>> -> memref<1x128xi32, #tpu.memory_space<vmem>>
      %dma_wait3A_796 = tpu.memref_squeeze %dma_wait3A_795 : memref<1x128xi32, #tpu.memory_space<vmem>> -> memref<128xi32, #tpu.memory_space<vmem>>
      %dma_wait3A_797 = arith.constant 0 : i32
      %dma_wait3A_798 = arith.constant 0 : i32
      %dma_wait3A_799 = tpu.memref_slice %arg4[%dma_wait3A_797, %dma_wait3A_798] : memref<98304x16xf32, #tpu.memory_space<hbm>> -> memref<98304x16xf32, #tpu.memory_space<hbm>>
      tpu.wait_indirect_dma semaphore(%arg18 : memref<!tpu.dma_semaphore, #tpu.memory_space<semaphore_mem>>) src(%dma_wait3A_799 : memref<98304x16xf32, #tpu.memory_space<hbm>>) dst(%dma_wait3A_793 : memref<128x16xf32, #tpu.memory_space<vmem>>)
      %dma_wait3A_800 = arith.constant 1 : i32
      %dma_wait3A_801 = arith.constant 128 : i32
      %dma_wait3A_802 = arith.constant 0 : i32
      %dma_wait3A_803 = tpu.memref_slice %arg13[%dma_wait3A_801, %dma_wait3A_802] : memref<1024x16xf32, #tpu.memory_space<vmem>> -> memref<128x16xf32, #tpu.memory_space<vmem>>
      %dma_wait3A_804 = arith.constant 0 : i32
      %dma_wait3A_805 = tpu.memref_slice %arg9[%dma_wait3A_800, %dma_wait3A_804] : memref<8x128xi32, #tpu.memory_space<vmem>> -> memref<1x128xi32, #tpu.memory_space<vmem>>
      %dma_wait3A_806 = tpu.memref_squeeze %dma_wait3A_805 : memref<1x128xi32, #tpu.memory_space<vmem>> -> memref<128xi32, #tpu.memory_space<vmem>>
      %dma_wait3A_807 = arith.constant 0 : i32
      %dma_wait3A_808 = arith.constant 0 : i32
      %dma_wait3A_809 = tpu.memref_slice %arg4[%dma_wait3A_807, %dma_wait3A_808] : memref<98304x16xf32, #tpu.memory_space<hbm>> -> memref<98304x16xf32, #tpu.memory_space<hbm>>
      tpu.wait_indirect_dma semaphore(%arg18 : memref<!tpu.dma_semaphore, #tpu.memory_space<semaphore_mem>>) src(%dma_wait3A_809 : memref<98304x16xf32, #tpu.memory_space<hbm>>) dst(%dma_wait3A_803 : memref<128x16xf32, #tpu.memory_space<vmem>>)
      %dma_wait3A_810 = arith.constant 1 : i32
      %dma_wait3A_811 = arith.constant 128 : i32
      %dma_wait3A_812 = arith.constant 0 : i32
      %dma_wait3A_813 = tpu.memref_slice %arg14[%dma_wait3A_811, %dma_wait3A_812] : memref<1024x16xf32, #tpu.memory_space<vmem>> -> memref<128x16xf32, #tpu.memory_space<vmem>>
      %dma_wait3A_814 = arith.constant 0 : i32
      %dma_wait3A_815 = tpu.memref_slice %arg10[%dma_wait3A_810, %dma_wait3A_814] : memref<8x128xi32, #tpu.memory_space<vmem>> -> memref<1x128xi32, #tpu.memory_space<vmem>>
      %dma_wait3A_816 = tpu.memref_squeeze %dma_wait3A_815 : memref<1x128xi32, #tpu.memory_space<vmem>> -> memref<128xi32, #tpu.memory_space<vmem>>
      %dma_wait3A_817 = arith.constant 0 : i32
      %dma_wait3A_818 = arith.constant 0 : i32
      %dma_wait3A_819 = tpu.memref_slice %arg4[%dma_wait3A_817, %dma_wait3A_818] : memref<98304x16xf32, #tpu.memory_space<hbm>> -> memref<98304x16xf32, #tpu.memory_space<hbm>>
      tpu.wait_indirect_dma semaphore(%arg18 : memref<!tpu.dma_semaphore, #tpu.memory_space<semaphore_mem>>) src(%dma_wait3A_819 : memref<98304x16xf32, #tpu.memory_space<hbm>>) dst(%dma_wait3A_813 : memref<128x16xf32, #tpu.memory_space<vmem>>)
      %dma_wait3A_820 = arith.constant 2 : i32
      %dma_wait3A_821 = arith.constant 256 : i32
      %dma_wait3A_822 = arith.constant 0 : i32
      %dma_wait3A_823 = tpu.memref_slice %arg13[%dma_wait3A_821, %dma_wait3A_822] : memref<1024x16xf32, #tpu.memory_space<vmem>> -> memref<128x16xf32, #tpu.memory_space<vmem>>
      %dma_wait3A_824 = arith.constant 0 : i32
      %dma_wait3A_825 = tpu.memref_slice %arg9[%dma_wait3A_820, %dma_wait3A_824] : memref<8x128xi32, #tpu.memory_space<vmem>> -> memref<1x128xi32, #tpu.memory_space<vmem>>
      %dma_wait3A_826 = tpu.memref_squeeze %dma_wait3A_825 : memref<1x128xi32, #tpu.memory_space<vmem>> -> memref<128xi32, #tpu.memory_space<vmem>>
      %dma_wait3A_827 = arith.constant 0 : i32
      %dma_wait3A_828 = arith.constant 0 : i32
      %dma_wait3A_829 = tpu.memref_slice %arg4[%dma_wait3A_827, %dma_wait3A_828] : memref<98304x16xf32, #tpu.memory_space<hbm>> -> memref<98304x16xf32, #tpu.memory_space<hbm>>
      tpu.wait_indirect_dma semaphore(%arg18 : memref<!tpu.dma_semaphore, #tpu.memory_space<semaphore_mem>>) src(%dma_wait3A_829 : memref<98304x16xf32, #tpu.memory_space<hbm>>) dst(%dma_wait3A_823 : memref<128x16xf32, #tpu.memory_space<vmem>>)
      %dma_wait3A_830 = arith.constant 2 : i32
      %dma_wait3A_831 = arith.constant 256 : i32
      %dma_wait3A_832 = arith.constant 0 : i32
      %dma_wait3A_833 = tpu.memref_slice %arg14[%dma_wait3A_831, %dma_wait3A_832] : memref<1024x16xf32, #tpu.memory_space<vmem>> -> memref<128x16xf32, #tpu.memory_space<vmem>>
      %dma_wait3A_834 = arith.constant 0 : i32
      %dma_wait3A_835 = tpu.memref_slice %arg10[%dma_wait3A_830, %dma_wait3A_834] : memref<8x128xi32, #tpu.memory_space<vmem>> -> memref<1x128xi32, #tpu.memory_space<vmem>>
      %dma_wait3A_836 = tpu.memref_squeeze %dma_wait3A_835 : memref<1x128xi32, #tpu.memory_space<vmem>> -> memref<128xi32, #tpu.memory_space<vmem>>
      %dma_wait3A_837 = arith.constant 0 : i32
      %dma_wait3A_838 = arith.constant 0 : i32
      %dma_wait3A_839 = tpu.memref_slice %arg4[%dma_wait3A_837, %dma_wait3A_838] : memref<98304x16xf32, #tpu.memory_space<hbm>> -> memref<98304x16xf32, #tpu.memory_space<hbm>>
      tpu.wait_indirect_dma semaphore(%arg18 : memref<!tpu.dma_semaphore, #tpu.memory_space<semaphore_mem>>) src(%dma_wait3A_839 : memref<98304x16xf32, #tpu.memory_space<hbm>>) dst(%dma_wait3A_833 : memref<128x16xf32, #tpu.memory_space<vmem>>)
      %dma_wait3A_840 = arith.constant 3 : i32
      %dma_wait3A_841 = arith.constant 384 : i32
      %dma_wait3A_842 = arith.constant 0 : i32
      %dma_wait3A_843 = tpu.memref_slice %arg13[%dma_wait3A_841, %dma_wait3A_842] : memref<1024x16xf32, #tpu.memory_space<vmem>> -> memref<128x16xf32, #tpu.memory_space<vmem>>
      %dma_wait3A_844 = arith.constant 0 : i32
      %dma_wait3A_845 = tpu.memref_slice %arg9[%dma_wait3A_840, %dma_wait3A_844] : memref<8x128xi32, #tpu.memory_space<vmem>> -> memref<1x128xi32, #tpu.memory_space<vmem>>
      %dma_wait3A_846 = tpu.memref_squeeze %dma_wait3A_845 : memref<1x128xi32, #tpu.memory_space<vmem>> -> memref<128xi32, #tpu.memory_space<vmem>>
      %dma_wait3A_847 = arith.constant 0 : i32
      %dma_wait3A_848 = arith.constant 0 : i32
      %dma_wait3A_849 = tpu.memref_slice %arg4[%dma_wait3A_847, %dma_wait3A_848] : memref<98304x16xf32, #tpu.memory_space<hbm>> -> memref<98304x16xf32, #tpu.memory_space<hbm>>
      tpu.wait_indirect_dma semaphore(%arg18 : memref<!tpu.dma_semaphore, #tpu.memory_space<semaphore_mem>>) src(%dma_wait3A_849 : memref<98304x16xf32, #tpu.memory_space<hbm>>) dst(%dma_wait3A_843 : memref<128x16xf32, #tpu.memory_space<vmem>>)
      %dma_wait3A_850 = arith.constant 3 : i32
      %dma_wait3A_851 = arith.constant 384 : i32
      %dma_wait3A_852 = arith.constant 0 : i32
      %dma_wait3A_853 = tpu.memref_slice %arg14[%dma_wait3A_851, %dma_wait3A_852] : memref<1024x16xf32, #tpu.memory_space<vmem>> -> memref<128x16xf32, #tpu.memory_space<vmem>>
      %dma_wait3A_854 = arith.constant 0 : i32
      %dma_wait3A_855 = tpu.memref_slice %arg10[%dma_wait3A_850, %dma_wait3A_854] : memref<8x128xi32, #tpu.memory_space<vmem>> -> memref<1x128xi32, #tpu.memory_space<vmem>>
      %dma_wait3A_856 = tpu.memref_squeeze %dma_wait3A_855 : memref<1x128xi32, #tpu.memory_space<vmem>> -> memref<128xi32, #tpu.memory_space<vmem>>
      %dma_wait3A_857 = arith.constant 0 : i32
      %dma_wait3A_858 = arith.constant 0 : i32
      %dma_wait3A_859 = tpu.memref_slice %arg4[%dma_wait3A_857, %dma_wait3A_858] : memref<98304x16xf32, #tpu.memory_space<hbm>> -> memref<98304x16xf32, #tpu.memory_space<hbm>>
      tpu.wait_indirect_dma semaphore(%arg18 : memref<!tpu.dma_semaphore, #tpu.memory_space<semaphore_mem>>) src(%dma_wait3A_859 : memref<98304x16xf32, #tpu.memory_space<hbm>>) dst(%dma_wait3A_853 : memref<128x16xf32, #tpu.memory_space<vmem>>)
      %dma_wait3A_860 = arith.constant 4 : i32
      %dma_wait3A_861 = arith.constant 512 : i32
      %dma_wait3A_862 = arith.constant 0 : i32
      %dma_wait3A_863 = tpu.memref_slice %arg13[%dma_wait3A_861, %dma_wait3A_862] : memref<1024x16xf32, #tpu.memory_space<vmem>> -> memref<128x16xf32, #tpu.memory_space<vmem>>
      %dma_wait3A_864 = arith.constant 0 : i32
      %dma_wait3A_865 = tpu.memref_slice %arg9[%dma_wait3A_860, %dma_wait3A_864] : memref<8x128xi32, #tpu.memory_space<vmem>> -> memref<1x128xi32, #tpu.memory_space<vmem>>
      %dma_wait3A_866 = tpu.memref_squeeze %dma_wait3A_865 : memref<1x128xi32, #tpu.memory_space<vmem>> -> memref<128xi32, #tpu.memory_space<vmem>>
      %dma_wait3A_867 = arith.constant 0 : i32
      %dma_wait3A_868 = arith.constant 0 : i32
      %dma_wait3A_869 = tpu.memref_slice %arg4[%dma_wait3A_867, %dma_wait3A_868] : memref<98304x16xf32, #tpu.memory_space<hbm>> -> memref<98304x16xf32, #tpu.memory_space<hbm>>
      tpu.wait_indirect_dma semaphore(%arg18 : memref<!tpu.dma_semaphore, #tpu.memory_space<semaphore_mem>>) src(%dma_wait3A_869 : memref<98304x16xf32, #tpu.memory_space<hbm>>) dst(%dma_wait3A_863 : memref<128x16xf32, #tpu.memory_space<vmem>>)
      %dma_wait3A_870 = arith.constant 4 : i32
      %dma_wait3A_871 = arith.constant 512 : i32
      %dma_wait3A_872 = arith.constant 0 : i32
      %dma_wait3A_873 = tpu.memref_slice %arg14[%dma_wait3A_871, %dma_wait3A_872] : memref<1024x16xf32, #tpu.memory_space<vmem>> -> memref<128x16xf32, #tpu.memory_space<vmem>>
      %dma_wait3A_874 = arith.constant 0 : i32
      %dma_wait3A_875 = tpu.memref_slice %arg10[%dma_wait3A_870, %dma_wait3A_874] : memref<8x128xi32, #tpu.memory_space<vmem>> -> memref<1x128xi32, #tpu.memory_space<vmem>>
      %dma_wait3A_876 = tpu.memref_squeeze %dma_wait3A_875 : memref<1x128xi32, #tpu.memory_space<vmem>> -> memref<128xi32, #tpu.memory_space<vmem>>
      %dma_wait3A_877 = arith.constant 0 : i32
      %dma_wait3A_878 = arith.constant 0 : i32
      %dma_wait3A_879 = tpu.memref_slice %arg4[%dma_wait3A_877, %dma_wait3A_878] : memref<98304x16xf32, #tpu.memory_space<hbm>> -> memref<98304x16xf32, #tpu.memory_space<hbm>>
      tpu.wait_indirect_dma semaphore(%arg18 : memref<!tpu.dma_semaphore, #tpu.memory_space<semaphore_mem>>) src(%dma_wait3A_879 : memref<98304x16xf32, #tpu.memory_space<hbm>>) dst(%dma_wait3A_873 : memref<128x16xf32, #tpu.memory_space<vmem>>)
      %dma_wait3A_880 = arith.constant 5 : i32
      %dma_wait3A_881 = arith.constant 640 : i32
      %dma_wait3A_882 = arith.constant 0 : i32
      %dma_wait3A_883 = tpu.memref_slice %arg13[%dma_wait3A_881, %dma_wait3A_882] : memref<1024x16xf32, #tpu.memory_space<vmem>> -> memref<128x16xf32, #tpu.memory_space<vmem>>
      %dma_wait3A_884 = arith.constant 0 : i32
      %dma_wait3A_885 = tpu.memref_slice %arg9[%dma_wait3A_880, %dma_wait3A_884] : memref<8x128xi32, #tpu.memory_space<vmem>> -> memref<1x128xi32, #tpu.memory_space<vmem>>
      %dma_wait3A_886 = tpu.memref_squeeze %dma_wait3A_885 : memref<1x128xi32, #tpu.memory_space<vmem>> -> memref<128xi32, #tpu.memory_space<vmem>>
      %dma_wait3A_887 = arith.constant 0 : i32
      %dma_wait3A_888 = arith.constant 0 : i32
      %dma_wait3A_889 = tpu.memref_slice %arg4[%dma_wait3A_887, %dma_wait3A_888] : memref<98304x16xf32, #tpu.memory_space<hbm>> -> memref<98304x16xf32, #tpu.memory_space<hbm>>
      tpu.wait_indirect_dma semaphore(%arg18 : memref<!tpu.dma_semaphore, #tpu.memory_space<semaphore_mem>>) src(%dma_wait3A_889 : memref<98304x16xf32, #tpu.memory_space<hbm>>) dst(%dma_wait3A_883 : memref<128x16xf32, #tpu.memory_space<vmem>>)
      %dma_wait3A_890 = arith.constant 5 : i32
      %dma_wait3A_891 = arith.constant 640 : i32
      %dma_wait3A_892 = arith.constant 0 : i32
      %dma_wait3A_893 = tpu.memref_slice %arg14[%dma_wait3A_891, %dma_wait3A_892] : memref<1024x16xf32, #tpu.memory_space<vmem>> -> memref<128x16xf32, #tpu.memory_space<vmem>>
      %dma_wait3A_894 = arith.constant 0 : i32
      %dma_wait3A_895 = tpu.memref_slice %arg10[%dma_wait3A_890, %dma_wait3A_894] : memref<8x128xi32, #tpu.memory_space<vmem>> -> memref<1x128xi32, #tpu.memory_space<vmem>>
      %dma_wait3A_896 = tpu.memref_squeeze %dma_wait3A_895 : memref<1x128xi32, #tpu.memory_space<vmem>> -> memref<128xi32, #tpu.memory_space<vmem>>
      %dma_wait3A_897 = arith.constant 0 : i32
      %dma_wait3A_898 = arith.constant 0 : i32
      %dma_wait3A_899 = tpu.memref_slice %arg4[%dma_wait3A_897, %dma_wait3A_898] : memref<98304x16xf32, #tpu.memory_space<hbm>> -> memref<98304x16xf32, #tpu.memory_space<hbm>>
      tpu.wait_indirect_dma semaphore(%arg18 : memref<!tpu.dma_semaphore, #tpu.memory_space<semaphore_mem>>) src(%dma_wait3A_899 : memref<98304x16xf32, #tpu.memory_space<hbm>>) dst(%dma_wait3A_893 : memref<128x16xf32, #tpu.memory_space<vmem>>)
      %dma_wait3A_900 = arith.constant 6 : i32
      %dma_wait3A_901 = arith.constant 768 : i32
      %dma_wait3A_902 = arith.constant 0 : i32
      %dma_wait3A_903 = tpu.memref_slice %arg13[%dma_wait3A_901, %dma_wait3A_902] : memref<1024x16xf32, #tpu.memory_space<vmem>> -> memref<128x16xf32, #tpu.memory_space<vmem>>
      %dma_wait3A_904 = arith.constant 0 : i32
      %dma_wait3A_905 = tpu.memref_slice %arg9[%dma_wait3A_900, %dma_wait3A_904] : memref<8x128xi32, #tpu.memory_space<vmem>> -> memref<1x128xi32, #tpu.memory_space<vmem>>
      %dma_wait3A_906 = tpu.memref_squeeze %dma_wait3A_905 : memref<1x128xi32, #tpu.memory_space<vmem>> -> memref<128xi32, #tpu.memory_space<vmem>>
      %dma_wait3A_907 = arith.constant 0 : i32
      %dma_wait3A_908 = arith.constant 0 : i32
      %dma_wait3A_909 = tpu.memref_slice %arg4[%dma_wait3A_907, %dma_wait3A_908] : memref<98304x16xf32, #tpu.memory_space<hbm>> -> memref<98304x16xf32, #tpu.memory_space<hbm>>
      tpu.wait_indirect_dma semaphore(%arg18 : memref<!tpu.dma_semaphore, #tpu.memory_space<semaphore_mem>>) src(%dma_wait3A_909 : memref<98304x16xf32, #tpu.memory_space<hbm>>) dst(%dma_wait3A_903 : memref<128x16xf32, #tpu.memory_space<vmem>>)
      %dma_wait3A_910 = arith.constant 6 : i32
      %dma_wait3A_911 = arith.constant 768 : i32
      %dma_wait3A_912 = arith.constant 0 : i32
      %dma_wait3A_913 = tpu.memref_slice %arg14[%dma_wait3A_911, %dma_wait3A_912] : memref<1024x16xf32, #tpu.memory_space<vmem>> -> memref<128x16xf32, #tpu.memory_space<vmem>>
      %dma_wait3A_914 = arith.constant 0 : i32
      %dma_wait3A_915 = tpu.memref_slice %arg10[%dma_wait3A_910, %dma_wait3A_914] : memref<8x128xi32, #tpu.memory_space<vmem>> -> memref<1x128xi32, #tpu.memory_space<vmem>>
      %dma_wait3A_916 = tpu.memref_squeeze %dma_wait3A_915 : memref<1x128xi32, #tpu.memory_space<vmem>> -> memref<128xi32, #tpu.memory_space<vmem>>
      %dma_wait3A_917 = arith.constant 0 : i32
      %dma_wait3A_918 = arith.constant 0 : i32
      %dma_wait3A_919 = tpu.memref_slice %arg4[%dma_wait3A_917, %dma_wait3A_918] : memref<98304x16xf32, #tpu.memory_space<hbm>> -> memref<98304x16xf32, #tpu.memory_space<hbm>>
      tpu.wait_indirect_dma semaphore(%arg18 : memref<!tpu.dma_semaphore, #tpu.memory_space<semaphore_mem>>) src(%dma_wait3A_919 : memref<98304x16xf32, #tpu.memory_space<hbm>>) dst(%dma_wait3A_913 : memref<128x16xf32, #tpu.memory_space<vmem>>)
      %dma_wait3A_920 = arith.constant 7 : i32
      %dma_wait3A_921 = arith.constant 896 : i32
      %dma_wait3A_922 = arith.constant 0 : i32
      %dma_wait3A_923 = tpu.memref_slice %arg13[%dma_wait3A_921, %dma_wait3A_922] : memref<1024x16xf32, #tpu.memory_space<vmem>> -> memref<128x16xf32, #tpu.memory_space<vmem>>
      %dma_wait3A_924 = arith.constant 0 : i32
      %dma_wait3A_925 = tpu.memref_slice %arg9[%dma_wait3A_920, %dma_wait3A_924] : memref<8x128xi32, #tpu.memory_space<vmem>> -> memref<1x128xi32, #tpu.memory_space<vmem>>
      %dma_wait3A_926 = tpu.memref_squeeze %dma_wait3A_925 : memref<1x128xi32, #tpu.memory_space<vmem>> -> memref<128xi32, #tpu.memory_space<vmem>>
      %dma_wait3A_927 = arith.constant 0 : i32
      %dma_wait3A_928 = arith.constant 0 : i32
      %dma_wait3A_929 = tpu.memref_slice %arg4[%dma_wait3A_927, %dma_wait3A_928] : memref<98304x16xf32, #tpu.memory_space<hbm>> -> memref<98304x16xf32, #tpu.memory_space<hbm>>
      tpu.wait_indirect_dma semaphore(%arg18 : memref<!tpu.dma_semaphore, #tpu.memory_space<semaphore_mem>>) src(%dma_wait3A_929 : memref<98304x16xf32, #tpu.memory_space<hbm>>) dst(%dma_wait3A_923 : memref<128x16xf32, #tpu.memory_space<vmem>>)
      %dma_wait3A_930 = arith.constant 7 : i32
      %dma_wait3A_931 = arith.constant 896 : i32
      %dma_wait3A_932 = arith.constant 0 : i32
      %dma_wait3A_933 = tpu.memref_slice %arg14[%dma_wait3A_931, %dma_wait3A_932] : memref<1024x16xf32, #tpu.memory_space<vmem>> -> memref<128x16xf32, #tpu.memory_space<vmem>>
      %dma_wait3A_934 = arith.constant 0 : i32
      %dma_wait3A_935 = tpu.memref_slice %arg10[%dma_wait3A_930, %dma_wait3A_934] : memref<8x128xi32, #tpu.memory_space<vmem>> -> memref<1x128xi32, #tpu.memory_space<vmem>>
      %dma_wait3A_936 = tpu.memref_squeeze %dma_wait3A_935 : memref<1x128xi32, #tpu.memory_space<vmem>> -> memref<128xi32, #tpu.memory_space<vmem>>
      %dma_wait3A_937 = arith.constant 0 : i32
      %dma_wait3A_938 = arith.constant 0 : i32
      %dma_wait3A_939 = tpu.memref_slice %arg4[%dma_wait3A_937, %dma_wait3A_938] : memref<98304x16xf32, #tpu.memory_space<hbm>> -> memref<98304x16xf32, #tpu.memory_space<hbm>>
      tpu.wait_indirect_dma semaphore(%arg18 : memref<!tpu.dma_semaphore, #tpu.memory_space<semaphore_mem>>) src(%dma_wait3A_939 : memref<98304x16xf32, #tpu.memory_space<hbm>>) dst(%dma_wait3A_933 : memref<128x16xf32, #tpu.memory_space<vmem>>)
      %mul3A_940 = arith.constant 2 : i32
      %mul3A_941 = arith.muli %mul3A_940, %scan3A_411 : i32
      %add3A_942 = arith.constant 2 : i32
      %add3A_943 = arith.addi %mul3A_941, %add3A_942 : i32
      %lt3A_944 = arith.constant 48 : i32
      %lt3A_945 = arith.cmpi slt, %add3A_943, %lt3A_944 : i32
      %mul3A_946 = arith.constant 8 : i32
      %mul3A_947 = arith.muli %add3A_943, %mul3A_946 : i32
      %add3A_948 = arith.addi %add3A_35, %mul3A_947 : i32
      %sub3A_949 = arith.constant 48 : i32
      %sub3A_950 = arith.subi %add3A_943, %sub3A_949 : i32
      %mul3A_951 = arith.constant 8 : i32
      %mul3A_952 = arith.muli %sub3A_950, %mul3A_951 : i32
      %add3A_953 = arith.addi %add3A_42, %mul3A_952 : i32
      %select_n3A_954 = arith.select %lt3A_945, %add3A_948, %add3A_953 : i32
      "tpu.region"() ({
        %run_scoped3A_1146 = tpu.sem_alloc : memref<!tpu.dma_semaphore, #tpu.memory_space<semaphore_mem>>
        %dma_start3A_1147 = arith.constant 0 : i32
        %dma_start3A_1148 = tpu.memref_slice %arg2[%select_n3A_954, %dma_start3A_1147] : memref<13056x128xi32, #tpu.memory_space<hbm>> -> memref<8x128xi32, #tpu.memory_space<hbm>>
        %dma_start3A_1149 = arith.constant 0 : i32
        %dma_start3A_1150 = tpu.memref_slice %arg2[%select_n3A_954, %dma_start3A_1149] : memref<13056x128xi32, #tpu.memory_space<hbm>> -> memref<8x128xi32, #tpu.memory_space<hbm>>
        tpu.enqueue_dma source(%dma_start3A_1150 : memref<8x128xi32, #tpu.memory_space<hbm>>) target(%arg7 : memref<8x128xi32, #tpu.memory_space<vmem>>) target_semaphore(%run_scoped3A_1146 : memref<!tpu.dma_semaphore, #tpu.memory_space<semaphore_mem>>)
        %dma_wait3A_1151 = arith.constant 0 : i32
        %dma_wait3A_1152 = tpu.memref_slice %arg2[%select_n3A_954, %dma_wait3A_1151] : memref<13056x128xi32, #tpu.memory_space<hbm>> -> memref<8x128xi32, #tpu.memory_space<hbm>>
        %dma_wait3A_1153 = arith.constant 0 : i32
        %dma_wait3A_1154 = tpu.memref_slice %arg2[%select_n3A_954, %dma_wait3A_1153] : memref<13056x128xi32, #tpu.memory_space<hbm>> -> memref<8x128xi32, #tpu.memory_space<hbm>>
        tpu.wait_dma2 semaphore(%run_scoped3A_1146 : memref<!tpu.dma_semaphore, #tpu.memory_space<semaphore_mem>>) src(%dma_wait3A_1154 : memref<8x128xi32, #tpu.memory_space<hbm>>) dst(%arg7 : memref<8x128xi32, #tpu.memory_space<vmem>>)
        tpu.yield
      }) : () -> ()
      "tpu.region"() ({
        %run_scoped3A_1146 = tpu.sem_alloc : memref<!tpu.dma_semaphore, #tpu.memory_space<semaphore_mem>>
        %dma_start3A_1147 = arith.constant 0 : i32
        %dma_start3A_1148 = tpu.memref_slice %arg3[%select_n3A_954, %dma_start3A_1147] : memref<13056x128xi32, #tpu.memory_space<hbm>> -> memref<8x128xi32, #tpu.memory_space<hbm>>
        %dma_start3A_1149 = arith.constant 0 : i32
        %dma_start3A_1150 = tpu.memref_slice %arg3[%select_n3A_954, %dma_start3A_1149] : memref<13056x128xi32, #tpu.memory_space<hbm>> -> memref<8x128xi32, #tpu.memory_space<hbm>>
        tpu.enqueue_dma source(%dma_start3A_1150 : memref<8x128xi32, #tpu.memory_space<hbm>>) target(%arg8 : memref<8x128xi32, #tpu.memory_space<vmem>>) target_semaphore(%run_scoped3A_1146 : memref<!tpu.dma_semaphore, #tpu.memory_space<semaphore_mem>>)
        %dma_wait3A_1151 = arith.constant 0 : i32
        %dma_wait3A_1152 = tpu.memref_slice %arg3[%select_n3A_954, %dma_wait3A_1151] : memref<13056x128xi32, #tpu.memory_space<hbm>> -> memref<8x128xi32, #tpu.memory_space<hbm>>
        %dma_wait3A_1153 = arith.constant 0 : i32
        %dma_wait3A_1154 = tpu.memref_slice %arg3[%select_n3A_954, %dma_wait3A_1153] : memref<13056x128xi32, #tpu.memory_space<hbm>> -> memref<8x128xi32, #tpu.memory_space<hbm>>
        tpu.wait_dma2 semaphore(%run_scoped3A_1146 : memref<!tpu.dma_semaphore, #tpu.memory_space<semaphore_mem>>) src(%dma_wait3A_1154 : memref<8x128xi32, #tpu.memory_space<hbm>>) dst(%arg8 : memref<8x128xi32, #tpu.memory_space<vmem>>)
        tpu.yield
      }) : () -> ()
      %dma_start3A_955 = arith.constant 0 : i32
      %dma_start3A_956 = arith.constant 0 : i32
      %dma_start3A_957 = arith.constant 0 : i32
      %dma_start3A_958 = tpu.memref_slice %arg11[%dma_start3A_956, %dma_start3A_957] : memref<1024x16xf32, #tpu.memory_space<vmem>> -> memref<128x16xf32, #tpu.memory_space<vmem>>
      %dma_start3A_959 = arith.constant 0 : i32
      %dma_start3A_960 = tpu.memref_slice %arg7[%dma_start3A_955, %dma_start3A_959] : memref<8x128xi32, #tpu.memory_space<vmem>> -> memref<1x128xi32, #tpu.memory_space<vmem>>
      %dma_start3A_961 = tpu.memref_squeeze %dma_start3A_960 : memref<1x128xi32, #tpu.memory_space<vmem>> -> memref<128xi32, #tpu.memory_space<vmem>>
      %dma_start3A_962 = arith.constant 0 : i32
      %dma_start3A_963 = arith.constant 0 : i32
      %dma_start3A_964 = tpu.memref_slice %arg4[%dma_start3A_962, %dma_start3A_963] : memref<98304x16xf32, #tpu.memory_space<hbm>> -> memref<98304x16xf32, #tpu.memory_space<hbm>>
      tpu.enqueue_indirect_dma source(%dma_start3A_964 : memref<98304x16xf32, #tpu.memory_space<hbm>>) target(%dma_start3A_958 : memref<128x16xf32, #tpu.memory_space<vmem>>) offsets(%dma_start3A_961 : memref<128xi32, #tpu.memory_space<vmem>>) semaphore(%arg18 : memref<!tpu.dma_semaphore, #tpu.memory_space<semaphore_mem>>)
      %dma_start3A_965 = arith.constant 0 : i32
      %dma_start3A_966 = arith.constant 0 : i32
      %dma_start3A_967 = arith.constant 0 : i32
      %dma_start3A_968 = tpu.memref_slice %arg12[%dma_start3A_966, %dma_start3A_967] : memref<1024x16xf32, #tpu.memory_space<vmem>> -> memref<128x16xf32, #tpu.memory_space<vmem>>
      %dma_start3A_969 = arith.constant 0 : i32
      %dma_start3A_970 = tpu.memref_slice %arg8[%dma_start3A_965, %dma_start3A_969] : memref<8x128xi32, #tpu.memory_space<vmem>> -> memref<1x128xi32, #tpu.memory_space<vmem>>
      %dma_start3A_971 = tpu.memref_squeeze %dma_start3A_970 : memref<1x128xi32, #tpu.memory_space<vmem>> -> memref<128xi32, #tpu.memory_space<vmem>>
      %dma_start3A_972 = arith.constant 0 : i32
      %dma_start3A_973 = arith.constant 0 : i32
      %dma_start3A_974 = tpu.memref_slice %arg4[%dma_start3A_972, %dma_start3A_973] : memref<98304x16xf32, #tpu.memory_space<hbm>> -> memref<98304x16xf32, #tpu.memory_space<hbm>>
      tpu.enqueue_indirect_dma source(%dma_start3A_974 : memref<98304x16xf32, #tpu.memory_space<hbm>>) target(%dma_start3A_968 : memref<128x16xf32, #tpu.memory_space<vmem>>) offsets(%dma_start3A_971 : memref<128xi32, #tpu.memory_space<vmem>>) semaphore(%arg18 : memref<!tpu.dma_semaphore, #tpu.memory_space<semaphore_mem>>)
      %dma_start3A_975 = arith.constant 1 : i32
      %dma_start3A_976 = arith.constant 128 : i32
      %dma_start3A_977 = arith.constant 0 : i32
      %dma_start3A_978 = tpu.memref_slice %arg11[%dma_start3A_976, %dma_start3A_977] : memref<1024x16xf32, #tpu.memory_space<vmem>> -> memref<128x16xf32, #tpu.memory_space<vmem>>
      %dma_start3A_979 = arith.constant 0 : i32
      %dma_start3A_980 = tpu.memref_slice %arg7[%dma_start3A_975, %dma_start3A_979] : memref<8x128xi32, #tpu.memory_space<vmem>> -> memref<1x128xi32, #tpu.memory_space<vmem>>
      %dma_start3A_981 = tpu.memref_squeeze %dma_start3A_980 : memref<1x128xi32, #tpu.memory_space<vmem>> -> memref<128xi32, #tpu.memory_space<vmem>>
      %dma_start3A_982 = arith.constant 0 : i32
      %dma_start3A_983 = arith.constant 0 : i32
      %dma_start3A_984 = tpu.memref_slice %arg4[%dma_start3A_982, %dma_start3A_983] : memref<98304x16xf32, #tpu.memory_space<hbm>> -> memref<98304x16xf32, #tpu.memory_space<hbm>>
      tpu.enqueue_indirect_dma source(%dma_start3A_984 : memref<98304x16xf32, #tpu.memory_space<hbm>>) target(%dma_start3A_978 : memref<128x16xf32, #tpu.memory_space<vmem>>) offsets(%dma_start3A_981 : memref<128xi32, #tpu.memory_space<vmem>>) semaphore(%arg18 : memref<!tpu.dma_semaphore, #tpu.memory_space<semaphore_mem>>)
      %dma_start3A_985 = arith.constant 1 : i32
      %dma_start3A_986 = arith.constant 128 : i32
      %dma_start3A_987 = arith.constant 0 : i32
      %dma_start3A_988 = tpu.memref_slice %arg12[%dma_start3A_986, %dma_start3A_987] : memref<1024x16xf32, #tpu.memory_space<vmem>> -> memref<128x16xf32, #tpu.memory_space<vmem>>
      %dma_start3A_989 = arith.constant 0 : i32
      %dma_start3A_990 = tpu.memref_slice %arg8[%dma_start3A_985, %dma_start3A_989] : memref<8x128xi32, #tpu.memory_space<vmem>> -> memref<1x128xi32, #tpu.memory_space<vmem>>
      %dma_start3A_991 = tpu.memref_squeeze %dma_start3A_990 : memref<1x128xi32, #tpu.memory_space<vmem>> -> memref<128xi32, #tpu.memory_space<vmem>>
      %dma_start3A_992 = arith.constant 0 : i32
      %dma_start3A_993 = arith.constant 0 : i32
      %dma_start3A_994 = tpu.memref_slice %arg4[%dma_start3A_992, %dma_start3A_993] : memref<98304x16xf32, #tpu.memory_space<hbm>> -> memref<98304x16xf32, #tpu.memory_space<hbm>>
      tpu.enqueue_indirect_dma source(%dma_start3A_994 : memref<98304x16xf32, #tpu.memory_space<hbm>>) target(%dma_start3A_988 : memref<128x16xf32, #tpu.memory_space<vmem>>) offsets(%dma_start3A_991 : memref<128xi32, #tpu.memory_space<vmem>>) semaphore(%arg18 : memref<!tpu.dma_semaphore, #tpu.memory_space<semaphore_mem>>)
      %dma_start3A_995 = arith.constant 2 : i32
      %dma_start3A_996 = arith.constant 256 : i32
      %dma_start3A_997 = arith.constant 0 : i32
      %dma_start3A_998 = tpu.memref_slice %arg11[%dma_start3A_996, %dma_start3A_997] : memref<1024x16xf32, #tpu.memory_space<vmem>> -> memref<128x16xf32, #tpu.memory_space<vmem>>
      %dma_start3A_999 = arith.constant 0 : i32
      %dma_start3A_1000 = tpu.memref_slice %arg7[%dma_start3A_995, %dma_start3A_999] : memref<8x128xi32, #tpu.memory_space<vmem>> -> memref<1x128xi32, #tpu.memory_space<vmem>>
      %dma_start3A_1001 = tpu.memref_squeeze %dma_start3A_1000 : memref<1x128xi32, #tpu.memory_space<vmem>> -> memref<128xi32, #tpu.memory_space<vmem>>
      %dma_start3A_1002 = arith.constant 0 : i32
      %dma_start3A_1003 = arith.constant 0 : i32
      %dma_start3A_1004 = tpu.memref_slice %arg4[%dma_start3A_1002, %dma_start3A_1003] : memref<98304x16xf32, #tpu.memory_space<hbm>> -> memref<98304x16xf32, #tpu.memory_space<hbm>>
      tpu.enqueue_indirect_dma source(%dma_start3A_1004 : memref<98304x16xf32, #tpu.memory_space<hbm>>) target(%dma_start3A_998 : memref<128x16xf32, #tpu.memory_space<vmem>>) offsets(%dma_start3A_1001 : memref<128xi32, #tpu.memory_space<vmem>>) semaphore(%arg18 : memref<!tpu.dma_semaphore, #tpu.memory_space<semaphore_mem>>)
      %dma_start3A_1005 = arith.constant 2 : i32
      %dma_start3A_1006 = arith.constant 256 : i32
      %dma_start3A_1007 = arith.constant 0 : i32
      %dma_start3A_1008 = tpu.memref_slice %arg12[%dma_start3A_1006, %dma_start3A_1007] : memref<1024x16xf32, #tpu.memory_space<vmem>> -> memref<128x16xf32, #tpu.memory_space<vmem>>
      %dma_start3A_1009 = arith.constant 0 : i32
      %dma_start3A_1010 = tpu.memref_slice %arg8[%dma_start3A_1005, %dma_start3A_1009] : memref<8x128xi32, #tpu.memory_space<vmem>> -> memref<1x128xi32, #tpu.memory_space<vmem>>
      %dma_start3A_1011 = tpu.memref_squeeze %dma_start3A_1010 : memref<1x128xi32, #tpu.memory_space<vmem>> -> memref<128xi32, #tpu.memory_space<vmem>>
      %dma_start3A_1012 = arith.constant 0 : i32
      %dma_start3A_1013 = arith.constant 0 : i32
      %dma_start3A_1014 = tpu.memref_slice %arg4[%dma_start3A_1012, %dma_start3A_1013] : memref<98304x16xf32, #tpu.memory_space<hbm>> -> memref<98304x16xf32, #tpu.memory_space<hbm>>
      tpu.enqueue_indirect_dma source(%dma_start3A_1014 : memref<98304x16xf32, #tpu.memory_space<hbm>>) target(%dma_start3A_1008 : memref<128x16xf32, #tpu.memory_space<vmem>>) offsets(%dma_start3A_1011 : memref<128xi32, #tpu.memory_space<vmem>>) semaphore(%arg18 : memref<!tpu.dma_semaphore, #tpu.memory_space<semaphore_mem>>)
      %dma_start3A_1015 = arith.constant 3 : i32
      %dma_start3A_1016 = arith.constant 384 : i32
      %dma_start3A_1017 = arith.constant 0 : i32
      %dma_start3A_1018 = tpu.memref_slice %arg11[%dma_start3A_1016, %dma_start3A_1017] : memref<1024x16xf32, #tpu.memory_space<vmem>> -> memref<128x16xf32, #tpu.memory_space<vmem>>
      %dma_start3A_1019 = arith.constant 0 : i32
      %dma_start3A_1020 = tpu.memref_slice %arg7[%dma_start3A_1015, %dma_start3A_1019] : memref<8x128xi32, #tpu.memory_space<vmem>> -> memref<1x128xi32, #tpu.memory_space<vmem>>
      %dma_start3A_1021 = tpu.memref_squeeze %dma_start3A_1020 : memref<1x128xi32, #tpu.memory_space<vmem>> -> memref<128xi32, #tpu.memory_space<vmem>>
      %dma_start3A_1022 = arith.constant 0 : i32
      %dma_start3A_1023 = arith.constant 0 : i32
      %dma_start3A_1024 = tpu.memref_slice %arg4[%dma_start3A_1022, %dma_start3A_1023] : memref<98304x16xf32, #tpu.memory_space<hbm>> -> memref<98304x16xf32, #tpu.memory_space<hbm>>
      tpu.enqueue_indirect_dma source(%dma_start3A_1024 : memref<98304x16xf32, #tpu.memory_space<hbm>>) target(%dma_start3A_1018 : memref<128x16xf32, #tpu.memory_space<vmem>>) offsets(%dma_start3A_1021 : memref<128xi32, #tpu.memory_space<vmem>>) semaphore(%arg18 : memref<!tpu.dma_semaphore, #tpu.memory_space<semaphore_mem>>)
      %dma_start3A_1025 = arith.constant 3 : i32
      %dma_start3A_1026 = arith.constant 384 : i32
      %dma_start3A_1027 = arith.constant 0 : i32
      %dma_start3A_1028 = tpu.memref_slice %arg12[%dma_start3A_1026, %dma_start3A_1027] : memref<1024x16xf32, #tpu.memory_space<vmem>> -> memref<128x16xf32, #tpu.memory_space<vmem>>
      %dma_start3A_1029 = arith.constant 0 : i32
      %dma_start3A_1030 = tpu.memref_slice %arg8[%dma_start3A_1025, %dma_start3A_1029] : memref<8x128xi32, #tpu.memory_space<vmem>> -> memref<1x128xi32, #tpu.memory_space<vmem>>
      %dma_start3A_1031 = tpu.memref_squeeze %dma_start3A_1030 : memref<1x128xi32, #tpu.memory_space<vmem>> -> memref<128xi32, #tpu.memory_space<vmem>>
      %dma_start3A_1032 = arith.constant 0 : i32
      %dma_start3A_1033 = arith.constant 0 : i32
      %dma_start3A_1034 = tpu.memref_slice %arg4[%dma_start3A_1032, %dma_start3A_1033] : memref<98304x16xf32, #tpu.memory_space<hbm>> -> memref<98304x16xf32, #tpu.memory_space<hbm>>
      tpu.enqueue_indirect_dma source(%dma_start3A_1034 : memref<98304x16xf32, #tpu.memory_space<hbm>>) target(%dma_start3A_1028 : memref<128x16xf32, #tpu.memory_space<vmem>>) offsets(%dma_start3A_1031 : memref<128xi32, #tpu.memory_space<vmem>>) semaphore(%arg18 : memref<!tpu.dma_semaphore, #tpu.memory_space<semaphore_mem>>)
      %dma_start3A_1035 = arith.constant 4 : i32
      %dma_start3A_1036 = arith.constant 512 : i32
      %dma_start3A_1037 = arith.constant 0 : i32
      %dma_start3A_1038 = tpu.memref_slice %arg11[%dma_start3A_1036, %dma_start3A_1037] : memref<1024x16xf32, #tpu.memory_space<vmem>> -> memref<128x16xf32, #tpu.memory_space<vmem>>
      %dma_start3A_1039 = arith.constant 0 : i32
      %dma_start3A_1040 = tpu.memref_slice %arg7[%dma_start3A_1035, %dma_start3A_1039] : memref<8x128xi32, #tpu.memory_space<vmem>> -> memref<1x128xi32, #tpu.memory_space<vmem>>
      %dma_start3A_1041 = tpu.memref_squeeze %dma_start3A_1040 : memref<1x128xi32, #tpu.memory_space<vmem>> -> memref<128xi32, #tpu.memory_space<vmem>>
      %dma_start3A_1042 = arith.constant 0 : i32
      %dma_start3A_1043 = arith.constant 0 : i32
      %dma_start3A_1044 = tpu.memref_slice %arg4[%dma_start3A_1042, %dma_start3A_1043] : memref<98304x16xf32, #tpu.memory_space<hbm>> -> memref<98304x16xf32, #tpu.memory_space<hbm>>
      tpu.enqueue_indirect_dma source(%dma_start3A_1044 : memref<98304x16xf32, #tpu.memory_space<hbm>>) target(%dma_start3A_1038 : memref<128x16xf32, #tpu.memory_space<vmem>>) offsets(%dma_start3A_1041 : memref<128xi32, #tpu.memory_space<vmem>>) semaphore(%arg18 : memref<!tpu.dma_semaphore, #tpu.memory_space<semaphore_mem>>)
      %dma_start3A_1045 = arith.constant 4 : i32
      %dma_start3A_1046 = arith.constant 512 : i32
      %dma_start3A_1047 = arith.constant 0 : i32
      %dma_start3A_1048 = tpu.memref_slice %arg12[%dma_start3A_1046, %dma_start3A_1047] : memref<1024x16xf32, #tpu.memory_space<vmem>> -> memref<128x16xf32, #tpu.memory_space<vmem>>
      %dma_start3A_1049 = arith.constant 0 : i32
      %dma_start3A_1050 = tpu.memref_slice %arg8[%dma_start3A_1045, %dma_start3A_1049] : memref<8x128xi32, #tpu.memory_space<vmem>> -> memref<1x128xi32, #tpu.memory_space<vmem>>
      %dma_start3A_1051 = tpu.memref_squeeze %dma_start3A_1050 : memref<1x128xi32, #tpu.memory_space<vmem>> -> memref<128xi32, #tpu.memory_space<vmem>>
      %dma_start3A_1052 = arith.constant 0 : i32
      %dma_start3A_1053 = arith.constant 0 : i32
      %dma_start3A_1054 = tpu.memref_slice %arg4[%dma_start3A_1052, %dma_start3A_1053] : memref<98304x16xf32, #tpu.memory_space<hbm>> -> memref<98304x16xf32, #tpu.memory_space<hbm>>
      tpu.enqueue_indirect_dma source(%dma_start3A_1054 : memref<98304x16xf32, #tpu.memory_space<hbm>>) target(%dma_start3A_1048 : memref<128x16xf32, #tpu.memory_space<vmem>>) offsets(%dma_start3A_1051 : memref<128xi32, #tpu.memory_space<vmem>>) semaphore(%arg18 : memref<!tpu.dma_semaphore, #tpu.memory_space<semaphore_mem>>)
      %dma_start3A_1055 = arith.constant 5 : i32
      %dma_start3A_1056 = arith.constant 640 : i32
      %dma_start3A_1057 = arith.constant 0 : i32
      %dma_start3A_1058 = tpu.memref_slice %arg11[%dma_start3A_1056, %dma_start3A_1057] : memref<1024x16xf32, #tpu.memory_space<vmem>> -> memref<128x16xf32, #tpu.memory_space<vmem>>
      %dma_start3A_1059 = arith.constant 0 : i32
      %dma_start3A_1060 = tpu.memref_slice %arg7[%dma_start3A_1055, %dma_start3A_1059] : memref<8x128xi32, #tpu.memory_space<vmem>> -> memref<1x128xi32, #tpu.memory_space<vmem>>
      %dma_start3A_1061 = tpu.memref_squeeze %dma_start3A_1060 : memref<1x128xi32, #tpu.memory_space<vmem>> -> memref<128xi32, #tpu.memory_space<vmem>>
      %dma_start3A_1062 = arith.constant 0 : i32
      %dma_start3A_1063 = arith.constant 0 : i32
      %dma_start3A_1064 = tpu.memref_slice %arg4[%dma_start3A_1062, %dma_start3A_1063] : memref<98304x16xf32, #tpu.memory_space<hbm>> -> memref<98304x16xf32, #tpu.memory_space<hbm>>
      tpu.enqueue_indirect_dma source(%dma_start3A_1064 : memref<98304x16xf32, #tpu.memory_space<hbm>>) target(%dma_start3A_1058 : memref<128x16xf32, #tpu.memory_space<vmem>>) offsets(%dma_start3A_1061 : memref<128xi32, #tpu.memory_space<vmem>>) semaphore(%arg18 : memref<!tpu.dma_semaphore, #tpu.memory_space<semaphore_mem>>)
      %dma_start3A_1065 = arith.constant 5 : i32
      %dma_start3A_1066 = arith.constant 640 : i32
      %dma_start3A_1067 = arith.constant 0 : i32
      %dma_start3A_1068 = tpu.memref_slice %arg12[%dma_start3A_1066, %dma_start3A_1067] : memref<1024x16xf32, #tpu.memory_space<vmem>> -> memref<128x16xf32, #tpu.memory_space<vmem>>
      %dma_start3A_1069 = arith.constant 0 : i32
      %dma_start3A_1070 = tpu.memref_slice %arg8[%dma_start3A_1065, %dma_start3A_1069] : memref<8x128xi32, #tpu.memory_space<vmem>> -> memref<1x128xi32, #tpu.memory_space<vmem>>
      %dma_start3A_1071 = tpu.memref_squeeze %dma_start3A_1070 : memref<1x128xi32, #tpu.memory_space<vmem>> -> memref<128xi32, #tpu.memory_space<vmem>>
      %dma_start3A_1072 = arith.constant 0 : i32
      %dma_start3A_1073 = arith.constant 0 : i32
      %dma_start3A_1074 = tpu.memref_slice %arg4[%dma_start3A_1072, %dma_start3A_1073] : memref<98304x16xf32, #tpu.memory_space<hbm>> -> memref<98304x16xf32, #tpu.memory_space<hbm>>
      tpu.enqueue_indirect_dma source(%dma_start3A_1074 : memref<98304x16xf32, #tpu.memory_space<hbm>>) target(%dma_start3A_1068 : memref<128x16xf32, #tpu.memory_space<vmem>>) offsets(%dma_start3A_1071 : memref<128xi32, #tpu.memory_space<vmem>>) semaphore(%arg18 : memref<!tpu.dma_semaphore, #tpu.memory_space<semaphore_mem>>)
      %dma_start3A_1075 = arith.constant 6 : i32
      %dma_start3A_1076 = arith.constant 768 : i32
      %dma_start3A_1077 = arith.constant 0 : i32
      %dma_start3A_1078 = tpu.memref_slice %arg11[%dma_start3A_1076, %dma_start3A_1077] : memref<1024x16xf32, #tpu.memory_space<vmem>> -> memref<128x16xf32, #tpu.memory_space<vmem>>
      %dma_start3A_1079 = arith.constant 0 : i32
      %dma_start3A_1080 = tpu.memref_slice %arg7[%dma_start3A_1075, %dma_start3A_1079] : memref<8x128xi32, #tpu.memory_space<vmem>> -> memref<1x128xi32, #tpu.memory_space<vmem>>
      %dma_start3A_1081 = tpu.memref_squeeze %dma_start3A_1080 : memref<1x128xi32, #tpu.memory_space<vmem>> -> memref<128xi32, #tpu.memory_space<vmem>>
      %dma_start3A_1082 = arith.constant 0 : i32
      %dma_start3A_1083 = arith.constant 0 : i32
      %dma_start3A_1084 = tpu.memref_slice %arg4[%dma_start3A_1082, %dma_start3A_1083] : memref<98304x16xf32, #tpu.memory_space<hbm>> -> memref<98304x16xf32, #tpu.memory_space<hbm>>
      tpu.enqueue_indirect_dma source(%dma_start3A_1084 : memref<98304x16xf32, #tpu.memory_space<hbm>>) target(%dma_start3A_1078 : memref<128x16xf32, #tpu.memory_space<vmem>>) offsets(%dma_start3A_1081 : memref<128xi32, #tpu.memory_space<vmem>>) semaphore(%arg18 : memref<!tpu.dma_semaphore, #tpu.memory_space<semaphore_mem>>)
      %dma_start3A_1085 = arith.constant 6 : i32
      %dma_start3A_1086 = arith.constant 768 : i32
      %dma_start3A_1087 = arith.constant 0 : i32
      %dma_start3A_1088 = tpu.memref_slice %arg12[%dma_start3A_1086, %dma_start3A_1087] : memref<1024x16xf32, #tpu.memory_space<vmem>> -> memref<128x16xf32, #tpu.memory_space<vmem>>
      %dma_start3A_1089 = arith.constant 0 : i32
      %dma_start3A_1090 = tpu.memref_slice %arg8[%dma_start3A_1085, %dma_start3A_1089] : memref<8x128xi32, #tpu.memory_space<vmem>> -> memref<1x128xi32, #tpu.memory_space<vmem>>
      %dma_start3A_1091 = tpu.memref_squeeze %dma_start3A_1090 : memref<1x128xi32, #tpu.memory_space<vmem>> -> memref<128xi32, #tpu.memory_space<vmem>>
      %dma_start3A_1092 = arith.constant 0 : i32
      %dma_start3A_1093 = arith.constant 0 : i32
      %dma_start3A_1094 = tpu.memref_slice %arg4[%dma_start3A_1092, %dma_start3A_1093] : memref<98304x16xf32, #tpu.memory_space<hbm>> -> memref<98304x16xf32, #tpu.memory_space<hbm>>
      tpu.enqueue_indirect_dma source(%dma_start3A_1094 : memref<98304x16xf32, #tpu.memory_space<hbm>>) target(%dma_start3A_1088 : memref<128x16xf32, #tpu.memory_space<vmem>>) offsets(%dma_start3A_1091 : memref<128xi32, #tpu.memory_space<vmem>>) semaphore(%arg18 : memref<!tpu.dma_semaphore, #tpu.memory_space<semaphore_mem>>)
      %dma_start3A_1095 = arith.constant 7 : i32
      %dma_start3A_1096 = arith.constant 896 : i32
      %dma_start3A_1097 = arith.constant 0 : i32
      %dma_start3A_1098 = tpu.memref_slice %arg11[%dma_start3A_1096, %dma_start3A_1097] : memref<1024x16xf32, #tpu.memory_space<vmem>> -> memref<128x16xf32, #tpu.memory_space<vmem>>
      %dma_start3A_1099 = arith.constant 0 : i32
      %dma_start3A_1100 = tpu.memref_slice %arg7[%dma_start3A_1095, %dma_start3A_1099] : memref<8x128xi32, #tpu.memory_space<vmem>> -> memref<1x128xi32, #tpu.memory_space<vmem>>
      %dma_start3A_1101 = tpu.memref_squeeze %dma_start3A_1100 : memref<1x128xi32, #tpu.memory_space<vmem>> -> memref<128xi32, #tpu.memory_space<vmem>>
      %dma_start3A_1102 = arith.constant 0 : i32
      %dma_start3A_1103 = arith.constant 0 : i32
      %dma_start3A_1104 = tpu.memref_slice %arg4[%dma_start3A_1102, %dma_start3A_1103] : memref<98304x16xf32, #tpu.memory_space<hbm>> -> memref<98304x16xf32, #tpu.memory_space<hbm>>
      tpu.enqueue_indirect_dma source(%dma_start3A_1104 : memref<98304x16xf32, #tpu.memory_space<hbm>>) target(%dma_start3A_1098 : memref<128x16xf32, #tpu.memory_space<vmem>>) offsets(%dma_start3A_1101 : memref<128xi32, #tpu.memory_space<vmem>>) semaphore(%arg18 : memref<!tpu.dma_semaphore, #tpu.memory_space<semaphore_mem>>)
      %dma_start3A_1105 = arith.constant 7 : i32
      %dma_start3A_1106 = arith.constant 896 : i32
      %dma_start3A_1107 = arith.constant 0 : i32
      %dma_start3A_1108 = tpu.memref_slice %arg12[%dma_start3A_1106, %dma_start3A_1107] : memref<1024x16xf32, #tpu.memory_space<vmem>> -> memref<128x16xf32, #tpu.memory_space<vmem>>
      %dma_start3A_1109 = arith.constant 0 : i32
      %dma_start3A_1110 = tpu.memref_slice %arg8[%dma_start3A_1105, %dma_start3A_1109] : memref<8x128xi32, #tpu.memory_space<vmem>> -> memref<1x128xi32, #tpu.memory_space<vmem>>
      %dma_start3A_1111 = tpu.memref_squeeze %dma_start3A_1110 : memref<1x128xi32, #tpu.memory_space<vmem>> -> memref<128xi32, #tpu.memory_space<vmem>>
      %dma_start3A_1112 = arith.constant 0 : i32
      %dma_start3A_1113 = arith.constant 0 : i32
      %dma_start3A_1114 = tpu.memref_slice %arg4[%dma_start3A_1112, %dma_start3A_1113] : memref<98304x16xf32, #tpu.memory_space<hbm>> -> memref<98304x16xf32, #tpu.memory_space<hbm>>
      tpu.enqueue_indirect_dma source(%dma_start3A_1114 : memref<98304x16xf32, #tpu.memory_space<hbm>>) target(%dma_start3A_1108 : memref<128x16xf32, #tpu.memory_space<vmem>>) offsets(%dma_start3A_1111 : memref<128xi32, #tpu.memory_space<vmem>>) semaphore(%arg18 : memref<!tpu.dma_semaphore, #tpu.memory_space<semaphore_mem>>)
      %mul3A_1115 = arith.constant 2 : i32
      %mul3A_1116 = arith.muli %mul3A_1115, %scan3A_411 : i32
      %add3A_1117 = arith.constant 1 : i32
      %add3A_1118 = arith.addi %mul3A_1116, %add3A_1117 : i32
      %scan3A_1119 = arith.constant 0 : i32
      %scan3A_1120 = arith.constant 128 : i32
      %scan3A_1121 = arith.addi %scan3A_1119, %scan3A_1120 : i32
      %scan3A_1122 = arith.constant 1 : i32
      %scan3A_1123:4 = scf.for %scan3A_1146 = %scan3A_1119 to %scan3A_1121 step %scan3A_1122 iter_args(%scan3A_1147 = %scan3A_757#0, %scan3A_1148 = %scan3A_757#1, %scan3A_1149 = %scan3A_757#2, %scan3A_1150 = %scan3A_757#3) -> (vector<16xf32>, vector<16xf32>, vector<16xf32>, vector<16xf32>)  : i32 {
        %mul3A_1151 = arith.constant 8 : i32
        %mul3A_1152 = arith.muli %scan3A_1146, %mul3A_1151 : i32
        %add3A_1153 = arith.constant 0 : i32
        %add3A_1154 = arith.addi %mul3A_1152, %add3A_1153 : i32
        %get3A = arith.index_cast %add3A_1154 : i32 to index
        %get3A_1155 = arith.constant 0 : index
        %get3A_1156 = tpu.vector_load %arg13[%get3A, %get3A_1155] {strides = array<i32>} : memref<1024x16xf32, #tpu.memory_space<vmem>>, vector<1x16xf32>,
        %get3A_1157 = vector.shape_cast %get3A_1156 : vector<1x16xf32> to vector<16xf32>
        %add3A_1158 = arith.constant 0 : i32
        %add3A_1159 = arith.addi %mul3A_1152, %add3A_1158 : i32
        %get3A_1160 = arith.index_cast %add3A_1159 : i32 to index
        %get3A_1161 = arith.constant 0 : index
        %get3A_1162 = tpu.vector_load %arg14[%get3A_1160, %get3A_1161] {strides = array<i32>} : memref<1024x16xf32, #tpu.memory_space<vmem>>, vector<1x16xf32>,
        %get3A_1163 = vector.shape_cast %get3A_1162 : vector<1x16xf32> to vector<16xf32>
        %add3A_1164 = arith.addf %get3A_1157, %get3A_1163 : vector<16xf32>
        %mul3A_1165 = arith.constant 5.000000e-01 : f32
        %mul3A_1166 = vector.broadcast %mul3A_1165 : f32 to vector<16xf32>
        %mul3A_1167 = arith.mulf %add3A_1164, %mul3A_1166 : vector<16xf32>
        %swap3A_1168 = arith.index_cast %scan3A_1146 : i32 to index
        %swap3A_1169 = arith.constant 0 : index
        %swap3A_1170 = tpu.vector_load %arg16[%swap3A_1168, %swap3A_1169] {strides = array<i32>} : memref<128x128xf32, #tpu.memory_space<vmem>>, vector<1x16xf32>,
        %swap3A_1171 = vector.shape_cast %swap3A_1170 : vector<1x16xf32> to vector<16xf32>
        %swap3A_1172 = vector.shape_cast %mul3A_1167 : vector<16xf32> to vector<1x16xf32>
        tpu.vector_store %arg16[%swap3A_1168, %swap3A_1169], %swap3A_1172 {strides = array<i32>} : memref<128x128xf32, #tpu.memory_space<vmem>>, vector<1x16xf32>,
        %add3A_1173 = arith.addf %scan3A_1147, %mul3A_1167 : vector<16xf32>
        %mul3A_1174 = arith.mulf %mul3A_1167, %mul3A_1167 : vector<16xf32>
        %add3A_1175 = arith.addf %scan3A_1148, %mul3A_1174 : vector<16xf32>
        %add3A_1176 = arith.constant 1 : i32
        %add3A_1177 = arith.addi %mul3A_1152, %add3A_1176 : i32
        %get3A_1178 = arith.index_cast %add3A_1177 : i32 to index
        %get3A_1179 = arith.constant 0 : index
        %get3A_1180 = tpu.vector_load %arg13[%get3A_1178, %get3A_1179] {strides = array<i32>} : memref<1024x16xf32, #tpu.memory_space<vmem>>, vector<1x16xf32>,
        %get3A_1181 = vector.shape_cast %get3A_1180 : vector<1x16xf32> to vector<16xf32>
        %add3A_1182 = arith.constant 1 : i32
        %add3A_1183 = arith.addi %mul3A_1152, %add3A_1182 : i32
        %get3A_1184 = arith.index_cast %add3A_1183 : i32 to index
        %get3A_1185 = arith.constant 0 : index
        %get3A_1186 = tpu.vector_load %arg14[%get3A_1184, %get3A_1185] {strides = array<i32>} : memref<1024x16xf32, #tpu.memory_space<vmem>>, vector<1x16xf32>,
        %get3A_1187 = vector.shape_cast %get3A_1186 : vector<1x16xf32> to vector<16xf32>
        %add3A_1188 = arith.addf %get3A_1181, %get3A_1187 : vector<16xf32>
        %mul3A_1189 = arith.constant 5.000000e-01 : f32
        %mul3A_1190 = vector.broadcast %mul3A_1189 : f32 to vector<16xf32>
        %mul3A_1191 = arith.mulf %add3A_1188, %mul3A_1190 : vector<16xf32>
        %swap3A_1192 = arith.index_cast %scan3A_1146 : i32 to index
        %swap3A_1193 = arith.constant 16 : index
        %swap3A_1194 = tpu.vector_load %arg16[%swap3A_1192, %swap3A_1193] {strides = array<i32>} : memref<128x128xf32, #tpu.memory_space<vmem>>, vector<1x16xf32>,
        %swap3A_1195 = vector.shape_cast %swap3A_1194 : vector<1x16xf32> to vector<16xf32>
        %swap3A_1196 = vector.shape_cast %mul3A_1191 : vector<16xf32> to vector<1x16xf32>
        tpu.vector_store %arg16[%swap3A_1192, %swap3A_1193], %swap3A_1196 {strides = array<i32>} : memref<128x128xf32, #tpu.memory_space<vmem>>, vector<1x16xf32>,
        %add3A_1197 = arith.addf %scan3A_1149, %mul3A_1191 : vector<16xf32>
        %mul3A_1198 = arith.mulf %mul3A_1191, %mul3A_1191 : vector<16xf32>
        %add3A_1199 = arith.addf %scan3A_1150, %mul3A_1198 : vector<16xf32>
        %add3A_1200 = arith.constant 2 : i32
        %add3A_1201 = arith.addi %mul3A_1152, %add3A_1200 : i32
        %get3A_1202 = arith.index_cast %add3A_1201 : i32 to index
        %get3A_1203 = arith.constant 0 : index
        %get3A_1204 = tpu.vector_load %arg13[%get3A_1202, %get3A_1203] {strides = array<i32>} : memref<1024x16xf32, #tpu.memory_space<vmem>>, vector<1x16xf32>,
        %get3A_1205 = vector.shape_cast %get3A_1204 : vector<1x16xf32> to vector<16xf32>
        %add3A_1206 = arith.constant 2 : i32
        %add3A_1207 = arith.addi %mul3A_1152, %add3A_1206 : i32
        %get3A_1208 = arith.index_cast %add3A_1207 : i32 to index
        %get3A_1209 = arith.constant 0 : index
        %get3A_1210 = tpu.vector_load %arg14[%get3A_1208, %get3A_1209] {strides = array<i32>} : memref<1024x16xf32, #tpu.memory_space<vmem>>, vector<1x16xf32>,
        %get3A_1211 = vector.shape_cast %get3A_1210 : vector<1x16xf32> to vector<16xf32>
        %add3A_1212 = arith.addf %get3A_1205, %get3A_1211 : vector<16xf32>
        %mul3A_1213 = arith.constant 5.000000e-01 : f32
        %mul3A_1214 = vector.broadcast %mul3A_1213 : f32 to vector<16xf32>
        %mul3A_1215 = arith.mulf %add3A_1212, %mul3A_1214 : vector<16xf32>
        %swap3A_1216 = arith.index_cast %scan3A_1146 : i32 to index
        %swap3A_1217 = arith.constant 32 : index
        %swap3A_1218 = tpu.vector_load %arg16[%swap3A_1216, %swap3A_1217] {strides = array<i32>} : memref<128x128xf32, #tpu.memory_space<vmem>>, vector<1x16xf32>,
        %swap3A_1219 = vector.shape_cast %swap3A_1218 : vector<1x16xf32> to vector<16xf32>
        %swap3A_1220 = vector.shape_cast %mul3A_1215 : vector<16xf32> to vector<1x16xf32>
        tpu.vector_store %arg16[%swap3A_1216, %swap3A_1217], %swap3A_1220 {strides = array<i32>} : memref<128x128xf32, #tpu.memory_space<vmem>>, vector<1x16xf32>,
        %add3A_1221 = arith.addf %add3A_1173, %mul3A_1215 : vector<16xf32>
        %mul3A_1222 = arith.mulf %mul3A_1215, %mul3A_1215 : vector<16xf32>
        %add3A_1223 = arith.addf %add3A_1175, %mul3A_1222 : vector<16xf32>
        %add3A_1224 = arith.constant 3 : i32
        %add3A_1225 = arith.addi %mul3A_1152, %add3A_1224 : i32
        %get3A_1226 = arith.index_cast %add3A_1225 : i32 to index
        %get3A_1227 = arith.constant 0 : index
        %get3A_1228 = tpu.vector_load %arg13[%get3A_1226, %get3A_1227] {strides = array<i32>} : memref<1024x16xf32, #tpu.memory_space<vmem>>, vector<1x16xf32>,
        %get3A_1229 = vector.shape_cast %get3A_1228 : vector<1x16xf32> to vector<16xf32>
        %add3A_1230 = arith.constant 3 : i32
        %add3A_1231 = arith.addi %mul3A_1152, %add3A_1230 : i32
        %get3A_1232 = arith.index_cast %add3A_1231 : i32 to index
        %get3A_1233 = arith.constant 0 : index
        %get3A_1234 = tpu.vector_load %arg14[%get3A_1232, %get3A_1233] {strides = array<i32>} : memref<1024x16xf32, #tpu.memory_space<vmem>>, vector<1x16xf32>,
        %get3A_1235 = vector.shape_cast %get3A_1234 : vector<1x16xf32> to vector<16xf32>
        %add3A_1236 = arith.addf %get3A_1229, %get3A_1235 : vector<16xf32>
        %mul3A_1237 = arith.constant 5.000000e-01 : f32
        %mul3A_1238 = vector.broadcast %mul3A_1237 : f32 to vector<16xf32>
        %mul3A_1239 = arith.mulf %add3A_1236, %mul3A_1238 : vector<16xf32>
        %swap3A_1240 = arith.index_cast %scan3A_1146 : i32 to index
        %swap3A_1241 = arith.constant 48 : index
        %swap3A_1242 = tpu.vector_load %arg16[%swap3A_1240, %swap3A_1241] {strides = array<i32>} : memref<128x128xf32, #tpu.memory_space<vmem>>, vector<1x16xf32>,
        %swap3A_1243 = vector.shape_cast %swap3A_1242 : vector<1x16xf32> to vector<16xf32>
        %swap3A_1244 = vector.shape_cast %mul3A_1239 : vector<16xf32> to vector<1x16xf32>
        tpu.vector_store %arg16[%swap3A_1240, %swap3A_1241], %swap3A_1244 {strides = array<i32>} : memref<128x128xf32, #tpu.memory_space<vmem>>, vector<1x16xf32>,
        %add3A_1245 = arith.addf %add3A_1197, %mul3A_1239 : vector<16xf32>
        %mul3A_1246 = arith.mulf %mul3A_1239, %mul3A_1239 : vector<16xf32>
        %add3A_1247 = arith.addf %add3A_1199, %mul3A_1246 : vector<16xf32>
        %add3A_1248 = arith.constant 4 : i32
        %add3A_1249 = arith.addi %mul3A_1152, %add3A_1248 : i32
        %get3A_1250 = arith.index_cast %add3A_1249 : i32 to index
        %get3A_1251 = arith.constant 0 : index
        %get3A_1252 = tpu.vector_load %arg13[%get3A_1250, %get3A_1251] {strides = array<i32>} : memref<1024x16xf32, #tpu.memory_space<vmem>>, vector<1x16xf32>,
        %get3A_1253 = vector.shape_cast %get3A_1252 : vector<1x16xf32> to vector<16xf32>
        %add3A_1254 = arith.constant 4 : i32
        %add3A_1255 = arith.addi %mul3A_1152, %add3A_1254 : i32
        %get3A_1256 = arith.index_cast %add3A_1255 : i32 to index
        %get3A_1257 = arith.constant 0 : index
        %get3A_1258 = tpu.vector_load %arg14[%get3A_1256, %get3A_1257] {strides = array<i32>} : memref<1024x16xf32, #tpu.memory_space<vmem>>, vector<1x16xf32>,
        %get3A_1259 = vector.shape_cast %get3A_1258 : vector<1x16xf32> to vector<16xf32>
        %add3A_1260 = arith.addf %get3A_1253, %get3A_1259 : vector<16xf32>
        %mul3A_1261 = arith.constant 5.000000e-01 : f32
        %mul3A_1262 = vector.broadcast %mul3A_1261 : f32 to vector<16xf32>
        %mul3A_1263 = arith.mulf %add3A_1260, %mul3A_1262 : vector<16xf32>
        %swap3A_1264 = arith.index_cast %scan3A_1146 : i32 to index
        %swap3A_1265 = arith.constant 64 : index
        %swap3A_1266 = tpu.vector_load %arg16[%swap3A_1264, %swap3A_1265] {strides = array<i32>} : memref<128x128xf32, #tpu.memory_space<vmem>>, vector<1x16xf32>,
        %swap3A_1267 = vector.shape_cast %swap3A_1266 : vector<1x16xf32> to vector<16xf32>
        %swap3A_1268 = vector.shape_cast %mul3A_1263 : vector<16xf32> to vector<1x16xf32>
        tpu.vector_store %arg16[%swap3A_1264, %swap3A_1265], %swap3A_1268 {strides = array<i32>} : memref<128x128xf32, #tpu.memory_space<vmem>>, vector<1x16xf32>,
        %add3A_1269 = arith.addf %add3A_1221, %mul3A_1263 : vector<16xf32>
        %mul3A_1270 = arith.mulf %mul3A_1263, %mul3A_1263 : vector<16xf32>
        %add3A_1271 = arith.addf %add3A_1223, %mul3A_1270 : vector<16xf32>
        %add3A_1272 = arith.constant 5 : i32
        %add3A_1273 = arith.addi %mul3A_1152, %add3A_1272 : i32
        %get3A_1274 = arith.index_cast %add3A_1273 : i32 to index
        %get3A_1275 = arith.constant 0 : index
        %get3A_1276 = tpu.vector_load %arg13[%get3A_1274, %get3A_1275] {strides = array<i32>} : memref<1024x16xf32, #tpu.memory_space<vmem>>, vector<1x16xf32>,
        %get3A_1277 = vector.shape_cast %get3A_1276 : vector<1x16xf32> to vector<16xf32>
        %add3A_1278 = arith.constant 5 : i32
        %add3A_1279 = arith.addi %mul3A_1152, %add3A_1278 : i32
        %get3A_1280 = arith.index_cast %add3A_1279 : i32 to index
        %get3A_1281 = arith.constant 0 : index
        %get3A_1282 = tpu.vector_load %arg14[%get3A_1280, %get3A_1281] {strides = array<i32>} : memref<1024x16xf32, #tpu.memory_space<vmem>>, vector<1x16xf32>,
        %get3A_1283 = vector.shape_cast %get3A_1282 : vector<1x16xf32> to vector<16xf32>
        %add3A_1284 = arith.addf %get3A_1277, %get3A_1283 : vector<16xf32>
        %mul3A_1285 = arith.constant 5.000000e-01 : f32
        %mul3A_1286 = vector.broadcast %mul3A_1285 : f32 to vector<16xf32>
        %mul3A_1287 = arith.mulf %add3A_1284, %mul3A_1286 : vector<16xf32>
        %swap3A_1288 = arith.index_cast %scan3A_1146 : i32 to index
        %swap3A_1289 = arith.constant 80 : index
        %swap3A_1290 = tpu.vector_load %arg16[%swap3A_1288, %swap3A_1289] {strides = array<i32>} : memref<128x128xf32, #tpu.memory_space<vmem>>, vector<1x16xf32>,
        %swap3A_1291 = vector.shape_cast %swap3A_1290 : vector<1x16xf32> to vector<16xf32>
        %swap3A_1292 = vector.shape_cast %mul3A_1287 : vector<16xf32> to vector<1x16xf32>
        tpu.vector_store %arg16[%swap3A_1288, %swap3A_1289], %swap3A_1292 {strides = array<i32>} : memref<128x128xf32, #tpu.memory_space<vmem>>, vector<1x16xf32>,
        %add3A_1293 = arith.addf %add3A_1245, %mul3A_1287 : vector<16xf32>
        %mul3A_1294 = arith.mulf %mul3A_1287, %mul3A_1287 : vector<16xf32>
        %add3A_1295 = arith.addf %add3A_1247, %mul3A_1294 : vector<16xf32>
        %add3A_1296 = arith.constant 6 : i32
        %add3A_1297 = arith.addi %mul3A_1152, %add3A_1296 : i32
        %get3A_1298 = arith.index_cast %add3A_1297 : i32 to index
        %get3A_1299 = arith.constant 0 : index
        %get3A_1300 = tpu.vector_load %arg13[%get3A_1298, %get3A_1299] {strides = array<i32>} : memref<1024x16xf32, #tpu.memory_space<vmem>>, vector<1x16xf32>,
        %get3A_1301 = vector.shape_cast %get3A_1300 : vector<1x16xf32> to vector<16xf32>
        %add3A_1302 = arith.constant 6 : i32
        %add3A_1303 = arith.addi %mul3A_1152, %add3A_1302 : i32
        %get3A_1304 = arith.index_cast %add3A_1303 : i32 to index
        %get3A_1305 = arith.constant 0 : index
        %get3A_1306 = tpu.vector_load %arg14[%get3A_1304, %get3A_1305] {strides = array<i32>} : memref<1024x16xf32, #tpu.memory_space<vmem>>, vector<1x16xf32>,
        %get3A_1307 = vector.shape_cast %get3A_1306 : vector<1x16xf32> to vector<16xf32>
        %add3A_1308 = arith.addf %get3A_1301, %get3A_1307 : vector<16xf32>
        %mul3A_1309 = arith.constant 5.000000e-01 : f32
        %mul3A_1310 = vector.broadcast %mul3A_1309 : f32 to vector<16xf32>
        %mul3A_1311 = arith.mulf %add3A_1308, %mul3A_1310 : vector<16xf32>
        %swap3A_1312 = arith.index_cast %scan3A_1146 : i32 to index
        %swap3A_1313 = arith.constant 96 : index
        %swap3A_1314 = tpu.vector_load %arg16[%swap3A_1312, %swap3A_1313] {strides = array<i32>} : memref<128x128xf32, #tpu.memory_space<vmem>>, vector<1x16xf32>,
        %swap3A_1315 = vector.shape_cast %swap3A_1314 : vector<1x16xf32> to vector<16xf32>
        %swap3A_1316 = vector.shape_cast %mul3A_1311 : vector<16xf32> to vector<1x16xf32>
        tpu.vector_store %arg16[%swap3A_1312, %swap3A_1313], %swap3A_1316 {strides = array<i32>} : memref<128x128xf32, #tpu.memory_space<vmem>>, vector<1x16xf32>,
        %add3A_1317 = arith.addf %add3A_1269, %mul3A_1311 : vector<16xf32>
        %mul3A_1318 = arith.mulf %mul3A_1311, %mul3A_1311 : vector<16xf32>
        %add3A_1319 = arith.addf %add3A_1271, %mul3A_1318 : vector<16xf32>
        %add3A_1320 = arith.constant 7 : i32
        %add3A_1321 = arith.addi %mul3A_1152, %add3A_1320 : i32
        %get3A_1322 = arith.index_cast %add3A_1321 : i32 to index
        %get3A_1323 = arith.constant 0 : index
        %get3A_1324 = tpu.vector_load %arg13[%get3A_1322, %get3A_1323] {strides = array<i32>} : memref<1024x16xf32, #tpu.memory_space<vmem>>, vector<1x16xf32>,
        %get3A_1325 = vector.shape_cast %get3A_1324 : vector<1x16xf32> to vector<16xf32>
        %add3A_1326 = arith.constant 7 : i32
        %add3A_1327 = arith.addi %mul3A_1152, %add3A_1326 : i32
        %get3A_1328 = arith.index_cast %add3A_1327 : i32 to index
        %get3A_1329 = arith.constant 0 : index
        %get3A_1330 = tpu.vector_load %arg14[%get3A_1328, %get3A_1329] {strides = array<i32>} : memref<1024x16xf32, #tpu.memory_space<vmem>>, vector<1x16xf32>,
        %get3A_1331 = vector.shape_cast %get3A_1330 : vector<1x16xf32> to vector<16xf32>
        %add3A_1332 = arith.addf %get3A_1325, %get3A_1331 : vector<16xf32>
        %mul3A_1333 = arith.constant 5.000000e-01 : f32
        %mul3A_1334 = vector.broadcast %mul3A_1333 : f32 to vector<16xf32>
        %mul3A_1335 = arith.mulf %add3A_1332, %mul3A_1334 : vector<16xf32>
        %swap3A_1336 = arith.index_cast %scan3A_1146 : i32 to index
        %swap3A_1337 = arith.constant 112 : index
        %swap3A_1338 = tpu.vector_load %arg16[%swap3A_1336, %swap3A_1337] {strides = array<i32>} : memref<128x128xf32, #tpu.memory_space<vmem>>, vector<1x16xf32>,
        %swap3A_1339 = vector.shape_cast %swap3A_1338 : vector<1x16xf32> to vector<16xf32>
        %swap3A_1340 = vector.shape_cast %mul3A_1335 : vector<16xf32> to vector<1x16xf32>
        tpu.vector_store %arg16[%swap3A_1336, %swap3A_1337], %swap3A_1340 {strides = array<i32>} : memref<128x128xf32, #tpu.memory_space<vmem>>, vector<1x16xf32>,
        %add3A_1341 = arith.addf %add3A_1293, %mul3A_1335 : vector<16xf32>
        %mul3A_1342 = arith.mulf %mul3A_1335, %mul3A_1335 : vector<16xf32>
        %add3A_1343 = arith.addf %add3A_1295, %mul3A_1342 : vector<16xf32>
        scf.yield %add3A_1317, %add3A_1319, %add3A_1341, %add3A_1343 : vector<16xf32>, vector<16xf32>, vector<16xf32>, vector<16xf32>
      }
      %scan3A_1124 = arith.constant 128 : i32
      %lt3A_1125 = arith.constant 48 : i32
      %lt3A_1126 = arith.cmpi slt, %add3A_1118, %lt3A_1125 : i32
      %mul3A_1127 = arith.constant 8 : i32
      %mul3A_1128 = arith.muli %add3A_1118, %mul3A_1127 : i32
      %add3A_1129 = arith.addi %add3A_35, %mul3A_1128 : i32
      %sub3A_1130 = arith.constant 48 : i32
      %sub3A_1131 = arith.subi %add3A_1118, %sub3A_1130 : i32
      %mul3A_1132 = arith.constant 8 : i32
      %mul3A_1133 = arith.muli %sub3A_1131, %mul3A_1132 : i32
      %add3A_1134 = arith.addi %add3A_42, %mul3A_1133 : i32
      %select_n3A_1135 = arith.select %lt3A_1126, %add3A_1129, %add3A_1134 : i32
      %mul3A_1136 = arith.constant 16 : i32
      %mul3A_1137 = arith.muli %select_n3A_1135, %mul3A_1136 : i32
      %dma_start3A_1138 = arith.constant 0 : i32
      %dma_start3A_1139 = tpu.memref_slice %arg5[%mul3A_1137, %dma_start3A_1138] : memref<208896x128xf32, #tpu.memory_space<hbm>> -> memref<128x128xf32, #tpu.memory_space<hbm>>
      %dma_start3A_1140 = arith.constant 0 : i32
      %dma_start3A_1141 = tpu.memref_slice %arg5[%mul3A_1137, %dma_start3A_1140] : memref<208896x128xf32, #tpu.memory_space<hbm>> -> memref<128x128xf32, #tpu.memory_space<hbm>>
      tpu.enqueue_dma source(%arg16 : memref<128x128xf32, #tpu.memory_space<vmem>>) target(%dma_start3A_1141 : memref<128x128xf32, #tpu.memory_space<hbm>>) target_semaphore(%arg19 : memref<!tpu.dma_semaphore, #tpu.memory_space<semaphore_mem>>)
      %dma_wait3A_1142 = arith.constant 0 : i32
      %dma_wait3A_1143 = tpu.memref_slice %arg5[%mul3A_1137, %dma_wait3A_1142] : memref<208896x128xf32, #tpu.memory_space<hbm>> -> memref<128x128xf32, #tpu.memory_space<hbm>>
      %dma_wait3A_1144 = arith.constant 0 : i32
      %dma_wait3A_1145 = tpu.memref_slice %arg5[%mul3A_1137, %dma_wait3A_1144] : memref<208896x128xf32, #tpu.memory_space<hbm>> -> memref<128x128xf32, #tpu.memory_space<hbm>>
      tpu.wait_dma2 semaphore(%arg19 : memref<!tpu.dma_semaphore, #tpu.memory_space<semaphore_mem>>) src(%arg16 : memref<128x128xf32, #tpu.memory_space<vmem>>) dst(%dma_wait3A_1145 : memref<128x128xf32, #tpu.memory_space<hbm>>)
      scf.yield %scan3A_1123#0, %scan3A_1123#1, %scan3A_1123#2, %scan3A_1123#3 : vector<16xf32>, vector<16xf32>, vector<16xf32>, vector<16xf32>
    }
    %scan3A_213 = arith.constant 25 : i32
    %dma_wait3A = arith.constant 0 : i32
    %dma_wait3A_214 = arith.constant 0 : i32
    %dma_wait3A_215 = arith.constant 0 : i32
    %dma_wait3A_216 = tpu.memref_slice %arg11[%dma_wait3A_214, %dma_wait3A_215] : memref<1024x16xf32, #tpu.memory_space<vmem>> -> memref<128x16xf32, #tpu.memory_space<vmem>>
    %dma_wait3A_217 = arith.constant 0 : i32
    %dma_wait3A_218 = tpu.memref_slice %arg7[%dma_wait3A, %dma_wait3A_217] : memref<8x128xi32, #tpu.memory_space<vmem>> -> memref<1x128xi32, #tpu.memory_space<vmem>>
    %dma_wait3A_219 = tpu.memref_squeeze %dma_wait3A_218 : memref<1x128xi32, #tpu.memory_space<vmem>> -> memref<128xi32, #tpu.memory_space<vmem>>
    %dma_wait3A_220 = arith.constant 0 : i32
    %dma_wait3A_221 = arith.constant 0 : i32
    %dma_wait3A_222 = tpu.memref_slice %arg4[%dma_wait3A_220, %dma_wait3A_221] : memref<98304x16xf32, #tpu.memory_space<hbm>> -> memref<98304x16xf32, #tpu.memory_space<hbm>>
    tpu.wait_indirect_dma semaphore(%arg18 : memref<!tpu.dma_semaphore, #tpu.memory_space<semaphore_mem>>) src(%dma_wait3A_222 : memref<98304x16xf32, #tpu.memory_space<hbm>>) dst(%dma_wait3A_216 : memref<128x16xf32, #tpu.memory_space<vmem>>)
    %dma_wait3A_223 = arith.constant 0 : i32
    %dma_wait3A_224 = arith.constant 0 : i32
    %dma_wait3A_225 = arith.constant 0 : i32
    %dma_wait3A_226 = tpu.memref_slice %arg12[%dma_wait3A_224, %dma_wait3A_225] : memref<1024x16xf32, #tpu.memory_space<vmem>> -> memref<128x16xf32, #tpu.memory_space<vmem>>
    %dma_wait3A_227 = arith.constant 0 : i32
    %dma_wait3A_228 = tpu.memref_slice %arg8[%dma_wait3A_223, %dma_wait3A_227] : memref<8x128xi32, #tpu.memory_space<vmem>> -> memref<1x128xi32, #tpu.memory_space<vmem>>
    %dma_wait3A_229 = tpu.memref_squeeze %dma_wait3A_228 : memref<1x128xi32, #tpu.memory_space<vmem>> -> memref<128xi32, #tpu.memory_space<vmem>>
    %dma_wait3A_230 = arith.constant 0 : i32
    %dma_wait3A_231 = arith.constant 0 : i32
    %dma_wait3A_232 = tpu.memref_slice %arg4[%dma_wait3A_230, %dma_wait3A_231] : memref<98304x16xf32, #tpu.memory_space<hbm>> -> memref<98304x16xf32, #tpu.memory_space<hbm>>
    tpu.wait_indirect_dma semaphore(%arg18 : memref<!tpu.dma_semaphore, #tpu.memory_space<semaphore_mem>>) src(%dma_wait3A_232 : memref<98304x16xf32, #tpu.memory_space<hbm>>) dst(%dma_wait3A_226 : memref<128x16xf32, #tpu.memory_space<vmem>>)
    %dma_wait3A_233 = arith.constant 1 : i32
    %dma_wait3A_234 = arith.constant 128 : i32
    %dma_wait3A_235 = arith.constant 0 : i32
    %dma_wait3A_236 = tpu.memref_slice %arg11[%dma_wait3A_234, %dma_wait3A_235] : memref<1024x16xf32, #tpu.memory_space<vmem>> -> memref<128x16xf32, #tpu.memory_space<vmem>>
    %dma_wait3A_237 = arith.constant 0 : i32
    %dma_wait3A_238 = tpu.memref_slice %arg7[%dma_wait3A_233, %dma_wait3A_237] : memref<8x128xi32, #tpu.memory_space<vmem>> -> memref<1x128xi32, #tpu.memory_space<vmem>>
    %dma_wait3A_239 = tpu.memref_squeeze %dma_wait3A_238 : memref<1x128xi32, #tpu.memory_space<vmem>> -> memref<128xi32, #tpu.memory_space<vmem>>
    %dma_wait3A_240 = arith.constant 0 : i32
    %dma_wait3A_241 = arith.constant 0 : i32
    %dma_wait3A_242 = tpu.memref_slice %arg4[%dma_wait3A_240, %dma_wait3A_241] : memref<98304x16xf32, #tpu.memory_space<hbm>> -> memref<98304x16xf32, #tpu.memory_space<hbm>>
    tpu.wait_indirect_dma semaphore(%arg18 : memref<!tpu.dma_semaphore, #tpu.memory_space<semaphore_mem>>) src(%dma_wait3A_242 : memref<98304x16xf32, #tpu.memory_space<hbm>>) dst(%dma_wait3A_236 : memref<128x16xf32, #tpu.memory_space<vmem>>)
    %dma_wait3A_243 = arith.constant 1 : i32
    %dma_wait3A_244 = arith.constant 128 : i32
    %dma_wait3A_245 = arith.constant 0 : i32
    %dma_wait3A_246 = tpu.memref_slice %arg12[%dma_wait3A_244, %dma_wait3A_245] : memref<1024x16xf32, #tpu.memory_space<vmem>> -> memref<128x16xf32, #tpu.memory_space<vmem>>
    %dma_wait3A_247 = arith.constant 0 : i32
    %dma_wait3A_248 = tpu.memref_slice %arg8[%dma_wait3A_243, %dma_wait3A_247] : memref<8x128xi32, #tpu.memory_space<vmem>> -> memref<1x128xi32, #tpu.memory_space<vmem>>
    %dma_wait3A_249 = tpu.memref_squeeze %dma_wait3A_248 : memref<1x128xi32, #tpu.memory_space<vmem>> -> memref<128xi32, #tpu.memory_space<vmem>>
    %dma_wait3A_250 = arith.constant 0 : i32
    %dma_wait3A_251 = arith.constant 0 : i32
    %dma_wait3A_252 = tpu.memref_slice %arg4[%dma_wait3A_250, %dma_wait3A_251] : memref<98304x16xf32, #tpu.memory_space<hbm>> -> memref<98304x16xf32, #tpu.memory_space<hbm>>
    tpu.wait_indirect_dma semaphore(%arg18 : memref<!tpu.dma_semaphore, #tpu.memory_space<semaphore_mem>>) src(%dma_wait3A_252 : memref<98304x16xf32, #tpu.memory_space<hbm>>) dst(%dma_wait3A_246 : memref<128x16xf32, #tpu.memory_space<vmem>>)
    %dma_wait3A_253 = arith.constant 2 : i32
    %dma_wait3A_254 = arith.constant 256 : i32
    %dma_wait3A_255 = arith.constant 0 : i32
    %dma_wait3A_256 = tpu.memref_slice %arg11[%dma_wait3A_254, %dma_wait3A_255] : memref<1024x16xf32, #tpu.memory_space<vmem>> -> memref<128x16xf32, #tpu.memory_space<vmem>>
    %dma_wait3A_257 = arith.constant 0 : i32
    %dma_wait3A_258 = tpu.memref_slice %arg7[%dma_wait3A_253, %dma_wait3A_257] : memref<8x128xi32, #tpu.memory_space<vmem>> -> memref<1x128xi32, #tpu.memory_space<vmem>>
    %dma_wait3A_259 = tpu.memref_squeeze %dma_wait3A_258 : memref<1x128xi32, #tpu.memory_space<vmem>> -> memref<128xi32, #tpu.memory_space<vmem>>
    %dma_wait3A_260 = arith.constant 0 : i32
    %dma_wait3A_261 = arith.constant 0 : i32
    %dma_wait3A_262 = tpu.memref_slice %arg4[%dma_wait3A_260, %dma_wait3A_261] : memref<98304x16xf32, #tpu.memory_space<hbm>> -> memref<98304x16xf32, #tpu.memory_space<hbm>>
    tpu.wait_indirect_dma semaphore(%arg18 : memref<!tpu.dma_semaphore, #tpu.memory_space<semaphore_mem>>) src(%dma_wait3A_262 : memref<98304x16xf32, #tpu.memory_space<hbm>>) dst(%dma_wait3A_256 : memref<128x16xf32, #tpu.memory_space<vmem>>)
    %dma_wait3A_263 = arith.constant 2 : i32
    %dma_wait3A_264 = arith.constant 256 : i32
    %dma_wait3A_265 = arith.constant 0 : i32
    %dma_wait3A_266 = tpu.memref_slice %arg12[%dma_wait3A_264, %dma_wait3A_265] : memref<1024x16xf32, #tpu.memory_space<vmem>> -> memref<128x16xf32, #tpu.memory_space<vmem>>
    %dma_wait3A_267 = arith.constant 0 : i32
    %dma_wait3A_268 = tpu.memref_slice %arg8[%dma_wait3A_263, %dma_wait3A_267] : memref<8x128xi32, #tpu.memory_space<vmem>> -> memref<1x128xi32, #tpu.memory_space<vmem>>
    %dma_wait3A_269 = tpu.memref_squeeze %dma_wait3A_268 : memref<1x128xi32, #tpu.memory_space<vmem>> -> memref<128xi32, #tpu.memory_space<vmem>>
    %dma_wait3A_270 = arith.constant 0 : i32
    %dma_wait3A_271 = arith.constant 0 : i32
    %dma_wait3A_272 = tpu.memref_slice %arg4[%dma_wait3A_270, %dma_wait3A_271] : memref<98304x16xf32, #tpu.memory_space<hbm>> -> memref<98304x16xf32, #tpu.memory_space<hbm>>
    tpu.wait_indirect_dma semaphore(%arg18 : memref<!tpu.dma_semaphore, #tpu.memory_space<semaphore_mem>>) src(%dma_wait3A_272 : memref<98304x16xf32, #tpu.memory_space<hbm>>) dst(%dma_wait3A_266 : memref<128x16xf32, #tpu.memory_space<vmem>>)
    %dma_wait3A_273 = arith.constant 3 : i32
    %dma_wait3A_274 = arith.constant 384 : i32
    %dma_wait3A_275 = arith.constant 0 : i32
    %dma_wait3A_276 = tpu.memref_slice %arg11[%dma_wait3A_274, %dma_wait3A_275] : memref<1024x16xf32, #tpu.memory_space<vmem>> -> memref<128x16xf32, #tpu.memory_space<vmem>>
    %dma_wait3A_277 = arith.constant 0 : i32
    %dma_wait3A_278 = tpu.memref_slice %arg7[%dma_wait3A_273, %dma_wait3A_277] : memref<8x128xi32, #tpu.memory_space<vmem>> -> memref<1x128xi32, #tpu.memory_space<vmem>>
    %dma_wait3A_279 = tpu.memref_squeeze %dma_wait3A_278 : memref<1x128xi32, #tpu.memory_space<vmem>> -> memref<128xi32, #tpu.memory_space<vmem>>
    %dma_wait3A_280 = arith.constant 0 : i32
    %dma_wait3A_281 = arith.constant 0 : i32
    %dma_wait3A_282 = tpu.memref_slice %arg4[%dma_wait3A_280, %dma_wait3A_281] : memref<98304x16xf32, #tpu.memory_space<hbm>> -> memref<98304x16xf32, #tpu.memory_space<hbm>>
    tpu.wait_indirect_dma semaphore(%arg18 : memref<!tpu.dma_semaphore, #tpu.memory_space<semaphore_mem>>) src(%dma_wait3A_282 : memref<98304x16xf32, #tpu.memory_space<hbm>>) dst(%dma_wait3A_276 : memref<128x16xf32, #tpu.memory_space<vmem>>)
    %dma_wait3A_283 = arith.constant 3 : i32
    %dma_wait3A_284 = arith.constant 384 : i32
    %dma_wait3A_285 = arith.constant 0 : i32
    %dma_wait3A_286 = tpu.memref_slice %arg12[%dma_wait3A_284, %dma_wait3A_285] : memref<1024x16xf32, #tpu.memory_space<vmem>> -> memref<128x16xf32, #tpu.memory_space<vmem>>
    %dma_wait3A_287 = arith.constant 0 : i32
    %dma_wait3A_288 = tpu.memref_slice %arg8[%dma_wait3A_283, %dma_wait3A_287] : memref<8x128xi32, #tpu.memory_space<vmem>> -> memref<1x128xi32, #tpu.memory_space<vmem>>
    %dma_wait3A_289 = tpu.memref_squeeze %dma_wait3A_288 : memref<1x128xi32, #tpu.memory_space<vmem>> -> memref<128xi32, #tpu.memory_space<vmem>>
    %dma_wait3A_290 = arith.constant 0 : i32
    %dma_wait3A_291 = arith.constant 0 : i32
    %dma_wait3A_292 = tpu.memref_slice %arg4[%dma_wait3A_290, %dma_wait3A_291] : memref<98304x16xf32, #tpu.memory_space<hbm>> -> memref<98304x16xf32, #tpu.memory_space<hbm>>
    tpu.wait_indirect_dma semaphore(%arg18 : memref<!tpu.dma_semaphore, #tpu.memory_space<semaphore_mem>>) src(%dma_wait3A_292 : memref<98304x16xf32, #tpu.memory_space<hbm>>) dst(%dma_wait3A_286 : memref<128x16xf32, #tpu.memory_space<vmem>>)
    %dma_wait3A_293 = arith.constant 4 : i32
    %dma_wait3A_294 = arith.constant 512 : i32
    %dma_wait3A_295 = arith.constant 0 : i32
    %dma_wait3A_296 = tpu.memref_slice %arg11[%dma_wait3A_294, %dma_wait3A_295] : memref<1024x16xf32, #tpu.memory_space<vmem>> -> memref<128x16xf32, #tpu.memory_space<vmem>>
    %dma_wait3A_297 = arith.constant 0 : i32
    %dma_wait3A_298 = tpu.memref_slice %arg7[%dma_wait3A_293, %dma_wait3A_297] : memref<8x128xi32, #tpu.memory_space<vmem>> -> memref<1x128xi32, #tpu.memory_space<vmem>>
    %dma_wait3A_299 = tpu.memref_squeeze %dma_wait3A_298 : memref<1x128xi32, #tpu.memory_space<vmem>> -> memref<128xi32, #tpu.memory_space<vmem>>
    %dma_wait3A_300 = arith.constant 0 : i32
    %dma_wait3A_301 = arith.constant 0 : i32
    %dma_wait3A_302 = tpu.memref_slice %arg4[%dma_wait3A_300, %dma_wait3A_301] : memref<98304x16xf32, #tpu.memory_space<hbm>> -> memref<98304x16xf32, #tpu.memory_space<hbm>>
    tpu.wait_indirect_dma semaphore(%arg18 : memref<!tpu.dma_semaphore, #tpu.memory_space<semaphore_mem>>) src(%dma_wait3A_302 : memref<98304x16xf32, #tpu.memory_space<hbm>>) dst(%dma_wait3A_296 : memref<128x16xf32, #tpu.memory_space<vmem>>)
    %dma_wait3A_303 = arith.constant 4 : i32
    %dma_wait3A_304 = arith.constant 512 : i32
    %dma_wait3A_305 = arith.constant 0 : i32
    %dma_wait3A_306 = tpu.memref_slice %arg12[%dma_wait3A_304, %dma_wait3A_305] : memref<1024x16xf32, #tpu.memory_space<vmem>> -> memref<128x16xf32, #tpu.memory_space<vmem>>
    %dma_wait3A_307 = arith.constant 0 : i32
    %dma_wait3A_308 = tpu.memref_slice %arg8[%dma_wait3A_303, %dma_wait3A_307] : memref<8x128xi32, #tpu.memory_space<vmem>> -> memref<1x128xi32, #tpu.memory_space<vmem>>
    %dma_wait3A_309 = tpu.memref_squeeze %dma_wait3A_308 : memref<1x128xi32, #tpu.memory_space<vmem>> -> memref<128xi32, #tpu.memory_space<vmem>>
    %dma_wait3A_310 = arith.constant 0 : i32
    %dma_wait3A_311 = arith.constant 0 : i32
    %dma_wait3A_312 = tpu.memref_slice %arg4[%dma_wait3A_310, %dma_wait3A_311] : memref<98304x16xf32, #tpu.memory_space<hbm>> -> memref<98304x16xf32, #tpu.memory_space<hbm>>
    tpu.wait_indirect_dma semaphore(%arg18 : memref<!tpu.dma_semaphore, #tpu.memory_space<semaphore_mem>>) src(%dma_wait3A_312 : memref<98304x16xf32, #tpu.memory_space<hbm>>) dst(%dma_wait3A_306 : memref<128x16xf32, #tpu.memory_space<vmem>>)
    %dma_wait3A_313 = arith.constant 5 : i32
    %dma_wait3A_314 = arith.constant 640 : i32
    %dma_wait3A_315 = arith.constant 0 : i32
    %dma_wait3A_316 = tpu.memref_slice %arg11[%dma_wait3A_314, %dma_wait3A_315] : memref<1024x16xf32, #tpu.memory_space<vmem>> -> memref<128x16xf32, #tpu.memory_space<vmem>>
    %dma_wait3A_317 = arith.constant 0 : i32
    %dma_wait3A_318 = tpu.memref_slice %arg7[%dma_wait3A_313, %dma_wait3A_317] : memref<8x128xi32, #tpu.memory_space<vmem>> -> memref<1x128xi32, #tpu.memory_space<vmem>>
    %dma_wait3A_319 = tpu.memref_squeeze %dma_wait3A_318 : memref<1x128xi32, #tpu.memory_space<vmem>> -> memref<128xi32, #tpu.memory_space<vmem>>
    %dma_wait3A_320 = arith.constant 0 : i32
    %dma_wait3A_321 = arith.constant 0 : i32
    %dma_wait3A_322 = tpu.memref_slice %arg4[%dma_wait3A_320, %dma_wait3A_321] : memref<98304x16xf32, #tpu.memory_space<hbm>> -> memref<98304x16xf32, #tpu.memory_space<hbm>>
    tpu.wait_indirect_dma semaphore(%arg18 : memref<!tpu.dma_semaphore, #tpu.memory_space<semaphore_mem>>) src(%dma_wait3A_322 : memref<98304x16xf32, #tpu.memory_space<hbm>>) dst(%dma_wait3A_316 : memref<128x16xf32, #tpu.memory_space<vmem>>)
    %dma_wait3A_323 = arith.constant 5 : i32
    %dma_wait3A_324 = arith.constant 640 : i32
    %dma_wait3A_325 = arith.constant 0 : i32
    %dma_wait3A_326 = tpu.memref_slice %arg12[%dma_wait3A_324, %dma_wait3A_325] : memref<1024x16xf32, #tpu.memory_space<vmem>> -> memref<128x16xf32, #tpu.memory_space<vmem>>
    %dma_wait3A_327 = arith.constant 0 : i32
    %dma_wait3A_328 = tpu.memref_slice %arg8[%dma_wait3A_323, %dma_wait3A_327] : memref<8x128xi32, #tpu.memory_space<vmem>> -> memref<1x128xi32, #tpu.memory_space<vmem>>
    %dma_wait3A_329 = tpu.memref_squeeze %dma_wait3A_328 : memref<1x128xi32, #tpu.memory_space<vmem>> -> memref<128xi32, #tpu.memory_space<vmem>>
    %dma_wait3A_330 = arith.constant 0 : i32
    %dma_wait3A_331 = arith.constant 0 : i32
    %dma_wait3A_332 = tpu.memref_slice %arg4[%dma_wait3A_330, %dma_wait3A_331] : memref<98304x16xf32, #tpu.memory_space<hbm>> -> memref<98304x16xf32, #tpu.memory_space<hbm>>
    tpu.wait_indirect_dma semaphore(%arg18 : memref<!tpu.dma_semaphore, #tpu.memory_space<semaphore_mem>>) src(%dma_wait3A_332 : memref<98304x16xf32, #tpu.memory_space<hbm>>) dst(%dma_wait3A_326 : memref<128x16xf32, #tpu.memory_space<vmem>>)
    %dma_wait3A_333 = arith.constant 6 : i32
    %dma_wait3A_334 = arith.constant 768 : i32
    %dma_wait3A_335 = arith.constant 0 : i32
    %dma_wait3A_336 = tpu.memref_slice %arg11[%dma_wait3A_334, %dma_wait3A_335] : memref<1024x16xf32, #tpu.memory_space<vmem>> -> memref<128x16xf32, #tpu.memory_space<vmem>>
    %dma_wait3A_337 = arith.constant 0 : i32
    %dma_wait3A_338 = tpu.memref_slice %arg7[%dma_wait3A_333, %dma_wait3A_337] : memref<8x128xi32, #tpu.memory_space<vmem>> -> memref<1x128xi32, #tpu.memory_space<vmem>>
    %dma_wait3A_339 = tpu.memref_squeeze %dma_wait3A_338 : memref<1x128xi32, #tpu.memory_space<vmem>> -> memref<128xi32, #tpu.memory_space<vmem>>
    %dma_wait3A_340 = arith.constant 0 : i32
    %dma_wait3A_341 = arith.constant 0 : i32
    %dma_wait3A_342 = tpu.memref_slice %arg4[%dma_wait3A_340, %dma_wait3A_341] : memref<98304x16xf32, #tpu.memory_space<hbm>> -> memref<98304x16xf32, #tpu.memory_space<hbm>>
    tpu.wait_indirect_dma semaphore(%arg18 : memref<!tpu.dma_semaphore, #tpu.memory_space<semaphore_mem>>) src(%dma_wait3A_342 : memref<98304x16xf32, #tpu.memory_space<hbm>>) dst(%dma_wait3A_336 : memref<128x16xf32, #tpu.memory_space<vmem>>)
    %dma_wait3A_343 = arith.constant 6 : i32
    %dma_wait3A_344 = arith.constant 768 : i32
    %dma_wait3A_345 = arith.constant 0 : i32
    %dma_wait3A_346 = tpu.memref_slice %arg12[%dma_wait3A_344, %dma_wait3A_345] : memref<1024x16xf32, #tpu.memory_space<vmem>> -> memref<128x16xf32, #tpu.memory_space<vmem>>
    %dma_wait3A_347 = arith.constant 0 : i32
    %dma_wait3A_348 = tpu.memref_slice %arg8[%dma_wait3A_343, %dma_wait3A_347] : memref<8x128xi32, #tpu.memory_space<vmem>> -> memref<1x128xi32, #tpu.memory_space<vmem>>
    %dma_wait3A_349 = tpu.memref_squeeze %dma_wait3A_348 : memref<1x128xi32, #tpu.memory_space<vmem>> -> memref<128xi32, #tpu.memory_space<vmem>>
    %dma_wait3A_350 = arith.constant 0 : i32
    %dma_wait3A_351 = arith.constant 0 : i32
    %dma_wait3A_352 = tpu.memref_slice %arg4[%dma_wait3A_350, %dma_wait3A_351] : memref<98304x16xf32, #tpu.memory_space<hbm>> -> memref<98304x16xf32, #tpu.memory_space<hbm>>
    tpu.wait_indirect_dma semaphore(%arg18 : memref<!tpu.dma_semaphore, #tpu.memory_space<semaphore_mem>>) src(%dma_wait3A_352 : memref<98304x16xf32, #tpu.memory_space<hbm>>) dst(%dma_wait3A_346 : memref<128x16xf32, #tpu.memory_space<vmem>>)
    %dma_wait3A_353 = arith.constant 7 : i32
    %dma_wait3A_354 = arith.constant 896 : i32
    %dma_wait3A_355 = arith.constant 0 : i32
    %dma_wait3A_356 = tpu.memref_slice %arg11[%dma_wait3A_354, %dma_wait3A_355] : memref<1024x16xf32, #tpu.memory_space<vmem>> -> memref<128x16xf32, #tpu.memory_space<vmem>>
    %dma_wait3A_357 = arith.constant 0 : i32
    %dma_wait3A_358 = tpu.memref_slice %arg7[%dma_wait3A_353, %dma_wait3A_357] : memref<8x128xi32, #tpu.memory_space<vmem>> -> memref<1x128xi32, #tpu.memory_space<vmem>>
    %dma_wait3A_359 = tpu.memref_squeeze %dma_wait3A_358 : memref<1x128xi32, #tpu.memory_space<vmem>> -> memref<128xi32, #tpu.memory_space<vmem>>
    %dma_wait3A_360 = arith.constant 0 : i32
    %dma_wait3A_361 = arith.constant 0 : i32
    %dma_wait3A_362 = tpu.memref_slice %arg4[%dma_wait3A_360, %dma_wait3A_361] : memref<98304x16xf32, #tpu.memory_space<hbm>> -> memref<98304x16xf32, #tpu.memory_space<hbm>>
    tpu.wait_indirect_dma semaphore(%arg18 : memref<!tpu.dma_semaphore, #tpu.memory_space<semaphore_mem>>) src(%dma_wait3A_362 : memref<98304x16xf32, #tpu.memory_space<hbm>>) dst(%dma_wait3A_356 : memref<128x16xf32, #tpu.memory_space<vmem>>)
    %dma_wait3A_363 = arith.constant 7 : i32
    %dma_wait3A_364 = arith.constant 896 : i32
    %dma_wait3A_365 = arith.constant 0 : i32
    %dma_wait3A_366 = tpu.memref_slice %arg12[%dma_wait3A_364, %dma_wait3A_365] : memref<1024x16xf32, #tpu.memory_space<vmem>> -> memref<128x16xf32, #tpu.memory_space<vmem>>
    %dma_wait3A_367 = arith.constant 0 : i32
    %dma_wait3A_368 = tpu.memref_slice %arg8[%dma_wait3A_363, %dma_wait3A_367] : memref<8x128xi32, #tpu.memory_space<vmem>> -> memref<1x128xi32, #tpu.memory_space<vmem>>
    %dma_wait3A_369 = tpu.memref_squeeze %dma_wait3A_368 : memref<1x128xi32, #tpu.memory_space<vmem>> -> memref<128xi32, #tpu.memory_space<vmem>>
    %dma_wait3A_370 = arith.constant 0 : i32
    %dma_wait3A_371 = arith.constant 0 : i32
    %dma_wait3A_372 = tpu.memref_slice %arg4[%dma_wait3A_370, %dma_wait3A_371] : memref<98304x16xf32, #tpu.memory_space<hbm>> -> memref<98304x16xf32, #tpu.memory_space<hbm>>
    tpu.wait_indirect_dma semaphore(%arg18 : memref<!tpu.dma_semaphore, #tpu.memory_space<semaphore_mem>>) src(%dma_wait3A_372 : memref<98304x16xf32, #tpu.memory_space<hbm>>) dst(%dma_wait3A_366 : memref<128x16xf32, #tpu.memory_space<vmem>>)
    %scan3A_373 = arith.constant 0 : i32
    %scan3A_374 = arith.constant 128 : i32
    %scan3A_375 = arith.addi %scan3A_373, %scan3A_374 : i32
    %scan3A_376 = arith.constant 1 : i32
    %scan3A_377:4 = scf.for %scan3A_411 = %scan3A_373 to %scan3A_375 step %scan3A_376 iter_args(%scan3A_412 = %scan3A_212#0, %scan3A_413 = %scan3A_212#1, %scan3A_414 = %scan3A_212#2, %scan3A_415 = %scan3A_212#3) -> (vector<16xf32>, vector<16xf32>, vector<16xf32>, vector<16xf32>)  : i32 {
      %mul3A_416 = arith.constant 8 : i32
      %mul3A_417 = arith.muli %scan3A_411, %mul3A_416 : i32
      %add3A_418 = arith.constant 0 : i32
      %add3A_419 = arith.addi %mul3A_417, %add3A_418 : i32
      %get3A = arith.index_cast %add3A_419 : i32 to index
      %get3A_420 = arith.constant 0 : index
      %get3A_421 = tpu.vector_load %arg11[%get3A, %get3A_420] {strides = array<i32>} : memref<1024x16xf32, #tpu.memory_space<vmem>>, vector<1x16xf32>,
      %get3A_422 = vector.shape_cast %get3A_421 : vector<1x16xf32> to vector<16xf32>
      %add3A_423 = arith.constant 0 : i32
      %add3A_424 = arith.addi %mul3A_417, %add3A_423 : i32
      %get3A_425 = arith.index_cast %add3A_424 : i32 to index
      %get3A_426 = arith.constant 0 : index
      %get3A_427 = tpu.vector_load %arg12[%get3A_425, %get3A_426] {strides = array<i32>} : memref<1024x16xf32, #tpu.memory_space<vmem>>, vector<1x16xf32>,
      %get3A_428 = vector.shape_cast %get3A_427 : vector<1x16xf32> to vector<16xf32>
      %add3A_429 = arith.addf %get3A_422, %get3A_428 : vector<16xf32>
      %mul3A_430 = arith.constant 5.000000e-01 : f32
      %mul3A_431 = vector.broadcast %mul3A_430 : f32 to vector<16xf32>
      %mul3A_432 = arith.mulf %add3A_429, %mul3A_431 : vector<16xf32>
      %swap3A_433 = arith.index_cast %scan3A_411 : i32 to index
      %swap3A_434 = arith.constant 0 : index
      %swap3A_435 = tpu.vector_load %arg15[%swap3A_433, %swap3A_434] {strides = array<i32>} : memref<128x128xf32, #tpu.memory_space<vmem>>, vector<1x16xf32>,
      %swap3A_436 = vector.shape_cast %swap3A_435 : vector<1x16xf32> to vector<16xf32>
      %swap3A_437 = vector.shape_cast %mul3A_432 : vector<16xf32> to vector<1x16xf32>
      tpu.vector_store %arg15[%swap3A_433, %swap3A_434], %swap3A_437 {strides = array<i32>} : memref<128x128xf32, #tpu.memory_space<vmem>>, vector<1x16xf32>,
      %add3A_438 = arith.addf %scan3A_412, %mul3A_432 : vector<16xf32>
      %mul3A_439 = arith.mulf %mul3A_432, %mul3A_432 : vector<16xf32>
      %add3A_440 = arith.addf %scan3A_413, %mul3A_439 : vector<16xf32>
      %add3A_441 = arith.constant 1 : i32
      %add3A_442 = arith.addi %mul3A_417, %add3A_441 : i32
      %get3A_443 = arith.index_cast %add3A_442 : i32 to index
      %get3A_444 = arith.constant 0 : index
      %get3A_445 = tpu.vector_load %arg11[%get3A_443, %get3A_444] {strides = array<i32>} : memref<1024x16xf32, #tpu.memory_space<vmem>>, vector<1x16xf32>,
      %get3A_446 = vector.shape_cast %get3A_445 : vector<1x16xf32> to vector<16xf32>
      %add3A_447 = arith.constant 1 : i32
      %add3A_448 = arith.addi %mul3A_417, %add3A_447 : i32
      %get3A_449 = arith.index_cast %add3A_448 : i32 to index
      %get3A_450 = arith.constant 0 : index
      %get3A_451 = tpu.vector_load %arg12[%get3A_449, %get3A_450] {strides = array<i32>} : memref<1024x16xf32, #tpu.memory_space<vmem>>, vector<1x16xf32>,
      %get3A_452 = vector.shape_cast %get3A_451 : vector<1x16xf32> to vector<16xf32>
      %add3A_453 = arith.addf %get3A_446, %get3A_452 : vector<16xf32>
      %mul3A_454 = arith.constant 5.000000e-01 : f32
      %mul3A_455 = vector.broadcast %mul3A_454 : f32 to vector<16xf32>
      %mul3A_456 = arith.mulf %add3A_453, %mul3A_455 : vector<16xf32>
      %swap3A_457 = arith.index_cast %scan3A_411 : i32 to index
      %swap3A_458 = arith.constant 16 : index
      %swap3A_459 = tpu.vector_load %arg15[%swap3A_457, %swap3A_458] {strides = array<i32>} : memref<128x128xf32, #tpu.memory_space<vmem>>, vector<1x16xf32>,
      %swap3A_460 = vector.shape_cast %swap3A_459 : vector<1x16xf32> to vector<16xf32>
      %swap3A_461 = vector.shape_cast %mul3A_456 : vector<16xf32> to vector<1x16xf32>
      tpu.vector_store %arg15[%swap3A_457, %swap3A_458], %swap3A_461 {strides = array<i32>} : memref<128x128xf32, #tpu.memory_space<vmem>>, vector<1x16xf32>,
      %add3A_462 = arith.addf %scan3A_414, %mul3A_456 : vector<16xf32>
      %mul3A_463 = arith.mulf %mul3A_456, %mul3A_456 : vector<16xf32>
      %add3A_464 = arith.addf %scan3A_415, %mul3A_463 : vector<16xf32>
      %add3A_465 = arith.constant 2 : i32
      %add3A_466 = arith.addi %mul3A_417, %add3A_465 : i32
      %get3A_467 = arith.index_cast %add3A_466 : i32 to index
      %get3A_468 = arith.constant 0 : index
      %get3A_469 = tpu.vector_load %arg11[%get3A_467, %get3A_468] {strides = array<i32>} : memref<1024x16xf32, #tpu.memory_space<vmem>>, vector<1x16xf32>,
      %get3A_470 = vector.shape_cast %get3A_469 : vector<1x16xf32> to vector<16xf32>
      %add3A_471 = arith.constant 2 : i32
      %add3A_472 = arith.addi %mul3A_417, %add3A_471 : i32
      %get3A_473 = arith.index_cast %add3A_472 : i32 to index
      %get3A_474 = arith.constant 0 : index
      %get3A_475 = tpu.vector_load %arg12[%get3A_473, %get3A_474] {strides = array<i32>} : memref<1024x16xf32, #tpu.memory_space<vmem>>, vector<1x16xf32>,
      %get3A_476 = vector.shape_cast %get3A_475 : vector<1x16xf32> to vector<16xf32>
      %add3A_477 = arith.addf %get3A_470, %get3A_476 : vector<16xf32>
      %mul3A_478 = arith.constant 5.000000e-01 : f32
      %mul3A_479 = vector.broadcast %mul3A_478 : f32 to vector<16xf32>
      %mul3A_480 = arith.mulf %add3A_477, %mul3A_479 : vector<16xf32>
      %swap3A_481 = arith.index_cast %scan3A_411 : i32 to index
      %swap3A_482 = arith.constant 32 : index
      %swap3A_483 = tpu.vector_load %arg15[%swap3A_481, %swap3A_482] {strides = array<i32>} : memref<128x128xf32, #tpu.memory_space<vmem>>, vector<1x16xf32>,
      %swap3A_484 = vector.shape_cast %swap3A_483 : vector<1x16xf32> to vector<16xf32>
      %swap3A_485 = vector.shape_cast %mul3A_480 : vector<16xf32> to vector<1x16xf32>
      tpu.vector_store %arg15[%swap3A_481, %swap3A_482], %swap3A_485 {strides = array<i32>} : memref<128x128xf32, #tpu.memory_space<vmem>>, vector<1x16xf32>,
      %add3A_486 = arith.addf %add3A_438, %mul3A_480 : vector<16xf32>
      %mul3A_487 = arith.mulf %mul3A_480, %mul3A_480 : vector<16xf32>
      %add3A_488 = arith.addf %add3A_440, %mul3A_487 : vector<16xf32>
      %add3A_489 = arith.constant 3 : i32
      %add3A_490 = arith.addi %mul3A_417, %add3A_489 : i32
      %get3A_491 = arith.index_cast %add3A_490 : i32 to index
      %get3A_492 = arith.constant 0 : index
      %get3A_493 = tpu.vector_load %arg11[%get3A_491, %get3A_492] {strides = array<i32>} : memref<1024x16xf32, #tpu.memory_space<vmem>>, vector<1x16xf32>,
      %get3A_494 = vector.shape_cast %get3A_493 : vector<1x16xf32> to vector<16xf32>
      %add3A_495 = arith.constant 3 : i32
      %add3A_496 = arith.addi %mul3A_417, %add3A_495 : i32
      %get3A_497 = arith.index_cast %add3A_496 : i32 to index
      %get3A_498 = arith.constant 0 : index
      %get3A_499 = tpu.vector_load %arg12[%get3A_497, %get3A_498] {strides = array<i32>} : memref<1024x16xf32, #tpu.memory_space<vmem>>, vector<1x16xf32>,
      %get3A_500 = vector.shape_cast %get3A_499 : vector<1x16xf32> to vector<16xf32>
      %add3A_501 = arith.addf %get3A_494, %get3A_500 : vector<16xf32>
      %mul3A_502 = arith.constant 5.000000e-01 : f32
      %mul3A_503 = vector.broadcast %mul3A_502 : f32 to vector<16xf32>
      %mul3A_504 = arith.mulf %add3A_501, %mul3A_503 : vector<16xf32>
      %swap3A_505 = arith.index_cast %scan3A_411 : i32 to index
      %swap3A_506 = arith.constant 48 : index
      %swap3A_507 = tpu.vector_load %arg15[%swap3A_505, %swap3A_506] {strides = array<i32>} : memref<128x128xf32, #tpu.memory_space<vmem>>, vector<1x16xf32>,
      %swap3A_508 = vector.shape_cast %swap3A_507 : vector<1x16xf32> to vector<16xf32>
      %swap3A_509 = vector.shape_cast %mul3A_504 : vector<16xf32> to vector<1x16xf32>
      tpu.vector_store %arg15[%swap3A_505, %swap3A_506], %swap3A_509 {strides = array<i32>} : memref<128x128xf32, #tpu.memory_space<vmem>>, vector<1x16xf32>,
      %add3A_510 = arith.addf %add3A_462, %mul3A_504 : vector<16xf32>
      %mul3A_511 = arith.mulf %mul3A_504, %mul3A_504 : vector<16xf32>
      %add3A_512 = arith.addf %add3A_464, %mul3A_511 : vector<16xf32>
      %add3A_513 = arith.constant 4 : i32
      %add3A_514 = arith.addi %mul3A_417, %add3A_513 : i32
      %get3A_515 = arith.index_cast %add3A_514 : i32 to index
      %get3A_516 = arith.constant 0 : index
      %get3A_517 = tpu.vector_load %arg11[%get3A_515, %get3A_516] {strides = array<i32>} : memref<1024x16xf32, #tpu.memory_space<vmem>>, vector<1x16xf32>,
      %get3A_518 = vector.shape_cast %get3A_517 : vector<1x16xf32> to vector<16xf32>
      %add3A_519 = arith.constant 4 : i32
      %add3A_520 = arith.addi %mul3A_417, %add3A_519 : i32
      %get3A_521 = arith.index_cast %add3A_520 : i32 to index
      %get3A_522 = arith.constant 0 : index
      %get3A_523 = tpu.vector_load %arg12[%get3A_521, %get3A_522] {strides = array<i32>} : memref<1024x16xf32, #tpu.memory_space<vmem>>, vector<1x16xf32>,
      %get3A_524 = vector.shape_cast %get3A_523 : vector<1x16xf32> to vector<16xf32>
      %add3A_525 = arith.addf %get3A_518, %get3A_524 : vector<16xf32>
      %mul3A_526 = arith.constant 5.000000e-01 : f32
      %mul3A_527 = vector.broadcast %mul3A_526 : f32 to vector<16xf32>
      %mul3A_528 = arith.mulf %add3A_525, %mul3A_527 : vector<16xf32>
      %swap3A_529 = arith.index_cast %scan3A_411 : i32 to index
      %swap3A_530 = arith.constant 64 : index
      %swap3A_531 = tpu.vector_load %arg15[%swap3A_529, %swap3A_530] {strides = array<i32>} : memref<128x128xf32, #tpu.memory_space<vmem>>, vector<1x16xf32>,
      %swap3A_532 = vector.shape_cast %swap3A_531 : vector<1x16xf32> to vector<16xf32>
      %swap3A_533 = vector.shape_cast %mul3A_528 : vector<16xf32> to vector<1x16xf32>
      tpu.vector_store %arg15[%swap3A_529, %swap3A_530], %swap3A_533 {strides = array<i32>} : memref<128x128xf32, #tpu.memory_space<vmem>>, vector<1x16xf32>,
      %add3A_534 = arith.addf %add3A_486, %mul3A_528 : vector<16xf32>
      %mul3A_535 = arith.mulf %mul3A_528, %mul3A_528 : vector<16xf32>
      %add3A_536 = arith.addf %add3A_488, %mul3A_535 : vector<16xf32>
      %add3A_537 = arith.constant 5 : i32
      %add3A_538 = arith.addi %mul3A_417, %add3A_537 : i32
      %get3A_539 = arith.index_cast %add3A_538 : i32 to index
      %get3A_540 = arith.constant 0 : index
      %get3A_541 = tpu.vector_load %arg11[%get3A_539, %get3A_540] {strides = array<i32>} : memref<1024x16xf32, #tpu.memory_space<vmem>>, vector<1x16xf32>,
      %get3A_542 = vector.shape_cast %get3A_541 : vector<1x16xf32> to vector<16xf32>
      %add3A_543 = arith.constant 5 : i32
      %add3A_544 = arith.addi %mul3A_417, %add3A_543 : i32
      %get3A_545 = arith.index_cast %add3A_544 : i32 to index
      %get3A_546 = arith.constant 0 : index
      %get3A_547 = tpu.vector_load %arg12[%get3A_545, %get3A_546] {strides = array<i32>} : memref<1024x16xf32, #tpu.memory_space<vmem>>, vector<1x16xf32>,
      %get3A_548 = vector.shape_cast %get3A_547 : vector<1x16xf32> to vector<16xf32>
      %add3A_549 = arith.addf %get3A_542, %get3A_548 : vector<16xf32>
      %mul3A_550 = arith.constant 5.000000e-01 : f32
      %mul3A_551 = vector.broadcast %mul3A_550 : f32 to vector<16xf32>
      %mul3A_552 = arith.mulf %add3A_549, %mul3A_551 : vector<16xf32>
      %swap3A_553 = arith.index_cast %scan3A_411 : i32 to index
      %swap3A_554 = arith.constant 80 : index
      %swap3A_555 = tpu.vector_load %arg15[%swap3A_553, %swap3A_554] {strides = array<i32>} : memref<128x128xf32, #tpu.memory_space<vmem>>, vector<1x16xf32>,
      %swap3A_556 = vector.shape_cast %swap3A_555 : vector<1x16xf32> to vector<16xf32>
      %swap3A_557 = vector.shape_cast %mul3A_552 : vector<16xf32> to vector<1x16xf32>
      tpu.vector_store %arg15[%swap3A_553, %swap3A_554], %swap3A_557 {strides = array<i32>} : memref<128x128xf32, #tpu.memory_space<vmem>>, vector<1x16xf32>,
      %add3A_558 = arith.addf %add3A_510, %mul3A_552 : vector<16xf32>
      %mul3A_559 = arith.mulf %mul3A_552, %mul3A_552 : vector<16xf32>
      %add3A_560 = arith.addf %add3A_512, %mul3A_559 : vector<16xf32>
      %add3A_561 = arith.constant 6 : i32
      %add3A_562 = arith.addi %mul3A_417, %add3A_561 : i32
      %get3A_563 = arith.index_cast %add3A_562 : i32 to index
      %get3A_564 = arith.constant 0 : index
      %get3A_565 = tpu.vector_load %arg11[%get3A_563, %get3A_564] {strides = array<i32>} : memref<1024x16xf32, #tpu.memory_space<vmem>>, vector<1x16xf32>,
      %get3A_566 = vector.shape_cast %get3A_565 : vector<1x16xf32> to vector<16xf32>
      %add3A_567 = arith.constant 6 : i32
      %add3A_568 = arith.addi %mul3A_417, %add3A_567 : i32
      %get3A_569 = arith.index_cast %add3A_568 : i32 to index
      %get3A_570 = arith.constant 0 : index
      %get3A_571 = tpu.vector_load %arg12[%get3A_569, %get3A_570] {strides = array<i32>} : memref<1024x16xf32, #tpu.memory_space<vmem>>, vector<1x16xf32>,
      %get3A_572 = vector.shape_cast %get3A_571 : vector<1x16xf32> to vector<16xf32>
      %add3A_573 = arith.addf %get3A_566, %get3A_572 : vector<16xf32>
      %mul3A_574 = arith.constant 5.000000e-01 : f32
      %mul3A_575 = vector.broadcast %mul3A_574 : f32 to vector<16xf32>
      %mul3A_576 = arith.mulf %add3A_573, %mul3A_575 : vector<16xf32>
      %swap3A_577 = arith.index_cast %scan3A_411 : i32 to index
      %swap3A_578 = arith.constant 96 : index
      %swap3A_579 = tpu.vector_load %arg15[%swap3A_577, %swap3A_578] {strides = array<i32>} : memref<128x128xf32, #tpu.memory_space<vmem>>, vector<1x16xf32>,
      %swap3A_580 = vector.shape_cast %swap3A_579 : vector<1x16xf32> to vector<16xf32>
      %swap3A_581 = vector.shape_cast %mul3A_576 : vector<16xf32> to vector<1x16xf32>
      tpu.vector_store %arg15[%swap3A_577, %swap3A_578], %swap3A_581 {strides = array<i32>} : memref<128x128xf32, #tpu.memory_space<vmem>>, vector<1x16xf32>,
      %add3A_582 = arith.addf %add3A_534, %mul3A_576 : vector<16xf32>
      %mul3A_583 = arith.mulf %mul3A_576, %mul3A_576 : vector<16xf32>
      %add3A_584 = arith.addf %add3A_536, %mul3A_583 : vector<16xf32>
      %add3A_585 = arith.constant 7 : i32
      %add3A_586 = arith.addi %mul3A_417, %add3A_585 : i32
      %get3A_587 = arith.index_cast %add3A_586 : i32 to index
      %get3A_588 = arith.constant 0 : index
      %get3A_589 = tpu.vector_load %arg11[%get3A_587, %get3A_588] {strides = array<i32>} : memref<1024x16xf32, #tpu.memory_space<vmem>>, vector<1x16xf32>,
      %get3A_590 = vector.shape_cast %get3A_589 : vector<1x16xf32> to vector<16xf32>
      %add3A_591 = arith.constant 7 : i32
      %add3A_592 = arith.addi %mul3A_417, %add3A_591 : i32
      %get3A_593 = arith.index_cast %add3A_592 : i32 to index
      %get3A_594 = arith.constant 0 : index
      %get3A_595 = tpu.vector_load %arg12[%get3A_593, %get3A_594] {strides = array<i32>} : memref<1024x16xf32, #tpu.memory_space<vmem>>, vector<1x16xf32>,
      %get3A_596 = vector.shape_cast %get3A_595 : vector<1x16xf32> to vector<16xf32>
      %add3A_597 = arith.addf %get3A_590, %get3A_596 : vector<16xf32>
      %mul3A_598 = arith.constant 5.000000e-01 : f32
      %mul3A_599 = vector.broadcast %mul3A_598 : f32 to vector<16xf32>
      %mul3A_600 = arith.mulf %add3A_597, %mul3A_599 : vector<16xf32>
      %swap3A_601 = arith.index_cast %scan3A_411 : i32 to index
      %swap3A_602 = arith.constant 112 : index
      %swap3A_603 = tpu.vector_load %arg15[%swap3A_601, %swap3A_602] {strides = array<i32>} : memref<128x128xf32, #tpu.memory_space<vmem>>, vector<1x16xf32>,
      %swap3A_604 = vector.shape_cast %swap3A_603 : vector<1x16xf32> to vector<16xf32>
      %swap3A_605 = vector.shape_cast %mul3A_600 : vector<16xf32> to vector<1x16xf32>
      tpu.vector_store %arg15[%swap3A_601, %swap3A_602], %swap3A_605 {strides = array<i32>} : memref<128x128xf32, #tpu.memory_space<vmem>>, vector<1x16xf32>,
      %add3A_606 = arith.addf %add3A_558, %mul3A_600 : vector<16xf32>
      %mul3A_607 = arith.mulf %mul3A_600, %mul3A_600 : vector<16xf32>
      %add3A_608 = arith.addf %add3A_560, %mul3A_607 : vector<16xf32>
      scf.yield %add3A_582, %add3A_584, %add3A_606, %add3A_608 : vector<16xf32>, vector<16xf32>, vector<16xf32>, vector<16xf32>
    }
    %scan3A_378 = arith.constant 128 : i32
    %add3A_379 = arith.constant 400 : i32
    %add3A_380 = arith.addi %add3A_35, %add3A_379 : i32
    %add3A_381 = arith.constant 16 : i32
    %add3A_382 = arith.addi %add3A_42, %add3A_381 : i32
    %jit3A_383 = arith.constant false
    %select_n3A_384 = arith.select %jit3A_383, %add3A_380, %add3A_382 : i32
    %mul3A_385 = arith.constant 16 : i32
    %mul3A_386 = arith.muli %select_n3A_384, %mul3A_385 : i32
    %dma_start3A_387 = arith.constant 0 : i32
    %dma_start3A_388 = tpu.memref_slice %arg5[%mul3A_386, %dma_start3A_387] : memref<208896x128xf32, #tpu.memory_space<hbm>> -> memref<128x128xf32, #tpu.memory_space<hbm>>
    %dma_start3A_389 = arith.constant 0 : i32
    %dma_start3A_390 = tpu.memref_slice %arg5[%mul3A_386, %dma_start3A_389] : memref<208896x128xf32, #tpu.memory_space<hbm>> -> memref<128x128xf32, #tpu.memory_space<hbm>>
    tpu.enqueue_dma source(%arg15 : memref<128x128xf32, #tpu.memory_space<vmem>>) target(%dma_start3A_390 : memref<128x128xf32, #tpu.memory_space<hbm>>) target_semaphore(%arg19 : memref<!tpu.dma_semaphore, #tpu.memory_space<semaphore_mem>>)
    %dma_wait3A_391 = arith.constant 0 : i32
    %dma_wait3A_392 = tpu.memref_slice %arg5[%mul3A_386, %dma_wait3A_391] : memref<208896x128xf32, #tpu.memory_space<hbm>> -> memref<128x128xf32, #tpu.memory_space<hbm>>
    %dma_wait3A_393 = arith.constant 0 : i32
    %dma_wait3A_394 = tpu.memref_slice %arg5[%mul3A_386, %dma_wait3A_393] : memref<208896x128xf32, #tpu.memory_space<hbm>> -> memref<128x128xf32, #tpu.memory_space<hbm>>
    tpu.wait_dma2 semaphore(%arg19 : memref<!tpu.dma_semaphore, #tpu.memory_space<semaphore_mem>>) src(%arg15 : memref<128x128xf32, #tpu.memory_space<vmem>>) dst(%dma_wait3A_394 : memref<128x128xf32, #tpu.memory_space<hbm>>)
    %add3A_395 = arith.addf %scan3A_377#0, %scan3A_377#2 : vector<16xf32>
    %swap3A = arith.constant 0 : i32
    %swap3A_396 = arith.index_cast %swap3A : i32 to index
    %swap3A_397 = arith.constant 0 : index
    %swap3A_398 = tpu.vector_load %arg17[%swap3A_396, %swap3A_397] {strides = array<i32>} : memref<2x16xf32, #tpu.memory_space<vmem>>, vector<1x16xf32>,
    %swap3A_399 = vector.shape_cast %swap3A_398 : vector<1x16xf32> to vector<16xf32>
    %swap3A_400 = vector.shape_cast %add3A_395 : vector<16xf32> to vector<1x16xf32>
    tpu.vector_store %arg17[%swap3A_396, %swap3A_397], %swap3A_400 {strides = array<i32>} : memref<2x16xf32, #tpu.memory_space<vmem>>, vector<1x16xf32>,
    %add3A_401 = arith.addf %scan3A_377#1, %scan3A_377#3 : vector<16xf32>
    %swap3A_402 = arith.constant 1 : i32
    %swap3A_403 = arith.index_cast %swap3A_402 : i32 to index
    %swap3A_404 = arith.constant 0 : index
    %swap3A_405 = tpu.vector_load %arg17[%swap3A_403, %swap3A_404] {strides = array<i32>} : memref<2x16xf32, #tpu.memory_space<vmem>>, vector<1x16xf32>,
    %swap3A_406 = vector.shape_cast %swap3A_405 : vector<1x16xf32> to vector<16xf32>
    %swap3A_407 = vector.shape_cast %add3A_401 : vector<16xf32> to vector<1x16xf32>
    tpu.vector_store %arg17[%swap3A_403, %swap3A_404], %swap3A_407 {strides = array<i32>} : memref<2x16xf32, #tpu.memory_space<vmem>>, vector<1x16xf32>,
    %run_scoped3A = arith.constant 0 : i32
    "tpu.region"() ({
      %run_scoped3A_411 = tpu.sem_alloc : memref<!tpu.dma_semaphore, #tpu.memory_space<semaphore_mem>>
      %dma_start3A_412 = arith.constant 0 : i32
      %dma_start3A_413 = tpu.memref_slice %arg17[%run_scoped3A, %dma_start3A_412] : memref<2x16xf32, #tpu.memory_space<vmem>> -> memref<1x16xf32, #tpu.memory_space<vmem>>
      %dma_start3A_414 = tpu.memref_squeeze %dma_start3A_413 : memref<1x16xf32, #tpu.memory_space<vmem>> -> memref<16xf32, #tpu.memory_space<vmem>>
      %dma_start3A_415 = arith.constant 0 : i32
      %dma_start3A_416 = tpu.memref_slice %arg6[%add3A, %dma_start3A_415] : memref<64x16xf32, #tpu.memory_space<hbm>> -> memref<1x16xf32, #tpu.memory_space<hbm>>
      %dma_start3A_417 = tpu.memref_squeeze %dma_start3A_416 : memref<1x16xf32, #tpu.memory_space<hbm>> -> memref<16xf32, #tpu.memory_space<hbm>>
      %dma_start3A_418 = arith.constant 0 : i32
      %dma_start3A_419 = tpu.memref_slice %arg6[%add3A, %dma_start3A_418] : memref<64x16xf32, #tpu.memory_space<hbm>> -> memref<1x16xf32, #tpu.memory_space<hbm>>
      %dma_start3A_420 = tpu.memref_squeeze %dma_start3A_419 : memref<1x16xf32, #tpu.memory_space<hbm>> -> memref<16xf32, #tpu.memory_space<hbm>>
      %dma_start3A_421 = arith.constant 0 : i32
      %dma_start3A_422 = tpu.memref_slice %arg17[%run_scoped3A, %dma_start3A_421] : memref<2x16xf32, #tpu.memory_space<vmem>> -> memref<1x16xf32, #tpu.memory_space<vmem>>
      %dma_start3A_423 = tpu.memref_squeeze %dma_start3A_422 : memref<1x16xf32, #tpu.memory_space<vmem>> -> memref<16xf32, #tpu.memory_space<vmem>>
      tpu.enqueue_dma source(%dma_start3A_423 : memref<16xf32, #tpu.memory_space<vmem>>) target(%dma_start3A_420 : memref<16xf32, #tpu.memory_space<hbm>>) target_semaphore(%run_scoped3A_411 : memref<!tpu.dma_semaphore, #tpu.memory_space<semaphore_mem>>)
      %dma_wait3A_424 = arith.constant 0 : i32
      %dma_wait3A_425 = tpu.memref_slice %arg17[%run_scoped3A, %dma_wait3A_424] : memref<2x16xf32, #tpu.memory_space<vmem>> -> memref<1x16xf32, #tpu.memory_space<vmem>>
      %dma_wait3A_426 = tpu.memref_squeeze %dma_wait3A_425 : memref<1x16xf32, #tpu.memory_space<vmem>> -> memref<16xf32, #tpu.memory_space<vmem>>
      %dma_wait3A_427 = arith.constant 0 : i32
      %dma_wait3A_428 = tpu.memref_slice %arg6[%add3A, %dma_wait3A_427] : memref<64x16xf32, #tpu.memory_space<hbm>> -> memref<1x16xf32, #tpu.memory_space<hbm>>
      %dma_wait3A_429 = tpu.memref_squeeze %dma_wait3A_428 : memref<1x16xf32, #tpu.memory_space<hbm>> -> memref<16xf32, #tpu.memory_space<hbm>>
      %dma_wait3A_430 = arith.constant 0 : i32
      %dma_wait3A_431 = tpu.memref_slice %arg6[%add3A, %dma_wait3A_430] : memref<64x16xf32, #tpu.memory_space<hbm>> -> memref<1x16xf32, #tpu.memory_space<hbm>>
      %dma_wait3A_432 = tpu.memref_squeeze %dma_wait3A_431 : memref<1x16xf32, #tpu.memory_space<hbm>> -> memref<16xf32, #tpu.memory_space<hbm>>
      %dma_wait3A_433 = arith.constant 0 : i32
      %dma_wait3A_434 = tpu.memref_slice %arg17[%run_scoped3A, %dma_wait3A_433] : memref<2x16xf32, #tpu.memory_space<vmem>> -> memref<1x16xf32, #tpu.memory_space<vmem>>
      %dma_wait3A_435 = tpu.memref_squeeze %dma_wait3A_434 : memref<1x16xf32, #tpu.memory_space<vmem>> -> memref<16xf32, #tpu.memory_space<vmem>>
      tpu.wait_dma2 semaphore(%run_scoped3A_411 : memref<!tpu.dma_semaphore, #tpu.memory_space<semaphore_mem>>) src(%dma_wait3A_435 : memref<16xf32, #tpu.memory_space<vmem>>) dst(%dma_wait3A_432 : memref<16xf32, #tpu.memory_space<hbm>>)
      tpu.yield
    }) : () -> ()
    %add3A_408 = arith.constant 32 : i32
    %add3A_409 = arith.addi %add3A_408, %add3A : i32
    %run_scoped3A_410 = arith.constant 1 : i32
    "tpu.region"() ({
      %run_scoped3A_411 = tpu.sem_alloc : memref<!tpu.dma_semaphore, #tpu.memory_space<semaphore_mem>>
      %dma_start3A_412 = arith.constant 0 : i32
      %dma_start3A_413 = tpu.memref_slice %arg17[%run_scoped3A_410, %dma_start3A_412] : memref<2x16xf32, #tpu.memory_space<vmem>> -> memref<1x16xf32, #tpu.memory_space<vmem>>
      %dma_start3A_414 = tpu.memref_squeeze %dma_start3A_413 : memref<1x16xf32, #tpu.memory_space<vmem>> -> memref<16xf32, #tpu.memory_space<vmem>>
      %dma_start3A_415 = arith.constant 0 : i32
      %dma_start3A_416 = tpu.memref_slice %arg6[%add3A_409, %dma_start3A_415] : memref<64x16xf32, #tpu.memory_space<hbm>> -> memref<1x16xf32, #tpu.memory_space<hbm>>
      %dma_start3A_417 = tpu.memref_squeeze %dma_start3A_416 : memref<1x16xf32, #tpu.memory_space<hbm>> -> memref<16xf32, #tpu.memory_space<hbm>>
      %dma_start3A_418 = arith.constant 0 : i32
      %dma_start3A_419 = tpu.memref_slice %arg6[%add3A_409, %dma_start3A_418] : memref<64x16xf32, #tpu.memory_space<hbm>> -> memref<1x16xf32, #tpu.memory_space<hbm>>
      %dma_start3A_420 = tpu.memref_squeeze %dma_start3A_419 : memref<1x16xf32, #tpu.memory_space<hbm>> -> memref<16xf32, #tpu.memory_space<hbm>>
      %dma_start3A_421 = arith.constant 0 : i32
      %dma_start3A_422 = tpu.memref_slice %arg17[%run_scoped3A_410, %dma_start3A_421] : memref<2x16xf32, #tpu.memory_space<vmem>> -> memref<1x16xf32, #tpu.memory_space<vmem>>
      %dma_start3A_423 = tpu.memref_squeeze %dma_start3A_422 : memref<1x16xf32, #tpu.memory_space<vmem>> -> memref<16xf32, #tpu.memory_space<vmem>>
      tpu.enqueue_dma source(%dma_start3A_423 : memref<16xf32, #tpu.memory_space<vmem>>) target(%dma_start3A_420 : memref<16xf32, #tpu.memory_space<hbm>>) target_semaphore(%run_scoped3A_411 : memref<!tpu.dma_semaphore, #tpu.memory_space<semaphore_mem>>)
      %dma_wait3A_424 = arith.constant 0 : i32
      %dma_wait3A_425 = tpu.memref_slice %arg17[%run_scoped3A_410, %dma_wait3A_424] : memref<2x16xf32, #tpu.memory_space<vmem>> -> memref<1x16xf32, #tpu.memory_space<vmem>>
      %dma_wait3A_426 = tpu.memref_squeeze %dma_wait3A_425 : memref<1x16xf32, #tpu.memory_space<vmem>> -> memref<16xf32, #tpu.memory_space<vmem>>
      %dma_wait3A_427 = arith.constant 0 : i32
      %dma_wait3A_428 = tpu.memref_slice %arg6[%add3A_409, %dma_wait3A_427] : memref<64x16xf32, #tpu.memory_space<hbm>> -> memref<1x16xf32, #tpu.memory_space<hbm>>
      %dma_wait3A_429 = tpu.memref_squeeze %dma_wait3A_428 : memref<1x16xf32, #tpu.memory_space<hbm>> -> memref<16xf32, #tpu.memory_space<hbm>>
      %dma_wait3A_430 = arith.constant 0 : i32
      %dma_wait3A_431 = tpu.memref_slice %arg6[%add3A_409, %dma_wait3A_430] : memref<64x16xf32, #tpu.memory_space<hbm>> -> memref<1x16xf32, #tpu.memory_space<hbm>>
      %dma_wait3A_432 = tpu.memref_squeeze %dma_wait3A_431 : memref<1x16xf32, #tpu.memory_space<hbm>> -> memref<16xf32, #tpu.memory_space<hbm>>
      %dma_wait3A_433 = arith.constant 0 : i32
      %dma_wait3A_434 = tpu.memref_slice %arg17[%run_scoped3A_410, %dma_wait3A_433] : memref<2x16xf32, #tpu.memory_space<vmem>> -> memref<1x16xf32, #tpu.memory_space<vmem>>
      %dma_wait3A_435 = tpu.memref_squeeze %dma_wait3A_434 : memref<1x16xf32, #tpu.memory_space<vmem>> -> memref<16xf32, #tpu.memory_space<vmem>>
      tpu.wait_dma2 semaphore(%run_scoped3A_411 : memref<!tpu.dma_semaphore, #tpu.memory_space<semaphore_mem>>) src(%dma_wait3A_435 : memref<16xf32, #tpu.memory_space<vmem>>) dst(%dma_wait3A_432 : memref<16xf32, #tpu.memory_space<hbm>>)
      tpu.yield
    }) : () -> ()
    return
  }
}

module attributes {stable_mosaic.version = 14 : i64} {
  func.func @_node_body(%arg0: i32, %arg1: memref<6144x3xf32, #tpu.memory_space<vmem>>, %arg2: memref<6144x48xf32, #tpu.memory_space<vmem>>, %arg3: memref<3x12xf32, #tpu.memory_space<vmem>>, %arg4: memref<1x12xf32, #tpu.memory_space<vmem>>, %arg5: memref<12x48xf32, #tpu.memory_space<vmem>>, %arg6: memref<1x48xf32, #tpu.memory_space<vmem>>, %arg7: memref<48x48xf32, #tpu.memory_space<vmem>>, %arg8: memref<1x48xf32, #tpu.memory_space<vmem>>, %arg9: memref<1x3xf32, #tpu.memory_space<vmem>>, %arg10: memref<1x3xf32, #tpu.memory_space<vmem>>, %arg11: memref<1x48xf32, #tpu.memory_space<vmem>>, %arg12: memref<1x48xf32, #tpu.memory_space<vmem>>, %arg13: memref<48x16xf32, #tpu.memory_space<vmem>>, %arg14: memref<1x16xf32, #tpu.memory_space<vmem>>, %arg15: memref<48x6144xf32, #tpu.memory_space<vmem>>, %arg16: memref<6144x16xf32, #tpu.memory_space<vmem>>) attributes {dimension_semantics = [#tpu.dimension_semantics<arbitrary>], iteration_bounds = array<i64: 16>, scalar_prefetch = 0 : i64, scratch_operands = 0 : i64, tpu.core_type = #tpu.core_type<tc>, window_params = [{transform_indices = @transform_0, window_bounds = array<i64: 6144, 3>}, {transform_indices = @transform_1, window_bounds = array<i64: 6144, 48>}, {pipeline_mode = #tpu.pipeline_mode<synchronous>, transform_indices = @transform_2, window_bounds = array<i64: 3, 12>}, {pipeline_mode = #tpu.pipeline_mode<synchronous>, transform_indices = @transform_3, window_bounds = array<i64: 1, 12>}, {pipeline_mode = #tpu.pipeline_mode<synchronous>, transform_indices = @transform_4, window_bounds = array<i64: 12, 48>}, {pipeline_mode = #tpu.pipeline_mode<synchronous>, transform_indices = @transform_5, window_bounds = array<i64: 1, 48>}, {pipeline_mode = #tpu.pipeline_mode<synchronous>, transform_indices = @transform_6, window_bounds = array<i64: 48, 48>}, {pipeline_mode = #tpu.pipeline_mode<synchronous>, transform_indices = @transform_7, window_bounds = array<i64: 1, 48>}, {pipeline_mode = #tpu.pipeline_mode<synchronous>, transform_indices = @transform_8, window_bounds = array<i64: 1, 3>}, {pipeline_mode = #tpu.pipeline_mode<synchronous>, transform_indices = @transform_9, window_bounds = array<i64: 1, 3>}, {pipeline_mode = #tpu.pipeline_mode<synchronous>, transform_indices = @transform_10, window_bounds = array<i64: 1, 48>}, {pipeline_mode = #tpu.pipeline_mode<synchronous>, transform_indices = @transform_11, window_bounds = array<i64: 1, 48>}, {pipeline_mode = #tpu.pipeline_mode<synchronous>, transform_indices = @transform_12, window_bounds = array<i64: 48, 16>}, {pipeline_mode = #tpu.pipeline_mode<synchronous>, transform_indices = @transform_13, window_bounds = array<i64: 1, 16>}, {transform_indices = @transform_14, window_bounds = array<i64: 48, 6144>}, {transform_indices = @transform_15, window_bounds = array<i64: 6144, 16>}]} {
    %get3A = arith.constant 0 : index
    %get3A_0 = arith.constant 0 : index
    %get3A_1 = vector.load %arg1[%get3A, %get3A_0] : memref<6144x3xf32, #tpu.memory_space<vmem>>, vector<6144x3xf32>
    %reduce_sum3A = vector.shape_cast %get3A_1 : vector<6144x3xf32> to vector<1x6144x3xf32>
    %reduce_sum3A_2 = arith.constant dense<0.000000e+00> : vector<1xf32>
    %reduce_sum3A_3 = vector.multi_reduction <add>, %reduce_sum3A, %reduce_sum3A_2 [1, 2] : vector<1x6144x3xf32> to vector<1xf32>
    %reduce_sum3A_4 = vector.shape_cast %reduce_sum3A_3 : vector<1xf32> to vector<1x1x1xf32>
    %reduce_sum3A_5 = vector.extract %reduce_sum3A_4[0, 0, 0] : f32 from vector<1x1x1xf32>
    %div3A = arith.constant 1.843200e+04 : f32
    %div3A_6 = arith.divf %reduce_sum3A_5, %div3A : f32
    %sub3A = vector.broadcast %div3A_6 : f32 to vector<6144x3xf32>
    %sub3A_7 = arith.subf %get3A_1, %sub3A : vector<6144x3xf32>
    %mul3A = arith.mulf %sub3A_7, %sub3A_7 : vector<6144x3xf32>
    %reduce_sum3A_8 = vector.shape_cast %mul3A : vector<6144x3xf32> to vector<1x6144x3xf32>
    %reduce_sum3A_9 = arith.constant dense<0.000000e+00> : vector<1xf32>
    %reduce_sum3A_10 = vector.multi_reduction <add>, %reduce_sum3A_8, %reduce_sum3A_9 [1, 2] : vector<1x6144x3xf32> to vector<1xf32>
    %reduce_sum3A_11 = vector.shape_cast %reduce_sum3A_10 : vector<1xf32> to vector<1x1x1xf32>
    %reduce_sum3A_12 = vector.extract %reduce_sum3A_11[0, 0, 0] : f32 from vector<1x1x1xf32>
    %div3A_13 = arith.constant 1.843200e+04 : f32
    %div3A_14 = arith.divf %reduce_sum3A_12, %div3A_13 : f32
    %add3A = arith.constant 9.99999974E-6 : f32
    %add3A_15 = arith.addf %div3A_14, %add3A : f32
    %rsqrt3A = math.rsqrt %add3A_15 : f32
    %mul3A_16 = vector.broadcast %rsqrt3A : f32 to vector<6144x3xf32>
    %mul3A_17 = arith.mulf %sub3A_7, %mul3A_16 : vector<6144x3xf32>
    %get3A_18 = arith.constant 0 : index
    %get3A_19 = arith.constant 0 : index
    %get3A_20 = vector.load %arg9[%get3A_18, %get3A_19] : memref<1x3xf32, #tpu.memory_space<vmem>>, vector<1x3xf32>
    %mul3A_21 = vector.broadcast %get3A_20 : vector<1x3xf32> to vector<6144x3xf32>
    %mul3A_22 = arith.mulf %mul3A_17, %mul3A_21 : vector<6144x3xf32>
    %get3A_23 = arith.constant 0 : index
    %get3A_24 = arith.constant 0 : index
    %get3A_25 = vector.load %arg10[%get3A_23, %get3A_24] : memref<1x3xf32, #tpu.memory_space<vmem>>, vector<1x3xf32>
    %add3A_26 = vector.broadcast %get3A_25 : vector<1x3xf32> to vector<6144x3xf32>
    %add3A_27 = arith.addf %mul3A_22, %add3A_26 : vector<6144x3xf32>
    %get3A_28 = arith.constant 0 : index
    %get3A_29 = arith.constant 0 : index
    %get3A_30 = vector.load %arg3[%get3A_28, %get3A_29] : memref<3x12xf32, #tpu.memory_space<vmem>>, vector<3x12xf32>
    %dot_general3A = arith.constant dense<0.000000e+00> : vector<6144x12xf32>
    %dot_general3A_31 = tpu.matmul %add3A_27, %get3A_30, %dot_general3A {dimension_numbers = #tpu.dot_dimension_numbers<[1], [0], [0], [1], [0, 0, 1, 1], [], []>, transpose_lhs_hint = false} : vector<6144x3xf32>, vector<3x12xf32>, vector<6144x12xf32> -> vector<6144x12xf32>
    %get3A_32 = arith.constant 0 : index
    %get3A_33 = arith.constant 0 : index
    %get3A_34 = vector.load %arg4[%get3A_32, %get3A_33] : memref<1x12xf32, #tpu.memory_space<vmem>>, vector<1x12xf32>
    %add3A_35 = vector.broadcast %get3A_34 : vector<1x12xf32> to vector<6144x12xf32>
    %add3A_36 = arith.addf %dot_general3A_31, %add3A_35 : vector<6144x12xf32>
    %max3A = arith.constant 0.000000e+00 : f32
    %max3A_37 = vector.broadcast %max3A : f32 to vector<6144x12xf32>
    %max3A_38 = arith.maximumf %add3A_36, %max3A_37 : vector<6144x12xf32>
    %get3A_39 = arith.constant 0 : index
    %get3A_40 = arith.constant 0 : index
    %get3A_41 = vector.load %arg5[%get3A_39, %get3A_40] : memref<12x48xf32, #tpu.memory_space<vmem>>, vector<12x48xf32>
    %dot_general3A_42 = arith.constant dense<0.000000e+00> : vector<6144x48xf32>
    %dot_general3A_43 = tpu.matmul %max3A_38, %get3A_41, %dot_general3A_42 {dimension_numbers = #tpu.dot_dimension_numbers<[1], [0], [0], [1], [0, 0, 1, 1], [], []>, transpose_lhs_hint = false} : vector<6144x12xf32>, vector<12x48xf32>, vector<6144x48xf32> -> vector<6144x48xf32>
    %get3A_44 = arith.constant 0 : index
    %get3A_45 = arith.constant 0 : index
    %get3A_46 = vector.load %arg6[%get3A_44, %get3A_45] : memref<1x48xf32, #tpu.memory_space<vmem>>, vector<1x48xf32>
    %add3A_47 = vector.broadcast %get3A_46 : vector<1x48xf32> to vector<6144x48xf32>
    %add3A_48 = arith.addf %dot_general3A_43, %add3A_47 : vector<6144x48xf32>
    %max3A_49 = arith.constant 0.000000e+00 : f32
    %max3A_50 = vector.broadcast %max3A_49 : f32 to vector<6144x48xf32>
    %max3A_51 = arith.maximumf %add3A_48, %max3A_50 : vector<6144x48xf32>
    %get3A_52 = arith.constant 0 : index
    %get3A_53 = arith.constant 0 : index
    %get3A_54 = vector.load %arg7[%get3A_52, %get3A_53] : memref<48x48xf32, #tpu.memory_space<vmem>>, vector<48x48xf32>
    %dot_general3A_55 = arith.constant dense<0.000000e+00> : vector<6144x48xf32>
    %dot_general3A_56 = tpu.matmul %max3A_51, %get3A_54, %dot_general3A_55 {dimension_numbers = #tpu.dot_dimension_numbers<[1], [0], [0], [1], [0, 0, 1, 1], [], []>, transpose_lhs_hint = false} : vector<6144x48xf32>, vector<48x48xf32>, vector<6144x48xf32> -> vector<6144x48xf32>
    %get3A_57 = arith.constant 0 : index
    %get3A_58 = arith.constant 0 : index
    %get3A_59 = vector.load %arg8[%get3A_57, %get3A_58] : memref<1x48xf32, #tpu.memory_space<vmem>>, vector<1x48xf32>
    %add3A_60 = vector.broadcast %get3A_59 : vector<1x48xf32> to vector<6144x48xf32>
    %add3A_61 = arith.addf %dot_general3A_56, %add3A_60 : vector<6144x48xf32>
    %max3A_62 = arith.constant 0.000000e+00 : f32
    %max3A_63 = vector.broadcast %max3A_62 : f32 to vector<6144x48xf32>
    %max3A_64 = arith.maximumf %add3A_61, %max3A_63 : vector<6144x48xf32>
    %get3A_65 = arith.constant 0 : index
    %get3A_66 = arith.constant 0 : index
    %get3A_67 = vector.load %arg2[%get3A_65, %get3A_66] : memref<6144x48xf32, #tpu.memory_space<vmem>>, vector<6144x48xf32>
    %add3A_68 = arith.addf %max3A_64, %get3A_67 : vector<6144x48xf32>
    %reduce_sum3A_69 = vector.shape_cast %add3A_68 : vector<6144x48xf32> to vector<1x6144x48xf32>
    %reduce_sum3A_70 = arith.constant dense<0.000000e+00> : vector<1xf32>
    %reduce_sum3A_71 = vector.multi_reduction <add>, %reduce_sum3A_69, %reduce_sum3A_70 [1, 2] : vector<1x6144x48xf32> to vector<1xf32>
    %reduce_sum3A_72 = vector.shape_cast %reduce_sum3A_71 : vector<1xf32> to vector<1x1x1xf32>
    %reduce_sum3A_73 = vector.extract %reduce_sum3A_72[0, 0, 0] : f32 from vector<1x1x1xf32>
    %div3A_74 = arith.constant 2.949120e+05 : f32
    %div3A_75 = arith.divf %reduce_sum3A_73, %div3A_74 : f32
    %sub3A_76 = vector.broadcast %div3A_75 : f32 to vector<6144x48xf32>
    %sub3A_77 = arith.subf %add3A_68, %sub3A_76 : vector<6144x48xf32>
    %mul3A_78 = arith.mulf %sub3A_77, %sub3A_77 : vector<6144x48xf32>
    %reduce_sum3A_79 = vector.shape_cast %mul3A_78 : vector<6144x48xf32> to vector<1x6144x48xf32>
    %reduce_sum3A_80 = arith.constant dense<0.000000e+00> : vector<1xf32>
    %reduce_sum3A_81 = vector.multi_reduction <add>, %reduce_sum3A_79, %reduce_sum3A_80 [1, 2] : vector<1x6144x48xf32> to vector<1xf32>
    %reduce_sum3A_82 = vector.shape_cast %reduce_sum3A_81 : vector<1xf32> to vector<1x1x1xf32>
    %reduce_sum3A_83 = vector.extract %reduce_sum3A_82[0, 0, 0] : f32 from vector<1x1x1xf32>
    %div3A_84 = arith.constant 2.949120e+05 : f32
    %div3A_85 = arith.divf %reduce_sum3A_83, %div3A_84 : f32
    %add3A_86 = arith.constant 9.99999974E-6 : f32
    %add3A_87 = arith.addf %div3A_85, %add3A_86 : f32
    %rsqrt3A_88 = math.rsqrt %add3A_87 : f32
    %mul3A_89 = vector.broadcast %rsqrt3A_88 : f32 to vector<6144x48xf32>
    %mul3A_90 = arith.mulf %sub3A_77, %mul3A_89 : vector<6144x48xf32>
    %get3A_91 = arith.constant 0 : index
    %get3A_92 = arith.constant 0 : index
    %get3A_93 = vector.load %arg11[%get3A_91, %get3A_92] : memref<1x48xf32, #tpu.memory_space<vmem>>, vector<1x48xf32>
    %mul3A_94 = vector.broadcast %get3A_93 : vector<1x48xf32> to vector<6144x48xf32>
    %mul3A_95 = arith.mulf %mul3A_90, %mul3A_94 : vector<6144x48xf32>
    %get3A_96 = arith.constant 0 : index
    %get3A_97 = arith.constant 0 : index
    %get3A_98 = vector.load %arg12[%get3A_96, %get3A_97] : memref<1x48xf32, #tpu.memory_space<vmem>>, vector<1x48xf32>
    %add3A_99 = vector.broadcast %get3A_98 : vector<1x48xf32> to vector<6144x48xf32>
    %add3A_100 = arith.addf %mul3A_95, %add3A_99 : vector<6144x48xf32>
    %transpose3A = tpu.transpose %add3A_100, [1, 0] : vector<6144x48xf32> -> vector<48x6144xf32>
    %swap3A = arith.constant 0 : index
    %swap3A_101 = arith.constant 0 : index
    %swap3A_102 = vector.load %arg15[%swap3A, %swap3A_101] : memref<48x6144xf32, #tpu.memory_space<vmem>>, vector<48x6144xf32>
    tpu.vector_store %arg15[%swap3A, %swap3A_101], %transpose3A {strides = array<i32>} : memref<48x6144xf32, #tpu.memory_space<vmem>>, vector<48x6144xf32>,
    %get3A_103 = arith.constant 0 : index
    %get3A_104 = arith.constant 0 : index
    %get3A_105 = vector.load %arg13[%get3A_103, %get3A_104] : memref<48x16xf32, #tpu.memory_space<vmem>>, vector<48x16xf32>
    %dot_general3A_106 = arith.constant dense<0.000000e+00> : vector<6144x16xf32>
    %dot_general3A_107 = tpu.matmul %add3A_100, %get3A_105, %dot_general3A_106 {dimension_numbers = #tpu.dot_dimension_numbers<[1], [0], [0], [1], [0, 0, 1, 1], [], []>, transpose_lhs_hint = false} : vector<6144x48xf32>, vector<48x16xf32>, vector<6144x16xf32> -> vector<6144x16xf32>
    %get3A_108 = arith.constant 0 : index
    %get3A_109 = arith.constant 0 : index
    %get3A_110 = vector.load %arg14[%get3A_108, %get3A_109] : memref<1x16xf32, #tpu.memory_space<vmem>>, vector<1x16xf32>
    %add3A_111 = vector.broadcast %get3A_110 : vector<1x16xf32> to vector<6144x16xf32>
    %add3A_112 = arith.addf %dot_general3A_107, %add3A_111 : vector<6144x16xf32>
    %max3A_113 = arith.constant 0.000000e+00 : f32
    %max3A_114 = vector.broadcast %max3A_113 : f32 to vector<6144x16xf32>
    %max3A_115 = arith.maximumf %add3A_112, %max3A_114 : vector<6144x16xf32>
    %swap3A_116 = arith.constant 0 : index
    %swap3A_117 = arith.constant 0 : index
    %swap3A_118 = vector.load %arg16[%swap3A_116, %swap3A_117] : memref<6144x16xf32, #tpu.memory_space<vmem>>, vector<6144x16xf32>
    tpu.vector_store %arg16[%swap3A_116, %swap3A_117], %max3A_115 {strides = array<i32>} : memref<6144x16xf32, #tpu.memory_space<vmem>>, vector<6144x16xf32>,
    return
  }
  func.func @transform_0(%arg0: i32) -> (i32, i32) {
    %c0_i32 = arith.constant 0 : i32
    %c0_i32_0 = arith.constant 0 : i32
    return %arg0, %c0_i32 : i32, i32
  }
  func.func @transform_1(%arg0: i32) -> (i32, i32) {
    %c0_i32 = arith.constant 0 : i32
    %c0_i32_0 = arith.constant 0 : i32
    return %arg0, %c0_i32 : i32, i32
  }
  func.func @transform_2(%arg0: i32) -> (i32, i32) {
    %c0_i32 = arith.constant 0 : i32
    %c0_i32_0 = arith.constant 0 : i32
    %c0_i32_1 = arith.constant 0 : i32
    return %c0_i32, %c0_i32_0 : i32, i32
  }
  func.func @transform_3(%arg0: i32) -> (i32, i32) {
    %c0_i32 = arith.constant 0 : i32
    %c0_i32_0 = arith.constant 0 : i32
    %c0_i32_1 = arith.constant 0 : i32
    return %c0_i32, %c0_i32_0 : i32, i32
  }
  func.func @transform_4(%arg0: i32) -> (i32, i32) {
    %c0_i32 = arith.constant 0 : i32
    %c0_i32_0 = arith.constant 0 : i32
    %c0_i32_1 = arith.constant 0 : i32
    return %c0_i32, %c0_i32_0 : i32, i32
  }
  func.func @transform_5(%arg0: i32) -> (i32, i32) {
    %c0_i32 = arith.constant 0 : i32
    %c0_i32_0 = arith.constant 0 : i32
    %c0_i32_1 = arith.constant 0 : i32
    return %c0_i32, %c0_i32_0 : i32, i32
  }
  func.func @transform_6(%arg0: i32) -> (i32, i32) {
    %c0_i32 = arith.constant 0 : i32
    %c0_i32_0 = arith.constant 0 : i32
    %c0_i32_1 = arith.constant 0 : i32
    return %c0_i32, %c0_i32_0 : i32, i32
  }
  func.func @transform_7(%arg0: i32) -> (i32, i32) {
    %c0_i32 = arith.constant 0 : i32
    %c0_i32_0 = arith.constant 0 : i32
    %c0_i32_1 = arith.constant 0 : i32
    return %c0_i32, %c0_i32_0 : i32, i32
  }
  func.func @transform_8(%arg0: i32) -> (i32, i32) {
    %c0_i32 = arith.constant 0 : i32
    %c0_i32_0 = arith.constant 0 : i32
    %c0_i32_1 = arith.constant 0 : i32
    return %c0_i32, %c0_i32_0 : i32, i32
  }
  func.func @transform_9(%arg0: i32) -> (i32, i32) {
    %c0_i32 = arith.constant 0 : i32
    %c0_i32_0 = arith.constant 0 : i32
    %c0_i32_1 = arith.constant 0 : i32
    return %c0_i32, %c0_i32_0 : i32, i32
  }
  func.func @transform_10(%arg0: i32) -> (i32, i32) {
    %c0_i32 = arith.constant 0 : i32
    %c0_i32_0 = arith.constant 0 : i32
    %c0_i32_1 = arith.constant 0 : i32
    return %c0_i32, %c0_i32_0 : i32, i32
  }
  func.func @transform_11(%arg0: i32) -> (i32, i32) {
    %c0_i32 = arith.constant 0 : i32
    %c0_i32_0 = arith.constant 0 : i32
    %c0_i32_1 = arith.constant 0 : i32
    return %c0_i32, %c0_i32_0 : i32, i32
  }
  func.func @transform_12(%arg0: i32) -> (i32, i32) {
    %c0_i32 = arith.constant 0 : i32
    %c0_i32_0 = arith.constant 0 : i32
    %c0_i32_1 = arith.constant 0 : i32
    return %c0_i32, %c0_i32_0 : i32, i32
  }
  func.func @transform_13(%arg0: i32) -> (i32, i32) {
    %c0_i32 = arith.constant 0 : i32
    %c0_i32_0 = arith.constant 0 : i32
    %c0_i32_1 = arith.constant 0 : i32
    return %c0_i32, %c0_i32_0 : i32, i32
  }
  func.func @transform_14(%arg0: i32) -> (i32, i32) {
    %c0_i32 = arith.constant 0 : i32
    %c0_i32_0 = arith.constant 0 : i32
    return %c0_i32, %arg0 : i32, i32
  }
  func.func @transform_15(%arg0: i32) -> (i32, i32) {
    %c0_i32 = arith.constant 0 : i32
    %c0_i32_0 = arith.constant 0 : i32
    return %arg0, %c0_i32 : i32, i32
  }
}

module attributes {stable_mosaic.version = 14 : i64} {
  func.func @_final_body(%arg0: i32, %arg1: i32, %arg2: memref<768x128xf32, #tpu.memory_space<vmem>>, %arg3: memref<64x16xf32, #tpu.memory_space<vmem>>, %arg4: memref<128x256xf32, #tpu.memory_space<vmem>>, %arg5: memref<1x256xf32, #tpu.memory_space<vmem>>, %arg6: memref<1x128xf32, #tpu.memory_space<vmem>>, %arg7: memref<1x128xf32, #tpu.memory_space<vmem>>, %arg8: memref<1x32xf32, #tpu.memory_space<vmem>>, %arg9: memref<1x32xf32, #tpu.memory_space<vmem>>, %arg10: memref<768x128xf32, #tpu.memory_space<vmem>>, %arg11: memref<1x1x256xf32, #tpu.memory_space<vmem>>) attributes {dimension_semantics = [#tpu.dimension_semantics<arbitrary>, #tpu.dimension_semantics<arbitrary>], iteration_bounds = array<i64: 16, 17>, scalar_prefetch = 0 : i64, scratch_operands = 0 : i64, tpu.core_type = #tpu.core_type<tc>, window_params = [{transform_indices = @transform_0, window_bounds = array<i64: 768, 128>}, {pipeline_mode = #tpu.pipeline_mode<synchronous>, transform_indices = @transform_1, window_bounds = array<i64: 64, 16>}, {pipeline_mode = #tpu.pipeline_mode<synchronous>, transform_indices = @transform_2, window_bounds = array<i64: 128, 256>}, {pipeline_mode = #tpu.pipeline_mode<synchronous>, transform_indices = @transform_3, window_bounds = array<i64: 1, 256>}, {pipeline_mode = #tpu.pipeline_mode<synchronous>, transform_indices = @transform_4, window_bounds = array<i64: 1, 128>}, {pipeline_mode = #tpu.pipeline_mode<synchronous>, transform_indices = @transform_5, window_bounds = array<i64: 1, 128>}, {pipeline_mode = #tpu.pipeline_mode<synchronous>, transform_indices = @transform_6, window_bounds = array<i64: 1, 32>}, {pipeline_mode = #tpu.pipeline_mode<synchronous>, transform_indices = @transform_7, window_bounds = array<i64: 1, 32>}, {transform_indices = @transform_8, window_bounds = array<i64: 768, 128>}, {transform_indices = @transform_9, window_bounds = array<i64: 1, 1, 256>}]} {
    %get3A = arith.constant 0 : index
    %get3A_0 = arith.constant 0 : index
    %get3A_1 = vector.load %arg3[%get3A, %get3A_0] : memref<64x16xf32, #tpu.memory_space<vmem>>, vector<64x16xf32>
    %iota3A = tpu.iota {dimensions = array<i32: 0>} : vector<64x16xi32>
    %jit3A = arith.constant 2 : i32
    %div3A = vector.broadcast %jit3A : i32 to vector<64x16xi32>
    %div3A_2 = arith.divsi %iota3A, %div3A : vector<64x16xi32>
    %sign3A = arith.constant 0 : i32
    %sign3A_3 = vector.broadcast %sign3A : i32 to vector<64x16xi32>
    %sign3A_4 = arith.cmpi sgt, %iota3A, %sign3A_3 : vector<64x16xi32>
    %sign3A_5 = arith.extui %sign3A_4 : vector<64x16xi1> to vector<64x16xi32>
    %sign3A_6 = arith.constant 0 : i32
    %sign3A_7 = vector.broadcast %sign3A_6 : i32 to vector<64x16xi32>
    %sign3A_8 = arith.cmpi slt, %iota3A, %sign3A_7 : vector<64x16xi32>
    %sign3A_9 = arith.extui %sign3A_8 : vector<64x16xi1> to vector<64x16xi32>
    %sign3A_10 = arith.subi %sign3A_5, %sign3A_9 : vector<64x16xi32>
    %sign3A_11 = arith.constant 0 : i32
    %sign3A_12 = arith.cmpi sgt, %jit3A, %sign3A_11 : i32
    %sign3A_13 = arith.extui %sign3A_12 : i1 to i32
    %sign3A_14 = arith.constant 0 : i32
    %sign3A_15 = arith.cmpi slt, %jit3A, %sign3A_14 : i32
    %sign3A_16 = arith.extui %sign3A_15 : i1 to i32
    %sign3A_17 = arith.subi %sign3A_13, %sign3A_16 : i32
    %ne3A = vector.broadcast %sign3A_17 : i32 to vector<64x16xi32>
    %ne3A_18 = arith.cmpi ne, %sign3A_10, %ne3A : vector<64x16xi32>
    %rem3A = vector.broadcast %jit3A : i32 to vector<64x16xi32>
    %rem3A_19 = arith.remsi %iota3A, %rem3A : vector<64x16xi32>
    %ne3A_20 = arith.constant 0 : i32
    %ne3A_21 = vector.broadcast %ne3A_20 : i32 to vector<64x16xi32>
    %ne3A_22 = arith.cmpi ne, %rem3A_19, %ne3A_21 : vector<64x16xi32>
    %and3A = arith.andi %ne3A_18, %ne3A_22 : vector<64x16xi1>
    %sub3A = arith.constant 1 : i32
    %sub3A_23 = vector.broadcast %sub3A : i32 to vector<64x16xi32>
    %sub3A_24 = arith.subi %div3A_2, %sub3A_23 : vector<64x16xi32>
    %select_n3A = arith.select %and3A, %sub3A_24, %div3A_2 : vector<64x16xi1>, vector<64x16xi32>
    %eq3A = vector.broadcast %arg0 : i32 to vector<64x16xi32>
    %eq3A_25 = arith.cmpi eq, %select_n3A, %eq3A : vector<64x16xi32>
    %lt3A = arith.constant 32 : i32
    %lt3A_26 = vector.broadcast %lt3A : i32 to vector<64x16xi32>
    %lt3A_27 = arith.cmpi slt, %iota3A, %lt3A_26 : vector<64x16xi32>
    %and3A_28 = arith.andi %eq3A_25, %lt3A_27 : vector<64x16xi1>
    %ge3A = arith.constant 32 : i32
    %ge3A_29 = vector.broadcast %ge3A : i32 to vector<64x16xi32>
    %ge3A_30 = arith.cmpi sge, %iota3A, %ge3A_29 : vector<64x16xi32>
    %sub3A_31 = arith.constant 32 : i32
    %sub3A_32 = vector.broadcast %sub3A_31 : i32 to vector<64x16xi32>
    %sub3A_33 = arith.subi %iota3A, %sub3A_32 : vector<64x16xi32>
    %jit3A_34 = arith.constant 2 : i32
    %div3A_35 = vector.broadcast %jit3A_34 : i32 to vector<64x16xi32>
    %div3A_36 = arith.divsi %sub3A_33, %div3A_35 : vector<64x16xi32>
    %sign3A_37 = arith.constant 0 : i32
    %sign3A_38 = vector.broadcast %sign3A_37 : i32 to vector<64x16xi32>
    %sign3A_39 = arith.cmpi sgt, %sub3A_33, %sign3A_38 : vector<64x16xi32>
    %sign3A_40 = arith.extui %sign3A_39 : vector<64x16xi1> to vector<64x16xi32>
    %sign3A_41 = arith.constant 0 : i32
    %sign3A_42 = vector.broadcast %sign3A_41 : i32 to vector<64x16xi32>
    %sign3A_43 = arith.cmpi slt, %sub3A_33, %sign3A_42 : vector<64x16xi32>
    %sign3A_44 = arith.extui %sign3A_43 : vector<64x16xi1> to vector<64x16xi32>
    %sign3A_45 = arith.subi %sign3A_40, %sign3A_44 : vector<64x16xi32>
    %sign3A_46 = arith.constant 0 : i32
    %sign3A_47 = arith.cmpi sgt, %jit3A_34, %sign3A_46 : i32
    %sign3A_48 = arith.extui %sign3A_47 : i1 to i32
    %sign3A_49 = arith.constant 0 : i32
    %sign3A_50 = arith.cmpi slt, %jit3A_34, %sign3A_49 : i32
    %sign3A_51 = arith.extui %sign3A_50 : i1 to i32
    %sign3A_52 = arith.subi %sign3A_48, %sign3A_51 : i32
    %ne3A_53 = vector.broadcast %sign3A_52 : i32 to vector<64x16xi32>
    %ne3A_54 = arith.cmpi ne, %sign3A_45, %ne3A_53 : vector<64x16xi32>
    %rem3A_55 = vector.broadcast %jit3A_34 : i32 to vector<64x16xi32>
    %rem3A_56 = arith.remsi %sub3A_33, %rem3A_55 : vector<64x16xi32>
    %ne3A_57 = arith.constant 0 : i32
    %ne3A_58 = vector.broadcast %ne3A_57 : i32 to vector<64x16xi32>
    %ne3A_59 = arith.cmpi ne, %rem3A_56, %ne3A_58 : vector<64x16xi32>
    %and3A_60 = arith.andi %ne3A_54, %ne3A_59 : vector<64x16xi1>
    %sub3A_61 = arith.constant 1 : i32
    %sub3A_62 = vector.broadcast %sub3A_61 : i32 to vector<64x16xi32>
    %sub3A_63 = arith.subi %div3A_36, %sub3A_62 : vector<64x16xi32>
    %select_n3A_64 = arith.select %and3A_60, %sub3A_63, %div3A_36 : vector<64x16xi1>, vector<64x16xi32>
    %eq3A_65 = vector.broadcast %arg0 : i32 to vector<64x16xi32>
    %eq3A_66 = arith.cmpi eq, %select_n3A_64, %eq3A_65 : vector<64x16xi32>
    %and3A_67 = arith.andi %ge3A_30, %eq3A_66 : vector<64x16xi1>
    %jit3A_68 = arith.constant 0.000000e+00 : f32
    %broadcast_in_dim3A = vector.broadcast %jit3A_68 : f32 to vector<64x16xf32>
    %select_n3A_69 = arith.select %and3A_28, %get3A_1, %broadcast_in_dim3A : vector<64x16xi1>, vector<64x16xf32>
    %reduce_sum3A = vector.shape_cast %select_n3A_69 : vector<64x16xf32> to vector<1x64x16xf32>
    %reduce_sum3A_70 = arith.constant dense<0.000000e+00> : vector<1xf32>
    %reduce_sum3A_71 = vector.multi_reduction <add>, %reduce_sum3A, %reduce_sum3A_70 [1, 2] : vector<1x64x16xf32> to vector<1xf32>
    %reduce_sum3A_72 = vector.shape_cast %reduce_sum3A_71 : vector<1xf32> to vector<1x1x1xf32>
    %reduce_sum3A_73 = vector.extract %reduce_sum3A_72[0, 0, 0] : f32 from vector<1x1x1xf32>
    %jit3A_74 = arith.constant 0.000000e+00 : f32
    %broadcast_in_dim3A_75 = vector.broadcast %jit3A_74 : f32 to vector<64x16xf32>
    %select_n3A_76 = arith.select %and3A_67, %get3A_1, %broadcast_in_dim3A_75 : vector<64x16xi1>, vector<64x16xf32>
    %reduce_sum3A_77 = vector.shape_cast %select_n3A_76 : vector<64x16xf32> to vector<1x64x16xf32>
    %reduce_sum3A_78 = arith.constant dense<0.000000e+00> : vector<1xf32>
    %reduce_sum3A_79 = vector.multi_reduction <add>, %reduce_sum3A_77, %reduce_sum3A_78 [1, 2] : vector<1x64x16xf32> to vector<1xf32>
    %reduce_sum3A_80 = vector.shape_cast %reduce_sum3A_79 : vector<1xf32> to vector<1x1x1xf32>
    %reduce_sum3A_81 = vector.extract %reduce_sum3A_80[0, 0, 0] : f32 from vector<1x1x1xf32>
    %div3A_82 = arith.constant 0x49CC0000 : f32
    %div3A_83 = arith.divf %reduce_sum3A_73, %div3A_82 : f32
    %div3A_84 = arith.constant 0x49CC0000 : f32
    %div3A_85 = arith.divf %reduce_sum3A_81, %div3A_84 : f32
    %mul3A = arith.mulf %div3A_83, %div3A_83 : f32
    %sub3A_86 = arith.subf %div3A_85, %mul3A : f32
    %add3A = arith.constant 9.99999974E-6 : f32
    %add3A_87 = arith.addf %sub3A_86, %add3A : f32
    %rsqrt3A = math.rsqrt %add3A_87 : f32
    %get3A_88 = arith.constant 0 : index
    %get3A_89 = arith.constant 0 : index
    %get3A_90 = vector.load %arg2[%get3A_88, %get3A_89] : memref<768x128xf32, #tpu.memory_space<vmem>>, vector<768x128xf32>
    %sub3A_91 = vector.broadcast %div3A_83 : f32 to vector<768x128xf32>
    %sub3A_92 = arith.subf %get3A_90, %sub3A_91 : vector<768x128xf32>
    %mul3A_93 = vector.broadcast %rsqrt3A : f32 to vector<768x128xf32>
    %mul3A_94 = arith.mulf %sub3A_92, %mul3A_93 : vector<768x128xf32>
    %get3A_95 = arith.constant 0 : index
    %get3A_96 = arith.constant 0 : index
    %get3A_97 = vector.load %arg6[%get3A_95, %get3A_96] : memref<1x128xf32, #tpu.memory_space<vmem>>, vector<1x128xf32>
    %mul3A_98 = vector.broadcast %get3A_97 : vector<1x128xf32> to vector<768x128xf32>
    %mul3A_99 = arith.mulf %mul3A_94, %mul3A_98 : vector<768x128xf32>
    %get3A_100 = arith.constant 0 : index
    %get3A_101 = arith.constant 0 : index
    %get3A_102 = vector.load %arg7[%get3A_100, %get3A_101] : memref<1x128xf32, #tpu.memory_space<vmem>>, vector<1x128xf32>
    %add3A_103 = vector.broadcast %get3A_102 : vector<1x128xf32> to vector<768x128xf32>
    %add3A_104 = arith.addf %mul3A_99, %add3A_103 : vector<768x128xf32>
    %swap3A = arith.constant 0 : index
    %swap3A_105 = arith.constant 0 : index
    %swap3A_106 = vector.load %arg10[%swap3A, %swap3A_105] : memref<768x128xf32, #tpu.memory_space<vmem>>, vector<768x128xf32>
    tpu.vector_store %arg10[%swap3A, %swap3A_105], %add3A_104 {strides = array<i32>} : memref<768x128xf32, #tpu.memory_space<vmem>>, vector<768x128xf32>,
    %get3A_107 = arith.constant 0 : index
    %get3A_108 = arith.constant 0 : index
    %get3A_109 = vector.load %arg4[%get3A_107, %get3A_108] : memref<128x256xf32, #tpu.memory_space<vmem>>, vector<128x256xf32>
    %dot_general3A = arith.constant dense<0.000000e+00> : vector<768x256xf32>
    %dot_general3A_110 = tpu.matmul %add3A_104, %get3A_109, %dot_general3A {dimension_numbers = #tpu.dot_dimension_numbers<[1], [0], [0], [1], [0, 0, 1, 1], [], []>, transpose_lhs_hint = false} : vector<768x128xf32>, vector<128x256xf32>, vector<768x256xf32> -> vector<768x256xf32>
    %get3A_111 = arith.constant 0 : index
    %get3A_112 = arith.constant 0 : index
    %get3A_113 = vector.load %arg5[%get3A_111, %get3A_112] : memref<1x256xf32, #tpu.memory_space<vmem>>, vector<1x256xf32>
    %add3A_114 = vector.broadcast %get3A_113 : vector<1x256xf32> to vector<768x256xf32>
    %add3A_115 = arith.addf %dot_general3A_110, %add3A_114 : vector<768x256xf32>
    %max3A = arith.constant 0.000000e+00 : f32
    %max3A_116 = vector.broadcast %max3A : f32 to vector<768x256xf32>
    %max3A_117 = arith.maximumf %add3A_115, %max3A_116 : vector<768x256xf32>
    %reduce_sum3A_118 = arith.constant dense<0.000000e+00> : vector<256xf32>
    %reduce_sum3A_119 = vector.multi_reduction <add>, %max3A_117, %reduce_sum3A_118 [0] : vector<768x256xf32> to vector<256xf32>
    %broadcast_in_dim3A_120 = vector.shape_cast %reduce_sum3A_119 : vector<256xf32> to vector<1x256xf32>
    %broadcast_in_dim3A_121 = vector.shape_cast %broadcast_in_dim3A_120 : vector<1x256xf32> to vector<1x1x256xf32>
    %eq3A_122 = arith.constant 0 : i32
    %eq3A_123 = arith.cmpi eq, %arg1, %eq3A_122 : i32
    %convert_element_type3A = arith.extui %eq3A_123 : i1 to i32
    %cond3A = arith.constant 0 : i32
    %cond3A_124 = arith.cmpi ne, %convert_element_type3A, %cond3A : i32
    scf.if %cond3A_124 {
      %swap3A_135 = arith.constant 0 : index
      %swap3A_136 = arith.constant 0 : index
      %swap3A_137 = arith.constant 0 : index
      %swap3A_138 = vector.load %arg11[%swap3A_135, %swap3A_136, %swap3A_137] : memref<1x1x256xf32, #tpu.memory_space<vmem>>, vector<1x1x256xf32>
      tpu.vector_store %arg11[%swap3A_135, %swap3A_136, %swap3A_137], %broadcast_in_dim3A_121 {strides = array<i32>} : memref<1x1x256xf32, #tpu.memory_space<vmem>>, vector<1x1x256xf32>,
    } else {
    }
    %ne3A_125 = arith.constant 0 : i32
    %ne3A_126 = arith.cmpi ne, %arg1, %ne3A_125 : i32
    %convert_element_type3A_127 = arith.extui %ne3A_126 : i1 to i32
    %cond3A_128 = arith.constant 0 : i32
    %cond3A_129 = arith.cmpi ne, %convert_element_type3A_127, %cond3A_128 : i32
    scf.if %cond3A_129 {
      %get3A_135 = arith.constant 0 : index
      %get3A_136 = arith.constant 0 : index
      %get3A_137 = arith.constant 0 : index
      %get3A_138 = vector.load %arg11[%get3A_135, %get3A_136, %get3A_137] : memref<1x1x256xf32, #tpu.memory_space<vmem>>, vector<1x1x256xf32>
      %add3A_139 = arith.addf %get3A_138, %broadcast_in_dim3A_121 : vector<1x1x256xf32>
      %swap3A_140 = arith.constant 0 : index
      %swap3A_141 = arith.constant 0 : index
      %swap3A_142 = arith.constant 0 : index
      %swap3A_143 = vector.load %arg11[%swap3A_140, %swap3A_141, %swap3A_142] : memref<1x1x256xf32, #tpu.memory_space<vmem>>, vector<1x1x256xf32>
      tpu.vector_store %arg11[%swap3A_140, %swap3A_141, %swap3A_142], %add3A_139 {strides = array<i32>} : memref<1x1x256xf32, #tpu.memory_space<vmem>>, vector<1x1x256xf32>,
    } else {
    }
    %eq3A_130 = arith.constant 16 : i32
    %eq3A_131 = arith.cmpi eq, %arg1, %eq3A_130 : i32
    %convert_element_type3A_132 = arith.extui %eq3A_131 : i1 to i32
    %cond3A_133 = arith.constant 0 : i32
    %cond3A_134 = arith.cmpi ne, %convert_element_type3A_132, %cond3A_133 : i32
    scf.if %cond3A_134 {
      %get3A_135 = arith.constant 0 : index
      %get3A_136 = arith.constant 0 : index
      %get3A_137 = arith.constant 0 : index
      %get3A_138 = vector.load %arg11[%get3A_135, %get3A_136, %get3A_137] : memref<1x1x256xf32, #tpu.memory_space<vmem>>, vector<1x1x256xf32>
      %div3A_139 = arith.constant 1.044480e+05 : f32
      %div3A_140 = vector.broadcast %div3A_139 : f32 to vector<1x1x256xf32>
      %div3A_141 = arith.divf %get3A_138, %div3A_140 : vector<1x1x256xf32>
      %slice3A = vector.extract_strided_slice %div3A_141 {offsets = [0, 0, 0], sizes = [1, 1, 32], strides = [1, 1, 1]} : vector<1x1x256xf32> to vector<1x1x32xf32>
      %slice3A_142 = vector.extract_strided_slice %div3A_141 {offsets = [0, 0, 32], sizes = [1, 1, 32], strides = [1, 1, 1]} : vector<1x1x256xf32> to vector<1x1x32xf32>
      %add3A_143 = arith.addf %slice3A, %slice3A_142 : vector<1x1x32xf32>
      %slice3A_144 = vector.extract_strided_slice %div3A_141 {offsets = [0, 0, 64], sizes = [1, 1, 32], strides = [1, 1, 1]} : vector<1x1x256xf32> to vector<1x1x32xf32>
      %add3A_145 = arith.addf %add3A_143, %slice3A_144 : vector<1x1x32xf32>
      %slice3A_146 = vector.extract_strided_slice %div3A_141 {offsets = [0, 0, 96], sizes = [1, 1, 32], strides = [1, 1, 1]} : vector<1x1x256xf32> to vector<1x1x32xf32>
      %add3A_147 = arith.addf %add3A_145, %slice3A_146 : vector<1x1x32xf32>
      %slice3A_148 = vector.extract_strided_slice %div3A_141 {offsets = [0, 0, 128], sizes = [1, 1, 32], strides = [1, 1, 1]} : vector<1x1x256xf32> to vector<1x1x32xf32>
      %add3A_149 = arith.addf %add3A_147, %slice3A_148 : vector<1x1x32xf32>
      %slice3A_150 = vector.extract_strided_slice %div3A_141 {offsets = [0, 0, 160], sizes = [1, 1, 32], strides = [1, 1, 1]} : vector<1x1x256xf32> to vector<1x1x32xf32>
      %add3A_151 = arith.addf %add3A_149, %slice3A_150 : vector<1x1x32xf32>
      %slice3A_152 = vector.extract_strided_slice %div3A_141 {offsets = [0, 0, 192], sizes = [1, 1, 32], strides = [1, 1, 1]} : vector<1x1x256xf32> to vector<1x1x32xf32>
      %add3A_153 = arith.addf %add3A_151, %slice3A_152 : vector<1x1x32xf32>
      %slice3A_154 = vector.extract_strided_slice %div3A_141 {offsets = [0, 0, 224], sizes = [1, 1, 32], strides = [1, 1, 1]} : vector<1x1x256xf32> to vector<1x1x32xf32>
      %add3A_155 = arith.addf %add3A_153, %slice3A_154 : vector<1x1x32xf32>
      %reduce_sum3A_156 = vector.shape_cast %add3A_155 : vector<1x1x32xf32> to vector<1x1x1x32xf32>
      %reduce_sum3A_157 = arith.constant dense<0.000000e+00> : vector<1xf32>
      %reduce_sum3A_158 = vector.multi_reduction <add>, %reduce_sum3A_156, %reduce_sum3A_157 [1, 2, 3] : vector<1x1x1x32xf32> to vector<1xf32>
      %reduce_sum3A_159 = vector.shape_cast %reduce_sum3A_158 : vector<1xf32> to vector<1x1x1x1xf32>
      %reduce_sum3A_160 = vector.extract %reduce_sum3A_159[0, 0, 0, 0] : f32 from vector<1x1x1x1xf32>
      %div3A_161 = arith.constant 3.200000e+01 : f32
      %div3A_162 = arith.divf %reduce_sum3A_160, %div3A_161 : f32
      %sub3A_163 = vector.broadcast %div3A_162 : f32 to vector<1x1x32xf32>
      %sub3A_164 = arith.subf %add3A_155, %sub3A_163 : vector<1x1x32xf32>
      %mul3A_165 = arith.mulf %sub3A_164, %sub3A_164 : vector<1x1x32xf32>
      %reduce_sum3A_166 = vector.shape_cast %mul3A_165 : vector<1x1x32xf32> to vector<1x1x1x32xf32>
      %reduce_sum3A_167 = arith.constant dense<0.000000e+00> : vector<1xf32>
      %reduce_sum3A_168 = vector.multi_reduction <add>, %reduce_sum3A_166, %reduce_sum3A_167 [1, 2, 3] : vector<1x1x1x32xf32> to vector<1xf32>
      %reduce_sum3A_169 = vector.shape_cast %reduce_sum3A_168 : vector<1xf32> to vector<1x1x1x1xf32>
      %reduce_sum3A_170 = vector.extract %reduce_sum3A_169[0, 0, 0, 0] : f32 from vector<1x1x1x1xf32>
      %div3A_171 = arith.constant 3.200000e+01 : f32
      %div3A_172 = arith.divf %reduce_sum3A_170, %div3A_171 : f32
      %add3A_173 = arith.constant 9.99999974E-6 : f32
      %add3A_174 = arith.addf %div3A_172, %add3A_173 : f32
      %rsqrt3A_175 = math.rsqrt %add3A_174 : f32
      %mul3A_176 = vector.broadcast %rsqrt3A_175 : f32 to vector<1x1x32xf32>
      %mul3A_177 = arith.mulf %sub3A_164, %mul3A_176 : vector<1x1x32xf32>
      %get3A_178 = arith.constant 0 : index
      %get3A_179 = arith.constant 0 : index
      %get3A_180 = vector.load %arg8[%get3A_178, %get3A_179] : memref<1x32xf32, #tpu.memory_space<vmem>>, vector<1x32xf32>
      %broadcast_in_dim3A_181 = vector.shape_cast %get3A_180 : vector<1x32xf32> to vector<1x1x32xf32>
      %mul3A_182 = arith.mulf %mul3A_177, %broadcast_in_dim3A_181 : vector<1x1x32xf32>
      %get3A_183 = arith.constant 0 : index
      %get3A_184 = arith.constant 0 : index
      %get3A_185 = vector.load %arg9[%get3A_183, %get3A_184] : memref<1x32xf32, #tpu.memory_space<vmem>>, vector<1x32xf32>
      %broadcast_in_dim3A_186 = vector.shape_cast %get3A_185 : vector<1x32xf32> to vector<1x1x32xf32>
      %add3A_187 = arith.addf %mul3A_182, %broadcast_in_dim3A_186 : vector<1x1x32xf32>
      %broadcast_in_dim3A_188 = arith.constant 0.000000e+00 : f32
      %broadcast_in_dim3A_189 = vector.broadcast %broadcast_in_dim3A_188 : f32 to vector<1x1x224xf32>
      %concatenate3A = tpu.concatenate %add3A_187, %broadcast_in_dim3A_189 in 2 : vector<1x1x32xf32>, vector<1x1x224xf32> -> vector<1x1x256xf32>
      %swap3A_190 = arith.constant 0 : index
      %swap3A_191 = arith.constant 0 : index
      %swap3A_192 = arith.constant 0 : index
      %swap3A_193 = vector.load %arg11[%swap3A_190, %swap3A_191, %swap3A_192] : memref<1x1x256xf32, #tpu.memory_space<vmem>>, vector<1x1x256xf32>
      tpu.vector_store %arg11[%swap3A_190, %swap3A_191, %swap3A_192], %concatenate3A {strides = array<i32>} : memref<1x1x256xf32, #tpu.memory_space<vmem>>, vector<1x1x256xf32>,
    } else {
    }
    return
  }
  func.func @transform_0(%arg0: i32, %arg1: i32) -> (i32, i32) {
    %lt3A = arith.constant 16 : i32
    %lt3A_0 = arith.cmpi slt, %arg1, %lt3A : i32
    %mul3A = arith.constant 16 : i32
    %mul3A_1 = arith.muli %arg0, %mul3A : i32
    %add3A = arith.addi %mul3A_1, %arg1 : i32
    %add3A_2 = arith.constant 256 : i32
    %add3A_3 = arith.addi %add3A_2, %arg0 : i32
    %select_n3A = arith.select %lt3A_0, %add3A, %add3A_3 : i32
    %c0_i32 = arith.constant 0 : i32
    %c0_i32_4 = arith.constant 0 : i32
    return %select_n3A, %c0_i32 : i32, i32
  }
  func.func @transform_1(%arg0: i32, %arg1: i32) -> (i32, i32) {
    %c0_i32 = arith.constant 0 : i32
    %c0_i32_0 = arith.constant 0 : i32
    %c0_i32_1 = arith.constant 0 : i32
    return %c0_i32, %c0_i32_0 : i32, i32
  }
  func.func @transform_2(%arg0: i32, %arg1: i32) -> (i32, i32) {
    %c0_i32 = arith.constant 0 : i32
    %c0_i32_0 = arith.constant 0 : i32
    %c0_i32_1 = arith.constant 0 : i32
    return %c0_i32, %c0_i32_0 : i32, i32
  }
  func.func @transform_3(%arg0: i32, %arg1: i32) -> (i32, i32) {
    %c0_i32 = arith.constant 0 : i32
    %c0_i32_0 = arith.constant 0 : i32
    %c0_i32_1 = arith.constant 0 : i32
    return %c0_i32, %c0_i32_0 : i32, i32
  }
  func.func @transform_4(%arg0: i32, %arg1: i32) -> (i32, i32) {
    %c0_i32 = arith.constant 0 : i32
    %c0_i32_0 = arith.constant 0 : i32
    %c0_i32_1 = arith.constant 0 : i32
    return %c0_i32, %c0_i32_0 : i32, i32
  }
  func.func @transform_5(%arg0: i32, %arg1: i32) -> (i32, i32) {
    %c0_i32 = arith.constant 0 : i32
    %c0_i32_0 = arith.constant 0 : i32
    %c0_i32_1 = arith.constant 0 : i32
    return %c0_i32, %c0_i32_0 : i32, i32
  }
  func.func @transform_6(%arg0: i32, %arg1: i32) -> (i32, i32) {
    %c0_i32 = arith.constant 0 : i32
    %c0_i32_0 = arith.constant 0 : i32
    %c0_i32_1 = arith.constant 0 : i32
    return %c0_i32, %c0_i32_0 : i32, i32
  }
  func.func @transform_7(%arg0: i32, %arg1: i32) -> (i32, i32) {
    %c0_i32 = arith.constant 0 : i32
    %c0_i32_0 = arith.constant 0 : i32
    %c0_i32_1 = arith.constant 0 : i32
    return %c0_i32, %c0_i32_0 : i32, i32
  }
  func.func @transform_8(%arg0: i32, %arg1: i32) -> (i32, i32) {
    %lt3A = arith.constant 16 : i32
    %lt3A_0 = arith.cmpi slt, %arg1, %lt3A : i32
    %mul3A = arith.constant 16 : i32
    %mul3A_1 = arith.muli %arg0, %mul3A : i32
    %add3A = arith.addi %mul3A_1, %arg1 : i32
    %add3A_2 = arith.constant 256 : i32
    %add3A_3 = arith.addi %add3A_2, %arg0 : i32
    %select_n3A = arith.select %lt3A_0, %add3A, %add3A_3 : i32
    %c0_i32 = arith.constant 0 : i32
    %c0_i32_4 = arith.constant 0 : i32
    return %select_n3A, %c0_i32 : i32, i32
  }
  func.func @transform_9(%arg0: i32, %arg1: i32) -> (i32, i32, i32) {
    %c0_i32 = arith.constant 0 : i32
    %c0_i32_0 = arith.constant 0 : i32
    %c0_i32_1 = arith.constant 0 : i32
    return %arg0, %c0_i32, %c0_i32_0 : i32, i32, i32
  }
}

</mosaic_0001>

<sc_bundles>
// kernel: kernel.6.cloned.1.call-start
scs
__scs_entry_jumppad:
0x0: {  	(pc) =	sbr.rel $0x88, $3  }
0x1: {  	(tag) =	ssettag $0x0;
	lr =	simm.s32 $0x1  }
0x2: {  	[smem:$0x3F89] =	sst lr;
	_ =	strace $0xD0000000  }
0x3: {  	_ = 	snop  }
0x4: {  	_ = 	snop  }
0x5: {  	_ = 	snop  }
0x6: {  	_ = 	snop  }
0x7: {  	_ = 	snop  }
__scs_overlays_trampoline_lowered:
0x8: {  	[smem:$0x3F98] =	sst s0  }
0x9: {  	[smem:$0x3F99] =	sst s1  }
0xa: {  	[smem:$0x3F9A] =	sst s2  }
0xb: {  	[smem:$0x3F9B] =	sst s3  }
0xc: {  	[smem:$0x3F9C] =	sst s4  }
0xd: {  	[smem:$0x3F9D] =	sst s5  }
0xe: {  	[smem:$0x3F9E] =	sst s6  }
0xf: {  	[smem:$0x3F9F] =	sst s7  }
0x10: {  	[smem:$0x3FA0] =	sst s8  }
0x11: {  	[smem:$0x3FA1] =	sst s9;
	s0 =	simm.s32 @!p0 $0x0  }
0x12: {  	s1 =	sld [smem:$0x3F87];
	s0 =	simm.s32 @p0 $0x1  }
0x13: {  	[smem:$0x3FA2] =	sst s0;
	s0 =	simm.s32 @!p1 $0x0  }
0x14: {  	s2 =	sld [smem:$0x3F86];
	s0 =	simm.s32 @p1 $0x1  }
0x15: {  	[smem:$0x3FA3] =	sst s0;
	s0 =	simm.s32 @!p2 $0x0  }
0x16: {  	s3 =	sld [smem:$0x3FDB];
	s0 =	simm.s32 @p2 $0x1  }
0x17: {  	s4 =	simm.s32 $0x1BF5;
	[smem:$0x3FA5] =	sst s0  }
0x18: {  	s0 =	sld [smem:$0x3F88];
	_ =	swait.ge [sflag:s4], $0x0  }
0x19: {  	s7 =	sld [smem:$0x3F89]  }
0x1a: {  	s8 =	sadd.s32 $0xFFFFE003, lr  }
0x1b: {  	s9 =	sadd.s32 $0xFFFFFEF7, lr;
	s5 =	simm.s32 $0xFFFFFFFF;
	p2 =	slt.u32 s8, $0xFFFFF086  }
0x1c: {  	p1 =	slt.u32 s9, $0xF7A;
	s5 =	simm.s32 @!p2 $0x0  }
0x1d: {  	s5 =	simm.s32 @p1 $0x1;
	p0 =	seq.s32 s7, s2  }
0x1e: {  	s7 =	smul.u32 @!p0 $0xF7A, s2;
	p2 =	seq.s32 @!p0 s5, $0x0  }
0x1f: {  	s9 =	smul.u32 $0xF7A, s1;
	s8 =	simm.s32 @!p0 $0x1BF5;
	p2 =	por !p2, p0  }
0x20: {  	[sflag:s8] =	ssyncset.s32 @!p0 $0xFFFFF086;
	s6 =	sadd.s32 @!p0 s3, s7;
	s7 =	simm.s32 @!p0 $0x108  }
0x21: {  	s3 =	sadd.s32 s3, s9;
	s6 =	sadd.s32 @!p0 $0x88, s6;
	s7 =	simm.s32 @p2 $0x1082  }
0x22: {  	[simem:s7], [sflag:s8] =	dma.local @!p0 [hbm:s6], $0xF7A  }
0x23: {  	s9 =	sor.u32 $0xD0000000, s2;
	s6 =	simm.s32 $0x108;
	_ =	swait.ge @!p0 [sflag:s8], $0x0  }
0x24: {  	s3 =	sadd.s32 $0x88, s3;
	s6 =	simm.s32 @!p1 $0x1082;
	[sflag:s4] =	ssyncset.s32 $0xFFFFF086  }
0x25: {  	[simem:s6], [sflag:s4] =	dma.local [hbm:s3], $0xF7A  }
0x26: {  	[smem:$0x3F89] =	sst s1;
	(tag) =	ssettag s2;
	_ =	strace s9  }
0x27: {  	s1 =	sld [smem:$0x3F99]  }
0x28: {  	s2 =	sld [smem:$0x3F9A]  }
0x29: {  	s4 =	sld [smem:$0x3F9C]  }
0x2a: {  	p0 =	seq.s32 s5, $0x0;
	s5 =	sld [smem:$0x3F9D]  }
0x2b: {  	s6 =	sld [smem:$0x3F9E]  }
0x2c: {  	s7 =	sld [smem:$0x3F9F]  }
0x2d: {  	s3 =	simm.s32 $0x108;
	s8 =	sld [smem:$0x3FA0]  }
0x2e: {  	s3 =	simm.s32 @!p0 $0x1082;
	s9 =	sld [smem:$0x3FA1]  }
0x2f: {  	lr =	sadd.s32 s0, s3;
	s0 =	sld [smem:$0x3F98]  }
0x30: {  	s3 =	sld [smem:$0x3F9B]  }
0x31: {  	[smem:$0x3FA4] =	sst s10  }
0x32: {  	s10 =	sld [smem:$0x3FA2];
	_ =	sdelay $0x3  }
0x33: {  	p0 =	seq.s32 s10, $0x1;
	s10 =	sld [smem:$0x3FA4];
	_ =	sdelay $0x3  }
0x34: {  	[smem:$0x3FA4] =	sst s10  }
0x35: {  	s10 =	sld [smem:$0x3FA3];
	_ =	sdelay $0x3  }
0x36: {  	p1 =	seq.s32 s10, $0x1;
	s10 =	sld [smem:$0x3FA4];
	_ =	sdelay $0x3  }
0x37: {  	[smem:$0x3FA4] =	sst s10  }
0x38: {  	s10 =	sld [smem:$0x3FA5]  }
0x39: {  	_ = 	snop;
	(pc) =	sbr.ind lr, $3  }
0x3a: {  	_ = 	snop  }
0x3b: {  	_ = 	snop  }
0x3c: {  	p2 =	seq.s32 s10, $0x1;
	s10 =	sld [smem:$0x3FA4]  }
0x3d: {  	_ =	shalt  }
0x3e: {  	_ =	shalt  }
0x3f: {  	_ =	shalt  }
0x40: {  	_ =	shalt  }
0x41: {  	_ =	shalt  }
0x42: {  	_ =	shalt  }
0x43: {  	_ =	shalt  }
0x44: {  	_ =	shalt  }
0x45: {  	_ =	shalt  }
0x46: {  	_ =	shalt  }
0x47: {  	_ =	shalt  }
0x48: {  	_ =	shalt  }
0x49: {  	_ =	shalt  }
0x4a: {  	_ =	shalt  }
0x4b: {  	_ =	shalt  }
0x4c: {  	_ =	shalt  }
0x4d: {  	_ =	shalt  }
0x4e: {  	_ =	shalt  }
0x4f: {  	_ =	shalt  }
0x50: {  	_ =	shalt  }
0x51: {  	_ =	shalt  }
0x52: {  	_ =	shalt  }
0x53: {  	_ =	shalt  }
0x54: {  	_ =	shalt  }
0x55: {  	_ =	shalt  }
0x56: {  	_ =	shalt  }
0x57: {  	_ =	shalt  }
0x58: {  	_ =	shalt  }
0x59: {  	_ =	shalt  }
0x5a: {  	_ =	shalt  }
0x5b: {  	_ =	shalt  }
0x5c: {  	_ =	shalt  }
0x5d: {  	_ =	shalt  }
0x5e: {  	_ =	shalt  }
0x5f: {  	_ =	shalt  }
0x60: {  	_ =	shalt  }
0x61: {  	_ =	shalt  }
0x62: {  	_ =	shalt  }
0x63: {  	_ =	shalt  }
0x64: {  	_ =	shalt  }
0x65: {  	_ =	shalt  }
0x66: {  	_ =	shalt  }
0x67: {  	_ =	shalt  }
0x68: {  	_ =	shalt  }
0x69: {  	_ =	shalt  }
0x6a: {  	_ =	shalt  }
0x6b: {  	_ =	shalt  }
0x6c: {  	_ =	shalt  }
0x6d: {  	_ =	shalt  }
0x6e: {  	_ =	shalt  }
0x6f: {  	_ =	shalt  }
0x70: {  	_ =	shalt  }
0x71: {  	_ =	shalt  }
0x72: {  	_ =	shalt  }
0x73: {  	_ =	shalt  }
0x74: {  	_ =	shalt  }
0x75: {  	_ =	shalt  }
0x76: {  	_ =	shalt  }
0x77: {  	_ =	shalt  }
0x78: {  	_ =	shalt  }
0x79: {  	_ =	shalt  }
0x7a: {  	_ =	shalt  }
0x7b: {  	_ =	shalt  }
0x7c: {  	_ =	shalt  }
0x7d: {  	_ =	shalt  }
0x7e: {  	_ =	shalt  }
0x7f: {  	_ =	shalt  }
0x80: {  	_ =	shalt  }
0x81: {  	_ =	shalt  }
0x82: {  	_ =	shalt  }
0x83: {  	_ =	shalt  }
0x84: {  	_ =	shalt  }
0x85: {  	_ =	shalt  }
0x86: {  	_ =	shalt  }
0x87: {  	_ =	shalt  }
.Lfunc_end0:
.L_simem_size_0:
called_computation.2_lowered:
.L_overlay_start_0:
0x88: {  	s2 =	sld [smem:$0x3FD9]  }
0x89: {  	s3 =	sld [smem:$0x3FFE];
	_ =	sdelay $0x1  }
0x8a: {  	s1 =	srdreg.scid  }
0x8b: {  	s0 =	sand.u32 $0x1, s1  }
0x8c: {  	s14 =	sshll.u32 s0, $0xA;
	s2 =	sadd.s32 s3, s2  }
0x8d: {  	s2 =	sadd.s32 s2, s14  }
0x8e: {  	[smem:$0x3FB0] =	sst s2  }
0x8f: {  	_ = 	snop  }
0x90: {  	s2 =	sld [smem:$0x3FD0];
	_ =	sdelay $0x2  }
0x91: {  	s15 =	simm.s32 $0xA;
	s4 =	simm.s32 $0x10  }
0x92: {  	[smem:s4], [sflag:s15] =	dma.local [hbm:s2], $0x1  }
0x93: {  	_ =	swait.eq [sflag:s15], $0x1  }
0x94: {  	[sflag:s15] =	ssyncset.done $0x0  }
0x95: {  	[sflag:s15] =	ssyncadd.s32 $0xFFFFFFFF  }
0x96: {  	s16 =	sld [smem:$0x10];
	(tm) =	ssettm $0x1  }
0x97: {  	s17 =	sld [smem:$0x3FFB];
	_ =	sdelay $0x3  }
0x98: {  	_ =	strace s17  }
0x99: {  	s3 =	sld [smem:$0x3FFC];
	_ =	sdelay $0x3  }
0x9a: {  	_ =	strace s3  }
0x9b: {  	s3 =	sld [smem:$0x3FFD];
	_ =	sdelay $0x3  }
0x9c: {  	_ =	strace s3  }
0x9d: {  	_ =	strace $0x8FFFFFFF  }
0x9e: {  	s18 =	sld [smem:$0x3FDB];
	_ =	sdelay $0x1  }
0x9f: {  	s19 =	simm.s32 $_scs_section_size  }
0xa0: {  	s5 =	simm.s32 $_size__tile_overlayer_lowered;
	s6 =	simm.s32 $_tile_overlayer_lowered  }
0xa1: {  	s22 =	simm.s32 $0x1BFF;
	s21 =	sshll.u32 s6, $0x1;
	s3 =	sadd.s32 s19, s18  }
0xa2: {  	s7 =	simm.s32 $0x0;
	s20 =	sshll.u32 s5, $0x1;
	s5 =	sadd.s32 s21, s3  }
0xa3: {  	[timem:s7], [sflag:s22] =	dma.local [hbm:s5], s20  }
0xa4: {  	_ =	swait.ge [sflag:s22], s20  }
0xa5: {  	s4 =	ssub.s32 $0x0, s20;
	[sflag:s22] =	ssyncset.done $0x0  }
0xa6: {  	[sflag:s22] =	ssyncadd.s32 s4;
	_ =	sdelay $0x1  }
0xa7: {  	s23 =	simm.s32 $0x1B8B  }
0xa8: {  	_ =	swait.ge [sflag:s23], $0x1  }
0xa9: {  	[sflag:s23] =	ssyncset.done $0x0  }
0xaa: {  	s25 =	simm.s32 $0x1B8E;
	s24 =	sld [smem:$0x3FFE];
	[sflag:s23] =	ssyncadd.s32 $0xFFFFFFFF  }
0xab: {  	s26 =	simm.s32 $execute0_lowered;
	[smem:$0x3FD2] =	sst s25  }
0xac: {  	s5 =	sshll.u32 s26, $0x1;
	_ =	strace $0x80000046;
	[dreg:$0x1] =	wrdreg $0xFFFFFFFF  }
0xad: {  	s28 =	simm.s32 $_size_execute0_lowered;
	s3 =	sadd.s32 s3, s5;
	[dreg:$0x0] =	wrdreg $0x0  }
0xae: {  	s5 =	sshll.u32 s28, $0x1;
	[dreg:$0x2] =	wrdreg s3  }
0xaf: {  	[dreg:$0x3] =	wrdreg s5  }
0xb0: {  	[dreg:$0x4] =	wrdreg $0xC0  }
0xb1: {  	_ =	task [dreg:s7], $0x5FFFF  }
0xb2: {  	[dreg:$0x1] =	wrdreg $0xFFFFFFFF  }
0xb3: {  	[dreg:$0x0] =	wrdreg $0x60  }
0xb4: {  	[dreg:$0x2] =	wrdreg s24  }
0xb5: {  	[dreg:$0x3] =	wrdreg s16  }
0xb6: {  	[dreg:$0x4] =	wrdreg $0x9  }
0xb7: {  	_ =	task.clear_ibuf [dreg:s7], $0x5FFFF;
	_ =	strace $0x90000046  }
0xb8: {  	s29 =	simm.s32 $0x9;
	_ =	strace $0x80000048  }
0xb9: {  	_ =	swait.ge [sflag:s29], $0x1  }
0xba: {  	[sflag:s29] =	ssyncadd.s32 $0xFFFFFFFF  }
0xbb: {  	_ =	strace $0x90000048  }
0xbc: {  	_ =	sfence  }
0xbd: {  	s30 =	sld [smem:$0x0];
	_ =	sdelay $0x2  }
0xbe: {  	s31 =	sshll.u32 s1, $0xD;
	s1 =	sshrl.u32 s1, $0x2  }
0xbf: {  	s3 =	sand.u32 $0x4000, s31;
	s1 =	sadd.s32 s1, s30  }
0xc0: {  	s0 =	sor.u32 s3, s0;
	s1 =	sshll.u32 s1, $0x11  }
0xc1: {  	s0 =	sor.u32 s1, s0  }
0xc2: {  	s0 =	sadd.s32 $0x8F2B, s0  }
0xc3: {  	[sflag:s0] =	ssyncadd.remote.s32 $0x1  }
0xc4: {  	_ =	sfence.sel $0xFFFF  }
0xc5: {  	[dreg:$0x0] =	wrdreg $0xFFFFFFFF;
	(pc) =	sbr.abs _section_cstart, $3  }
0xc6: {  	[dreg:$0x1] =	wrdreg $0xFFFFFFFF  }
0xc7: {  	_ =	task.clear_ibuf [dreg:s7], $0x2FFFF;
	_ =	strace $0x9FFFFFFF  }
0xc8: {  	(tm) =	ssettm $0x7FFFFFFF  }
0xc9: {  	_ =	shalt  }
tec
execute0_lowered:
.L_overlay_start_1:
0x0: {  	(tag) =	ssettag $0x1  }
0x1: {  	s0 =	srdreg.scid  }
0x2: {  	s2 =	stileid.u32;
	s1 =	rddreg [dreg:$0x0]  }
0x3: {  	s3 =	rddreg [dreg:$0x1];
	s9 =	simm.s32 $0x1C00;
	s10 =	simm.s32 $0x100  }
0x4: {  	s11 =	simm.s32 $0x3400;
	s12 =	simm.s32 $0x180;
	s13 =	simm.s32 $0x4C00  }
0x5: {  	s14 =	simm.s32 $0x200;
	s15 =	simm.s32 $0x6400;
	s16 =	simm.s32 $0x280  }
0x6: {  	s17 =	simm.s32 $0x7C00;
	s18 =	simm.s32 $0x300;
	s20 =	simm.s32 $0x9400  }
0x7: {  	s19 =	simm.s32 $0x380;
	s21 =	simm.s32 $0xAC00;
	s22 =	simm.s32 $0xC400  }
0x8: {  	p0 =	por $0x0, $0x0;
	s28 =	simm.s32 $0x12400;
	s29 =	simm.s32 $0x13C00  }
0x9: {  	s30 =	simm.s32 $0x15400;
	s0 =	sand.u32 $0x1, s0;
	s2 =	sshll.u32 s2, $0x1  }
0xa: {  	s31 =	simm.s32 $0x16C00;
	s6 =	sadd.s32 $0x5600, s1;
	s4 =	sor.u32 s0, s2  }
0xb: {  	s2 =	simm.s32 $0x0;
	s0 =	ssub.s32 $0x2, s0;
	s5 =	smul.u32 $0x180, s4  }
0xc: {  	[smem:$0x7FF] =	sst s2;
	s7 =	smul.u32 $0xC00, s4;
	s25 =	sshrl.u32 s0, $0x1  }
0xd: {  	s4 =	smul.u32 $0x4800, s4;
	_ =	strace $0x80000047;
	s0 =	ssub.s32 s0, s25  }
0xe: {  	s25 =	simm.s32 $0xF400;
	s5 =	sadd.s32 s6, s5;
	s24 =	sadd.s32 $0x400, s7  }
0xf: {  	s7 =	sshrl.u32 s7, $0x3;
	s23 =	sadd.s32 s3, s4;
	s0 =	smax.u32 s0, $0x1  }
0x10: {  	s4 =	simm.s32 $0x1;
	[dreg:$0x3] =	wrdreg s5;
	s8 =	sshrl.u32 s24, $0x3  }
0x11: {  	s5 =	smul.u32 $0x6, s24;
	s26 =	sadd.s32 $0x3000, s23;
	s24 =	simm.s32 $0xDC00  }
0x12: {  	p1 =	sne.s32 s0, $0x1;
	s8 =	sadd.s32 s6, s8;
	s6 =	sadd.s32 s6, s7  }
.Ltmp0:
0x13: {  	[dreg:$0x7] =	wrdreg s26;
	s7 =	simm.s32 $0x80;
	(pc) =	sbr.rel @!p1 .LBB2_3-.Ltmp0, $4  }
0x14: {  	s26 =	simm.s32 $0x10C00;
	[dreg:$0x4] =	wrdreg s8;
	s6 =	sadd.s32 $0x100, s6  }
0x15: {  	s3 =	sadd.s32 s3, s5;
	s8 =	simm.s32 $0x3;
	[dreg:$0x5] =	wrdreg s6  }
0x16: {  	s5 =	simm.s32 $0x2;
	[dreg:$0x6] =	wrdreg s3;
	s6 =	sadd.s32 $0x8600, s1  }
0x17: {  	s3 =	simm.s32 $0x400;
	s1 =	sadd.s32 $0xFFFFFFFF, s0;
	s0 =	rddreg [dreg:$0x3]  }
0x18: {  	[tilespmem:s2], [sflag:$0x3] =	stream.linear.gather [hbm4b:s0+s2], $0x400, $0x38;
	[tilespmem:$0x18400] =	vst v63  }
0x19: {  	_ =	swait.ge [sflag:s8], $0x400  }
0x1a: {  	[sflag:s8] =	ssyncset.done $0x0  }
0x1b: {  	[sflag:s8] =	ssyncadd.s32 $0xFFFFFC00  }
0x1c: {  	[tilespmem:s3], [sflag:$0x1] =	stream.indirect.gather [hbm4b:s6+s7], $0x30, s2, s7, $0xb8;
	[tilespmem:$0x18400] =	vst v63  }
0x1d: {  	_ = 	snop  }
0x1e: {  	[tilespmem:s9], [sflag:$0x1] =	stream.indirect.gather [hbm4b:s6+s7], $0x30, s7, s7, $0xb8;
	[tilespmem:$0x18400] =	vst v63  }
0x1f: {  	_ = 	snop  }
0x20: {  	[tilespmem:s11], [sflag:$0x1] =	stream.indirect.gather [hbm4b:s6+s7], $0x30, s10, s7, $0xb8;
	[tilespmem:$0x18400] =	vst v63  }
0x21: {  	_ = 	snop  }
0x22: {  	[tilespmem:s13], [sflag:$0x1] =	stream.indirect.gather [hbm4b:s6+s7], $0x30, s12, s7, $0xb8;
	[tilespmem:$0x18400] =	vst v63  }
0x23: {  	_ = 	snop  }
0x24: {  	[tilespmem:s15], [sflag:$0x1] =	stream.indirect.gather [hbm4b:s6+s7], $0x30, s14, s7, $0xb8;
	[tilespmem:$0x18400] =	vst v63  }
0x25: {  	_ = 	snop  }
0x26: {  	[tilespmem:s17], [sflag:$0x1] =	stream.indirect.gather [hbm4b:s6+s7], $0x30, s16, s7, $0xb8;
	[tilespmem:$0x18400] =	vst v63  }
0x27: {  	_ = 	snop  }
0x28: {  	[tilespmem:s20], [sflag:$0x1] =	stream.indirect.gather [hbm4b:s6+s7], $0x30, s18, s7, $0xb8;
	[tilespmem:$0x18400] =	vst v63  }
0x29: {  	_ = 	snop  }
0x2a: {  	[tilespmem:s21], [sflag:$0x1] =	stream.indirect.gather [hbm4b:s6+s7], $0x30, s19, s7, $0xb8;
	[tilespmem:$0x18400] =	vst v63  }
0x2b: {  	_ =	swait.ge [sflag:s4], $0x1800  }
0x2c: {  	[sflag:s4] =	ssyncset.done $0x0  }
0x2d: {  	[sflag:s4] =	ssyncadd.s32 $0xFFFFE800  }
0x2e: {  	_ =	swait.ge [sflag:s4], $0x1800  }
0x2f: {  	[sflag:s4] =	ssyncset.done $0x0  }
0x30: {  	[sflag:s4] =	ssyncadd.s32 $0xFFFFE800  }
0x31: {  	_ =	swait.ge [sflag:s4], $0x1800  }
0x32: {  	[sflag:s4] =	ssyncset.done $0x0  }
0x33: {  	[sflag:s4] =	ssyncadd.s32 $0xFFFFE800  }
0x34: {  	_ =	swait.ge [sflag:s4], $0x1800  }
0x35: {  	[sflag:s4] =	ssyncset.done $0x0  }
0x36: {  	[sflag:s4] =	ssyncadd.s32 $0xFFFFE800  }
0x37: {  	_ =	swait.ge [sflag:s4], $0x1800  }
0x38: {  	[sflag:s4] =	ssyncset.done $0x0  }
0x39: {  	[sflag:s4] =	ssyncadd.s32 $0xFFFFE800  }
0x3a: {  	_ =	swait.ge [sflag:s4], $0x1800  }
0x3b: {  	[sflag:s4] =	ssyncset.done $0x0  }
0x3c: {  	[sflag:s4] =	ssyncadd.s32 $0xFFFFE800  }
0x3d: {  	_ =	swait.ge [sflag:s4], $0x1800  }
0x3e: {  	[sflag:s4] =	ssyncset.done $0x0  }
0x3f: {  	[sflag:s4] =	ssyncadd.s32 $0xFFFFE800  }
0x40: {  	_ =	swait.ge [sflag:s4], $0x1800  }
0x41: {  	[sflag:s4] =	ssyncset.done $0x0  }
0x42: {  	s0 =	rddreg [dreg:$0x4];
	[sflag:s4] =	ssyncadd.s32 $0xFFFFE800  }
0x43: {  	[tilespmem:s2], [sflag:$0x3] =	stream.linear.gather [hbm4b:s0+s2], $0x400, $0x38;
	[tilespmem:$0x18400] =	vst v63  }
0x44: {  	_ =	swait.ge [sflag:s8], $0x400  }
0x45: {  	[sflag:s8] =	ssyncset.done $0x0  }
0x46: {  	[sflag:s8] =	ssyncadd.s32 $0xFFFFFC00  }
0x47: {  	[tilespmem:s22], [sflag:$0x1] =	stream.indirect.gather [hbm4b:s6+s7], $0x30, s2, s7, $0xb8;
	[tilespmem:$0x18400] =	vst v63  }
0x48: {  	_ = 	snop  }
0x49: {  	[tilespmem:s24], [sflag:$0x1] =	stream.indirect.gather [hbm4b:s6+s7], $0x30, s7, s7, $0xb8;
	[tilespmem:$0x18400] =	vst v63  }
0x4a: {  	_ = 	snop  }
0x4b: {  	[tilespmem:s25], [sflag:$0x1] =	stream.indirect.gather [hbm4b:s6+s7], $0x30, s10, s7, $0xb8;
	[tilespmem:$0x18400] =	vst v63  }
0x4c: {  	_ = 	snop  }
0x4d: {  	[tilespmem:s26], [sflag:$0x1] =	stream.indirect.gather [hbm4b:s6+s7], $0x30, s12, s7, $0xb8;
	[tilespmem:$0x18400] =	vst v63  }
0x4e: {  	_ = 	snop  }
0x4f: {  	[tilespmem:s28], [sflag:$0x1] =	stream.indirect.gather [hbm4b:s6+s7], $0x30, s14, s7, $0xb8;
	[tilespmem:$0x18400] =	vst v63  }
0x50: {  	_ = 	snop  }
0x51: {  	[tilespmem:s29], [sflag:$0x1] =	stream.indirect.gather [hbm4b:s6+s7], $0x30, s16, s7, $0xb8;
	[tilespmem:$0x18400] =	vst v63  }
0x52: {  	_ = 	snop  }
0x53: {  	[tilespmem:s30], [sflag:$0x1] =	stream.indirect.gather [hbm4b:s6+s7], $0x30, s18, s7, $0xb8;
	[tilespmem:$0x18400] =	vst v63  }
0x54: {  	_ = 	snop  }
0x55: {  	[tilespmem:s31], [sflag:$0x1] =	stream.indirect.gather [hbm4b:s6+s7], $0x30, s19, s7, $0xb8;
	[tilespmem:$0x18400] =	vst v63  }
0x56: {  	_ = 	snop  }
0x57: {  	[hbm4b:s23+s2] =	stream.linear.scatter [tilespmem:s3], [sflag:$0x2], $0xC000, $0x38;
	[tilespmem:$0x18400] =	vst v63  }
0x58: {  	_ =	swait.ge [sflag:s5], $0xC000  }
0x59: {  	[sflag:s5] =	ssyncset.done $0x0  }
0x5a: {  	[sflag:s5] =	ssyncadd.s32 $0xFFFF4000  }
0x5b: {  	_ =	swait.ge [sflag:s4], $0x1800  }
0x5c: {  	[sflag:s4] =	ssyncset.done $0x0  }
0x5d: {  	[sflag:s4] =	ssyncadd.s32 $0xFFFFE800  }
0x5e: {  	_ =	swait.ge [sflag:s4], $0x1800  }
0x5f: {  	[sflag:s4] =	ssyncset.done $0x0  }
0x60: {  	[sflag:s4] =	ssyncadd.s32 $0xFFFFE800  }
0x61: {  	_ =	swait.ge [sflag:s4], $0x1800  }
0x62: {  	[sflag:s4] =	ssyncset.done $0x0  }
0x63: {  	[sflag:s4] =	ssyncadd.s32 $0xFFFFE800  }
0x64: {  	_ =	swait.ge [sflag:s4], $0x1800  }
0x65: {  	[sflag:s4] =	ssyncset.done $0x0  }
0x66: {  	[sflag:s4] =	ssyncadd.s32 $0xFFFFE800  }
0x67: {  	_ =	swait.ge [sflag:s4], $0x1800  }
0x68: {  	[sflag:s4] =	ssyncset.done $0x0  }
0x69: {  	[sflag:s4] =	ssyncadd.s32 $0xFFFFE800  }
0x6a: {  	_ =	swait.ge [sflag:s4], $0x1800  }
0x6b: {  	[sflag:s4] =	ssyncset.done $0x0  }
0x6c: {  	[sflag:s4] =	ssyncadd.s32 $0xFFFFE800  }
0x6d: {  	_ =	swait.ge [sflag:s4], $0x1800  }
0x6e: {  	[sflag:s4] =	ssyncset.done $0x0  }
0x6f: {  	[sflag:s4] =	ssyncadd.s32 $0xFFFFE800  }
0x70: {  	_ =	swait.ge [sflag:s4], $0x1800  }
0x71: {  	[sflag:s4] =	ssyncset.done $0x0  }
0x72: {  	s0 =	rddreg [dreg:$0x5];
	[sflag:s4] =	ssyncadd.s32 $0xFFFFE800  }
0x73: {  	[tilespmem:s2], [sflag:$0x3] =	stream.linear.gather [hbm4b:s0+s2], $0x400, $0x38;
	[tilespmem:$0x18400] =	vst v63  }
0x74: {  	_ =	swait.ge [sflag:s8], $0x400  }
0x75: {  	[sflag:s8] =	ssyncset.done $0x0  }
0x76: {  	[sflag:s8] =	ssyncadd.s32 $0xFFFFFC00  }
0x77: {  	[tilespmem:s3], [sflag:$0x1] =	stream.indirect.gather [hbm4b:s6+s7], $0x30, s2, s7, $0xb8;
	[tilespmem:$0x18400] =	vst v63  }
0x78: {  	_ = 	snop  }
0x79: {  	[tilespmem:s9], [sflag:$0x1] =	stream.indirect.gather [hbm4b:s6+s7], $0x30, s7, s7, $0xb8;
	[tilespmem:$0x18400] =	vst v63  }
0x7a: {  	_ = 	snop  }
0x7b: {  	[tilespmem:s11], [sflag:$0x1] =	stream.indirect.gather [hbm4b:s6+s7], $0x30, s10, s7, $0xb8;
	[tilespmem:$0x18400] =	vst v63  }
0x7c: {  	_ = 	snop  }
0x7d: {  	[tilespmem:s13], [sflag:$0x1] =	stream.indirect.gather [hbm4b:s6+s7], $0x30, s12, s7, $0xb8;
	[tilespmem:$0x18400] =	vst v63  }
0x7e: {  	_ = 	snop  }
0x7f: {  	[tilespmem:s15], [sflag:$0x1] =	stream.indirect.gather [hbm4b:s6+s7], $0x30, s14, s7, $0xb8;
	[tilespmem:$0x18400] =	vst v63  }
0x80: {  	_ = 	snop  }
0x81: {  	[tilespmem:s17], [sflag:$0x1] =	stream.indirect.gather [hbm4b:s6+s7], $0x30, s16, s7, $0xb8;
	[tilespmem:$0x18400] =	vst v63  }
0x82: {  	_ = 	snop  }
0x83: {  	[tilespmem:s20], [sflag:$0x1] =	stream.indirect.gather [hbm4b:s6+s7], $0x30, s18, s7, $0xb8;
	[tilespmem:$0x18400] =	vst v63  }
0x84: {  	_ = 	snop  }
0x85: {  	[tilespmem:s21], [sflag:$0x1] =	stream.indirect.gather [hbm4b:s6+s7], $0x30, s19, s7, $0xb8;
	[tilespmem:$0x18400] =	vst v63  }
0x86: {  	s0 =	rddreg [dreg:$0x6]  }
0x87: {  	[hbm4b:s0+s2] =	stream.linear.scatter [tilespmem:s22], [sflag:$0x2], $0xC000, $0x38;
	[tilespmem:$0x18400] =	vst v63  }
0x88: {  	_ =	swait.ge [sflag:s5], $0xC000  }
0x89: {  	[sflag:s5] =	ssyncset.done $0x0  }
0x8a: {  	[sflag:s5] =	ssyncadd.s32 $0xFFFF4000  }
0x8b: {  	_ =	swait.ge [sflag:s4], $0x1800  }
0x8c: {  	[sflag:s4] =	ssyncset.done $0x0  }
0x8d: {  	[sflag:s4] =	ssyncadd.s32 $0xFFFFE800  }
0x8e: {  	_ =	swait.ge [sflag:s4], $0x1800  }
0x8f: {  	[sflag:s4] =	ssyncset.done $0x0  }
0x90: {  	[sflag:s4] =	ssyncadd.s32 $0xFFFFE800  }
0x91: {  	_ =	swait.ge [sflag:s4], $0x1800  }
0x92: {  	[sflag:s4] =	ssyncset.done $0x0  }
0x93: {  	[sflag:s4] =	ssyncadd.s32 $0xFFFFE800  }
0x94: {  	_ =	swait.ge [sflag:s4], $0x1800  }
0x95: {  	[sflag:s4] =	ssyncset.done $0x0  }
0x96: {  	[sflag:s4] =	ssyncadd.s32 $0xFFFFE800  }
0x97: {  	_ =	swait.ge [sflag:s4], $0x1800  }
0x98: {  	[sflag:s4] =	ssyncset.done $0x0  }
0x99: {  	[sflag:s4] =	ssyncadd.s32 $0xFFFFE800  }
0x9a: {  	_ =	swait.ge [sflag:s4], $0x1800  }
0x9b: {  	[sflag:s4] =	ssyncset.done $0x0  }
0x9c: {  	[sflag:s4] =	ssyncadd.s32 $0xFFFFE800  }
0x9d: {  	_ =	swait.ge [sflag:s4], $0x1800  }
0x9e: {  	[sflag:s4] =	ssyncset.done $0x0  }
0x9f: {  	[sflag:s4] =	ssyncadd.s32 $0xFFFFE800  }
0xa0: {  	p1 =	sne.s32 s1, $0x1;
	_ =	swait.ge [sflag:s4], $0x1800  }
.Ltmp1:
0xa1: {  	[sflag:s4] =	ssyncset.done $0x0;
	(pc) =	sbr.rel @!p1 .LBB2_3-.Ltmp1, $4  }
0xa2: {  	s0 =	rddreg [dreg:$0x7];
	[sflag:s4] =	ssyncadd.s32 $0xFFFFE800  }
0xa3: {  	[hbm4b:s0+s2] =	stream.linear.scatter [tilespmem:s3], [sflag:$0x2], $0xC000, $0x38;
	[tilespmem:$0x18400] =	vst v63  }
0xa4: {  	s1 =	sadd.s32 $0xFFFFFFFF, s1;
	_ =	swait.ge [sflag:s5], $0xC000  }
0xa5: {  	p0 =	por $0x1, $0x1;
	s0 =	rddreg [dreg:$0x3];
	[sflag:s5] =	ssyncset.done $0x0  }
.LBB2_2:
0xa6: {  	[sflag:s5] =	ssyncadd.s32 $0xFFFF4000  }
0xa7: {  	[tilespmem:s2], [sflag:$0x3] =	stream.linear.gather [hbm4b:s0+s2], $0x400, $0x38;
	[tilespmem:$0x18400] =	vst v63  }
0xa8: {  	_ =	swait.ge [sflag:s8], $0x400  }
0xa9: {  	[sflag:s8] =	ssyncset.done $0x0  }
0xaa: {  	[sflag:s8] =	ssyncadd.s32 $0xFFFFFC00  }
0xab: {  	[tilespmem:s3], [sflag:$0x1] =	stream.indirect.gather [hbm4b:s6+s7], $0x30, s2, s7, $0xb8;
	[tilespmem:$0x18400] =	vst v63  }
0xac: {  	_ = 	snop  }
0xad: {  	[tilespmem:s9], [sflag:$0x1] =	stream.indirect.gather [hbm4b:s6+s7], $0x30, s7, s7, $0xb8;
	[tilespmem:$0x18400] =	vst v63  }
0xae: {  	_ = 	snop  }
0xaf: {  	[tilespmem:s11], [sflag:$0x1] =	stream.indirect.gather [hbm4b:s6+s7], $0x30, s10, s7, $0xb8;
	[tilespmem:$0x18400] =	vst v63  }
0xb0: {  	_ = 	snop  }
0xb1: {  	[tilespmem:s13], [sflag:$0x1] =	stream.indirect.gather [hbm4b:s6+s7], $0x30, s12, s7, $0xb8;
	[tilespmem:$0x18400] =	vst v63  }
0xb2: {  	_ = 	snop  }
0xb3: {  	[tilespmem:s15], [sflag:$0x1] =	stream.indirect.gather [hbm4b:s6+s7], $0x30, s14, s7, $0xb8;
	[tilespmem:$0x18400] =	vst v63  }
0xb4: {  	_ = 	snop  }
0xb5: {  	[tilespmem:s17], [sflag:$0x1] =	stream.indirect.gather [hbm4b:s6+s7], $0x30, s16, s7, $0xb8;
	[tilespmem:$0x18400] =	vst v63  }
0xb6: {  	_ = 	snop  }
0xb7: {  	[tilespmem:s20], [sflag:$0x1] =	stream.indirect.gather [hbm4b:s6+s7], $0x30, s18, s7, $0xb8;
	[tilespmem:$0x18400] =	vst v63  }
0xb8: {  	_ = 	snop  }
0xb9: {  	[tilespmem:s21], [sflag:$0x1] =	stream.indirect.gather [hbm4b:s6+s7], $0x30, s19, s7, $0xb8;
	[tilespmem:$0x18400] =	vst v63  }
0xba: {  	_ =	swait.ge [sflag:s4], $0x1800  }
0xbb: {  	[sflag:s4] =	ssyncset.done $0x0  }
0xbc: {  	[sflag:s4] =	ssyncadd.s32 $0xFFFFE800  }
0xbd: {  	_ =	swait.ge [sflag:s4], $0x1800  }
0xbe: {  	[sflag:s4] =	ssyncset.done $0x0  }
0xbf: {  	[sflag:s4] =	ssyncadd.s32 $0xFFFFE800  }
0xc0: {  	_ =	swait.ge [sflag:s4], $0x1800  }
0xc1: {  	[sflag:s4] =	ssyncset.done $0x0  }
0xc2: {  	[sflag:s4] =	ssyncadd.s32 $0xFFFFE800  }
0xc3: {  	_ =	swait.ge [sflag:s4], $0x1800  }
0xc4: {  	[sflag:s4] =	ssyncset.done $0x0  }
0xc5: {  	[sflag:s4] =	ssyncadd.s32 $0xFFFFE800  }
0xc6: {  	_ =	swait.ge [sflag:s4], $0x1800  }
0xc7: {  	[sflag:s4] =	ssyncset.done $0x0  }
0xc8: {  	[sflag:s4] =	ssyncadd.s32 $0xFFFFE800  }
0xc9: {  	_ =	swait.ge [sflag:s4], $0x1800  }
0xca: {  	[sflag:s4] =	ssyncset.done $0x0  }
0xcb: {  	[sflag:s4] =	ssyncadd.s32 $0xFFFFE800  }
0xcc: {  	_ =	swait.ge [sflag:s4], $0x1800  }
0xcd: {  	[sflag:s4] =	ssyncset.done $0x0  }
0xce: {  	[sflag:s4] =	ssyncadd.s32 $0xFFFFE800  }
0xcf: {  	_ =	swait.ge [sflag:s4], $0x1800  }
0xd0: {  	[sflag:s4] =	ssyncset.done $0x0  }
0xd1: {  	s0 =	rddreg [dreg:$0x4];
	[sflag:s4] =	ssyncadd.s32 $0xFFFFE800  }
0xd2: {  	[tilespmem:s2], [sflag:$0x3] =	stream.linear.gather [hbm4b:s0+s2], $0x400, $0x38;
	[tilespmem:$0x18400] =	vst v63  }
0xd3: {  	_ =	swait.ge [sflag:s8], $0x400  }
0xd4: {  	[sflag:s8] =	ssyncset.done $0x0  }
0xd5: {  	[sflag:s8] =	ssyncadd.s32 $0xFFFFFC00  }
0xd6: {  	[tilespmem:s22], [sflag:$0x1] =	stream.indirect.gather [hbm4b:s6+s7], $0x30, s2, s7, $0xb8;
	[tilespmem:$0x18400] =	vst v63  }
0xd7: {  	_ = 	snop  }
0xd8: {  	[tilespmem:s24], [sflag:$0x1] =	stream.indirect.gather [hbm4b:s6+s7], $0x30, s7, s7, $0xb8;
	[tilespmem:$0x18400] =	vst v63  }
0xd9: {  	_ = 	snop  }
0xda: {  	[tilespmem:s25], [sflag:$0x1] =	stream.indirect.gather [hbm4b:s6+s7], $0x30, s10, s7, $0xb8;
	[tilespmem:$0x18400] =	vst v63  }
0xdb: {  	_ = 	snop  }
0xdc: {  	[tilespmem:s26], [sflag:$0x1] =	stream.indirect.gather [hbm4b:s6+s7], $0x30, s12, s7, $0xb8;
	[tilespmem:$0x18400] =	vst v63  }
0xdd: {  	_ = 	snop  }
0xde: {  	[tilespmem:s28], [sflag:$0x1] =	stream.indirect.gather [hbm4b:s6+s7], $0x30, s14, s7, $0xb8;
	[tilespmem:$0x18400] =	vst v63  }
0xdf: {  	_ = 	snop  }
0xe0: {  	[tilespmem:s29], [sflag:$0x1] =	stream.indirect.gather [hbm4b:s6+s7], $0x30, s16, s7, $0xb8;
	[tilespmem:$0x18400] =	vst v63  }
0xe1: {  	_ = 	snop  }
0xe2: {  	[tilespmem:s30], [sflag:$0x1] =	stream.indirect.gather [hbm4b:s6+s7], $0x30, s18, s7, $0xb8;
	[tilespmem:$0x18400] =	vst v63  }
0xe3: {  	_ = 	snop  }
0xe4: {  	[tilespmem:s31], [sflag:$0x1] =	stream.indirect.gather [hbm4b:s6+s7], $0x30, s19, s7, $0xb8;
	[tilespmem:$0x18400] =	vst v63  }
0xe5: {  	_ = 	snop  }
0xe6: {  	[hbm4b:s23+s2] =	stream.linear.scatter [tilespmem:s3], [sflag:$0x2], $0xC000, $0x38;
	[tilespmem:$0x18400] =	vst v63  }
0xe7: {  	_ =	swait.ge [sflag:s5], $0xC000  }
0xe8: {  	[sflag:s5] =	ssyncset.done $0x0  }
0xe9: {  	[sflag:s5] =	ssyncadd.s32 $0xFFFF4000  }
0xea: {  	_ =	swait.ge [sflag:s4], $0x1800  }
0xeb: {  	[sflag:s4] =	ssyncset.done $0x0  }
0xec: {  	[sflag:s4] =	ssyncadd.s32 $0xFFFFE800  }
0xed: {  	_ =	swait.ge [sflag:s4], $0x1800  }
0xee: {  	[sflag:s4] =	ssyncset.done $0x0  }
0xef: {  	[sflag:s4] =	ssyncadd.s32 $0xFFFFE800  }
0xf0: {  	_ =	swait.ge [sflag:s4], $0x1800  }
0xf1: {  	[sflag:s4] =	ssyncset.done $0x0  }
0xf2: {  	[sflag:s4] =	ssyncadd.s32 $0xFFFFE800  }
0xf3: {  	_ =	swait.ge [sflag:s4], $0x1800  }
0xf4: {  	[sflag:s4] =	ssyncset.done $0x0  }
0xf5: {  	[sflag:s4] =	ssyncadd.s32 $0xFFFFE800  }
0xf6: {  	_ =	swait.ge [sflag:s4], $0x1800  }
0xf7: {  	[sflag:s4] =	ssyncset.done $0x0  }
0xf8: {  	[sflag:s4] =	ssyncadd.s32 $0xFFFFE800  }
0xf9: {  	_ =	swait.ge [sflag:s4], $0x1800  }
0xfa: {  	[sflag:s4] =	ssyncset.done $0x0  }
0xfb: {  	[sflag:s4] =	ssyncadd.s32 $0xFFFFE800  }
0xfc: {  	_ =	swait.ge [sflag:s4], $0x1800  }
0xfd: {  	[sflag:s4] =	ssyncset.done $0x0  }
0xfe: {  	[sflag:s4] =	ssyncadd.s32 $0xFFFFE800  }
0xff: {  	_ =	swait.ge [sflag:s4], $0x1800  }
0x100: {  	[sflag:s4] =	ssyncset.done $0x0  }
0x101: {  	s0 =	rddreg [dreg:$0x5];
	[sflag:s4] =	ssyncadd.s32 $0xFFFFE800  }
0x102: {  	[tilespmem:s2], [sflag:$0x3] =	stream.linear.gather [hbm4b:s0+s2], $0x400, $0x38;
	[tilespmem:$0x18400] =	vst v63  }
0x103: {  	_ =	swait.ge [sflag:s8], $0x400  }
0x104: {  	[sflag:s8] =	ssyncset.done $0x0  }
0x105: {  	[sflag:s8] =	ssyncadd.s32 $0xFFFFFC00  }
0x106: {  	[tilespmem:s3], [sflag:$0x1] =	stream.indirect.gather [hbm4b:s6+s7], $0x30, s2, s7, $0xb8;
	[tilespmem:$0x18400] =	vst v63  }
0x107: {  	_ = 	snop  }
0x108: {  	[tilespmem:s9], [sflag:$0x1] =	stream.indirect.gather [hbm4b:s6+s7], $0x30, s7, s7, $0xb8;
	[tilespmem:$0x18400] =	vst v63  }
0x109: {  	_ = 	snop  }
0x10a: {  	[tilespmem:s11], [sflag:$0x1] =	stream.indirect.gather [hbm4b:s6+s7], $0x30, s10, s7, $0xb8;
	[tilespmem:$0x18400] =	vst v63  }
0x10b: {  	_ = 	snop  }
0x10c: {  	[tilespmem:s13], [sflag:$0x1] =	stream.indirect.gather [hbm4b:s6+s7], $0x30, s12, s7, $0xb8;
	[tilespmem:$0x18400] =	vst v63  }
0x10d: {  	_ = 	snop  }
0x10e: {  	[tilespmem:s15], [sflag:$0x1] =	stream.indirect.gather [hbm4b:s6+s7], $0x30, s14, s7, $0xb8;
	[tilespmem:$0x18400] =	vst v63  }
0x10f: {  	_ = 	snop  }
0x110: {  	[tilespmem:s17], [sflag:$0x1] =	stream.indirect.gather [hbm4b:s6+s7], $0x30, s16, s7, $0xb8;
	[tilespmem:$0x18400] =	vst v63  }
0x111: {  	_ = 	snop  }
0x112: {  	[tilespmem:s20], [sflag:$0x1] =	stream.indirect.gather [hbm4b:s6+s7], $0x30, s18, s7, $0xb8;
	[tilespmem:$0x18400] =	vst v63  }
0x113: {  	_ = 	snop  }
0x114: {  	[tilespmem:s21], [sflag:$0x1] =	stream.indirect.gather [hbm4b:s6+s7], $0x30, s19, s7, $0xb8;
	[tilespmem:$0x18400] =	vst v63  }
0x115: {  	s0 =	rddreg [dreg:$0x6]  }
0x116: {  	[hbm4b:s0+s2] =	stream.linear.scatter [tilespmem:s22], [sflag:$0x2], $0xC000, $0x38;
	[tilespmem:$0x18400] =	vst v63  }
0x117: {  	_ =	swait.ge [sflag:s5], $0xC000  }
0x118: {  	[sflag:s5] =	ssyncset.done $0x0  }
0x119: {  	[sflag:s5] =	ssyncadd.s32 $0xFFFF4000  }
0x11a: {  	_ =	swait.ge [sflag:s4], $0x1800  }
0x11b: {  	[sflag:s4] =	ssyncset.done $0x0  }
0x11c: {  	[sflag:s4] =	ssyncadd.s32 $0xFFFFE800  }
0x11d: {  	_ =	swait.ge [sflag:s4], $0x1800  }
0x11e: {  	[sflag:s4] =	ssyncset.done $0x0  }
0x11f: {  	[sflag:s4] =	ssyncadd.s32 $0xFFFFE800  }
0x120: {  	_ =	swait.ge [sflag:s4], $0x1800  }
0x121: {  	[sflag:s4] =	ssyncset.done $0x0  }
0x122: {  	[sflag:s4] =	ssyncadd.s32 $0xFFFFE800  }
0x123: {  	_ =	swait.ge [sflag:s4], $0x1800  }
0x124: {  	[sflag:s4] =	ssyncset.done $0x0  }
0x125: {  	[sflag:s4] =	ssyncadd.s32 $0xFFFFE800  }
0x126: {  	_ =	swait.ge [sflag:s4], $0x1800  }
0x127: {  	[sflag:s4] =	ssyncset.done $0x0  }
0x128: {  	[sflag:s4] =	ssyncadd.s32 $0xFFFFE800  }
0x129: {  	_ =	swait.ge [sflag:s4], $0x1800  }
0x12a: {  	[sflag:s4] =	ssyncset.done $0x0  }
0x12b: {  	[sflag:s4] =	ssyncadd.s32 $0xFFFFE800  }
0x12c: {  	_ =	swait.ge [sflag:s4], $0x1800  }
0x12d: {  	[sflag:s4] =	ssyncset.done $0x0  }
0x12e: {  	[sflag:s4] =	ssyncadd.s32 $0xFFFFE800  }
0x12f: {  	p1 =	sne.s32 s1, $0x1;
	_ =	swait.ge [sflag:s4], $0x1800  }
.Ltmp2:
0x130: {  	[sflag:s4] =	ssyncset.done $0x0;
	(pc) =	sbr.rel @p1 .LBB2_2-.Ltmp2, $4  }
0x131: {  	s0 =	rddreg [dreg:$0x7];
	[sflag:s4] =	ssyncadd.s32 $0xFFFFE800  }
0x132: {  	[hbm4b:s0+s2] =	stream.linear.scatter [tilespmem:s3], [sflag:$0x2], $0xC000, $0x38;
	[tilespmem:$0x18400] =	vst v63  }
0x133: {  	_ =	swait.ge [sflag:s5], $0xC000  }
0x134: {  	s1 =	sadd.s32 $0xFFFFFFFF, s1;
	s0 =	rddreg [dreg:$0x3];
	[sflag:s5] =	ssyncset.done $0x0  }
.LBB2_3:
0x135: {  	[sflag:s5] =	ssyncadd.s32 @p0 $0xFFFF4000  }
0x136: {  	[tilespmem:s2], [sflag:$0x3] =	stream.linear.gather [hbm4b:s0+s2], $0x400, $0x38;
	[tilespmem:$0x18400] =	vst v63  }
0x137: {  	_ =	swait.ge [sflag:s8], $0x400  }
0x138: {  	[sflag:s8] =	ssyncset.done $0x0  }
0x139: {  	[sflag:s8] =	ssyncadd.s32 $0xFFFFFC00  }
0x13a: {  	[tilespmem:s3], [sflag:$0x1] =	stream.indirect.gather [hbm4b:s6+s7], $0x30, s2, s7, $0xb8;
	[tilespmem:$0x18400] =	vst v63  }
0x13b: {  	_ = 	snop  }
0x13c: {  	[tilespmem:s9], [sflag:$0x1] =	stream.indirect.gather [hbm4b:s6+s7], $0x30, s7, s7, $0xb8;
	[tilespmem:$0x18400] =	vst v63  }
0x13d: {  	_ = 	snop  }
0x13e: {  	[tilespmem:s11], [sflag:$0x1] =	stream.indirect.gather [hbm4b:s6+s7], $0x30, s10, s7, $0xb8;
	[tilespmem:$0x18400] =	vst v63  }
0x13f: {  	_ = 	snop  }
0x140: {  	[tilespmem:s13], [sflag:$0x1] =	stream.indirect.gather [hbm4b:s6+s7], $0x30, s12, s7, $0xb8;
	[tilespmem:$0x18400] =	vst v63  }
0x141: {  	_ = 	snop  }
0x142: {  	[tilespmem:s15], [sflag:$0x1] =	stream.indirect.gather [hbm4b:s6+s7], $0x30, s14, s7, $0xb8;
	[tilespmem:$0x18400] =	vst v63  }
0x143: {  	_ = 	snop  }
0x144: {  	[tilespmem:s17], [sflag:$0x1] =	stream.indirect.gather [hbm4b:s6+s7], $0x30, s16, s7, $0xb8;
	[tilespmem:$0x18400] =	vst v63  }
0x145: {  	_ = 	snop  }
0x146: {  	[tilespmem:s20], [sflag:$0x1] =	stream.indirect.gather [hbm4b:s6+s7], $0x30, s18, s7, $0xb8;
	[tilespmem:$0x18400] =	vst v63  }
0x147: {  	_ = 	snop  }
0x148: {  	[tilespmem:s21], [sflag:$0x1] =	stream.indirect.gather [hbm4b:s6+s7], $0x30, s19, s7, $0xb8;
	[tilespmem:$0x18400] =	vst v63  }
0x149: {  	_ =	swait.ge [sflag:s4], $0x1800  }
0x14a: {  	[sflag:s4] =	ssyncset.done $0x0  }
0x14b: {  	[sflag:s4] =	ssyncadd.s32 $0xFFFFE800  }
0x14c: {  	_ =	swait.ge [sflag:s4], $0x1800  }
0x14d: {  	[sflag:s4] =	ssyncset.done $0x0  }
0x14e: {  	[sflag:s4] =	ssyncadd.s32 $0xFFFFE800  }
0x14f: {  	_ =	swait.ge [sflag:s4], $0x1800  }
0x150: {  	[sflag:s4] =	ssyncset.done $0x0  }
0x151: {  	[sflag:s4] =	ssyncadd.s32 $0xFFFFE800  }
0x152: {  	_ =	swait.ge [sflag:s4], $0x1800  }
0x153: {  	[sflag:s4] =	ssyncset.done $0x0  }
0x154: {  	[sflag:s4] =	ssyncadd.s32 $0xFFFFE800  }
0x155: {  	_ =	swait.ge [sflag:s4], $0x1800  }
0x156: {  	[sflag:s4] =	ssyncset.done $0x0  }
0x157: {  	[sflag:s4] =	ssyncadd.s32 $0xFFFFE800  }
0x158: {  	_ =	swait.ge [sflag:s4], $0x1800  }
0x159: {  	[sflag:s4] =	ssyncset.done $0x0  }
0x15a: {  	[sflag:s4] =	ssyncadd.s32 $0xFFFFE800  }
0x15b: {  	_ =	swait.ge [sflag:s4], $0x1800  }
0x15c: {  	[sflag:s4] =	ssyncset.done $0x0  }
0x15d: {  	[sflag:s4] =	ssyncadd.s32 $0xFFFFE800  }
0x15e: {  	_ =	swait.ge [sflag:s4], $0x1800  }
0x15f: {  	[sflag:s4] =	ssyncset.done $0x0  }
0x160: {  	s1 =	rddreg [dreg:$0x4];
	[sflag:s4] =	ssyncadd.s32 $0xFFFFE800  }
0x161: {  	[tilespmem:s2], [sflag:$0x3] =	stream.linear.gather [hbm4b:s1+s2], $0x400, $0x38;
	[tilespmem:$0x18400] =	vst v63  }
0x162: {  	_ =	swait.ge [sflag:s8], $0x400  }
0x163: {  	[sflag:s8] =	ssyncset.done $0x0  }
0x164: {  	[sflag:s8] =	ssyncadd.s32 $0xFFFFFC00  }
0x165: {  	[tilespmem:s22], [sflag:$0x1] =	stream.indirect.gather [hbm4b:s6+s7], $0x30, s2, s7, $0xb8;
	[tilespmem:$0x18400] =	vst v63  }
0x166: {  	_ = 	snop  }
0x167: {  	[tilespmem:s24], [sflag:$0x1] =	stream.indirect.gather [hbm4b:s6+s7], $0x30, s7, s7, $0xb8;
	[tilespmem:$0x18400] =	vst v63  }
0x168: {  	_ = 	snop  }
0x169: {  	[tilespmem:s25], [sflag:$0x1] =	stream.indirect.gather [hbm4b:s6+s7], $0x30, s10, s7, $0xb8;
	[tilespmem:$0x18400] =	vst v63  }
0x16a: {  	_ = 	snop  }
0x16b: {  	[tilespmem:s26], [sflag:$0x1] =	stream.indirect.gather [hbm4b:s6+s7], $0x30, s12, s7, $0xb8;
	[tilespmem:$0x18400] =	vst v63  }
0x16c: {  	_ = 	snop  }
0x16d: {  	[tilespmem:s28], [sflag:$0x1] =	stream.indirect.gather [hbm4b:s6+s7], $0x30, s14, s7, $0xb8;
	[tilespmem:$0x18400] =	vst v63  }
0x16e: {  	_ = 	snop  }
0x16f: {  	[tilespmem:s29], [sflag:$0x1] =	stream.indirect.gather [hbm4b:s6+s7], $0x30, s16, s7, $0xb8;
	[tilespmem:$0x18400] =	vst v63  }
0x170: {  	_ = 	snop  }
0x171: {  	[tilespmem:s30], [sflag:$0x1] =	stream.indirect.gather [hbm4b:s6+s7], $0x30, s18, s7, $0xb8;
	[tilespmem:$0x18400] =	vst v63  }
0x172: {  	_ = 	snop  }
0x173: {  	[tilespmem:s31], [sflag:$0x1] =	stream.indirect.gather [hbm4b:s6+s7], $0x30, s19, s7, $0xb8;
	[tilespmem:$0x18400] =	vst v63  }
0x174: {  	_ = 	snop  }
0x175: {  	[hbm4b:s23+s2] =	stream.linear.scatter [tilespmem:s3], [sflag:$0x2], $0xC000, $0x38;
	[tilespmem:$0x18400] =	vst v63  }
0x176: {  	_ =	swait.ge [sflag:s5], $0xC000  }
0x177: {  	[sflag:s5] =	ssyncset.done $0x0  }
0x178: {  	[sflag:s5] =	ssyncadd.s32 $0xFFFF4000  }
0x179: {  	_ =	swait.ge [sflag:s4], $0x1800  }
0x17a: {  	[sflag:s4] =	ssyncset.done $0x0  }
0x17b: {  	[sflag:s4] =	ssyncadd.s32 $0xFFFFE800  }
0x17c: {  	_ =	swait.ge [sflag:s4], $0x1800  }
0x17d: {  	[sflag:s4] =	ssyncset.done $0x0  }
0x17e: {  	[sflag:s4] =	ssyncadd.s32 $0xFFFFE800  }
0x17f: {  	_ =	swait.ge [sflag:s4], $0x1800  }
0x180: {  	[sflag:s4] =	ssyncset.done $0x0  }
0x181: {  	[sflag:s4] =	ssyncadd.s32 $0xFFFFE800  }
0x182: {  	_ =	swait.ge [sflag:s4], $0x1800  }
0x183: {  	[sflag:s4] =	ssyncset.done $0x0  }
0x184: {  	[sflag:s4] =	ssyncadd.s32 $0xFFFFE800  }
0x185: {  	_ =	swait.ge [sflag:s4], $0x1800  }
0x186: {  	[sflag:s4] =	ssyncset.done $0x0  }
0x187: {  	[sflag:s4] =	ssyncadd.s32 $0xFFFFE800  }
0x188: {  	_ =	swait.ge [sflag:s4], $0x1800  }
0x189: {  	[sflag:s4] =	ssyncset.done $0x0  }
0x18a: {  	[sflag:s4] =	ssyncadd.s32 $0xFFFFE800  }
0x18b: {  	_ =	swait.ge [sflag:s4], $0x1800  }
0x18c: {  	[sflag:s4] =	ssyncset.done $0x0  }
0x18d: {  	[sflag:s4] =	ssyncadd.s32 $0xFFFFE800  }
0x18e: {  	_ =	swait.ge [sflag:s4], $0x1800  }
0x18f: {  	[sflag:s4] =	ssyncset.done $0x0  }
0x190: {  	s28 =	rddreg [dreg:$0x5];
	[sflag:s4] =	ssyncadd.s32 $0xFFFFE800  }
0x191: {  	[tilespmem:s2], [sflag:$0x3] =	stream.linear.gather [hbm4b:s28+s2], $0x400, $0x38;
	[tilespmem:$0x18400] =	vst v63  }
0x192: {  	_ =	swait.ge [sflag:s8], $0x400  }
0x193: {  	[sflag:s8] =	ssyncset.done $0x0  }
0x194: {  	[sflag:s8] =	ssyncadd.s32 $0xFFFFFC00  }
0x195: {  	[tilespmem:s3], [sflag:$0x1] =	stream.indirect.gather [hbm4b:s6+s7], $0x30, s2, s7, $0xb8;
	[tilespmem:$0x18400] =	vst v63  }
0x196: {  	_ = 	snop  }
0x197: {  	[tilespmem:s9], [sflag:$0x1] =	stream.indirect.gather [hbm4b:s6+s7], $0x30, s7, s7, $0xb8;
	[tilespmem:$0x18400] =	vst v63  }
0x198: {  	_ = 	snop  }
0x199: {  	[tilespmem:s11], [sflag:$0x1] =	stream.indirect.gather [hbm4b:s6+s7], $0x30, s10, s7, $0xb8;
	[tilespmem:$0x18400] =	vst v63  }
0x19a: {  	_ = 	snop  }
0x19b: {  	[tilespmem:s13], [sflag:$0x1] =	stream.indirect.gather [hbm4b:s6+s7], $0x30, s12, s7, $0xb8;
	[tilespmem:$0x18400] =	vst v63  }
0x19c: {  	_ = 	snop  }
0x19d: {  	[tilespmem:s15], [sflag:$0x1] =	stream.indirect.gather [hbm4b:s6+s7], $0x30, s14, s7, $0xb8;
	[tilespmem:$0x18400] =	vst v63  }
0x19e: {  	_ = 	snop  }
0x19f: {  	[tilespmem:s17], [sflag:$0x1] =	stream.indirect.gather [hbm4b:s6+s7], $0x30, s16, s7, $0xb8;
	[tilespmem:$0x18400] =	vst v63  }
0x1a0: {  	_ = 	snop  }
0x1a1: {  	[tilespmem:s20], [sflag:$0x1] =	stream.indirect.gather [hbm4b:s6+s7], $0x30, s18, s7, $0xb8;
	[tilespmem:$0x18400] =	vst v63  }
0x1a2: {  	_ = 	snop  }
0x1a3: {  	[tilespmem:s21], [sflag:$0x1] =	stream.indirect.gather [hbm4b:s6+s7], $0x30, s19, s7, $0xb8;
	[tilespmem:$0x18400] =	vst v63  }
0x1a4: {  	s29 =	rddreg [dreg:$0x6]  }
0x1a5: {  	[hbm4b:s29+s2] =	stream.linear.scatter [tilespmem:s22], [sflag:$0x2], $0xC000, $0x38;
	[tilespmem:$0x18400] =	vst v63  }
0x1a6: {  	_ =	swait.ge [sflag:s5], $0xC000  }
0x1a7: {  	[sflag:s5] =	ssyncset.done $0x0  }
0x1a8: {  	[sflag:s5] =	ssyncadd.s32 $0xFFFF4000  }
0x1a9: {  	_ =	swait.ge [sflag:s4], $0x1800  }
0x1aa: {  	[sflag:s4] =	ssyncset.done $0x0  }
0x1ab: {  	[sflag:s4] =	ssyncadd.s32 $0xFFFFE800  }
0x1ac: {  	_ =	swait.ge [sflag:s4], $0x1800  }
0x1ad: {  	[sflag:s4] =	ssyncset.done $0x0  }
0x1ae: {  	[sflag:s4] =	ssyncadd.s32 $0xFFFFE800  }
0x1af: {  	_ =	swait.ge [sflag:s4], $0x1800  }
0x1b0: {  	[sflag:s4] =	ssyncset.done $0x0  }
0x1b1: {  	[sflag:s4] =	ssyncadd.s32 $0xFFFFE800  }
0x1b2: {  	_ =	swait.ge [sflag:s4], $0x1800  }
0x1b3: {  	[sflag:s4] =	ssyncset.done $0x0  }
0x1b4: {  	[sflag:s4] =	ssyncadd.s32 $0xFFFFE800  }
0x1b5: {  	_ =	swait.ge [sflag:s4], $0x1800  }
0x1b6: {  	[sflag:s4] =	ssyncset.done $0x0  }
0x1b7: {  	[sflag:s4] =	ssyncadd.s32 $0xFFFFE800  }
0x1b8: {  	_ =	swait.ge [sflag:s4], $0x1800  }
0x1b9: {  	[sflag:s4] =	ssyncset.done $0x0  }
0x1ba: {  	[sflag:s4] =	ssyncadd.s32 $0xFFFFE800  }
0x1bb: {  	_ =	swait.ge [sflag:s4], $0x1800  }
0x1bc: {  	[sflag:s4] =	ssyncset.done $0x0  }
0x1bd: {  	[sflag:s4] =	ssyncadd.s32 $0xFFFFE800  }
0x1be: {  	_ =	swait.ge [sflag:s4], $0x1800  }
0x1bf: {  	[sflag:s4] =	ssyncset.done $0x0  }
0x1c0: {  	s30 =	rddreg [dreg:$0x7];
	[sflag:s4] =	ssyncadd.s32 $0xFFFFE800  }
0x1c1: {  	[hbm4b:s30+s2] =	stream.linear.scatter [tilespmem:s3], [sflag:$0x2], $0xC000, $0x38;
	[tilespmem:$0x18400] =	vst v63  }
0x1c2: {  	_ =	swait.ge [sflag:s5], $0xC000  }
0x1c3: {  	[sflag:s5] =	ssyncset.done $0x0  }
0x1c4: {  	[sflag:s5] =	ssyncadd.s32 $0xFFFF4000  }
0x1c5: {  	_ =	sfence.sel $0x180000  }
0x1c6: {  	[bflag:$0x0] =	sbarrier.arrive $0xFFFF  }
0x1c7: {  	_ =	strace $0x90000047  }
0x1c8: {  	s31 =	stileid.u32;
	[bflag:$0x2] =	sbarrier.arrive $0xFFFF  }
0x1c9: {  	p0 =	sne.s32 s31, $0x0;
	s0 =	rddreg [dreg:$0x2]  }
0x1ca: {  	s0 =	sadd.s32 @!p0 $0x100000, s0  }
0x1cb: {  	[sflag:s0] =	ssyncadd.tile.s32 @!p0 $0x1;
	_ =	shalt  }
.Lfunc_end2:
_tile_overlayer_lowered:
.L_overlay_start_2:
0x1cc: {  	(tag) =	ssettag $0x2  }
0x1cd: {  	s0 =	rddreg [dreg:$0x0];
	s2 =	stileid.u32  }
0x1ce: {  	s1 =	rddreg [dreg:$0x1];
	p0 =	sne.s32 s2, $0x0  }
0x1cf: {  	s3 =	rddreg [dreg:$0x2];
	[bflag:$0x3] =	sbarrier.arrive $0xFFFF;
	s2 =	simm.s32 @!p0 $0x1C03  }
0x1d0: {  	[timem:s3], [sflag:s2] =	dma.local @!p0 [hbm:s0], s1  }
0x1d1: {  	s0 =	simm.s32 @!p0 $0x3  }
0x1d2: {  	_ =	swait.ge @!p0 [sflag:s0], s1  }
0x1d3: {  	s1 =	ssub.s32 @!p0 $0x0, s1;
	[sflag:s0] =	ssyncset.done @!p0 $0x0  }
0x1d4: {  	[sflag:s0] =	ssyncadd.s32 @!p0 s1  }
0x1d5: {  	[bflag:$0x3] =	sbarrier.arrive $0xFFFF  }
0x1d6: {  	_ =	shalt  }

// kernel: kernel.9.cloned.1.call-start
scs
__scs_entry_jumppad:
0x0: {  	(pc) =	sbr.rel $0x88, $3  }
0x1: {  	(tag) =	ssettag $0x0;
	lr =	simm.s32 $0x1  }
0x2: {  	[smem:$0x3F89] =	sst lr;
	_ =	strace $0xD0000000  }
0x3: {  	_ = 	snop  }
0x4: {  	_ = 	snop  }
0x5: {  	_ = 	snop  }
0x6: {  	_ = 	snop  }
0x7: {  	_ = 	snop  }
__scs_overlays_trampoline_lowered:
0x8: {  	[smem:$0x3F98] =	sst s0  }
0x9: {  	[smem:$0x3F99] =	sst s1  }
0xa: {  	[smem:$0x3F9A] =	sst s2  }
0xb: {  	[smem:$0x3F9B] =	sst s3  }
0xc: {  	[smem:$0x3F9C] =	sst s4  }
0xd: {  	[smem:$0x3F9D] =	sst s5  }
0xe: {  	[smem:$0x3F9E] =	sst s6  }
0xf: {  	[smem:$0x3F9F] =	sst s7  }
0x10: {  	[smem:$0x3FA0] =	sst s8  }
0x11: {  	[smem:$0x3FA1] =	sst s9;
	s0 =	simm.s32 @!p0 $0x0  }
0x12: {  	s1 =	sld [smem:$0x3F87];
	s0 =	simm.s32 @p0 $0x1  }
0x13: {  	[smem:$0x3FA2] =	sst s0;
	s0 =	simm.s32 @!p1 $0x0  }
0x14: {  	s2 =	sld [smem:$0x3F86];
	s0 =	simm.s32 @p1 $0x1  }
0x15: {  	[smem:$0x3FA3] =	sst s0;
	s0 =	simm.s32 @!p2 $0x0  }
0x16: {  	s3 =	sld [smem:$0x3FDB];
	s0 =	simm.s32 @p2 $0x1  }
0x17: {  	s4 =	simm.s32 $0x1BF5;
	[smem:$0x3FA5] =	sst s0  }
0x18: {  	s0 =	sld [smem:$0x3F88];
	_ =	swait.ge [sflag:s4], $0x0  }
0x19: {  	s7 =	sld [smem:$0x3F89]  }
0x1a: {  	s8 =	sadd.s32 $0xFFFFE003, lr  }
0x1b: {  	s9 =	sadd.s32 $0xFFFFFEF7, lr;
	s5 =	simm.s32 $0xFFFFFFFF;
	p2 =	slt.u32 s8, $0xFFFFF086  }
0x1c: {  	p1 =	slt.u32 s9, $0xF7A;
	s5 =	simm.s32 @!p2 $0x0  }
0x1d: {  	s5 =	simm.s32 @p1 $0x1;
	p0 =	seq.s32 s7, s2  }
0x1e: {  	s7 =	smul.u32 @!p0 $0xF7A, s2;
	p2 =	seq.s32 @!p0 s5, $0x0  }
0x1f: {  	s9 =	smul.u32 $0xF7A, s1;
	s8 =	simm.s32 @!p0 $0x1BF5;
	p2 =	por !p2, p0  }
0x20: {  	[sflag:s8] =	ssyncset.s32 @!p0 $0xFFFFF086;
	s6 =	sadd.s32 @!p0 s3, s7;
	s7 =	simm.s32 @!p0 $0x108  }
0x21: {  	s3 =	sadd.s32 s3, s9;
	s6 =	sadd.s32 @!p0 $0x88, s6;
	s7 =	simm.s32 @p2 $0x1082  }
0x22: {  	[simem:s7], [sflag:s8] =	dma.local @!p0 [hbm:s6], $0xF7A  }
0x23: {  	s9 =	sor.u32 $0xD0000000, s2;
	s6 =	simm.s32 $0x108;
	_ =	swait.ge @!p0 [sflag:s8], $0x0  }
0x24: {  	s3 =	sadd.s32 $0x88, s3;
	s6 =	simm.s32 @!p1 $0x1082;
	[sflag:s4] =	ssyncset.s32 $0xFFFFF086  }
0x25: {  	[simem:s6], [sflag:s4] =	dma.local [hbm:s3], $0xF7A  }
0x26: {  	[smem:$0x3F89] =	sst s1;
	(tag) =	ssettag s2;
	_ =	strace s9  }
0x27: {  	s1 =	sld [smem:$0x3F99]  }
0x28: {  	s2 =	sld [smem:$0x3F9A]  }
0x29: {  	s4 =	sld [smem:$0x3F9C]  }
0x2a: {  	p0 =	seq.s32 s5, $0x0;
	s5 =	sld [smem:$0x3F9D]  }
0x2b: {  	s6 =	sld [smem:$0x3F9E]  }
0x2c: {  	s7 =	sld [smem:$0x3F9F]  }
0x2d: {  	s3 =	simm.s32 $0x108;
	s8 =	sld [smem:$0x3FA0]  }
0x2e: {  	s3 =	simm.s32 @!p0 $0x1082;
	s9 =	sld [smem:$0x3FA1]  }
0x2f: {  	lr =	sadd.s32 s0, s3;
	s0 =	sld [smem:$0x3F98]  }
0x30: {  	s3 =	sld [smem:$0x3F9B]  }
0x31: {  	[smem:$0x3FA4] =	sst s10  }
0x32: {  	s10 =	sld [smem:$0x3FA2];
	_ =	sdelay $0x3  }
0x33: {  	p0 =	seq.s32 s10, $0x1;
	s10 =	sld [smem:$0x3FA4];
	_ =	sdelay $0x3  }
0x34: {  	[smem:$0x3FA4] =	sst s10  }
0x35: {  	s10 =	sld [smem:$0x3FA3];
	_ =	sdelay $0x3  }
0x36: {  	p1 =	seq.s32 s10, $0x1;
	s10 =	sld [smem:$0x3FA4];
	_ =	sdelay $0x3  }
0x37: {  	[smem:$0x3FA4] =	sst s10  }
0x38: {  	s10 =	sld [smem:$0x3FA5]  }
0x39: {  	_ = 	snop;
	(pc) =	sbr.ind lr, $3  }
0x3a: {  	_ = 	snop  }
0x3b: {  	_ = 	snop  }
0x3c: {  	p2 =	seq.s32 s10, $0x1;
	s10 =	sld [smem:$0x3FA4]  }
0x3d: {  	_ =	shalt  }
0x3e: {  	_ =	shalt  }
0x3f: {  	_ =	shalt  }
0x40: {  	_ =	shalt  }
0x41: {  	_ =	shalt  }
0x42: {  	_ =	shalt  }
0x43: {  	_ =	shalt  }
0x44: {  	_ =	shalt  }
0x45: {  	_ =	shalt  }
0x46: {  	_ =	shalt  }
0x47: {  	_ =	shalt  }
0x48: {  	_ =	shalt  }
0x49: {  	_ =	shalt  }
0x4a: {  	_ =	shalt  }
0x4b: {  	_ =	shalt  }
0x4c: {  	_ =	shalt  }
0x4d: {  	_ =	shalt  }
0x4e: {  	_ =	shalt  }
0x4f: {  	_ =	shalt  }
0x50: {  	_ =	shalt  }
0x51: {  	_ =	shalt  }
0x52: {  	_ =	shalt  }
0x53: {  	_ =	shalt  }
0x54: {  	_ =	shalt  }
0x55: {  	_ =	shalt  }
0x56: {  	_ =	shalt  }
0x57: {  	_ =	shalt  }
0x58: {  	_ =	shalt  }
0x59: {  	_ =	shalt  }
0x5a: {  	_ =	shalt  }
0x5b: {  	_ =	shalt  }
0x5c: {  	_ =	shalt  }
0x5d: {  	_ =	shalt  }
0x5e: {  	_ =	shalt  }
0x5f: {  	_ =	shalt  }
0x60: {  	_ =	shalt  }
0x61: {  	_ =	shalt  }
0x62: {  	_ =	shalt  }
0x63: {  	_ =	shalt  }
0x64: {  	_ =	shalt  }
0x65: {  	_ =	shalt  }
0x66: {  	_ =	shalt  }
0x67: {  	_ =	shalt  }
0x68: {  	_ =	shalt  }
0x69: {  	_ =	shalt  }
0x6a: {  	_ =	shalt  }
0x6b: {  	_ =	shalt  }
0x6c: {  	_ =	shalt  }
0x6d: {  	_ =	shalt  }
0x6e: {  	_ =	shalt  }
0x6f: {  	_ =	shalt  }
0x70: {  	_ =	shalt  }
0x71: {  	_ =	shalt  }
0x72: {  	_ =	shalt  }
0x73: {  	_ =	shalt  }
0x74: {  	_ =	shalt  }
0x75: {  	_ =	shalt  }
0x76: {  	_ =	shalt  }
0x77: {  	_ =	shalt  }
0x78: {  	_ =	shalt  }
0x79: {  	_ =	shalt  }
0x7a: {  	_ =	shalt  }
0x7b: {  	_ =	shalt  }
0x7c: {  	_ =	shalt  }
0x7d: {  	_ =	shalt  }
0x7e: {  	_ =	shalt  }
0x7f: {  	_ =	shalt  }
0x80: {  	_ =	shalt  }
0x81: {  	_ =	shalt  }
0x82: {  	_ =	shalt  }
0x83: {  	_ =	shalt  }
0x84: {  	_ =	shalt  }
0x85: {  	_ =	shalt  }
0x86: {  	_ =	shalt  }
0x87: {  	_ =	shalt  }
.Lfunc_end0:
.L_simem_size_0:
called_computation.3_lowered:
.L_overlay_start_0:
0x88: {  	s2 =	sld [smem:$0x3FD9]  }
0x89: {  	s3 =	sld [smem:$0x3FFE];
	_ =	sdelay $0x1  }
0x8a: {  	s1 =	srdreg.scid  }
0x8b: {  	s0 =	sand.u32 $0x1, s1  }
0x8c: {  	s14 =	sshll.u32 s0, $0xA;
	s2 =	sadd.s32 s3, s2  }
0x8d: {  	s2 =	sadd.s32 s2, s14  }
0x8e: {  	[smem:$0x3FB0] =	sst s2  }
0x8f: {  	_ = 	snop  }
0x90: {  	s2 =	sld [smem:$0x3FD0];
	_ =	sdelay $0x2  }
0x91: {  	s15 =	simm.s32 $0xA;
	s4 =	simm.s32 $0x10  }
0x92: {  	[smem:s4], [sflag:s15] =	dma.local [hbm:s2], $0x1  }
0x93: {  	_ =	swait.eq [sflag:s15], $0x1  }
0x94: {  	s16 =	sld [smem:$0x11];
	[sflag:s15] =	ssyncset.done $0x0  }
0x95: {  	s17 =	sld [smem:$0x12];
	[sflag:s15] =	ssyncadd.s32 $0xFFFFFFFF  }
0x96: {  	s18 =	sld [smem:$0x13];
	(tm) =	ssettm $0x1  }
0x97: {  	s5 =	sld [smem:$0x3FFB];
	_ =	sdelay $0x3  }
0x98: {  	_ =	strace s5  }
0x99: {  	s5 =	sld [smem:$0x3FFC];
	_ =	sdelay $0x3  }
0x9a: {  	_ =	strace s5  }
0x9b: {  	s5 =	sld [smem:$0x3FFD];
	_ =	sdelay $0x3  }
0x9c: {  	_ =	strace s5  }
0x9d: {  	_ =	strace $0x8FFFFFFF  }
0x9e: {  	s19 =	sld [smem:$0x3FDB];
	_ =	sdelay $0x1  }
0x9f: {  	s6 =	simm.s32 $_scs_section_size  }
0xa0: {  	s7 =	simm.s32 $_size__tile_overlayer_lowered;
	s8 =	simm.s32 $_tile_overlayer_lowered  }
0xa1: {  	s22 =	simm.s32 $0x1BFF;
	s21 =	sshll.u32 s8, $0x1;
	s5 =	sadd.s32 s6, s19  }
0xa2: {  	s9 =	simm.s32 $0x0;
	s20 =	sshll.u32 s7, $0x1;
	s7 =	sadd.s32 s21, s5  }
0xa3: {  	[timem:s9], [sflag:s22] =	dma.local [hbm:s7], s20  }
0xa4: {  	_ =	swait.ge [sflag:s22], s20  }
0xa5: {  	s6 =	ssub.s32 $0x0, s20;
	[sflag:s22] =	ssyncset.done $0x0  }
0xa6: {  	[sflag:s22] =	ssyncadd.s32 s6;
	_ =	sdelay $0x1  }
0xa7: {  	s23 =	simm.s32 $0x1B8B  }
0xa8: {  	_ =	swait.ge [sflag:s23], $0x1  }
0xa9: {  	[sflag:s23] =	ssyncset.done $0x0  }
0xaa: {  	s25 =	simm.s32 $0x1B8E;
	s24 =	sld [smem:$0x3FFE];
	[sflag:s23] =	ssyncadd.s32 $0xFFFFFFFF  }
0xab: {  	s26 =	simm.s32 $execute0_lowered;
	[smem:$0x3FD2] =	sst s25  }
0xac: {  	s7 =	sshll.u32 s26, $0x1;
	_ =	strace $0x80000049;
	[dreg:$0x1] =	wrdreg $0xFFFFFFFF  }
0xad: {  	s28 =	simm.s32 $_size_execute0_lowered;
	s5 =	sadd.s32 s5, s7;
	[dreg:$0x0] =	wrdreg $0x0  }
0xae: {  	s7 =	sshll.u32 s28, $0x1;
	[dreg:$0x2] =	wrdreg s5  }
0xaf: {  	[dreg:$0x3] =	wrdreg s7  }
0xb0: {  	[dreg:$0x4] =	wrdreg $0xC0  }
0xb1: {  	_ =	task [dreg:s9], $0x5FFFF  }
0xb2: {  	[dreg:$0x1] =	wrdreg $0xFFFFFFFF  }
0xb3: {  	[dreg:$0x0] =	wrdreg $0x60  }
0xb4: {  	[dreg:$0x2] =	wrdreg s24  }
0xb5: {  	[dreg:$0x3] =	wrdreg s18  }
0xb6: {  	[dreg:$0x4] =	wrdreg s16  }
0xb7: {  	[dreg:$0x5] =	wrdreg s17  }
0xb8: {  	[dreg:$0x6] =	wrdreg $0x9  }
0xb9: {  	_ =	task.clear_ibuf [dreg:s9], $0x7FFFF;
	_ =	strace $0x90000049  }
0xba: {  	s29 =	simm.s32 $0x9;
	_ =	strace $0x8000004B  }
0xbb: {  	_ =	swait.ge [sflag:s29], $0x1  }
0xbc: {  	[sflag:s29] =	ssyncadd.s32 $0xFFFFFFFF  }
0xbd: {  	_ =	strace $0x9000004B  }
0xbe: {  	_ =	sfence  }
0xbf: {  	s30 =	sld [smem:$0x0];
	_ =	sdelay $0x2  }
0xc0: {  	s31 =	sshll.u32 s1, $0xD;
	s1 =	sshrl.u32 s1, $0x2  }
0xc1: {  	s3 =	sand.u32 $0x4000, s31;
	s1 =	sadd.s32 s1, s30  }
0xc2: {  	s0 =	sor.u32 s3, s0;
	s1 =	sshll.u32 s1, $0x11  }
0xc3: {  	s0 =	sor.u32 s1, s0  }
0xc4: {  	s0 =	sadd.s32 $0x8F2B, s0  }
0xc5: {  	[sflag:s0] =	ssyncadd.remote.s32 $0x1  }
0xc6: {  	_ =	sfence.sel $0xFFFF  }
0xc7: {  	[dreg:$0x0] =	wrdreg $0xFFFFFFFF;
	(pc) =	sbr.abs _section_cstart, $3  }
0xc8: {  	[dreg:$0x1] =	wrdreg $0xFFFFFFFF  }
0xc9: {  	_ =	task.clear_ibuf [dreg:s9], $0x2FFFF;
	_ =	strace $0x9FFFFFFF  }
0xca: {  	(tm) =	ssettm $0x7FFFFFFF  }
0xcb: {  	_ =	shalt  }
tec
execute0_lowered:
.L_overlay_start_1:
0x0: {  	(tag) =	ssettag $0x1  }
0x1: {  	s7 =	rddreg [dreg:$0x0]  }
0x2: {  	s0 =	srdreg.scid;
	s3 =	rddreg [dreg:$0x2]  }
0x3: {  	s5 =	stileid.u32;
	s4 =	simm.s32 $0x1;
	s9 =	rddreg [dreg:$0x3]  }
0x4: {  	s20 =	simm.s32 $0x3;
	s18 =	simm.s32 $0x800;
	s19 =	simm.s32 $0xC00  }
0x5: {  	s29 =	simm.s32 $0xC800;
	s30 =	simm.s32 $0x10800;
	s17 =	simm.s32 $0x11000  }
0x6: {  	s31 =	simm.s32 $0x2;
	s0 =	sand.u32 $0x1, s0;
	s1 =	sshll.u32 s5, $0x1  }
0x7: {  	s2 =	sor.u32 s0, s1;
	p1 =	seq.s32 s0, $0x1;
	s1 =	rddreg [dreg:$0x1]  }
0x8: {  	s10 =	smul.u32 $0x180, s0;
	s12 =	ssub.s32 $0x2, s0;
	p0 =	seq.s32 s2, $0x0  }
0x9: {  	s0 =	smul.u32 $0x18, s0;
	s21 =	sshrl.u32 s12, $0x1;
	p0 =	por !p0, !p1  }
0xa: {  	s2 =	sshll.u32 s2, $0x1;
	s16 =	ssub.s32 s12, s21;
	p0 =	por !p0, !p0  }
0xb: {  	s26 =	sadd.s32 s9, s2;
	s21 =	simm.s32 $0x400;
	s4 =	simm.s32 @!p0 $0x0  }
0xc: {  	s2 =	simm.s32 $0x0;
	s28 =	smax.u32 s16, $0x1;
	s6 =	ssub.s32 s5, s4  }
0xd: {  	s16 =	simm.s32 $0x8800;
	s4 =	simm.s32 $0x0;
	s8 =	smul.u32 $0x300, s6  }
0xe: {  	s5 =	sadd.s32 $0xB600, s7;
	[smem:$0x7FF] =	sst s4;
	s11 =	smul.u32 $0x30, s6  }
0xf: {  	s7 =	sadd.s32 $0x3E600, s7;
	_ =	strace $0x8000004A;
	[dreg:$0x8] =	wrdreg s26  }
0x10: {  	[dreg:$0xa] =	wrdreg s28;
	s6 =	sadd.s32 s10, s8;
	s0 =	sadd.s32 s0, s11  }
0x11: {  	s8 =	simm.s32 $0x1;
	s10 =	sshll.u32 s6, $0x4;
	s22 =	sshll.u32 s0, $0x8  }
0x12: {  	s11 =	sadd.s32 $0x2E88, s0;
	s12 =	sor.u32 $0x8, s6;
	s13 =	sadd.s32 $0x202E80, s0  }
0x13: {  	s14 =	sor.u32 $0x10, s6;
	s15 =	sadd.s32 $0x2002E90, s0;
	s10 =	sand.u32 $0x1FFFF800, s10  }
0x14: {  	s24 =	sadd.s32 $0x300000, s22;
	s23 =	sadd.s32 s5, s10;
	s10 =	sadd.s32 s1, s10  }
0x15: {  	s0 =	sadd.s32 $0x40, s26;
	[dreg:$0x6] =	wrdreg s10;
	s10 =	sand.u32 $0x1FFFF800, s24  }
0x16: {  	s26 =	simm.s32 $0x15000;
	[dreg:$0x9] =	wrdreg s0;
	s10 =	sadd.s32 s7, s10  }
0x17: {  	s22 =	simm.s32 $0x80;
	[dreg:$0x5] =	wrdreg s23;
	s25 =	sadd.s32 $0x1000, s10  }
0x18: {  	s10 =	simm.s32 $0x780;
	[dreg:$0x7] =	wrdreg s25;
	s25 =	simm.s32 $0xF80  }
.LBB2_1:
0x19: {  	[dreg:$0xb] =	wrdreg s2  }
0x1a: {  	s0 =	rddreg [dreg:$0x5]  }
0x1b: {  	[tilespmem:s4], [sflag:$0x3] =	stream.linear.gather [hbm4b:s0+s4], $0x400, $0x38;
	[tilespmem:$0x19020] =	vst v63  }
0x1c: {  	_ =	swait.ge [sflag:s20], $0x400  }
0x1d: {  	[sflag:s20] =	ssyncset.done $0x0  }
0x1e: {  	s23 =	rddreg [dreg:$0x6];
	[sflag:s20] =	ssyncadd.s32 $0xFFFFFC00  }
0x1f: {  	[tilespmem:s21], [sflag:$0x3] =	stream.linear.gather [hbm4b:s23+s4], $0x400, $0x38;
	[tilespmem:$0x19020] =	vst v63  }
0x20: {  	_ =	swait.ge [sflag:s20], $0x400  }
0x21: {  	[sflag:s20] =	ssyncset.done $0x0  }
0x22: {  	s24 =	simm.s32 $0x1000;
	[sflag:s20] =	ssyncadd.s32 $0xFFFFFC00  }
0x23: {  	[tilespmem:s24], [sflag:$0x1] =	stream.indirect.gather [hbm4b:s3+s22], $0x10, s4, s22, $0xb8;
	[tilespmem:$0x19020] =	vst v63  }
0x24: {  	s28 =	simm.s32 $0x5000  }
0x25: {  	[tilespmem:s28], [sflag:$0x1] =	stream.indirect.gather [hbm4b:s3+s22], $0x10, s21, s22, $0xb8;
	[tilespmem:$0x19020] =	vst v63  }
0x26: {  	s2 =	simm.s32 $0x1800  }
0x27: {  	[tilespmem:s2], [sflag:$0x1] =	stream.indirect.gather [hbm4b:s3+s22], $0x10, s22, s22, $0xb8;
	[tilespmem:$0x19020] =	vst v63  }
0x28: {  	s9 =	simm.s32 $0x480;
	s23 =	simm.s32 $0x5800  }
0x29: {  	[tilespmem:s23], [sflag:$0x1] =	stream.indirect.gather [hbm4b:s3+s22], $0x10, s9, s22, $0xb8;
	[tilespmem:$0x19020] =	vst v63  }
0x2a: {  	s24 =	simm.s32 $0x100;
	s28 =	simm.s32 $0x2000  }
0x2b: {  	[tilespmem:s28], [sflag:$0x1] =	stream.indirect.gather [hbm4b:s3+s22], $0x10, s24, s22, $0xb8;
	[tilespmem:$0x19020] =	vst v63  }
0x2c: {  	s9 =	simm.s32 $0x500;
	s23 =	simm.s32 $0x6000  }
0x2d: {  	[tilespmem:s23], [sflag:$0x1] =	stream.indirect.gather [hbm4b:s3+s22], $0x10, s9, s22, $0xb8;
	[tilespmem:$0x19020] =	vst v63  }
0x2e: {  	s24 =	simm.s32 $0x180;
	s28 =	simm.s32 $0x2800  }
0x2f: {  	[tilespmem:s28], [sflag:$0x1] =	stream.indirect.gather [hbm4b:s3+s22], $0x10, s24, s22, $0xb8;
	[tilespmem:$0x19020] =	vst v63  }
0x30: {  	s9 =	simm.s32 $0x580;
	s23 =	simm.s32 $0x6800  }
0x31: {  	[tilespmem:s23], [sflag:$0x1] =	stream.indirect.gather [hbm4b:s3+s22], $0x10, s9, s22, $0xb8;
	[tilespmem:$0x19020] =	vst v63  }
0x32: {  	s24 =	simm.s32 $0x200;
	s28 =	simm.s32 $0x3000  }
0x33: {  	[tilespmem:s28], [sflag:$0x1] =	stream.indirect.gather [hbm4b:s3+s22], $0x10, s24, s22, $0xb8;
	[tilespmem:$0x19020] =	vst v63  }
0x34: {  	s9 =	simm.s32 $0x600;
	s23 =	simm.s32 $0x7000  }
0x35: {  	[tilespmem:s23], [sflag:$0x1] =	stream.indirect.gather [hbm4b:s3+s22], $0x10, s9, s22, $0xb8;
	[tilespmem:$0x19020] =	vst v63  }
0x36: {  	s24 =	simm.s32 $0x280;
	s28 =	simm.s32 $0x3800  }
0x37: {  	[tilespmem:s28], [sflag:$0x1] =	stream.indirect.gather [hbm4b:s3+s22], $0x10, s24, s22, $0xb8;
	[tilespmem:$0x19020] =	vst v63  }
0x38: {  	s9 =	simm.s32 $0x680;
	s23 =	simm.s32 $0x7800  }
0x39: {  	[tilespmem:s23], [sflag:$0x1] =	stream.indirect.gather [hbm4b:s3+s22], $0x10, s9, s22, $0xb8;
	[tilespmem:$0x19020] =	vst v63  }
0x3a: {  	s24 =	simm.s32 $0x300;
	s28 =	simm.s32 $0x4000  }
0x3b: {  	[tilespmem:s28], [sflag:$0x1] =	stream.indirect.gather [hbm4b:s3+s22], $0x10, s24, s22, $0xb8;
	[tilespmem:$0x19020] =	vst v63  }
0x3c: {  	s9 =	simm.s32 $0x700;
	s23 =	simm.s32 $0x8000  }
0x3d: {  	[tilespmem:s23], [sflag:$0x1] =	stream.indirect.gather [hbm4b:s3+s22], $0x10, s9, s22, $0xb8;
	[tilespmem:$0x19020] =	vst v63  }
0x3e: {  	s24 =	simm.s32 $0x380;
	s28 =	simm.s32 $0x4800  }
0x3f: {  	[tilespmem:s28], [sflag:$0x1] =	stream.indirect.gather [hbm4b:s3+s22], $0x10, s24, s22, $0xb8;
	[tilespmem:$0x19020] =	vst v63  }
0x40: {  	v1 =	vimm.f32 $0.0e+00;
	s2 =	simm.s32 $0x0  }
0x41: {  	v2 =	vimm.f32 $0.0e+00;
	v3 =	vimm.f32 $0.0e+00;
	v4 =	vimm.f32 $0.0e+00;
	[tilespmem:s16], [sflag:$0x1] =	stream.indirect.gather [hbm4b:s3+s22], $0x10, s10, s22, $0xb8;
	[tilespmem:$0x19020] =	vst v63  }
.LBB2_2:
0x42: {  	_ =	swait.ge [sflag:s8], $0x800  }
0x43: {  	[sflag:s8] =	ssyncset.done $0x0  }
0x44: {  	[sflag:s8] =	ssyncadd.s32 $0xFFFFF800  }
0x45: {  	_ =	swait.ge [sflag:s8], $0x800  }
0x46: {  	[sflag:s8] =	ssyncset.done $0x0  }
0x47: {  	[sflag:s8] =	ssyncadd.s32 $0xFFFFF800  }
0x48: {  	_ =	swait.ge [sflag:s8], $0x800  }
0x49: {  	[sflag:s8] =	ssyncset.done $0x0  }
0x4a: {  	[sflag:s8] =	ssyncadd.s32 $0xFFFFF800  }
0x4b: {  	_ =	swait.ge [sflag:s8], $0x800  }
0x4c: {  	[sflag:s8] =	ssyncset.done $0x0  }
0x4d: {  	[sflag:s8] =	ssyncadd.s32 $0xFFFFF800  }
0x4e: {  	_ =	swait.ge [sflag:s8], $0x800  }
0x4f: {  	[sflag:s8] =	ssyncset.done $0x0  }
0x50: {  	[sflag:s8] =	ssyncadd.s32 $0xFFFFF800  }
0x51: {  	_ =	swait.ge [sflag:s8], $0x800  }
0x52: {  	[sflag:s8] =	ssyncset.done $0x0  }
0x53: {  	[sflag:s8] =	ssyncadd.s32 $0xFFFFF800  }
0x54: {  	_ =	swait.ge [sflag:s8], $0x800  }
0x55: {  	[sflag:s8] =	ssyncset.done $0x0  }
0x56: {  	[sflag:s8] =	ssyncadd.s32 $0xFFFFF800  }
0x57: {  	_ =	swait.ge [sflag:s8], $0x800  }
0x58: {  	[sflag:s8] =	ssyncset.done $0x0  }
0x59: {  	[sflag:s8] =	ssyncadd.s32 $0xFFFFF800  }
0x5a: {  	_ =	swait.ge [sflag:s8], $0x800  }
0x5b: {  	[sflag:s8] =	ssyncset.done $0x0  }
0x5c: {  	[sflag:s8] =	ssyncadd.s32 $0xFFFFF800  }
0x5d: {  	_ =	swait.ge [sflag:s8], $0x800  }
0x5e: {  	[sflag:s8] =	ssyncset.done $0x0  }
0x5f: {  	[sflag:s8] =	ssyncadd.s32 $0xFFFFF800  }
0x60: {  	_ =	swait.ge [sflag:s8], $0x800  }
0x61: {  	[sflag:s8] =	ssyncset.done $0x0  }
0x62: {  	[sflag:s8] =	ssyncadd.s32 $0xFFFFF800  }
0x63: {  	_ =	swait.ge [sflag:s8], $0x800  }
0x64: {  	[sflag:s8] =	ssyncset.done $0x0  }
0x65: {  	[sflag:s8] =	ssyncadd.s32 $0xFFFFF800  }
0x66: {  	_ =	swait.ge [sflag:s8], $0x800  }
0x67: {  	[sflag:s8] =	ssyncset.done $0x0  }
0x68: {  	[sflag:s8] =	ssyncadd.s32 $0xFFFFF800  }
0x69: {  	_ =	swait.ge [sflag:s8], $0x800  }
0x6a: {  	[sflag:s8] =	ssyncset.done $0x0  }
0x6b: {  	[sflag:s8] =	ssyncadd.s32 $0xFFFFF800  }
0x6c: {  	p0 =	seq.s32 s2, $0x18;
	s9 =	smov.u32 s12;
	_ =	swait.ge [sflag:s8], $0x800  }
0x6d: {  	s0 =	sshll.u32 s2, $0x4;
	s9 =	smov.u32 @p0 s11;
	[sflag:s8] =	ssyncset.done $0x0  }
0x6e: {  	s24 =	sadd.s32 s0, s9;
	[sflag:s8] =	ssyncadd.s32 $0xFFFFF800  }
0x6f: {  	s9 =	sshll.u32 s24, $0x4;
	_ =	swait.ge [sflag:s8], $0x800  }
0x70: {  	s9 =	sand.u32 $0x1FFFFFF0, s9;
	[sflag:s8] =	ssyncset.done $0x0  }
0x71: {  	s28 =	simm.s32 $0x0;
	s23 =	sadd.s32 s5, s9;
	[sflag:s8] =	ssyncadd.s32 $0xFFFFF800  }
0x72: {  	[tilespmem:s18], [sflag:$0x3] =	stream.linear.gather [hbm4b:s23+s28], $0x400, $0x38;
	[tilespmem:$0x19020] =	vst v63  }
0x73: {  	_ =	swait.ge [sflag:s20], $0x400  }
0x74: {  	[sflag:s20] =	ssyncset.done $0x0  }
0x75: {  	s9 =	sadd.s32 s1, s9;
	[sflag:s20] =	ssyncadd.s32 $0xFFFFFC00  }
0x76: {  	[tilespmem:s19], [sflag:$0x3] =	stream.linear.gather [hbm4b:s9+s28], $0x400, $0x38;
	[tilespmem:$0x19020] =	vst v63  }
0x77: {  	_ =	swait.ge [sflag:s20], $0x400  }
0x78: {  	[sflag:s20] =	ssyncset.done $0x0  }
0x79: {  	s23 =	simm.s32 $0x9000;
	[sflag:s20] =	ssyncadd.s32 $0xFFFFFC00  }
0x7a: {  	[tilespmem:s23], [sflag:$0x1] =	stream.indirect.gather [hbm4b:s3+s22], $0x10, s18, s22, $0xb8;
	[tilespmem:$0x19020] =	vst v63  }
0x7b: {  	s23 =	simm.s32 $0xD000  }
0x7c: {  	[tilespmem:s23], [sflag:$0x1] =	stream.indirect.gather [hbm4b:s3+s22], $0x10, s19, s22, $0xb8;
	[tilespmem:$0x19020] =	vst v63  }
0x7d: {  	s9 =	simm.s32 $0x880;
	s23 =	simm.s32 $0x9800  }
0x7e: {  	[tilespmem:s23], [sflag:$0x1] =	stream.indirect.gather [hbm4b:s3+s22], $0x10, s9, s22, $0xb8;
	[tilespmem:$0x19020] =	vst v63  }
0x7f: {  	s9 =	simm.s32 $0xC80;
	s23 =	simm.s32 $0xD800  }
0x80: {  	[tilespmem:s23], [sflag:$0x1] =	stream.indirect.gather [hbm4b:s3+s22], $0x10, s9, s22, $0xb8;
	[tilespmem:$0x19020] =	vst v63  }
0x81: {  	s9 =	simm.s32 $0x900;
	s23 =	simm.s32 $0xA000  }
0x82: {  	[tilespmem:s23], [sflag:$0x1] =	stream.indirect.gather [hbm4b:s3+s22], $0x10, s9, s22, $0xb8;
	[tilespmem:$0x19020] =	vst v63  }
0x83: {  	s9 =	simm.s32 $0xD00;
	s23 =	simm.s32 $0xE000  }
0x84: {  	[tilespmem:s23], [sflag:$0x1] =	stream.indirect.gather [hbm4b:s3+s22], $0x10, s9, s22, $0xb8;
	[tilespmem:$0x19020] =	vst v63  }
0x85: {  	s9 =	simm.s32 $0x980;
	s23 =	simm.s32 $0xA800  }
0x86: {  	[tilespmem:s23], [sflag:$0x1] =	stream.indirect.gather [hbm4b:s3+s22], $0x10, s9, s22, $0xb8;
	[tilespmem:$0x19020] =	vst v63  }
0x87: {  	s9 =	simm.s32 $0xD80;
	s23 =	simm.s32 $0xE800  }
0x88: {  	[tilespmem:s23], [sflag:$0x1] =	stream.indirect.gather [hbm4b:s3+s22], $0x10, s9, s22, $0xb8;
	[tilespmem:$0x19020] =	vst v63  }
0x89: {  	s9 =	simm.s32 $0xA00;
	s23 =	simm.s32 $0xB000  }
0x8a: {  	[tilespmem:s23], [sflag:$0x1] =	stream.indirect.gather [hbm4b:s3+s22], $0x10, s9, s22, $0xb8;
	[tilespmem:$0x19020] =	vst v63  }
0x8b: {  	s9 =	simm.s32 $0xE00;
	s23 =	simm.s32 $0xF000  }
0x8c: {  	[tilespmem:s23], [sflag:$0x1] =	stream.indirect.gather [hbm4b:s3+s22], $0x10, s9, s22, $0xb8;
	[tilespmem:$0x19020] =	vst v63  }
0x8d: {  	s9 =	simm.s32 $0xA80;
	s23 =	simm.s32 $0xB800  }
0x8e: {  	[tilespmem:s23], [sflag:$0x1] =	stream.indirect.gather [hbm4b:s3+s22], $0x10, s9, s22, $0xb8;
	[tilespmem:$0x19020] =	vst v63  }
0x8f: {  	s9 =	simm.s32 $0xE80;
	s23 =	simm.s32 $0xF800  }
0x90: {  	[tilespmem:s23], [sflag:$0x1] =	stream.indirect.gather [hbm4b:s3+s22], $0x10, s9, s22, $0xb8;
	[tilespmem:$0x19020] =	vst v63  }
0x91: {  	s9 =	simm.s32 $0xB00;
	s23 =	simm.s32 $0xC000  }
0x92: {  	[tilespmem:s23], [sflag:$0x1] =	stream.indirect.gather [hbm4b:s3+s22], $0x10, s9, s22, $0xb8;
	[tilespmem:$0x19020] =	vst v63  }
0x93: {  	s9 =	simm.s32 $0xF00;
	s23 =	simm.s32 $0x10000  }
0x94: {  	[tilespmem:s23], [sflag:$0x1] =	stream.indirect.gather [hbm4b:s3+s22], $0x10, s9, s22, $0xb8;
	[tilespmem:$0x19020] =	vst v63  }
0x95: {  	s23 =	simm.s32 $0xB80  }
0x96: {  	[tilespmem:s29], [sflag:$0x1] =	stream.indirect.gather [hbm4b:s3+s22], $0x10, s23, s22, $0xb8;
	[tilespmem:$0x19020] =	vst v63  }
0x97: {  	s23 =	simm.s32 $0x0  }
0x98: {  	[tilespmem:s30], [sflag:$0x1] =	stream.indirect.gather [hbm4b:s3+s22], $0x10, s25, s22, $0xb8;
	[tilespmem:$0x19020] =	vst v63  }
0x99: {  	v0 =	vld [tilespmem:s23+$0x1060]  }
0x9a: {  	v5 =	vld [tilespmem:s23+$0x5060]  }
0x9b: {  	v7 =	vld [tilespmem:s23+$0x1070]  }
0x9c: {  	v8 =	vld [tilespmem:s23+$0x5070]  }
0x9d: {  	v9 =	vld [tilespmem:s23+$0x1040]  }
0x9e: {  	v10 =	vld [tilespmem:s23+$0x5040]  }
0x9f: {  	v15 =	vld [tilespmem:s23+$0x1020]  }
0xa0: {  	v16 =	vld [tilespmem:s23+$0x5020]  }
0xa1: {  	v11 =	vld [tilespmem:s23+$0x1000]  }
0xa2: {  	v14 =	vld [tilespmem:s23+$0x5000]  }
0xa3: {  	v17 =	vld [tilespmem:s23+$0x1010]  }
0xa4: {  	v18 =	vld [tilespmem:s23+$0x5010]  }
0xa5: {  	v19 =	vld [tilespmem:s23+$0x1030]  }
0xa6: {  	v20 =	vld [tilespmem:s23+$0x5030]  }
0xa7: {  	v21 =	vld [tilespmem:s23+$0x1050]  }
0xa8: {  	v22 =	vld [tilespmem:s23+$0x5050]  }
0xa9: {  	s28 =	simm.s32 $0x80;
	v0 =	vadd.f32 v5, v0;
	v5 =	vadd.f32 v14, v11  }
0xaa: {  	v12 =	vld [tilespmem:s28+$0x1060];
	v18 =	vadd.f32 v18, v17;
	v15 =	vadd.f32 v16, v15  }
0xab: {  	v13 =	vld [tilespmem:s28+$0x5060];
	v20 =	vadd.f32 v20, v19;
	v9 =	vadd.f32 v10, v9  }
0xac: {  	v6 =	vld [tilespmem:s28+$0x1070];
	v7 =	vadd.f32 v8, v7;
	v0 =	vmul.f32 $5.000000000e-01, v0;
	v5 =	vmul.f32 $5.000000000e-01, v5  }
0xad: {  	v11 =	vld [tilespmem:s28+$0x5070];
	v8 =	vadd.f32 v22, v21;
	v16 =	vmul.f32 $5.000000000e-01, v18;
	v23 =	vmul.f32 $5.000000000e-01, v15  }
0xae: {  	v14 =	vld [tilespmem:s28+$0x1040];
	v10 =	vmul.f32 $5.000000000e-01, v20;
	v9 =	vmul.f32 $5.000000000e-01, v9;
	[tilespmem:s23+$0x11060] =	vst v0  }
0xaf: {  	v8 =	vmul.f32 $5.000000000e-01, v8;
	v20 =	vmul.f32 v5, v5;
	v17 =	vld [tilespmem:s28+$0x5040];
	[tilespmem:s23+$0x11000] =	vst v5  }
0xb0: {  	v21 =	vmul.f32 v16, v16;
	v22 =	vmul.f32 v10, v10;
	v18 =	vld [tilespmem:s28+$0x1050];
	[tilespmem:s23+$0x11010] =	vst v16  }
0xb1: {  	v5 =	vadd.f32 v5, v4;
	v3 =	vadd.f32 v20, v3;
	v20 =	vmul.f32 v23, v23;
	v19 =	vld [tilespmem:s28+$0x5050];
	[tilespmem:s23+$0x11020] =	vst v23  }
0xb2: {  	v16 =	vadd.f32 v16, v2;
	v21 =	vadd.f32 v21, v1;
	v1 =	vmul.f32 $5.000000000e-01, v7;
	v15 =	vld [tilespmem:s28+$0x1020];
	[tilespmem:s23+$0x11030] =	vst v10  }
0xb3: {  	v5 =	vadd.f32 v23, v5;
	v7 =	vadd.f32 v20, v3;
	v20 =	vmul.f32 v9, v9;
	v4 =	vld [tilespmem:s28+$0x5020];
	[tilespmem:s23+$0x11040] =	vst v9  }
0xb4: {  	v10 =	vadd.f32 v10, v16;
	v21 =	vadd.f32 v22, v21;
	v22 =	vmul.f32 v8, v8;
	v2 =	vld [tilespmem:s28+$0x1000];
	[tilespmem:s23+$0x11050] =	vst v8  }
0xb5: {  	v3 =	vadd.f32 v9, v5;
	v5 =	vadd.f32 v20, v7;
	v7 =	vmul.f32 v0, v0;
	v16 =	vld [tilespmem:s28+$0x5000];
	[tilespmem:s23+$0x11070] =	vst v1  }
0xb6: {  	s9 =	simm.s32 $0x400;
	v8 =	vadd.f32 v8, v10;
	v9 =	vadd.f32 v22, v21;
	v10 =	vmul.f32 v1, v1;
	v20 =	vld [tilespmem:s28+$0x1010]  }
.LBB2_3:
0xb7: {  	p1 =	sne.s32 s9, $0xFE00;
	v21 =	vld [tilespmem:s28+$0x5010];
	v3 =	vadd.f32 v0, v3;
	v5 =	vadd.f32 v7, v5  }
0xb8: {  	v7 =	vld [tilespmem:s28+$0x1030];
	v8 =	vadd.f32 v1, v8;
	v9 =	vadd.f32 v10, v9  }
0xb9: {  	s23 =	sshra.s32 s9, $0x2;
	v0 =	vadd.f32 v13, v12;
	v10 =	vld [tilespmem:s28+$0x5030]  }
0xba: {  	v14 =	vadd.f32 v17, v14;
	v1 =	vadd.f32 v11, v6;
	v12 =	vld [tilespmem:s23+$0x1060]  }
0xbb: {  	v2 =	vadd.f32 v16, v2;
	v16 =	vadd.f32 v19, v18;
	v13 =	vld [tilespmem:s23+$0x5060]  }
0xbc: {  	v0 =	vmul.f32 $5.000000000e-01, v0;
	v1 =	vmul.f32 $5.000000000e-01, v1;
	v6 =	vld [tilespmem:s23+$0x1070];
	v17 =	vadd.f32 v21, v20  }
0xbd: {  	v4 =	vadd.f32 v4, v15;
	v2 =	vmul.f32 $5.000000000e-01, v2;
	v20 =	vmul.f32 $5.000000000e-01, v14;
	v11 =	vld [tilespmem:s23+$0x5070]  }
0xbe: {  	v14 =	vld [tilespmem:s23+$0x1040];
	v21 =	vmul.f32 $5.000000000e-01, v17;
	v7 =	vadd.f32 v10, v7;
	v10 =	vmul.f32 $5.000000000e-01, v16;
	[tilespmem:s28+$0x11060] =	vst v0  }
0xbf: {  	v15 =	vmul.f32 v2, v2;
	v16 =	vmul.f32 $5.000000000e-01, v4;
	v17 =	vld [tilespmem:s23+$0x5040];
	[tilespmem:s28+$0x11000] =	vst v2  }
0xc0: {  	v18 =	vld [tilespmem:s23+$0x1050];
	[tilespmem:s28+$0x11010] =	vst v21;
	v4 =	vmul.f32 v21, v21;
	v7 =	vmul.f32 $5.000000000e-01, v7  }
0xc1: {  	v2 =	vadd.f32 v2, v3;
	v3 =	vadd.f32 v15, v5;
	v5 =	vmul.f32 v16, v16;
	v19 =	vld [tilespmem:s23+$0x5050];
	[tilespmem:s28+$0x11020] =	vst v16  }
.Ltmp0:
0xc2: {  	v8 =	vadd.f32 v21, v8;
	v15 =	vld [tilespmem:s23+$0x1020];
	v9 =	vadd.f32 v4, v9;
	[tilespmem:s28+$0x11030] =	vst v7;
	v21 =	vmul.f32 v7, v7;
	(pc) =	sbr.rel @p1 .LBB2_3-.Ltmp0, $4  }
0xc3: {  	v23 =	vmul.f32 v20, v20;
	v22 =	vadd.f32 v16, v2;
	v5 =	vadd.f32 v5, v3;
	v4 =	vld [tilespmem:s23+$0x5020];
	[tilespmem:s28+$0x11040] =	vst v20  }
0xc4: {  	v8 =	vadd.f32 v7, v8;
	v2 =	vld [tilespmem:s23+$0x1000];
	v9 =	vadd.f32 v21, v9;
	[tilespmem:s28+$0x11050] =	vst v10;
	v21 =	vmul.f32 v10, v10  }
0xc5: {  	v7 =	vmul.f32 v0, v0;
	v3 =	vadd.f32 v20, v22;
	v5 =	vadd.f32 v23, v5;
	v16 =	vld [tilespmem:s23+$0x5000];
	[tilespmem:s28+$0x11070] =	vst v1;
	s28 =	smov.u32 s23  }
0xc6: {  	s9 =	sadd.s32 $0x200, s9;
	v8 =	vadd.f32 v10, v8;
	v10 =	vmul.f32 v1, v1;
	v20 =	vld [tilespmem:s28+$0x1010];
	v9 =	vadd.f32 v21, v9  }
0xc7: {  	v21 =	vld [tilespmem:s28+$0x5010]  }
0xc8: {  	v22 =	vld [tilespmem:s28+$0x1030];
	v12 =	vadd.f32 v13, v12  }
0xc9: {  	v23 =	vld [tilespmem:s28+$0x5030];
	v4 =	vadd.f32 v4, v15  }
0xca: {  	v13 =	vadd.f32 v16, v2;
	v2 =	vmul.f32 $5.000000000e-01, v12  }
0xcb: {  	v17 =	vadd.f32 v17, v14;
	v14 =	vmul.f32 $5.000000000e-01, v4;
	v4 =	vadd.f32 v19, v18  }
0xcc: {  	v6 =	vadd.f32 v11, v6;
	v16 =	vmul.f32 $5.000000000e-01, v13;
	[tilespmem:s28+$0x11060] =	vst v2  }
0xcd: {  	v20 =	vadd.f32 v21, v20;
	[tilespmem:s28+$0x11020] =	vst v14;
	v11 =	vmul.f32 $5.000000000e-01, v4  }
0xce: {  	s9 =	smov.u32 s6;
	v12 =	vadd.f32 v23, v22;
	v4 =	vmul.f32 $5.000000000e-01, v6;
	[tilespmem:s28+$0x11000] =	vst v16  }
0xcf: {  	s9 =	smov.u32 @p0 s13;
	v15 =	vmul.f32 $5.000000000e-01, v20;
	[tilespmem:s28+$0x11050] =	vst v11  }
0xd0: {  	s9 =	sadd.s32 s0, s9;
	v13 =	vmul.f32 $5.000000000e-01, v12;
	[tilespmem:s28+$0x11070] =	vst v4  }
0xd1: {  	s9 =	sshll.u32 s9, $0x8;
	v12 =	vmul.f32 $5.000000000e-01, v17;
	[tilespmem:s28+$0x11010] =	vst v15  }
0xd2: {  	s9 =	sand.u32 $0x1FFFFF00, s9;
	[tilespmem:s28+$0x11030] =	vst v13  }
0xd3: {  	s23 =	sadd.s32 s7, s9;
	s9 =	simm.s32 $0x0;
	[tilespmem:s28+$0x11040] =	vst v12  }
0xd4: {  	[hbm4b:s23+s9] =	stream.linear.scatter [tilespmem:s17], [sflag:$0x2], $0x4000, $0x38;
	[tilespmem:$0x19020] =	vst v63  }
0xd5: {  	_ =	swait.ge [sflag:s31], $0x4000  }
0xd6: {  	[sflag:s31] =	ssyncset.done $0x0  }
0xd7: {  	[sflag:s31] =	ssyncadd.s32 $0xFFFFC000  }
0xd8: {  	_ =	swait.ge [sflag:s8], $0x800  }
0xd9: {  	[sflag:s8] =	ssyncset.done $0x0  }
0xda: {  	[sflag:s8] =	ssyncadd.s32 $0xFFFFF800  }
0xdb: {  	_ =	swait.ge [sflag:s8], $0x800  }
0xdc: {  	[sflag:s8] =	ssyncset.done $0x0  }
0xdd: {  	[sflag:s8] =	ssyncadd.s32 $0xFFFFF800  }
0xde: {  	_ =	swait.ge [sflag:s8], $0x800  }
0xdf: {  	[sflag:s8] =	ssyncset.done $0x0  }
0xe0: {  	[sflag:s8] =	ssyncadd.s32 $0xFFFFF800  }
0xe1: {  	_ =	swait.ge [sflag:s8], $0x800  }
0xe2: {  	[sflag:s8] =	ssyncset.done $0x0  }
0xe3: {  	[sflag:s8] =	ssyncadd.s32 $0xFFFFF800  }
0xe4: {  	_ =	swait.ge [sflag:s8], $0x800  }
0xe5: {  	[sflag:s8] =	ssyncset.done $0x0  }
0xe6: {  	[sflag:s8] =	ssyncadd.s32 $0xFFFFF800  }
0xe7: {  	_ =	swait.ge [sflag:s8], $0x800  }
0xe8: {  	[sflag:s8] =	ssyncset.done $0x0  }
0xe9: {  	[sflag:s8] =	ssyncadd.s32 $0xFFFFF800  }
0xea: {  	_ =	swait.ge [sflag:s8], $0x800  }
0xeb: {  	[sflag:s8] =	ssyncset.done $0x0  }
0xec: {  	[sflag:s8] =	ssyncadd.s32 $0xFFFFF800  }
0xed: {  	_ =	swait.ge [sflag:s8], $0x800  }
0xee: {  	[sflag:s8] =	ssyncset.done $0x0  }
0xef: {  	[sflag:s8] =	ssyncadd.s32 $0xFFFFF800  }
0xf0: {  	_ =	swait.ge [sflag:s8], $0x800  }
0xf1: {  	[sflag:s8] =	ssyncset.done $0x0  }
0xf2: {  	[sflag:s8] =	ssyncadd.s32 $0xFFFFF800  }
0xf3: {  	_ =	swait.ge [sflag:s8], $0x800  }
0xf4: {  	[sflag:s8] =	ssyncset.done $0x0  }
0xf5: {  	[sflag:s8] =	ssyncadd.s32 $0xFFFFF800  }
0xf6: {  	_ =	swait.ge [sflag:s8], $0x800  }
0xf7: {  	[sflag:s8] =	ssyncset.done $0x0  }
0xf8: {  	[sflag:s8] =	ssyncadd.s32 $0xFFFFF800  }
0xf9: {  	_ =	swait.ge [sflag:s8], $0x800  }
0xfa: {  	[sflag:s8] =	ssyncset.done $0x0  }
0xfb: {  	[sflag:s8] =	ssyncadd.s32 $0xFFFFF800  }
0xfc: {  	_ =	swait.ge [sflag:s8], $0x800  }
0xfd: {  	[sflag:s8] =	ssyncset.done $0x0  }
0xfe: {  	[sflag:s8] =	ssyncadd.s32 $0xFFFFF800  }
0xff: {  	_ =	swait.ge [sflag:s8], $0x800  }
0x100: {  	[sflag:s8] =	ssyncset.done $0x0  }
0x101: {  	[sflag:s8] =	ssyncadd.s32 $0xFFFFF800  }
0x102: {  	p0 =	slt.u32 s2, $0x17;
	s23 =	smov.u32 s15;
	_ =	swait.ge [sflag:s8], $0x800  }
0x103: {  	s23 =	smov.u32 @p0 s14;
	[sflag:s8] =	ssyncset.done $0x0  }
0x104: {  	s23 =	sadd.s32 s0, s23;
	[sflag:s8] =	ssyncadd.s32 $0xFFFFF800  }
0x105: {  	s0 =	sshll.u32 s23, $0x4;
	_ =	swait.ge [sflag:s8], $0x800  }
0x106: {  	s0 =	sand.u32 $0x1FFFFFF0, s0;
	[sflag:s8] =	ssyncset.done $0x0  }
0x107: {  	s28 =	sadd.s32 s5, s0;
	[sflag:s8] =	ssyncadd.s32 $0xFFFFF800  }
0x108: {  	[tilespmem:s9], [sflag:$0x3] =	stream.linear.gather [hbm4b:s28+s9], $0x400, $0x38;
	[tilespmem:$0x19020] =	vst v63  }
0x109: {  	_ =	swait.ge [sflag:s20], $0x400  }
0x10a: {  	[sflag:s20] =	ssyncset.done $0x0  }
0x10b: {  	s0 =	sadd.s32 s1, s0;
	[sflag:s20] =	ssyncadd.s32 $0xFFFFFC00  }
0x10c: {  	[tilespmem:s21], [sflag:$0x3] =	stream.linear.gather [hbm4b:s0+s9], $0x400, $0x38;
	[tilespmem:$0x19020] =	vst v63  }
0x10d: {  	_ =	swait.ge [sflag:s20], $0x400  }
0x10e: {  	[sflag:s20] =	ssyncset.done $0x0  }
0x10f: {  	s23 =	simm.s32 $0x1000;
	[sflag:s20] =	ssyncadd.s32 $0xFFFFFC00  }
0x110: {  	[tilespmem:s23], [sflag:$0x1] =	stream.indirect.gather [hbm4b:s3+s22], $0x10, s9, s22, $0xb8;
	[tilespmem:$0x19020] =	vst v63  }
0x111: {  	s28 =	simm.s32 $0x5000  }
0x112: {  	[tilespmem:s28], [sflag:$0x1] =	stream.indirect.gather [hbm4b:s3+s22], $0x10, s21, s22, $0xb8;
	[tilespmem:$0x19020] =	vst v63  }
0x113: {  	s9 =	simm.s32 $0x1800  }
0x114: {  	[tilespmem:s9], [sflag:$0x1] =	stream.indirect.gather [hbm4b:s3+s22], $0x10, s22, s22, $0xb8;
	[tilespmem:$0x19020] =	vst v63  }
0x115: {  	s23 =	simm.s32 $0x480;
	s28 =	simm.s32 $0x5800  }
0x116: {  	[tilespmem:s28], [sflag:$0x1] =	stream.indirect.gather [hbm4b:s3+s22], $0x10, s23, s22, $0xb8;
	[tilespmem:$0x19020] =	vst v63  }
0x117: {  	s23 =	simm.s32 $0x100;
	s28 =	simm.s32 $0x2000  }
0x118: {  	[tilespmem:s28], [sflag:$0x1] =	stream.indirect.gather [hbm4b:s3+s22], $0x10, s23, s22, $0xb8;
	[tilespmem:$0x19020] =	vst v63  }
0x119: {  	s23 =	simm.s32 $0x500;
	s28 =	simm.s32 $0x6000  }
0x11a: {  	[tilespmem:s28], [sflag:$0x1] =	stream.indirect.gather [hbm4b:s3+s22], $0x10, s23, s22, $0xb8;
	[tilespmem:$0x19020] =	vst v63  }
0x11b: {  	s23 =	simm.s32 $0x180;
	s28 =	simm.s32 $0x2800  }
0x11c: {  	[tilespmem:s28], [sflag:$0x1] =	stream.indirect.gather [hbm4b:s3+s22], $0x10, s23, s22, $0xb8;
	[tilespmem:$0x19020] =	vst v63  }
0x11d: {  	s23 =	simm.s32 $0x580;
	s28 =	simm.s32 $0x6800  }
0x11e: {  	[tilespmem:s28], [sflag:$0x1] =	stream.indirect.gather [hbm4b:s3+s22], $0x10, s23, s22, $0xb8;
	[tilespmem:$0x19020] =	vst v63  }
0x11f: {  	s23 =	simm.s32 $0x200;
	s28 =	simm.s32 $0x3000  }
0x120: {  	[tilespmem:s28], [sflag:$0x1] =	stream.indirect.gather [hbm4b:s3+s22], $0x10, s23, s22, $0xb8;
	[tilespmem:$0x19020] =	vst v63  }
0x121: {  	s23 =	simm.s32 $0x600;
	s28 =	simm.s32 $0x7000  }
0x122: {  	[tilespmem:s28], [sflag:$0x1] =	stream.indirect.gather [hbm4b:s3+s22], $0x10, s23, s22, $0xb8;
	[tilespmem:$0x19020] =	vst v63  }
0x123: {  	s23 =	simm.s32 $0x280;
	s28 =	simm.s32 $0x3800  }
0x124: {  	[tilespmem:s28], [sflag:$0x1] =	stream.indirect.gather [hbm4b:s3+s22], $0x10, s23, s22, $0xb8;
	[tilespmem:$0x19020] =	vst v63  }
0x125: {  	s23 =	simm.s32 $0x680;
	s28 =	simm.s32 $0x7800  }
0x126: {  	[tilespmem:s28], [sflag:$0x1] =	stream.indirect.gather [hbm4b:s3+s22], $0x10, s23, s22, $0xb8;
	[tilespmem:$0x19020] =	vst v63  }
0x127: {  	s23 =	simm.s32 $0x300;
	s28 =	simm.s32 $0x4000  }
0x128: {  	[tilespmem:s28], [sflag:$0x1] =	stream.indirect.gather [hbm4b:s3+s22], $0x10, s23, s22, $0xb8;
	[tilespmem:$0x19020] =	vst v63  }
0x129: {  	s23 =	simm.s32 $0x700;
	s28 =	simm.s32 $0x8000  }
0x12a: {  	[tilespmem:s28], [sflag:$0x1] =	stream.indirect.gather [hbm4b:s3+s22], $0x10, s23, s22, $0xb8;
	[tilespmem:$0x19020] =	vst v63  }
0x12b: {  	s23 =	simm.s32 $0x380;
	s28 =	simm.s32 $0x4800  }
0x12c: {  	[tilespmem:s28], [sflag:$0x1] =	stream.indirect.gather [hbm4b:s3+s22], $0x10, s23, s22, $0xb8;
	[tilespmem:$0x19020] =	vst v63  }
0x12d: {  	s23 =	simm.s32 $0x0  }
0x12e: {  	[tilespmem:s16], [sflag:$0x1] =	stream.indirect.gather [hbm4b:s3+s22], $0x10, s10, s22, $0xb8;
	[tilespmem:$0x19020] =	vst v63  }
0x12f: {  	v6 =	vld [tilespmem:s23+$0x9060]  }
0x130: {  	v17 =	vld [tilespmem:s23+$0xD060]  }
0x131: {  	v18 =	vld [tilespmem:s23+$0x9070]  }
0x132: {  	v19 =	vld [tilespmem:s23+$0xD070]  }
0x133: {  	v20 =	vld [tilespmem:s23+$0x9040]  }
0x134: {  	v22 =	vld [tilespmem:s23+$0x9020]  }
0x135: {  	v3 =	vadd.f32 v0, v3;
	v23 =	vld [tilespmem:s23+$0xD020]  }
0x136: {  	v5 =	vadd.f32 v7, v5;
	v7 =	vadd.f32 v1, v8;
	v24 =	vld [tilespmem:s23+$0x9000]  }
0x137: {  	v8 =	vadd.f32 v10, v9;
	v10 =	vadd.f32 v16, v3;
	v25 =	vld [tilespmem:s23+$0xD000]  }
0x138: {  	v26 =	vld [tilespmem:s23+$0x9010]  }
0x139: {  	v9 =	vmul.f32 v16, v16;
	v16 =	vmul.f32 v15, v15;
	v10 =	vadd.f32 v14, v10;
	v27 =	vld [tilespmem:s23+$0xD010]  }
0x13a: {  	v15 =	vadd.f32 v15, v7;
	v28 =	vld [tilespmem:s23+$0x9030]  }
0x13b: {  	v8 =	vadd.f32 v16, v8;
	v16 =	vmul.f32 v13, v13;
	v10 =	vadd.f32 v12, v10;
	v29 =	vld [tilespmem:s23+$0xD030]  }
0x13c: {  	v9 =	vadd.f32 v9, v5;
	v13 =	vadd.f32 v13, v15;
	v21 =	vld [tilespmem:s23+$0xD040]  }
0x13d: {  	v16 =	vadd.f32 v16, v8;
	v10 =	vadd.f32 v2, v10  }
0x13e: {  	v15 =	vmul.f32 v12, v12;
	s0 =	simm.s32 $0x80;
	v6 =	vadd.f32 v17, v6;
	v24 =	vadd.f32 v25, v24  }
0x13f: {  	v0 =	vld [tilespmem:s0+$0x9060];
	v17 =	vmul.f32 v14, v14;
	v14 =	vadd.f32 v27, v26;
	v12 =	vadd.f32 v23, v22  }
0x140: {  	v1 =	vld [tilespmem:s0+$0xD060];
	v23 =	vmul.f32 v11, v11;
	v11 =	vadd.f32 v11, v13;
	v13 =	vadd.f32 v29, v28  }
0x141: {  	v63 =	vmul.f32 v2, v2;
	v22 =	vld [tilespmem:s23+$0xD050];
	v20 =	vadd.f32 v21, v20;
	v18 =	vadd.f32 v19, v18  }
0x142: {  	v7 =	vmul.f32 $5.000000000e-01, v6;
	v9 =	vadd.f32 v17, v9;
	v17 =	vld [tilespmem:s23+$0x9050];
	v24 =	vmul.f32 $5.000000000e-01, v24  }
0x143: {  	v3 =	vld [tilespmem:s0+$0x9070];
	v14 =	vmul.f32 $5.000000000e-01, v14;
	v16 =	vadd.f32 v23, v16;
	v23 =	vmul.f32 v4, v4  }
0x144: {  	v5 =	vld [tilespmem:s0+$0xD070];
	v12 =	vmul.f32 $5.000000000e-01, v12;
	v21 =	vadd.f32 v4, v11;
	v15 =	vadd.f32 v15, v9  }
0x145: {  	v6 =	vld [tilespmem:s0+$0x9040];
	v19 =	vmul.f32 $5.000000000e-01, v20;
	[tilespmem:s23+$0x15060] =	vst v7;
	v16 =	vadd.f32 v23, v16;
	v11 =	vmul.f32 v24, v24  }
0x146: {  	v10 =	vadd.f32 v24, v10;
	v20 =	vmul.f32 v14, v14;
	v8 =	vld [tilespmem:s0+$0xD040];
	[tilespmem:s23+$0x15000] =	vst v24;
	v15 =	vadd.f32 v63, v15  }
0x147: {  	v13 =	vmul.f32 $5.000000000e-01, v13;
	v9 =	vld [tilespmem:s0+$0x9050];
	[tilespmem:s23+$0x15010] =	vst v14;
	v14 =	vadd.f32 v14, v21;
	v17 =	vadd.f32 v22, v17  }
0x148: {  	v21 =	vmul.f32 v12, v12;
	v16 =	vadd.f32 v20, v16;
	v2 =	vld [tilespmem:s0+$0xD050];
	[tilespmem:s23+$0x15020] =	vst v12;
	v15 =	vadd.f32 v11, v15  }
0x149: {  	v20 =	vmul.f32 v13, v13;
	v22 =	vadd.f32 v12, v10;
	v4 =	vld [tilespmem:s0+$0x9020];
	[tilespmem:s23+$0x15030] =	vst v13;
	v17 =	vmul.f32 $5.000000000e-01, v17  }
0x14a: {  	v10 =	vmul.f32 $5.000000000e-01, v18;
	v18 =	vmul.f32 v19, v19;
	v11 =	vld [tilespmem:s0+$0xD020];
	[tilespmem:s23+$0x15040] =	vst v19;
	v15 =	vadd.f32 v21, v15  }
0x14b: {  	v16 =	vadd.f32 v20, v16;
	v12 =	vld [tilespmem:s0+$0x9000];
	v21 =	vadd.f32 v13, v14;
	[tilespmem:s23+$0x15050] =	vst v17;
	v23 =	vmul.f32 v17, v17  }
0x14c: {  	v20 =	vmul.f32 v7, v7;
	v19 =	vadd.f32 v19, v22;
	v13 =	vld [tilespmem:s0+$0xD000];
	v18 =	vadd.f32 v18, v15;
	[tilespmem:s23+$0x15070] =	vst v10  }
0x14d: {  	s9 =	simm.s32 $0x400;
	v17 =	vadd.f32 v17, v21;
	v14 =	vld [tilespmem:s0+$0x9010];
	v15 =	vadd.f32 v23, v16;
	v16 =	vmul.f32 v10, v10  }
.LBB2_5:
0x14e: {  	p0 =	sne.s32 s9, $0xFE00;
	v21 =	vld [tilespmem:s0+$0xD010];
	v19 =	vadd.f32 v7, v19;
	v18 =	vadd.f32 v20, v18  }
0x14f: {  	v20 =	vld [tilespmem:s0+$0x9030];
	v17 =	vadd.f32 v10, v17;
	v15 =	vadd.f32 v16, v15  }
0x150: {  	s23 =	sshra.s32 s9, $0x2;
	v7 =	vadd.f32 v1, v0;
	v16 =	vld [tilespmem:s0+$0xD030]  }
0x151: {  	v6 =	vadd.f32 v8, v6;
	v5 =	vadd.f32 v5, v3;
	v0 =	vld [tilespmem:s23+$0x9060]  }
0x152: {  	v2 =	vadd.f32 v2, v9;
	v8 =	vadd.f32 v13, v12;
	v1 =	vld [tilespmem:s23+$0xD060]  }
0x153: {  	v7 =	vmul.f32 $5.000000000e-01, v7;
	v10 =	vmul.f32 $5.000000000e-01, v5;
	v3 =	vld [tilespmem:s23+$0x9070];
	v9 =	vadd.f32 v21, v14  }
0x154: {  	v4 =	vadd.f32 v11, v4;
	v12 =	vmul.f32 $5.000000000e-01, v8;
	v14 =	vmul.f32 $5.000000000e-01, v6;
	v5 =	vld [tilespmem:s23+$0xD070]  }
0x155: {  	v6 =	vld [tilespmem:s23+$0x9040];
	v11 =	vmul.f32 $5.000000000e-01, v9;
	v13 =	vadd.f32 v16, v20;
	v16 =	vmul.f32 $5.000000000e-01, v2;
	[tilespmem:s0+$0x15060] =	vst v7  }
0x156: {  	v21 =	vmul.f32 $5.000000000e-01, v4;
	v20 =	vmul.f32 v12, v12;
	v8 =	vld [tilespmem:s23+$0xD040];
	[tilespmem:s0+$0x15000] =	vst v12  }
0x157: {  	v9 =	vld [tilespmem:s23+$0x9050];
	[tilespmem:s0+$0x15010] =	vst v11;
	v22 =	vmul.f32 v11, v11;
	v13 =	vmul.f32 $5.000000000e-01, v13  }
0x158: {  	v12 =	vadd.f32 v12, v19;
	v19 =	vmul.f32 v21, v21;
	v18 =	vadd.f32 v20, v18;
	v2 =	vld [tilespmem:s23+$0xD050];
	[tilespmem:s0+$0x15020] =	vst v21  }
.Ltmp1:
0x159: {  	v17 =	vadd.f32 v11, v17;
	v4 =	vld [tilespmem:s23+$0x9020];
	v15 =	vadd.f32 v22, v15;
	[tilespmem:s0+$0x15030] =	vst v13;
	v20 =	vmul.f32 v13, v13;
	(pc) =	sbr.rel @p0 .LBB2_5-.Ltmp1, $4  }
0x15a: {  	v21 =	vadd.f32 v21, v12;
	v18 =	vadd.f32 v19, v18;
	v22 =	vmul.f32 v14, v14;
	v11 =	vld [tilespmem:s23+$0xD020];
	[tilespmem:s0+$0x15040] =	vst v14  }
0x15b: {  	v23 =	vmul.f32 v16, v16;
	v17 =	vadd.f32 v13, v17;
	v12 =	vld [tilespmem:s23+$0x9000];
	v15 =	vadd.f32 v20, v15;
	[tilespmem:s0+$0x15050] =	vst v16  }
0x15c: {  	v19 =	vadd.f32 v14, v21;
	v18 =	vadd.f32 v22, v18;
	v20 =	vmul.f32 v7, v7;
	v13 =	vld [tilespmem:s23+$0xD000];
	[tilespmem:s0+$0x15070] =	vst v10;
	s0 =	smov.u32 s23  }
0x15d: {  	s9 =	sadd.s32 $0x200, s9;
	v17 =	vadd.f32 v16, v17;
	v16 =	vmul.f32 v10, v10;
	v14 =	vld [tilespmem:s0+$0x9010];
	v15 =	vadd.f32 v23, v15  }
0x15e: {  	v21 =	vld [tilespmem:s0+$0xD010]  }
0x15f: {  	v22 =	vld [tilespmem:s0+$0x9030]  }
0x160: {  	v23 =	vld [tilespmem:s0+$0xD030];
	v7 =	vadd.f32 v7, v19;
	v0 =	vadd.f32 v1, v0  }
0x161: {  	v1 =	vadd.f32 v20, v18;
	v6 =	vadd.f32 v8, v6  }
0x162: {  	v2 =	vadd.f32 v2, v9;
	v0 =	vmul.f32 $5.000000000e-01, v0;
	v12 =	vadd.f32 v13, v12  }
0x163: {  	v3 =	vadd.f32 v5, v3;
	v6 =	vmul.f32 $5.000000000e-01, v6;
	v5 =	vadd.f32 v21, v14  }
0x164: {  	v4 =	vadd.f32 v11, v4;
	v2 =	vmul.f32 $5.000000000e-01, v2;
	[tilespmem:s0+$0x15060] =	vst v0;
	v54 =	vmul.f32 $5.000000000e-01, v12  }
0x165: {  	v55 =	vmul.f32 $5.000000000e-01, v3;
	[tilespmem:s0+$0x15040] =	vst v6;
	v3 =	vmul.f32 $5.000000000e-01, v5;
	v5 =	vadd.f32 v23, v22  }
0x166: {  	v56 =	vadd.f32 v10, v17;
	v4 =	vmul.f32 $5.000000000e-01, v4;
	[tilespmem:s0+$0x15050] =	vst v2;
	v57 =	vmul.f32 v54, v54  }
0x167: {  	v58 =	vadd.f32 v16, v15;
	[tilespmem:s0+$0x15070] =	vst v55;
	v5 =	vmul.f32 $5.000000000e-01, v5;
	v59 =	vmul.f32 v3, v3  }
0x168: {  	[tilespmem:s0+$0x15020] =	vst v4;
	v60 =	vmul.f32 v4, v4;
	v7 =	vadd.f32 v54, v7;
	v1 =	vadd.f32 v57, v1  }
0x169: {  	s9 =	sshll.u32 s24, $0x8;
	s2 =	sadd.s32 $0x1, s2;
	[tilespmem:s0+$0x15010] =	vst v3;
	v3 =	vadd.f32 v3, v56;
	v61 =	vadd.f32 v59, v58;
	v62 =	vmul.f32 v5, v5  }
0x16a: {  	s9 =	sand.u32 $0x1FFFFF00, s9;
	p0 =	sne.s32 s2, $0x19;
	[tilespmem:s0+$0x15000] =	vst v54;
	v4 =	vadd.f32 v4, v7;
	v7 =	vmul.f32 v6, v6;
	v1 =	vadd.f32 v60, v1  }
.Ltmp2:
0x16b: {  	s28 =	sadd.s32 s7, s9;
	v63 =	vmul.f32 v2, v2;
	[tilespmem:s0+$0x15030] =	vst v5;
	v3 =	vadd.f32 v5, v3;
	v5 =	vadd.f32 v62, v61;
	(pc) =	sbr.rel @p0 .LBB2_2-.Ltmp2, $4  }
0x16c: {  	v4 =	vadd.f32 v6, v4;
	v6 =	vmul.f32 v0, v0;
	[hbm4b:s28+s4] =	stream.linear.scatter [tilespmem:s26], [sflag:$0x2], $0x4000, $0x38;
	v1 =	vadd.f32 v7, v1;
	[tilespmem:$0x19020] =	vst v63  }
0x16d: {  	v2 =	vadd.f32 v2, v3;
	v7 =	vmul.f32 v55, v55;
	_ =	swait.ge [sflag:s31], $0x4000;
	v5 =	vadd.f32 v63, v5  }
0x16e: {  	v4 =	vadd.f32 v0, v4;
	[sflag:s31] =	ssyncset.done $0x0;
	v3 =	vadd.f32 v6, v1  }
0x16f: {  	v2 =	vadd.f32 v55, v2;
	[sflag:s31] =	ssyncadd.s32 $0xFFFFC000;
	v1 =	vadd.f32 v7, v5  }
0x170: {  	_ =	swait.ge [sflag:s8], $0x800  }
0x171: {  	[sflag:s8] =	ssyncset.done $0x0  }
0x172: {  	[sflag:s8] =	ssyncadd.s32 $0xFFFFF800  }
0x173: {  	_ =	swait.ge [sflag:s8], $0x800  }
0x174: {  	[sflag:s8] =	ssyncset.done $0x0  }
0x175: {  	[sflag:s8] =	ssyncadd.s32 $0xFFFFF800  }
0x176: {  	_ =	swait.ge [sflag:s8], $0x800  }
0x177: {  	[sflag:s8] =	ssyncset.done $0x0  }
0x178: {  	[sflag:s8] =	ssyncadd.s32 $0xFFFFF800  }
0x179: {  	_ =	swait.ge [sflag:s8], $0x800  }
0x17a: {  	[sflag:s8] =	ssyncset.done $0x0  }
0x17b: {  	[sflag:s8] =	ssyncadd.s32 $0xFFFFF800  }
0x17c: {  	_ =	swait.ge [sflag:s8], $0x800  }
0x17d: {  	[sflag:s8] =	ssyncset.done $0x0  }
0x17e: {  	[sflag:s8] =	ssyncadd.s32 $0xFFFFF800  }
0x17f: {  	_ =	swait.ge [sflag:s8], $0x800  }
0x180: {  	[sflag:s8] =	ssyncset.done $0x0  }
0x181: {  	[sflag:s8] =	ssyncadd.s32 $0xFFFFF800  }
0x182: {  	_ =	swait.ge [sflag:s8], $0x800  }
0x183: {  	[sflag:s8] =	ssyncset.done $0x0  }
0x184: {  	[sflag:s8] =	ssyncadd.s32 $0xFFFFF800  }
0x185: {  	_ =	swait.ge [sflag:s8], $0x800  }
0x186: {  	[sflag:s8] =	ssyncset.done $0x0  }
0x187: {  	[sflag:s8] =	ssyncadd.s32 $0xFFFFF800  }
0x188: {  	_ =	swait.ge [sflag:s8], $0x800  }
0x189: {  	[sflag:s8] =	ssyncset.done $0x0  }
0x18a: {  	[sflag:s8] =	ssyncadd.s32 $0xFFFFF800  }
0x18b: {  	_ =	swait.ge [sflag:s8], $0x800  }
0x18c: {  	[sflag:s8] =	ssyncset.done $0x0  }
0x18d: {  	[sflag:s8] =	ssyncadd.s32 $0xFFFFF800  }
0x18e: {  	_ =	swait.ge [sflag:s8], $0x800  }
0x18f: {  	[sflag:s8] =	ssyncset.done $0x0  }
0x190: {  	[sflag:s8] =	ssyncadd.s32 $0xFFFFF800  }
0x191: {  	_ =	swait.ge [sflag:s8], $0x800  }
0x192: {  	[sflag:s8] =	ssyncset.done $0x0  }
0x193: {  	[sflag:s8] =	ssyncadd.s32 $0xFFFFF800  }
0x194: {  	_ =	swait.ge [sflag:s8], $0x800  }
0x195: {  	[sflag:s8] =	ssyncset.done $0x0  }
0x196: {  	[sflag:s8] =	ssyncadd.s32 $0xFFFFF800  }
0x197: {  	_ =	swait.ge [sflag:s8], $0x800  }
0x198: {  	[sflag:s8] =	ssyncset.done $0x0  }
0x199: {  	[sflag:s8] =	ssyncadd.s32 $0xFFFFF800  }
0x19a: {  	_ =	swait.ge [sflag:s8], $0x800  }
0x19b: {  	[sflag:s8] =	ssyncset.done $0x0  }
0x19c: {  	[sflag:s8] =	ssyncadd.s32 $0xFFFFF800  }
0x19d: {  	_ =	swait.ge [sflag:s8], $0x800  }
0x19e: {  	[sflag:s8] =	ssyncset.done $0x0  }
0x19f: {  	s2 =	simm.s32 $0x0;
	[sflag:s8] =	ssyncadd.s32 $0xFFFFF800  }
0x1a0: {  	v5 =	vld [tilespmem:s2+$0x1060]  }
0x1a1: {  	v6 =	vld [tilespmem:s2+$0x5060]  }
0x1a2: {  	v14 =	vld [tilespmem:s2+$0x1070]  }
0x1a3: {  	v15 =	vld [tilespmem:s2+$0x5070]  }
0x1a4: {  	v12 =	vld [tilespmem:s2+$0x1040]  }
0x1a5: {  	v16 =	vld [tilespmem:s2+$0x5040]  }
0x1a6: {  	v11 =	vld [tilespmem:s2+$0x1020]  }
0x1a7: {  	v13 =	vld [tilespmem:s2+$0x5020]  }
0x1a8: {  	v7 =	vld [tilespmem:s2+$0x1000]  }
0x1a9: {  	v8 =	vld [tilespmem:s2+$0x5000]  }
0x1aa: {  	v10 =	vld [tilespmem:s2+$0x1010]  }
0x1ab: {  	v17 =	vld [tilespmem:s2+$0x5010]  }
0x1ac: {  	v18 =	vld [tilespmem:s2+$0x1030]  }
0x1ad: {  	v19 =	vld [tilespmem:s2+$0x5030]  }
0x1ae: {  	v21 =	vld [tilespmem:s2+$0x1050]  }
0x1af: {  	s0 =	simm.s32 $0x80;
	v22 =	vld [tilespmem:s2+$0x5050]  }
0x1b0: {  	v0 =	vld [tilespmem:s0+$0x1060];
	v9 =	vadd.f32 v6, v5;
	v20 =	vadd.f32 v8, v7  }
0x1b1: {  	v6 =	vld [tilespmem:s0+$0x5060];
	v17 =	vadd.f32 v17, v10;
	v13 =	vadd.f32 v13, v11  }
0x1b2: {  	v5 =	vld [tilespmem:s0+$0x1070];
	v18 =	vadd.f32 v19, v18;
	v16 =	vadd.f32 v16, v12;
	v9 =	vmul.f32 $5.000000000e-01, v9  }
0x1b3: {  	v7 =	vld [tilespmem:s0+$0x5070];
	v14 =	vadd.f32 v15, v14;
	v20 =	vmul.f32 $5.000000000e-01, v20;
	v17 =	vmul.f32 $5.000000000e-01, v17  }
0x1b4: {  	v8 =	vld [tilespmem:s0+$0x1040];
	v15 =	vadd.f32 v22, v21;
	v19 =	vmul.f32 $5.000000000e-01, v13;
	v18 =	vmul.f32 $5.000000000e-01, v18;
	[tilespmem:s2+$0x11060] =	vst v9  }
0x1b5: {  	v16 =	vmul.f32 $5.000000000e-01, v16;
	v23 =	vmul.f32 v20, v20;
	v10 =	vld [tilespmem:s0+$0x5040];
	[tilespmem:s2+$0x11000] =	vst v20  }
0x1b6: {  	v15 =	vmul.f32 $5.000000000e-01, v15;
	v4 =	vadd.f32 v20, v4;
	v20 =	vmul.f32 v17, v17;
	v11 =	vld [tilespmem:s0+$0x1050];
	[tilespmem:s2+$0x11010] =	vst v17  }
0x1b7: {  	v22 =	vmul.f32 v19, v19;
	v21 =	vadd.f32 v23, v3;
	v17 =	vadd.f32 v17, v2;
	v13 =	vld [tilespmem:s0+$0x5050];
	[tilespmem:s2+$0x11020] =	vst v19  }
0x1b8: {  	v23 =	vmul.f32 v18, v18;
	v20 =	vadd.f32 v20, v1;
	v19 =	vadd.f32 v19, v4;
	v12 =	vld [tilespmem:s0+$0x1020];
	[tilespmem:s2+$0x11030] =	vst v18  }
0x1b9: {  	v1 =	vmul.f32 $5.000000000e-01, v14;
	v14 =	vadd.f32 v22, v21;
	v21 =	vmul.f32 v16, v16;
	v3 =	vld [tilespmem:s0+$0x5020];
	[tilespmem:s2+$0x11040] =	vst v16  }
0x1ba: {  	v24 =	vmul.f32 v15, v15;
	v22 =	vadd.f32 v18, v17;
	v23 =	vadd.f32 v23, v20;
	v2 =	vld [tilespmem:s0+$0x1000];
	[tilespmem:s2+$0x11050] =	vst v15  }
0x1bb: {  	v17 =	vadd.f32 v16, v19;
	v19 =	vmul.f32 v9, v9;
	v18 =	vadd.f32 v21, v14;
	v4 =	vld [tilespmem:s0+$0x5000];
	[tilespmem:s2+$0x11070] =	vst v1  }
0x1bc: {  	v16 =	vmul.f32 v1, v1;
	v20 =	vadd.f32 v15, v22;
	s2 =	simm.s32 $0x400;
	v15 =	vadd.f32 v24, v23;
	v14 =	vld [tilespmem:s0+$0x1010]  }
.LBB2_8:
0x1bd: {  	p0 =	sne.s32 s2, $0xFE00;
	v21 =	vld [tilespmem:s0+$0x5010];
	v17 =	vadd.f32 v9, v17;
	v18 =	vadd.f32 v19, v18  }
0x1be: {  	v19 =	vld [tilespmem:s0+$0x1030];
	v20 =	vadd.f32 v1, v20;
	v15 =	vadd.f32 v16, v15  }
0x1bf: {  	s9 =	sshra.s32 s2, $0x2;
	v1 =	vadd.f32 v6, v0;
	v16 =	vld [tilespmem:s0+$0x5030]  }
0x1c0: {  	v8 =	vadd.f32 v10, v8;
	v7 =	vadd.f32 v7, v5;
	v0 =	vld [tilespmem:s9+$0x1060]  }
0x1c1: {  	v2 =	vadd.f32 v4, v2;
	v4 =	vadd.f32 v13, v11;
	v6 =	vld [tilespmem:s9+$0x5060]  }
0x1c2: {  	v9 =	vmul.f32 $5.000000000e-01, v1;
	v1 =	vmul.f32 $5.000000000e-01, v7;
	v5 =	vld [tilespmem:s9+$0x1070];
	v10 =	vadd.f32 v21, v14  }
0x1c3: {  	v3 =	vadd.f32 v3, v12;
	v2 =	vmul.f32 $5.000000000e-01, v2;
	v14 =	vmul.f32 $5.000000000e-01, v8;
	v7 =	vld [tilespmem:s9+$0x5070]  }
0x1c4: {  	v8 =	vld [tilespmem:s9+$0x1040];
	v21 =	vmul.f32 $5.000000000e-01, v10;
	v12 =	vadd.f32 v16, v19;
	v16 =	vmul.f32 $5.000000000e-01, v4;
	[tilespmem:s0+$0x11060] =	vst v9  }
0x1c5: {  	v4 =	vmul.f32 v2, v2;
	v19 =	vmul.f32 $5.000000000e-01, v3;
	v10 =	vld [tilespmem:s9+$0x5040];
	[tilespmem:s0+$0x11000] =	vst v2  }
0x1c6: {  	v11 =	vld [tilespmem:s9+$0x1050];
	[tilespmem:s0+$0x11010] =	vst v21;
	v3 =	vmul.f32 v21, v21;
	v22 =	vmul.f32 $5.000000000e-01, v12  }
0x1c7: {  	v2 =	vadd.f32 v2, v17;
	v4 =	vadd.f32 v4, v18;
	v17 =	vmul.f32 v19, v19;
	v13 =	vld [tilespmem:s9+$0x5050];
	[tilespmem:s0+$0x11020] =	vst v19  }
.Ltmp3:
0x1c8: {  	v18 =	vadd.f32 v21, v20;
	v12 =	vld [tilespmem:s9+$0x1020];
	v15 =	vadd.f32 v3, v15;
	[tilespmem:s0+$0x11030] =	vst v22;
	v20 =	vmul.f32 v22, v22;
	(pc) =	sbr.rel @p0 .LBB2_8-.Ltmp3, $4  }
0x1c9: {  	v23 =	vmul.f32 v14, v14;
	v19 =	vadd.f32 v19, v2;
	v21 =	vadd.f32 v17, v4;
	v3 =	vld [tilespmem:s9+$0x5020];
	[tilespmem:s0+$0x11040] =	vst v14  }
0x1ca: {  	v24 =	vmul.f32 v16, v16;
	v22 =	vadd.f32 v22, v18;
	v2 =	vld [tilespmem:s9+$0x1000];
	v15 =	vadd.f32 v20, v15;
	[tilespmem:s0+$0x11050] =	vst v16  }
0x1cb: {  	v17 =	vadd.f32 v14, v19;
	v19 =	vmul.f32 v9, v9;
	v18 =	vadd.f32 v23, v21;
	v4 =	vld [tilespmem:s9+$0x5000];
	[tilespmem:s0+$0x11070] =	vst v1;
	s0 =	smov.u32 s9  }
0x1cc: {  	s2 =	sadd.s32 $0x200, s2;
	v20 =	vadd.f32 v16, v22;
	v16 =	vmul.f32 v1, v1;
	v14 =	vld [tilespmem:s0+$0x1010];
	v15 =	vadd.f32 v24, v15  }
0x1cd: {  	v21 =	vld [tilespmem:s0+$0x5010]  }
0x1ce: {  	v9 =	vadd.f32 v9, v17;
	v42 =	vld [tilespmem:s0+$0x1030]  }
0x1cf: {  	v41 =	vadd.f32 v19, v18;
	v43 =	vld [tilespmem:s0+$0x5030];
	v0 =	vadd.f32 v6, v0  }
0x1d0: {  	v44 =	vadd.f32 v10, v8;
	v5 =	vadd.f32 v7, v5  }
0x1d1: {  	v45 =	vadd.f32 v13, v11;
	v2 =	vadd.f32 v4, v2  }
0x1d2: {  	v0 =	vmul.f32 $5.000000000e-01, v0;
	v5 =	vmul.f32 $5.000000000e-01, v5;
	v46 =	vadd.f32 v21, v14  }
0x1d3: {  	v3 =	vadd.f32 v3, v12;
	v6 =	vmul.f32 $5.000000000e-01, v44;
	v2 =	vmul.f32 $5.000000000e-01, v2  }
0x1d4: {  	v4 =	vmul.f32 $5.000000000e-01, v45;
	v47 =	vadd.f32 v43, v42;
	v7 =	vmul.f32 $5.000000000e-01, v46  }
0x1d5: {  	v1 =	vadd.f32 v1, v20;
	v3 =	vmul.f32 $5.000000000e-01, v3;
	[tilespmem:s0+$0x11060] =	vst v0;
	v49 =	vmul.f32 v2, v2  }
0x1d6: {  	v48 =	vadd.f32 v16, v15;
	[tilespmem:s0+$0x11040] =	vst v6;
	v8 =	vmul.f32 $5.000000000e-01, v47;
	v50 =	vmul.f32 v7, v7  }
0x1d7: {  	v52 =	vmul.f32 v3, v3;
	[tilespmem:s0+$0x11000] =	vst v2;
	v2 =	vadd.f32 v2, v9;
	v1 =	vadd.f32 v7, v1  }
0x1d8: {  	[tilespmem:s0+$0x11070] =	vst v5;
	v51 =	vadd.f32 v49, v41;
	v54 =	vmul.f32 v8, v8;
	v53 =	vadd.f32 v50, v48  }
0x1d9: {  	v56 =	vmul.f32 v6, v6;
	[tilespmem:s0+$0x11020] =	vst v3;
	v2 =	vadd.f32 v3, v2;
	v1 =	vadd.f32 v8, v1  }
0x1da: {  	v57 =	vmul.f32 v4, v4;
	[tilespmem:s0+$0x11010] =	vst v7;
	v55 =	vadd.f32 v52, v51;
	v7 =	vadd.f32 v54, v53  }
0x1db: {  	v58 =	vmul.f32 v0, v0;
	[tilespmem:s0+$0x11050] =	vst v4;
	v2 =	vadd.f32 v6, v2;
	v1 =	vadd.f32 v4, v1  }
0x1dc: {  	s24 =	rddreg [dreg:$0x7];
	v60 =	vmul.f32 v5, v5;
	[tilespmem:s0+$0x11030] =	vst v8;
	v3 =	vadd.f32 v56, v55;
	v59 =	vadd.f32 v57, v7  }
0x1dd: {  	[hbm4b:s24+s4] =	stream.linear.scatter [tilespmem:s17], [sflag:$0x2], $0x4000, $0x38;
	v0 =	vadd.f32 v0, v2;
	v1 =	vadd.f32 v5, v1;
	[tilespmem:$0x19020] =	vst v63  }
0x1de: {  	_ =	swait.ge [sflag:s31], $0x4000;
	v61 =	vadd.f32 v58, v3;
	v62 =	vadd.f32 v60, v59  }
0x1df: {  	[sflag:s31] =	ssyncset.done $0x0;
	v0 =	vadd.f32 v1, v0  }
0x1e0: {  	[sflag:s31] =	ssyncadd.s32 $0xFFFFC000;
	v63 =	vadd.f32 v62, v61  }
0x1e1: {  	[tilespmem:$0x19000] =	vst v0  }
0x1e2: {  	s2 =	simm.s32 $0x19000;
	s28 =	rddreg [dreg:$0x8];
	[tilespmem:$0x19010] =	vst v63  }
0x1e3: {  	[hbm4b:s28+s4] =	stream.linear.scatter [tilespmem:s2], [sflag:$0x3], $0x10, $0x38;
	[tilespmem:$0x19020] =	vst v63  }
0x1e4: {  	_ =	swait.ge [sflag:s20], $0x10  }
0x1e5: {  	[sflag:s20] =	ssyncset.done $0x0  }
0x1e6: {  	s23 =	simm.s32 $0x19010;
	s9 =	rddreg [dreg:$0x9];
	[sflag:s20] =	ssyncadd.s32 $0xFFFFFFF0  }
0x1e7: {  	[hbm4b:s9+s4] =	stream.linear.scatter [tilespmem:s23], [sflag:$0x3], $0x10, $0x38;
	[tilespmem:$0x19020] =	vst v63  }
0x1e8: {  	_ =	swait.ge [sflag:s20], $0x10  }
0x1e9: {  	s24 =	rddreg [dreg:$0xb]  }
0x1ea: {  	s28 =	rddreg [dreg:$0xa];
	s2 =	sadd.s32 $0x1, s24  }
0x1eb: {  	p0 =	sne.s32 s2, s28  }
.Ltmp4:
0x1ec: {  	_ = 	snop;
	(pc) =	sbr.rel @p0 .LBB2_1-.Ltmp4, $3  }
0x1ed: {  	_ =	sdelay $0x1  }
0x1ee: {  	[sflag:s20] =	ssyncset.done $0x0  }
0x1ef: {  	[sflag:s20] =	ssyncadd.s32 $0xFFFFFFF0  }
0x1f0: {  	_ =	sfence.sel $0x180000  }
0x1f1: {  	[bflag:$0x0] =	sbarrier.arrive $0xFFFF  }
0x1f2: {  	_ =	strace $0x9000004A  }
0x1f3: {  	s0 =	stileid.u32;
	[bflag:$0x2] =	sbarrier.arrive $0xFFFF  }
0x1f4: {  	p0 =	sne.s32 s0, $0x0;
	s0 =	rddreg [dreg:$0x4]  }
0x1f5: {  	s0 =	sadd.s32 @!p0 $0x100000, s0  }
0x1f6: {  	[sflag:s0] =	ssyncadd.tile.s32 @!p0 $0x1;
	_ =	shalt  }
.Lfunc_end2:
_tile_overlayer_lowered:
.L_overlay_start_2:
0x1f7: {  	(tag) =	ssettag $0x2  }
0x1f8: {  	s0 =	rddreg [dreg:$0x0];
	s2 =	stileid.u32  }
0x1f9: {  	s1 =	rddreg [dreg:$0x1];
	p0 =	sne.s32 s2, $0x0  }
0x1fa: {  	s3 =	rddreg [dreg:$0x2];
	[bflag:$0x3] =	sbarrier.arrive $0xFFFF;
	s2 =	simm.s32 @!p0 $0x1C03  }
0x1fb: {  	[timem:s3], [sflag:s2] =	dma.local @!p0 [hbm:s0], s1  }
0x1fc: {  	s0 =	simm.s32 @!p0 $0x3  }
0x1fd: {  	_ =	swait.ge @!p0 [sflag:s0], s1  }
0x1fe: {  	s1 =	ssub.s32 @!p0 $0x0, s1;
	[sflag:s0] =	ssyncset.done @!p0 $0x0  }
0x1ff: {  	[sflag:s0] =	ssyncadd.s32 @!p0 s1  }
0x200: {  	[bflag:$0x3] =	sbarrier.arrive $0xFFFF  }
0x201: {  	_ =	shalt  }

// kernel: sparse-core-data-format-call.1.cloned.1.call-start
scs
called_computation.1_lowered:
.L_overlay_start_0:
0x0: {  	s1 =	sld [smem:$0x3FD9]  }
0x1: {  	s2 =	sld [smem:$0x3FFE];
	_ =	sdelay $0x1  }
0x2: {  	s3 =	srdreg.scid  }
0x3: {  	s0 =	sand.u32 $0x1, s3  }
0x4: {  	s17 =	sshll.u32 s0, $0xA;
	s1 =	sadd.s32 s2, s1  }
0x5: {  	s1 =	sadd.s32 s1, s17  }
0x6: {  	[smem:$0x3FB0] =	sst s1  }
0x7: {  	_ = 	snop  }
0x8: {  	(tm) =	ssettm $0x1  }
0x9: {  	s18 =	sld [smem:$0x3FFB];
	_ =	sdelay $0x3  }
0xa: {  	_ =	strace s18  }
0xb: {  	s1 =	sld [smem:$0x3FFC];
	_ =	sdelay $0x3  }
0xc: {  	_ =	strace s1  }
0xd: {  	s1 =	sld [smem:$0x3FFD];
	_ =	sdelay $0x3  }
0xe: {  	_ =	strace s1  }
0xf: {  	_ =	strace $0x8FFFFFFF  }
0x10: {  	s19 =	sld [smem:$0x3FDB];
	_ =	sdelay $0x1  }
0x11: {  	s20 =	simm.s32 $_scs_section_size  }
0x12: {  	s4 =	simm.s32 $_size__tile_overlayer_lowered;
	s5 =	simm.s32 $_tile_overlayer_lowered  }
0x13: {  	s23 =	simm.s32 $0x1BFF;
	s22 =	sshll.u32 s5, $0x1;
	s1 =	sadd.s32 s20, s19  }
0x14: {  	s6 =	simm.s32 $0x0;
	s21 =	sshll.u32 s4, $0x1;
	s4 =	sadd.s32 s22, s1  }
0x15: {  	[timem:s6], [sflag:s23] =	dma.local [hbm:s4], s21  }
0x16: {  	_ =	swait.ge [sflag:s23], s21  }
0x17: {  	s2 =	ssub.s32 $0x0, s21;
	[sflag:s23] =	ssyncset.done $0x0  }
0x18: {  	[sflag:s23] =	ssyncadd.s32 s2;
	_ =	sdelay $0x1  }
0x19: {  	s24 =	simm.s32 $0x1B8B  }
0x1a: {  	_ =	swait.ge [sflag:s24], $0x1  }
0x1b: {  	[sflag:s24] =	ssyncset.done $0x0  }
0x1c: {  	s26 =	simm.s32 $0x1B8E;
	s25 =	sld [smem:$0x3FFE];
	[sflag:s24] =	ssyncadd.s32 $0xFFFFFFFF  }
0x1d: {  	s27 =	simm.s32 $execute0_lowered;
	[smem:$0x3FD2] =	sst s26  }
0x1e: {  	s4 =	sshll.u32 s27, $0x1;
	_ =	strace $0x8000004C;
	[dreg:$0x1] =	wrdreg $0xFFFFFFFF  }
0x1f: {  	s28 =	simm.s32 $_size_execute0_lowered;
	s1 =	sadd.s32 s1, s4;
	[dreg:$0x0] =	wrdreg $0x0  }
0x20: {  	s4 =	sshll.u32 s28, $0x1;
	[dreg:$0x2] =	wrdreg s1  }
0x21: {  	[dreg:$0x3] =	wrdreg s4  }
0x22: {  	[dreg:$0x4] =	wrdreg $0xC0  }
0x23: {  	_ =	task [dreg:s6], $0x5FFFF  }
0x24: {  	[dreg:$0x1] =	wrdreg $0xFFFFFFFF  }
0x25: {  	[dreg:$0x0] =	wrdreg $0x60  }
0x26: {  	[dreg:$0x2] =	wrdreg s25  }
0x27: {  	[dreg:$0x3] =	wrdreg $0x9  }
0x28: {  	_ =	task.clear_ibuf [dreg:s6], $0x4FFFF;
	_ =	strace $0x9000004C  }
0x29: {  	s29 =	simm.s32 $0x9;
	_ =	strace $0x8000004E  }
0x2a: {  	_ =	swait.ge [sflag:s29], $0x1  }
0x2b: {  	[sflag:s29] =	ssyncadd.s32 $0xFFFFFFFF  }
0x2c: {  	_ =	strace $0x9000004E  }
0x2d: {  	_ =	sfence  }
0x2e: {  	s30 =	sld [smem:$0x0];
	_ =	sdelay $0x2  }
0x2f: {  	s31 =	sshll.u32 s3, $0xD;
	s3 =	sshrl.u32 s3, $0x2  }
0x30: {  	s2 =	sand.u32 $0x4000, s31;
	s1 =	sadd.s32 s3, s30  }
0x31: {  	s0 =	sor.u32 s2, s0;
	s1 =	sshll.u32 s1, $0x11  }
0x32: {  	s0 =	sor.u32 s1, s0  }
0x33: {  	s0 =	sadd.s32 $0x8F2B, s0  }
0x34: {  	[sflag:s0] =	ssyncadd.remote.s32 $0x1  }
0x35: {  	_ =	sfence.sel $0xFFFF  }
0x36: {  	[dreg:$0x0] =	wrdreg $0xFFFFFFFF;
	(pc) =	sbr.abs _section_cstart, $3  }
0x37: {  	[dreg:$0x1] =	wrdreg $0xFFFFFFFF  }
0x38: {  	_ =	task.clear_ibuf [dreg:s6], $0x2FFFF;
	_ =	strace $0x9FFFFFFF  }
0x39: {  	(tm) =	ssettm $0x7FFFFFFF  }
tec
execute0_lowered:
.L_overlay_start_1:
0x0: {  	(tag) =	ssettag $0x1  }
0x1: {  	s3 =	stileid.u32  }
0x2: {  	s0 =	srdreg.scid;
	s29 =	rddreg [dreg:$0x0];
	_ =	strace $0x8000004D  }
0x3: {  	s30 =	simm.s32 $0x1;
	s31 =	simm.s32 $0x2;
	s15 =	simm.s32 $0x0  }
0x4: {  	s14 =	simm.s32 $0x0;
	s1 =	sshll.u32 s3, $0x7;
	s0 =	sshll.u32 s0, $0xB  }
0x5: {  	s16 =	simm.s32 $0x0;
	s11 =	simm.s32 $0x0;
	s0 =	sor.u32 s1, s0  }
0x6: {  	s13 =	simm.s32 $0x0;
	s6 =	sadd.s32 $0x3E600, s29;
	s5 =	sand.u32 $0xC00, s0  }
0x7: {  	s1 =	sadd.s32 $0x36E600, s29;
	[dreg:$0x3] =	wrdreg s6;
	s0 =	ssub.s32 $0x33000, s5  }
0x8: {  	s8 =	sand.u32 $0x7, s3;
	[dreg:$0x4] =	wrdreg s1;
	s2 =	sand.u32 $0xC00, s0  }
.Ltmp0:
0x9: {  	s1 =	simm.s32 $0x1;
	p0 =	sne.s32 s2, $0x0;
	(pc) =	sbr.rel .LBB1_1-.Ltmp0, $4  }
0xa: {  	[dreg:$0x6] =	wrdreg s8;
	s0 =	sshrl.u32 s0, $0xC;
	s1 =	simm.s32 @!p0 $0x0  }
0xb: {  	[sflag:s30] =	ssyncpa.u1 $0x0;
	[dreg:$0x2] =	wrdreg s5;
	s7 =	sadd.s32 s1, s0  }
0xc: {  	[sflag:s31] =	ssyncpa.u1 $0x0;
	s9 =	sadd.s32 $0x1, s7;
	[dreg:$0x5] =	wrdreg s7  }
0xd: {  	s12 =	smov.u32 s8;
	s10 =	smov.u32 s5;
	[dreg:$0x7] =	wrdreg s9  }
.LBB1_7:
0xe: {  	s0 =	sadd.s32 $0x1000, s10  }
0xf: {  	s1 =	sadd.s32 $0x10, s11;
	s2 =	smov.u32 s11;
	p1 =	sgt.s32 s0, $0x32FFF  }
0x10: {  	s2 =	smov.u32 @p1 s1  }
0x11: {  	s3 =	sadd.s32 $0x8, s12;
	s4 =	smov.u32 s12;
	p2 =	sgt.s32 s2, $0xF  }
0x12: {  	s4 =	smov.u32 @p2 s3  }
0x13: {  	s0 =	smov.u32 @p1 s5;
	p1 =	sgt.s32 s4, $0x7  }
0x14: {  	p0 =	slt.u32 s13, $0x2;
	s4 =	smov.u32 @p1 s8;
	p1 =	sne.s32 s13, s9  }
.Ltmp1:
0x15: {  	s1 =	simm.s32 @!p0 $0x2;
	(pc) =	sbr.rel @!p1 .LBB1_8-.Ltmp1, $4  }
0x16: {  	s15 =	smov.u32 s10;
	_ =	swait.ge @!p0 [sflag:s1], $0x4000  }
0x17: {  	s14 =	smov.u32 s11;
	s16 =	smov.u32 s12;
	[sflag:s1] =	ssyncset.done @!p0 $0x0  }
0x18: {  	s10 =	smov.u32 s0;
	s2 =	simm.s32 @p2 $0x0;
	[sflag:s1] =	ssyncadd.s32 @!p0 $0xFFFFC000  }
0x19: {  	s11 =	smov.u32 s2;
	s13 =	sadd.s32 $0x1, s13;
	s12 =	smov.u32 s4  }
.LBB1_1:
0x1a: {  	p0 =	sge.u32 s13, s7  }
0x1b: {  	s0 =	sshrl.u32 @!p0 s11, $0x3  }
0x1c: {  	s1 =	sshll.u32 @!p0 s10, $0x3;
	s2 =	sshll.u32 @!p0 s11, $0x7;
	s0 =	smul.u32 @!p0 $0x198000, s0  }
0x1d: {  	s3 =	sand.u32 @!p0 $0x7F, s10;
	s1 =	sand.u32 @!p0 $0xFFFFFC00, s1;
	s2 =	sand.u32 @!p0 $0x380, s2  }
0x1e: {  	s0 =	sadd.s32 @!p0 s0, s1;
	s1 =	sor.u32 @!p0 s3, s2  }
0x1f: {  	s1 =	sor.u32 @!p0 s0, s1  }
0x20: {  	s2 =	smulhi.u32 @!p0 $0xA0A0A0A1, s1  }
0x21: {  	s0 =	smulhi.u32 @!p0 $0xA0A0A0A1, s0  }
0x22: {  	s2 =	sshrl.u32 @!p0 s2, $0x11  }
0x23: {  	s31 =	sadd.s32 $0xFFFFFFFF, s13;
	s0 =	sshrl.u32 @!p0 s0, $0x11;
	s2 =	smul.u32 @!p0 $0x33000, s2  }
0x24: {  	s4 =	smul.u32 @!p0 $0x66000, s12;
	s3 =	sxor.u32 @!p0 $0xFFFFFFFF, s13;
	s0 =	sand.u32 @!p0 $0xF, s0  }
0x25: {  	s3 =	sshll.u32 @!p0 s3, $0xE;
	s0 =	smul.u32 @!p0 $0x6600, s0;
	s1 =	ssub.s32 @!p0 s1, s2  }
0x26: {  	s2 =	sand.u32 @!p0 $0x4000, s3;
	s3 =	sadd.s32 @!p0 s6, s4;
	s4 =	sand.u32 @!p0 $0x7, s1  }
0x27: {  	s1 =	sshrl.u32 @!p0 s1, $0x3;
	s0 =	sadd.s32 @!p0 s0, s3;
	s3 =	sshll.u32 @!p0 s4, $0x12  }
0x28: {  	s0 =	sadd.s32 @!p0 s1, s0;
	s1 =	sor.u32 @!p0 $0x2000, s3;
	s3 =	simm.s32 @!p0 $0x198000  }
0x29: {  	[tilespmem:s2], [sflag:$0x1] =	stream.strided.gather @!p0 [hbm4b:s0+s1], $0x4000, s3, s1, $0x38;
	[tilespmem:$0x10800] =	vst v63  }
0x2a: {  	p0 =	sge.u32 s31, s7  }
.Ltmp2:
0x2b: {  	_ = 	snop;
	(pc) =	sbr.rel @p0 .LBB1_7-.Ltmp2, $1  }
0x2c: {  	_ =	sdelay $0x3  }
0x2d: {  	[dreg:$0xb] =	wrdreg s16  }
0x2e: {  	[dreg:$0xa] =	wrdreg s15  }
0x2f: {  	[dreg:$0x9] =	wrdreg s14;
	s0 =	sand.u32 $0x1, s13  }
0x30: {  	[dreg:$0x8] =	wrdreg s10;
	s2 =	simm.s32 $0x1;
	s1 =	smul.u32 $0x11000, s0  }
0x31: {  	_ =	swait.ge [sflag:s2], $0x4000  }
0x32: {  	s19 =	simm.s32 $0x0;
	[sflag:s2] =	ssyncset.done $0x0;
	s1 =	sshrl.u32 s1, $0x2  }
0x33: {  	s18 =	sshll.u32 s0, $0xE;
	[sflag:s2] =	ssyncadd.s32 $0xFFFFC000;
	s17 =	sor.u32 $0x8000, s1  }
.LBB1_3:
0x34: {  	s0 =	sshll.u32 s19, $0xA  }
0x35: {  	s1 =	sshll.u32 s19, $0x7;
	s0 =	sand.u32 $0x2000, s0  }
0x36: {  	s1 =	sand.u32 $0x380, s1;
	s0 =	sadd.s32 s0, s18  }
0x37: {  	s0 =	sadd.s32 s1, s0  }
0x38: {  	s20 =	sadd.s32 s19, s17;
	p0 =	por $0x1, $0x1;
	s21 =	simm.s32 $0x0;
	v0 =	vmov s0  }
.LBB1_4:
0x39: {  	s0 =	smul.u32 $0x44, s21;
	s1 =	sshll.u32 s21, $0x3;
	s2 =	sor.u32 $0x80, s21  }
0x3a: {  	s5 =	sor.u32 $0x90, s21;
	s6 =	sor.u32 $0xA0, s21;
	s10 =	sor.u32 $0xB0, s21  }
0x3b: {  	s16 =	sor.u32 $0xC0, s21;
	s28 =	sor.u32 $0xD0, s21;
	p1 =	por p0, p0  }
0x3c: {  	s1 =	sand.u32 $0x3FFFFFF8, s1;
	s3 =	smul.u32 $0x44, s2;
	s4 =	sshll.u32 s2, $0x3  }
0x3d: {  	s2 =	sshll.u32 s5, $0x3;
	s8 =	sshll.u32 s6, $0x3;
	s15 =	sshll.u32 s10, $0x3  }
0x3e: {  	s27 =	smul.u32 $0x44, s16;
	s29 =	sshll.u32 s16, $0x3;
	s0 =	sshra.s32 s0, $0x2  }
0x3f: {  	s31 =	sshll.u32 s28, $0x3;
	s9 =	sand.u32 $0x1400, s2;
	s0 =	sadd.s32 s0, s17  }
0x40: {  	s22 =	sadd.s32 s19, s0;
	s0 =	sand.u32 $0x3FFFFFF8, s4;
	s4 =	smul.u32 $0x44, s5  }
0x41: {  	s3 =	sshra.s32 s3, $0x2;
	s30 =	sshra.s32 s27, $0x2;
	s5 =	smul.u32 $0x44, s6  }
0x42: {  	s23 =	sadd.s32 s3, s20;
	s3 =	sand.u32 $0x1400, s29;
	s29 =	smul.u32 $0x44, s28  }
0x43: {  	v1 =	vld.idx.msk [tilespmem:v0+s1+$0x0 ss:$0x1], $0xffff;
	s27 =	sadd.s32 s30, s20;
	s30 =	sor.u32 $0xE0, s21;
	s7 =	sshra.s32 s4, $0x2  }
0x44: {  	v2 =	vld.idx.msk [tilespmem:v0+s1+$0x10 ss:$0x1], $0xffff;
	s4 =	sand.u32 $0x1400, s8;
	s14 =	sshra.s32 s5, $0x2;
	s8 =	smul.u32 $0x44, s10  }
0x45: {  	v3 =	vld.idx.msk [tilespmem:v0+s1+$0x20 ss:$0x1], $0xffff;
	s5 =	sand.u32 $0x1400, s15;
	s6 =	sshra.s32 s29, $0x2;
	s10 =	sshll.u32 s30, $0x3  }
0x46: {  	v4 =	vld.idx.msk [tilespmem:v0+s1+$0x30 ss:$0x1], $0xffff;
	s24 =	sadd.s32 s7, s20;
	s25 =	sadd.s32 s14, s20;
	s7 =	smul.u32 $0x44, s30  }
0x47: {  	v54 =	vld.idx.msk [tilespmem:v0+s0+$0x0 ss:$0x1], $0xffff;
	s28 =	sadd.s32 s6, s20;
	s14 =	sor.u32 $0xF0, s21;
	s2 =	sand.u32 $0x1400, s10  }
0x48: {  	[tilespmem:s22+$0x0 ss:$0x11] =	vst.msk $0xffff, v1;
	v1 =	vld.idx.msk [tilespmem:v0+s1+$0x50 ss:$0x1], $0xffff;
	s26 =	sshra.s32 s8, $0x2;
	s8 =	sand.u32 $0x1400, s31;
	s31 =	smul.u32 $0x44, s14  }
0x49: {  	[tilespmem:s22+$0x110 ss:$0x11] =	vst.msk $0xffff, v2;
	v2 =	vld.idx.msk [tilespmem:v0+s1+$0x60 ss:$0x1], $0xffff;
	s30 =	sshll.u32 s14, $0x3;
	s14 =	sor.u32 $0x120, s21;
	s26 =	sadd.s32 s26, s20  }
0x4a: {  	[tilespmem:s22+$0x220 ss:$0x11] =	vst.msk $0xffff, v3;
	v3 =	vld.idx.msk [tilespmem:v0+s1+$0x70 ss:$0x1], $0xffff;
	s29 =	sshra.s32 s7, $0x2;
	s7 =	sor.u32 $0x100, s21;
	s10 =	smul.u32 $0x44, s14  }
0x4b: {  	v57 =	vld.idx.msk [tilespmem:v0+s2+$0x60 ss:$0x1], $0xffff;
	s6 =	sand.u32 $0x1400, s30;
	s15 =	sshra.s32 s31, $0x2;
	s16 =	smul.u32 $0x44, s7  }
0x4c: {  	s14 =	sshll.u32 s14, $0x3;
	v56 =	vld.idx.msk [tilespmem:v0+s8+$0x50 ss:$0x1], $0xffff;
	s30 =	sadd.s32 s15, s20;
	s15 =	sor.u32 $0x110, s21  }
0x4d: {  	s7 =	sshll.u32 s7, $0x3;
	s31 =	sshra.s32 s16, $0x2;
	s16 =	smul.u32 $0x44, s15;
	[tilespmem:s22+$0x550 ss:$0x11] =	vst.msk $0xffff, v1;
	v1 =	vld.idx.msk [tilespmem:v0+s4+$0x20 ss:$0x1], $0xffff  }
0x4e: {  	s29 =	sadd.s32 s29, s20;
	s14 =	sand.u32 $0x1800, s14;
	s7 =	sand.u32 $0x3FFFFFF8, s7;
	[tilespmem:s22+$0x660 ss:$0x11] =	vst.msk $0xffff, v2;
	v2 =	vld.idx.msk [tilespmem:v0+s5+$0x30 ss:$0x1], $0xffff  }
0x4f: {  	s0 =	sshra.s32 s10, $0x2;
	s15 =	sshll.u32 s15, $0x3;
	[tilespmem:s22+$0x770 ss:$0x11] =	vst.msk $0xffff, v3;
	v3 =	vld.idx.msk [tilespmem:v0+s3+$0x40 ss:$0x1], $0xffff;
	s16 =	sshra.s32 s16, $0x2  }
0x50: {  	v5 =	vld.idx.msk [tilespmem:v0+s1+$0x40 ss:$0x1], $0xffff;
	s0 =	sadd.s32 s0, s20;
	[tilespmem:s29+$0x0 ss:$0x11] =	vst.msk $0xffff, v57;
	s1 =	sadd.s32 s16, s20;
	s16 =	sor.u32 $0x130, s21  }
0x51: {  	v55 =	vld.idx.msk [tilespmem:v0+s9+$0x10 ss:$0x1], $0xffff;
	s31 =	sadd.s32 s31, s20;
	[tilespmem:s28+$0x0 ss:$0x11] =	vst.msk $0xffff, v56;
	s10 =	smul.u32 $0x44, s16;
	s9 =	sshll.u32 s16, $0x3  }
0x52: {  	s15 =	sand.u32 $0x1800, s15;
	s16 =	sor.u32 $0x140, s21;
	s4 =	sand.u32 $0x1800, s9;
	[tilespmem:s25+$0x0 ss:$0x11] =	vst.msk $0xffff, v1  }
0x53: {  	[tilespmem:s26+$0x0 ss:$0x11] =	vst.msk $0xffff, v2;
	s26 =	sor.u32 $0x180, s21;
	s9 =	sshra.s32 s10, $0x2;
	s10 =	smul.u32 $0x44, s16  }
0x54: {  	s29 =	sor.u32 $0x190, s21;
	v1 =	vld.idx.msk [tilespmem:v0+s6+$0x70 ss:$0x1], $0xffff;
	[tilespmem:s27+$0x0 ss:$0x11] =	vst.msk $0xffff, v3;
	s27 =	smul.u32 $0x44, s26;
	s28 =	sshll.u32 s26, $0x3  }
0x55: {  	[tilespmem:s22+$0x330 ss:$0x11] =	vst.msk $0xffff, v4;
	s5 =	sadd.s32 s9, s20;
	s9 =	sshll.u32 s16, $0x3;
	s16 =	sor.u32 $0x150, s21  }
0x56: {  	[tilespmem:s22+$0x440 ss:$0x11] =	vst.msk $0xffff, v5;
	s3 =	sand.u32 $0x1800, s9;
	s22 =	sshra.s32 s10, $0x2;
	s10 =	smul.u32 $0x44, s16  }
0x57: {  	[tilespmem:s24+$0x0 ss:$0x11] =	vst.msk $0xffff, v55;
	s16 =	sshll.u32 s16, $0x3;
	s8 =	sadd.s32 s22, s20;
	s22 =	sor.u32 $0x160, s21  }
0x58: {  	[tilespmem:s23+$0x0 ss:$0x11] =	vst.msk $0xffff, v54;
	v2 =	vld.idx.msk [tilespmem:v0+s7+$0x0 ss:$0x1], $0xffff;
	s2 =	sand.u32 $0x1800, s16;
	s23 =	sshra.s32 s10, $0x2;
	s24 =	smul.u32 $0x44, s22  }
0x59: {  	s16 =	sshll.u32 s22, $0x3;
	s22 =	sor.u32 $0x170, s21;
	[tilespmem:s30+$0x0 ss:$0x11] =	vst.msk $0xffff, v1;
	v1 =	vld.idx.msk [tilespmem:v0+s3+$0x40 ss:$0x1], $0xffff;
	s3 =	sand.u32 $0x3FFFFFF8, s28  }
0x5a: {  	v3 =	vld.idx.msk [tilespmem:v0+s15+$0x10 ss:$0x1], $0xffff;
	s30 =	sor.u32 $0x1B0, s21;
	s6 =	sadd.s32 s23, s20;
	s7 =	sand.u32 $0x1800, s16  }
0x5b: {  	v58 =	vld.idx.msk [tilespmem:v0+s14+$0x20 ss:$0x1], $0xffff;
	s25 =	sshll.u32 s22, $0x3;
	s15 =	sshll.u32 s30, $0x3;
	s23 =	sshra.s32 s24, $0x2  }
0x5c: {  	v59 =	vld.idx.msk [tilespmem:v0+s4+$0x30 ss:$0x1], $0xffff;
	s24 =	smul.u32 $0x44, s22;
	s14 =	sand.u32 $0x1800, s25;
	s22 =	sshra.s32 s27, $0x2  }
0x5d: {  	s25 =	sor.u32 $0x1A0, s21;
	s9 =	sadd.s32 s23, s20;
	s23 =	smul.u32 $0x44, s29  }
0x5e: {  	[tilespmem:s31+$0x0 ss:$0x11] =	vst.msk $0xffff, v2;
	v2 =	vld.idx.msk [tilespmem:v0+s2+$0x50 ss:$0x1], $0xffff;
	s16 =	sand.u32 $0x1C00, s15;
	s2 =	sadd.s32 s22, s20;
	s28 =	smul.u32 $0x44, s25  }
0x5f: {  	[tilespmem:s1+$0x0 ss:$0x11] =	vst.msk $0xffff, v3;
	v3 =	vld.idx.msk [tilespmem:v0+s7+$0x60 ss:$0x1], $0xffff;
	s22 =	sor.u32 $0x1C0, s21;
	s10 =	sshra.s32 s24, $0x2;
	s24 =	sshll.u32 s29, $0x3  }
0x60: {  	[tilespmem:s0+$0x0 ss:$0x11] =	vst.msk $0xffff, v58;
	v61 =	vld.idx.msk [tilespmem:v0+s3+$0x0 ss:$0x1], $0xffff;
	s29 =	sshll.u32 s25, $0x3;
	s25 =	sor.u32 $0x1D0, s21;
	s7 =	smul.u32 $0x44, s22  }
0x61: {  	[tilespmem:s5+$0x0 ss:$0x11] =	vst.msk $0xffff, v59;
	v60 =	vld.idx.msk [tilespmem:v0+s14+$0x70 ss:$0x1], $0xffff;
	s4 =	sadd.s32 s10, s20;
	s26 =	sand.u32 $0x1C00, s24;
	s27 =	sshra.s32 s23, $0x2  }
0x62: {  	s31 =	sand.u32 $0x1C00, s29;
	s10 =	sshra.s32 s28, $0x2;
	[tilespmem:s8+$0x0 ss:$0x11] =	vst.msk $0xffff, v1;
	s23 =	smul.u32 $0x44, s30;
	v1 =	vld.idx.msk [tilespmem:v0+s26+$0x10 ss:$0x1], $0xffff  }
0x63: {  	[tilespmem:s6+$0x0 ss:$0x11] =	vst.msk $0xffff, v2;
	s24 =	sshll.u32 s22, $0x3;
	s28 =	sor.u32 $0x1E0, s21;
	s0 =	sadd.s32 s27, s20;
	v2 =	vld.idx.msk [tilespmem:v0+s31+$0x20 ss:$0x1], $0xffff  }
0x64: {  	s1 =	sadd.s32 s10, s20;
	s26 =	sand.u32 $0x1C00, s24;
	s27 =	sshll.u32 s25, $0x3;
	[tilespmem:s9+$0x0 ss:$0x11] =	vst.msk $0xffff, v3;
	v3 =	vld.idx.msk [tilespmem:v0+s16+$0x30 ss:$0x1], $0xffff  }
0x65: {  	s30 =	sshll.u32 s28, $0x3;
	s31 =	sor.u32 $0x1F0, s21;
	[tilespmem:s2+$0x0 ss:$0x11] =	vst.msk $0xffff, v61;
	v62 =	vld.idx.msk [tilespmem:v0+s26+$0x40 ss:$0x1], $0xffff;
	s29 =	sand.u32 $0x1C00, s27  }
0x66: {  	s10 =	sand.u32 $0x1C00, s30;
	s14 =	sshll.u32 s31, $0x3;
	s16 =	smul.u32 $0x44, s25;
	[tilespmem:s4+$0x0 ss:$0x11] =	vst.msk $0xffff, v60;
	v63 =	vld.idx.msk [tilespmem:v0+s29+$0x50 ss:$0x1], $0xffff  }
0x67: {  	s15 =	sshra.s32 s23, $0x2;
	s23 =	smul.u32 $0x44, s28;
	s21 =	sand.u32 $0x1C00, s14;
	[tilespmem:s0+$0x0 ss:$0x11] =	vst.msk $0xffff, v1;
	v1 =	vld.idx.msk [tilespmem:v0+s10+$0x60 ss:$0x1], $0xffff  }
0x68: {  	s22 =	sshra.s32 s7, $0x2;
	s26 =	smul.u32 $0x44, s31;
	[tilespmem:s1+$0x0 ss:$0x11] =	vst.msk $0xffff, v2;
	v2 =	vld.idx.msk [tilespmem:v0+s21+$0x70 ss:$0x1], $0xffff;
	s0 =	sadd.s32 s15, s20  }
.Ltmp3:
0x69: {  	s24 =	sadd.s32 s22, s20;
	s25 =	sshra.s32 s16, $0x2;
	[tilespmem:s0+$0x0 ss:$0x11] =	vst.msk $0xffff, v3;
	(pc) =	sbr.rel @p1 .LBB1_4-.Ltmp3, $4  }
0x6a: {  	s28 =	sshra.s32 s23, $0x2;
	s27 =	sadd.s32 s25, s20;
	[tilespmem:s24+$0x0 ss:$0x11] =	vst.msk $0xffff, v62  }
0x6b: {  	s30 =	sshra.s32 s26, $0x2;
	s29 =	sadd.s32 s28, s20;
	[tilespmem:s27+$0x0 ss:$0x11] =	vst.msk $0xffff, v63  }
0x6c: {  	s31 =	sadd.s32 s30, s20;
	[tilespmem:s29+$0x0 ss:$0x11] =	vst.msk $0xffff, v1  }
0x6d: {  	p0 =	por $0x0, $0x0;
	s21 =	simm.s32 $0x200;
	[tilespmem:s31+$0x0 ss:$0x11] =	vst.msk $0xffff, v2  }
0x6e: {  	s19 =	sadd.s32 $0x1, s19  }
0x6f: {  	p0 =	sne.s32 s19, $0x10  }
.Ltmp4:
0x70: {  	_ = 	snop;
	(pc) =	sbr.rel @p0 .LBB1_3-.Ltmp4, $1  }
0x71: {  	_ =	sdelay $0x3  }
0x72: {  	s0 =	rddreg [dreg:$0xb]  }
0x73: {  	s1 =	rddreg [dreg:$0xa]  }
0x74: {  	s4 =	rddreg [dreg:$0x9]  }
0x75: {  	s3 =	rddreg [dreg:$0x4]  }
0x76: {  	s5 =	rddreg [dreg:$0x2]  }
0x77: {  	s6 =	rddreg [dreg:$0x3]  }
0x78: {  	s7 =	rddreg [dreg:$0x5]  }
0x79: {  	s8 =	rddreg [dreg:$0x6]  }
0x7a: {  	s31 =	simm.s32 $0x400;
	s9 =	rddreg [dreg:$0x7];
	s0 =	sshll.u32 s0, $0x4  }
.Ltmp5:
0x7b: {  	s1 =	sshll.u32 s1, $0x7;
	s0 =	sand.u32 $0x70, s0;
	(pc) =	sbr.rel .LBB1_7-.Ltmp5, $4  }
0x7c: {  	s2 =	sshrl.u32 s4, $0x3;
	s29 =	sand.u32 $0x7, s4;
	s0 =	sadd.s32 s3, s0  }
0x7d: {  	s2 =	sand.u32 $0xF, s2;
	s30 =	sshll.u32 s29, $0x12;
	s0 =	sadd.s32 s1, s0  }
0x7e: {  	s10 =	rddreg [dreg:$0x8];
	s1 =	sor.u32 $0x10, s30;
	s0 =	sadd.s32 s2, s0  }
0x7f: {  	[hbm4b:s0+s1] =	stream.strided.scatter [tilespmem:s17], [sflag:$0x2], $0x4000, s31, s1, $0x8;
	[tilespmem:$0x10800] =	vst v63  }
.LBB1_8:
0x80: {  	_ =	sfence.sel $0x180000  }
0x81: {  	s0 =	simm.s32 $0x1;
	[bflag:$0x0] =	sbarrier.arrive $0xFFFF  }
0x82: {  	s30 =	simm.s32 $0x2;
	[sflag:s0] =	ssyncpa.u1 $0x1  }
0x83: {  	[sflag:s30] =	ssyncpa.u1 $0x1  }
0x84: {  	_ =	strace $0x9000004D  }
0x85: {  	s31 =	stileid.u32;
	[bflag:$0x2] =	sbarrier.arrive $0xFFFF  }
0x86: {  	p0 =	sne.s32 s31, $0x0;
	s0 =	rddreg [dreg:$0x1]  }
0x87: {  	s0 =	sadd.s32 @!p0 $0x100000, s0  }
0x88: {  	[sflag:s0] =	ssyncadd.tile.s32 @!p0 $0x1;
	_ =	shalt  }
.Lfunc_end1:
_tile_overlayer_lowered:
.L_overlay_start_2:
0x89: {  	(tag) =	ssettag $0x2  }
0x8a: {  	s0 =	rddreg [dreg:$0x0];
	s2 =	stileid.u32  }
0x8b: {  	s1 =	rddreg [dreg:$0x1];
	p0 =	sne.s32 s2, $0x0  }
0x8c: {  	s3 =	rddreg [dreg:$0x2];
	[bflag:$0x3] =	sbarrier.arrive $0xFFFF;
	s2 =	simm.s32 @!p0 $0x1C01  }
0x8d: {  	[timem:s3], [sflag:s2] =	dma.local @!p0 [hbm:s0], s1  }
0x8e: {  	s0 =	simm.s32 @!p0 $0x1  }
0x8f: {  	_ =	swait.ge @!p0 [sflag:s0], s1  }
0x90: {  	s1 =	ssub.s32 @!p0 $0x0, s1;
	[sflag:s0] =	ssyncset.done @!p0 $0x0  }
0x91: {  	[sflag:s0] =	ssyncadd.s32 @!p0 s1  }
0x92: {  	[bflag:$0x3] =	sbarrier.arrive $0xFFFF  }
0x93: {  	_ =	shalt  }

// kernel: sparse-core-data-format-call.cloned.1.call-start
scs
called_computation_lowered:
.L_overlay_start_0:
0x0: {  	s2 =	sld [smem:$0x3FD9]  }
0x1: {  	s3 =	sld [smem:$0x3FFE];
	_ =	sdelay $0x1  }
0x2: {  	s1 =	srdreg.scid  }
0x3: {  	s0 =	sand.u32 $0x1, s1  }
0x4: {  	s15 =	sshll.u32 s0, $0xA;
	s2 =	sadd.s32 s3, s2  }
0x5: {  	s2 =	sadd.s32 s2, s15  }
0x6: {  	[smem:$0x3FB0] =	sst s2  }
0x7: {  	_ = 	snop  }
0x8: {  	s2 =	sld [smem:$0x3FD0];
	_ =	sdelay $0x2  }
0x9: {  	s16 =	simm.s32 $0xA;
	s4 =	simm.s32 $0x10  }
0xa: {  	[smem:s4], [sflag:s16] =	dma.local [hbm:s2], $0x1  }
0xb: {  	_ =	swait.eq [sflag:s16], $0x1  }
0xc: {  	[sflag:s16] =	ssyncset.done $0x0  }
0xd: {  	[sflag:s16] =	ssyncadd.s32 $0xFFFFFFFF  }
0xe: {  	s17 =	sld [smem:$0x11];
	(tm) =	ssettm $0x1  }
0xf: {  	s18 =	sld [smem:$0x3FFB];
	_ =	sdelay $0x3  }
0x10: {  	_ =	strace s18  }
0x11: {  	s3 =	sld [smem:$0x3FFC];
	_ =	sdelay $0x3  }
0x12: {  	_ =	strace s3  }
0x13: {  	s3 =	sld [smem:$0x3FFD];
	_ =	sdelay $0x3  }
0x14: {  	_ =	strace s3  }
0x15: {  	_ =	strace $0x8FFFFFFF  }
0x16: {  	s19 =	sld [smem:$0x3FDB];
	_ =	sdelay $0x1  }
0x17: {  	s20 =	simm.s32 $_scs_section_size  }
0x18: {  	s5 =	simm.s32 $_size__tile_overlayer_lowered;
	s6 =	simm.s32 $_tile_overlayer_lowered  }
0x19: {  	s23 =	simm.s32 $0x1BFF;
	s22 =	sshll.u32 s6, $0x1;
	s3 =	sadd.s32 s20, s19  }
0x1a: {  	s7 =	simm.s32 $0x0;
	s21 =	sshll.u32 s5, $0x1;
	s5 =	sadd.s32 s22, s3  }
0x1b: {  	[timem:s7], [sflag:s23] =	dma.local [hbm:s5], s21  }
0x1c: {  	_ =	swait.ge [sflag:s23], s21  }
0x1d: {  	s4 =	ssub.s32 $0x0, s21;
	[sflag:s23] =	ssyncset.done $0x0  }
0x1e: {  	[sflag:s23] =	ssyncadd.s32 s4;
	_ =	sdelay $0x1  }
0x1f: {  	s24 =	simm.s32 $0x1B8B  }
0x20: {  	_ =	swait.ge [sflag:s24], $0x1  }
0x21: {  	[sflag:s24] =	ssyncset.done $0x0  }
0x22: {  	s26 =	simm.s32 $0x1B8E;
	s25 =	sld [smem:$0x3FFE];
	[sflag:s24] =	ssyncadd.s32 $0xFFFFFFFF  }
0x23: {  	s27 =	simm.s32 $execute0_lowered;
	[smem:$0x3FD2] =	sst s26  }
0x24: {  	s5 =	sshll.u32 s27, $0x1;
	_ =	strace $0x8000004F;
	[dreg:$0x1] =	wrdreg $0xFFFFFFFF  }
0x25: {  	s28 =	simm.s32 $_size_execute0_lowered;
	s3 =	sadd.s32 s3, s5;
	[dreg:$0x0] =	wrdreg $0x0  }
0x26: {  	s5 =	sshll.u32 s28, $0x1;
	[dreg:$0x2] =	wrdreg s3  }
0x27: {  	[dreg:$0x3] =	wrdreg s5  }
0x28: {  	[dreg:$0x4] =	wrdreg $0xC0  }
0x29: {  	_ =	task [dreg:s7], $0x5FFFF  }
0x2a: {  	[dreg:$0x1] =	wrdreg $0xFFFFFFFF  }
0x2b: {  	[dreg:$0x0] =	wrdreg $0x60  }
0x2c: {  	[dreg:$0x2] =	wrdreg s25  }
0x2d: {  	[dreg:$0x3] =	wrdreg s17  }
0x2e: {  	[dreg:$0x4] =	wrdreg $0x9  }
0x2f: {  	_ =	task.clear_ibuf [dreg:s7], $0x5FFFF;
	_ =	strace $0x9000004F  }
0x30: {  	s29 =	simm.s32 $0x9;
	_ =	strace $0x80000051  }
0x31: {  	_ =	swait.ge [sflag:s29], $0x1  }
0x32: {  	[sflag:s29] =	ssyncadd.s32 $0xFFFFFFFF  }
0x33: {  	_ =	strace $0x90000051  }
0x34: {  	_ =	sfence  }
0x35: {  	s30 =	sld [smem:$0x0];
	_ =	sdelay $0x2  }
0x36: {  	s31 =	sshll.u32 s1, $0xD;
	s1 =	sshrl.u32 s1, $0x2  }
0x37: {  	s3 =	sand.u32 $0x4000, s31;
	s1 =	sadd.s32 s1, s30  }
0x38: {  	s0 =	sor.u32 s3, s0;
	s1 =	sshll.u32 s1, $0x11  }
0x39: {  	s0 =	sor.u32 s1, s0  }
0x3a: {  	s0 =	sadd.s32 $0x8F2B, s0  }
0x3b: {  	[sflag:s0] =	ssyncadd.remote.s32 $0x1  }
0x3c: {  	_ =	sfence.sel $0xFFFF  }
0x3d: {  	[dreg:$0x0] =	wrdreg $0xFFFFFFFF;
	(pc) =	sbr.abs _section_cstart, $3  }
0x3e: {  	[dreg:$0x1] =	wrdreg $0xFFFFFFFF  }
0x3f: {  	_ =	task.clear_ibuf [dreg:s7], $0x2FFFF;
	_ =	strace $0x9FFFFFFF  }
0x40: {  	(tm) =	ssettm $0x7FFFFFFF  }
0x41: {  	_ =	shalt  }
tec
execute0_lowered:
.L_overlay_start_1:
0x0: {  	(tag) =	ssettag $0x1  }
0x1: {  	s0 =	srdreg.scid  }
0x2: {  	s1 =	sshll.u32 s0, $0x4  }
0x3: {  	s4 =	rddreg [dreg:$0x0];
	s0 =	stileid.u32;
	s1 =	sand.u32 $0x10, s1  }
0x4: {  	s2 =	rddreg [dreg:$0x1];
	s7 =	simm.s32 $0x1;
	s1 =	sor.u32 s0, s1  }
0x5: {  	s8 =	simm.s32 $0x2;
	s11 =	simm.s32 $0x0;
	s3 =	sshll.u32 s1, $0x7  }
0x6: {  	s10 =	simm.s32 $0x0;
	s4 =	sadd.s32 $0x36E600, s4;
	s6 =	ssub.s32 $0x198000, s3  }
.Ltmp0:
0x7: {  	s1 =	rddreg [dreg:$0x2];
	s5 =	sand.u32 $0xF80, s6;
	(pc) =	sbr.rel .LBB1_1-.Ltmp0, $4  }
0x8: {  	_ =	strace $0x80000050;
	s9 =	smov.u32 s3;
	p0 =	sne.s32 s5, $0x0  }
0x9: {  	s6 =	sshrl.u32 s6, $0xC;
	s5 =	simm.s32 $0x1;
	s7 =	simm.s32 @!p0 $0x0  }
0xa: {  	[sflag:s5] =	ssyncpa.u1 $0x0;
	p0 =	por $0x0, $0x0;
	s6 =	sadd.s32 s7, s6  }
0xb: {  	[sflag:s8] =	ssyncpa.u1 $0x0;
	s8 =	simm.s32 $0xCC0000;
	s7 =	sadd.s32 $0x1, s6  }
.LBB1_4:
0xc: {  	s14 =	sshll.u32 s11, $0x3  }
0xd: {  	s30 =	sand.u32 $0x7F, s11;
	s15 =	sand.u32 $0xFFFFFC00, s14  }
0xe: {  	s11 =	sor.u32 s30, s15  }
0xf: {  	s15 =	smulhi.u32 $0xA0A0A0A1, s11  }
0x10: {  	s14 =	smulhi.u32 $0xA0A0A0A1, s14  }
0x11: {  	s15 =	sshrl.u32 s15, $0x14  }
0x12: {  	s14 =	sshrl.u32 s14, $0x14;
	s15 =	smul.u32 $0x198000, s15  }
0x13: {  	[tilespmem:s12+$0xFFFFFFFC ss:$0x81] =	vst.msk $0xffff, v1;
	s14 =	sand.u32 $0xF, s14  }
0x14: {  	[tilespmem:s12+$0xFFFFFFFD ss:$0x81] =	vst.msk $0xffff, v2;
	s14 =	smul.u32 $0x33000, s14;
	s11 =	ssub.s32 s11, s15  }
0x15: {  	[tilespmem:s12+$0xFFFFFFFE ss:$0x81] =	vst.msk $0xffff, v0;
	s15 =	sand.u32 $0x7, s11  }
0x16: {  	[tilespmem:s12+$0xFFFFFFFF ss:$0x81] =	vst.msk $0xffff, v4;
	s14 =	sadd.s32 s2, s14;
	s11 =	sshrl.u32 s11, $0x3;
	s15 =	sshll.u32 s15, $0x12  }
0x17: {  	[tilespmem:s12+$0xFFFFFFF9 ss:$0x81] =	vst.msk $0xffff, v3;
	s11 =	sadd.s32 s11, s14;
	s31 =	sor.u32 $0x400, s15  }
0x18: {  	[hbm4b:s11+s31] =	stream.strided.scatter [tilespmem:s13], [sflag:$0x2], $0x800, s8, s31, $0x20;
	[tilespmem:$0x2020] =	vst v63  }
.LBB1_5:
0x19: {  	s13 =	sadd.s32 $0x1000, s9  }
0x1a: {  	p2 =	sgt.s32 s13, $0x197FFF  }
0x1b: {  	s13 =	smov.u32 @p2 s3;
	p2 =	sne.s32 s10, s7  }
.Ltmp1:
0x1c: {  	p1 =	slt.u32 s10, $0x2;
	(pc) =	sbr.rel @!p2 .LBB1_6-.Ltmp1, $4  }
0x1d: {  	s12 =	simm.s32 @!p1 $0x2  }
0x1e: {  	s14 =	sadd.s32 $0x1, s10;
	_ =	swait.ge @!p1 [sflag:s12], $0x800  }
0x1f: {  	s11 =	smov.u32 s9;
	p0 =	por !p0, !p0;
	[sflag:s12] =	ssyncset.done @!p1 $0x0  }
0x20: {  	s10 =	smov.u32 s14;
	s9 =	smov.u32 s13;
	[sflag:s12] =	ssyncadd.s32 @!p1 $0xFFFFF800  }
.LBB1_1:
0x21: {  	p1 =	sge.u32 s10, s6  }
0x22: {  	s12 =	sand.u32 @!p1 $0x1FFFFFF, s9  }
0x23: {  	s13 =	smulhi.u32 @!p1 $0x2828283, s12;
	_ =	sdelay $0x1  }
0x24: {  	s13 =	sshrl.u32 @!p1 s13, $0xE  }
0x25: {  	s13 =	smul.u32 @!p1 $0x198000, s13;
	_ =	sdelay $0x1  }
0x26: {  	s31 =	sadd.s32 $0xFFFFFFFF, s10;
	s14 =	sxor.u32 @!p1 $0xFFFFFFFF, s10;
	s12 =	ssub.s32 @!p1 s12, s13  }
0x27: {  	s15 =	simm.s32 @!p1 $0x80;
	s14 =	sshll.u32 @!p1 s14, $0xB;
	s12 =	sshll.u32 @!p1 s12, $0x4  }
0x28: {  	s13 =	sand.u32 @!p1 $0x800, s14;
	s14 =	simm.s32 @!p1 $0x10;
	s12 =	sadd.s32 @!p1 s4, s12  }
0x29: {  	[tilespmem:s13], [sflag:$0x1] =	stream.strided.gather @!p1 [hbm4b:s12+s14], $0x800, s15, s14, $0x38;
	[tilespmem:$0x2020] =	vst v63  }
0x2a: {  	p1 =	sge.u32 s31, s6  }
.Ltmp2:
0x2b: {  	_ = 	snop;
	(pc) =	sbr.rel @p1 .LBB1_5-.Ltmp2, $1  }
0x2c: {  	_ =	sdelay $0x3  }
0x2d: {  	s12 =	simm.s32 $0x1  }
0x2e: {  	_ =	swait.ge [sflag:s5], $0x800;
	s12 =	simm.s32 @!p0 $0x0  }
0x2f: {  	[sflag:s5] =	ssyncset.done $0x0;
	s13 =	sshll.u32 s12, $0xB  }
0x30: {  	[sflag:s5] =	ssyncadd.s32 $0xFFFFF800;
	s15 =	sor.u32 $0x40, s13  }
0x31: {  	v3 =	vld [tilespmem:s15+$0x30]  }
0x32: {  	s12 =	smul.u32 $0x2040, s12;
	v4 =	vld [tilespmem:s15+$0xFFFFFFD0]  }
0x33: {  	v5 =	vld [tilespmem:s15+$0xFFFFFFE0]  }
0x34: {  	s31 =	sand.u32 $0x1, s10;
	s12 =	sshrl.u32 s12, $0x2;
	v1 =	vld [tilespmem:s15+$0xFFFFFFF0]  }
0x35: {  	s13 =	smul.u32 $0x2040, s31;
	v2 =	vld [tilespmem:s15+$0x0];
	s12 =	sor.u32 $0x1007, s12  }
0x36: {  	v0 =	vld [tilespmem:s15+$0x10];
	[tilespmem:s12+$0x0 ss:$0x81] =	vst.msk $0xffff, v3  }
0x37: {  	s13 =	sshrl.u32 s13, $0x2;
	[tilespmem:s12+$0xFFFFFFFA ss:$0x81] =	vst.msk $0xffff, v4;
	v4 =	vld [tilespmem:s15+$0x20]  }
0x38: {  	s14 =	simm.s32 $0x0;
	s13 =	sor.u32 $0x1000, s13;
	v3 =	vld [tilespmem:s15+$0xFFFFFFC0];
	[tilespmem:s12+$0xFFFFFFFB ss:$0x81] =	vst.msk $0xffff, v5;
	s15 =	sadd.s32 $0x80, s15  }
.LBB1_3:
0x39: {  	v5 =	vld [tilespmem:s15+$0x30];
	s14 =	sadd.s32 $0x8, s14;
	[tilespmem:s12+$0xFFFFFFFC ss:$0x81] =	vst.msk $0xffff, v1  }
0x3a: {  	v6 =	vld [tilespmem:s15+$0xFFFFFFD0];
	p1 =	slt.u32 s14, $0x78;
	[tilespmem:s12+$0xFFFFFFFD ss:$0x81] =	vst.msk $0xffff, v2  }
0x3b: {  	v7 =	vld [tilespmem:s15+$0xFFFFFFE0];
	[tilespmem:s12+$0xFFFFFFFE ss:$0x81] =	vst.msk $0xffff, v0  }
.Ltmp3:
0x3c: {  	v1 =	vld [tilespmem:s15+$0xFFFFFFF0];
	[tilespmem:s12+$0xFFFFFFFF ss:$0x81] =	vst.msk $0xffff, v4;
	(pc) =	sbr.rel @p1 .LBB1_3-.Ltmp3, $4  }
0x3d: {  	v2 =	vld [tilespmem:s15+$0x0];
	[tilespmem:s12+$0xFFFFFFF9 ss:$0x81] =	vst.msk $0xffff, v3;
	s12 =	sadd.s32 $0x8, s12  }
0x3e: {  	v0 =	vld [tilespmem:s15+$0x10];
	[tilespmem:s12+$0x0 ss:$0x81] =	vst.msk $0xffff, v5  }
0x3f: {  	[tilespmem:s12+$0xFFFFFFFA ss:$0x81] =	vst.msk $0xffff, v6;
	v4 =	vld [tilespmem:s15+$0x20]  }
0x40: {  	v3 =	vld [tilespmem:s15+$0xFFFFFFC0];
	[tilespmem:s12+$0xFFFFFFFB ss:$0x81] =	vst.msk $0xffff, v7;
	s15 =	sadd.s32 $0x80, s15  }
.Ltmp4:
0x41: {  	_ = 	snop;
	(pc) =	sbr.rel .LBB1_4-.Ltmp4, $1  }
0x42: {  	_ =	sdelay $0x3  }
.LBB1_6:
0x43: {  	_ =	sfence.sel $0x180000  }
0x44: {  	s2 =	simm.s32 $0x1;
	[bflag:$0x0] =	sbarrier.arrive $0xFFFF  }
0x45: {  	s31 =	simm.s32 $0x2;
	[sflag:s2] =	ssyncpa.u1 $0x1  }
0x46: {  	[sflag:s31] =	ssyncpa.u1 $0x1  }
0x47: {  	p0 =	sne.s32 s0, $0x0;
	_ =	strace $0x90000050  }
0x48: {  	s0 =	sadd.s32 @!p0 $0x100000, s1;
	[bflag:$0x2] =	sbarrier.arrive $0xFFFF  }
0x49: {  	[sflag:s0] =	ssyncadd.tile.s32 @!p0 $0x1;
	_ =	shalt  }
.Lfunc_end1:
_tile_overlayer_lowered:
.L_overlay_start_2:
0x4a: {  	(tag) =	ssettag $0x2  }
0x4b: {  	s0 =	rddreg [dreg:$0x0];
	s2 =	stileid.u32  }
0x4c: {  	s1 =	rddreg [dreg:$0x1];
	p0 =	sne.s32 s2, $0x0  }
0x4d: {  	s3 =	rddreg [dreg:$0x2];
	[bflag:$0x3] =	sbarrier.arrive $0xFFFF;
	s2 =	simm.s32 @!p0 $0x1C01  }
0x4e: {  	[timem:s3], [sflag:s2] =	dma.local @!p0 [hbm:s0], s1  }
0x4f: {  	s0 =	simm.s32 @!p0 $0x1  }
0x50: {  	_ =	swait.ge @!p0 [sflag:s0], s1  }
0x51: {  	s1 =	ssub.s32 @!p0 $0x0, s1;
	[sflag:s0] =	ssyncset.done @!p0 $0x0  }
0x52: {  	[sflag:s0] =	ssyncadd.s32 @!p0 s1  }
0x53: {  	[bflag:$0x3] =	sbarrier.arrive $0xFFFF  }
0x54: {  	_ =	shalt  }

</sc_bundles>
